<compile_context>
chip_gen: v7x
topology: tpu7x:2x2x1
jax: 0.10.2.dev20260603
libtpu: 0.0.44.dev20260713+nightly
codegen_flags: <defaults>
</compile_context>

<pallas_src>
import functools

import jax
import jax.numpy as jnp
from jax import lax
from jax.experimental import pallas as pl
from jax.experimental.pallas import tpu as pltpu
from jax.experimental.pallas import tpu_sc as plsc

N = 10000
E = 320000
NP = 10240
NC, NS = 2, 16
NW = NC * NS
CH = 128
NBUF = 4
NCH = 80
EPAD = NW * NCH * CH
EPW = 2 * E // NW
DROWS = 2 * NP // 16
RB = 2048
_MESH = plsc.VectorSubcoreMesh(core_axis_name="c", subcore_axis_name="s")


@functools.partial(
    pl.kernel,
    out_type=jax.ShapeDtypeStruct((NW * 2 * NP,), jnp.float32),
    mesh=_MESH,
    scratch_types=[
        pltpu.VMEM((EPW,), jnp.int32),
        pltpu.VMEM((2 * NP,), jnp.float32),
    ],
    compiler_params=pltpu.CompilerParams(needs_layout_passes=False),
)
def _deg_kernel(e_hbm, z_hbm, out_hbm, eidx, acc):
    cid = lax.axis_index("c")
    sid = lax.axis_index("s")
    wid = sid * NC + cid
    pltpu.sync_copy(e_hbm.at[pl.ds(wid * EPW, EPW)], eidx)
    pltpu.sync_copy(z_hbm, acc)

    off = jnp.where(wid >= NS, NP, 0).astype(jnp.int32)
    ones = jnp.ones((16,), jnp.float32)

    def body(i, c):
        for u in range(4):
            ev = eidx[pl.ds(i * 64 + u * 16, 16)] + off
            plsc.addupdate_scatter(acc, [ev], ones)
        return c

    lax.fori_loop(0, EPW // 64, body, 0)
    pltpu.sync_copy(acc, out_hbm.at[pl.ds(wid * 2 * NP, 2 * NP)])


def _make_spmm(D=64):
    rpt = NP // NS
    npairs = NCH // (2 * NBUF)

    @functools.partial(
        pl.kernel,
        out_type=jax.ShapeDtypeStruct((NC * NP, D), jnp.float32),
        mesh=_MESH,
        scratch_types=[
            pltpu.VMEM((NCH, CH), jnp.int32),
            pltpu.VMEM((NCH, CH), jnp.int32),
            pltpu.VMEM((2 * NBUF, CH, D), jnp.float32),
            pltpu.VMEM_SHARED((NP, D), jnp.float32),
            pltpu.SemaphoreType.DMA,
            pltpu.SemaphoreType.DMA,
            pltpu.SemaphoreType.DMA,
            pltpu.SemaphoreType.DMA,
        ],
        compiler_params=pltpu.CompilerParams(use_tc_tiling_on_sc=False),
    )
    def spmm(y_hbm, src_hbm, dst_hbm, out_hbm, src_v, dst_v, bufs, acc,
             gsA, gsB, ssA, ssB):
        cid = lax.axis_index("c")
        sid = lax.axis_index("s")
        wid = sid * NC + cid
        pltpu.sync_copy(src_hbm.at[pl.ds(wid * NCH, NCH)], src_v)
        pltpu.sync_copy(dst_hbm.at[pl.ds(wid * NCH, NCH)], dst_v)

        def gather(j, b, sem):
            pltpu.async_copy(y_hbm.at[src_v.at[j]], bufs.at[b], sem)

        def gwait(b, sem):
            pltpu.make_async_copy(y_hbm.at[src_v.at[0]], bufs.at[b], sem).wait()

        def scat(j, b, sem):
            pltpu.async_copy(bufs.at[b], acc.at[dst_v.at[j]], sem, add=True)

        def swait(b, sem):
            pltpu.make_async_copy(bufs.at[b], acc.at[dst_v.at[0]], sem).wait()

        for b in range(NBUF):
            gather(b, b, gsA)

        def zrow(r, c):
            for j in range(D // 16):
                bufs[NBUF, r, pl.ds(j * 16, 16)] = jnp.zeros((16,), jnp.float32)
            return c

        lax.fori_loop(0, CH, zrow, 0)
        for q in range(rpt // CH):
            pltpu.async_copy(bufs.at[NBUF], acc.at[pl.ds(sid * rpt + q * CH, CH)], ssA)
        for q in range(rpt // CH):
            pltpu.make_async_copy(bufs.at[NBUF], acc.at[pl.ds(sid * rpt, CH)], ssA).wait()
        plsc.subcore_barrier()

        def pair(gg, c):
            jA = gg * 2 * NBUF
            jB = jA + NBUF
            for b in range(NBUF):
                gather(jB + b, NBUF + b, gsB)
            for b in range(NBUF):
                gwait(b, gsA)
                scat(jA + b, b, ssA)
            for b in range(NBUF):
                swait(b, ssA)

            @pl.when(gg < npairs - 1)
            def _():
                for b in range(NBUF):
                    gather(jA + 2 * NBUF + b, b, gsA)

            for b in range(NBUF):
                gwait(NBUF + b, gsB)
                scat(jB + b, NBUF + b, ssB)
            for b in range(NBUF):
                swait(NBUF + b, ssB)
            return c

        lax.fori_loop(0, npairs, pair, 0)
        plsc.subcore_barrier()
        for q in range(rpt // CH):
            r0 = sid * rpt + q * CH
            pltpu.sync_copy(acc.at[pl.ds(r0, CH)], out_hbm.at[pl.ds(cid * NP + r0, CH)])

    return spmm


_spmm64 = _make_spmm(64)


def _norm(deg):
    return jnp.where(deg > 0, lax.rsqrt(jnp.maximum(deg, 1.0)), 0.0)


def _b_body(x_ref, w_ref, po_ref, o_ref):
    ns = _norm(jnp.sum(po_ref[...], axis=0))
    o_ref[...] = jnp.dot(
        x_ref[...], w_ref[...], preferred_element_type=jnp.float32
    ) * ns[:, None]


def _tc_proj1(xp, W1, p_out):
    return pl.pallas_call(
        _b_body,
        grid=(NP // RB,),
        in_specs=[
            pl.BlockSpec((RB, 128), lambda i: (i, 0)),
            pl.BlockSpec((128, 128), lambda i: (0, 0)),
            pl.BlockSpec((NW, RB), lambda i: (0, i)),
        ],
        out_specs=pl.BlockSpec((RB, 128), lambda i: (i, 0)),
        out_shape=jax.ShapeDtypeStruct((NP, 128), jnp.float32),
    )(xp, W1, p_out)


def _c_body(a0a_ref, a1a_ref, a0b_ref, a1b_ref, pi_ref, po_ref, b1_ref, w2_ref,
            o_ref):
    nin = _norm(jnp.sum(pi_ref[...], axis=0))
    nout = _norm(jnp.sum(po_ref[...], axis=0))
    agg = jnp.concatenate(
        [a0a_ref[...] + a1a_ref[...], a0b_ref[...] + a1b_ref[...]], axis=1
    )
    h = jnp.maximum(agg * nin[:, None] + b1_ref[...], 0.0)
    o_ref[...] = jnp.dot(
        h * nout[:, None], w2_ref[...], preferred_element_type=jnp.float32
    )


def _tc_mid(agg1a, agg1b, p_in, p_out, b1, W2):
    return pl.pallas_call(
        _c_body,
        grid=(NP // RB,),
        in_specs=[
            pl.BlockSpec((RB, 64), lambda i: (i, 0)),
            pl.BlockSpec((RB, 64), lambda i: (i + NP // RB, 0)),
            pl.BlockSpec((RB, 64), lambda i: (i, 0)),
            pl.BlockSpec((RB, 64), lambda i: (i + NP // RB, 0)),
            pl.BlockSpec((NW, RB), lambda i: (0, i)),
            pl.BlockSpec((NW, RB), lambda i: (0, i)),
            pl.BlockSpec((1, 128), lambda i: (0, 0)),
            pl.BlockSpec((128, 64), lambda i: (0, 0)),
        ],
        out_specs=pl.BlockSpec((RB, 64), lambda i: (i, 0)),
        out_shape=jax.ShapeDtypeStruct((NP, 64), jnp.float32),
    )(agg1a, agg1a, agg1b, agg1b, p_in, p_out, b1, W2)


def _d_body(a0_ref, a1_ref, pi_ref, b2_ref, o_ref):
    nin = _norm(jnp.sum(pi_ref[...], axis=0))
    z = (a0_ref[...] + a1_ref[...]) * nin[:, None] + b2_ref[...]
    z = z - jnp.max(z, axis=1, keepdims=True)
    ez = jnp.exp(z)
    o_ref[...] = ez / jnp.sum(ez, axis=1, keepdims=True)


def _tc_out(agg2, p_in, b2):
    return pl.pallas_call(
        _d_body,
        grid=(NP // RB,),
        in_specs=[
            pl.BlockSpec((RB, 64), lambda i: (i, 0)),
            pl.BlockSpec((RB, 64), lambda i: (i + NP // RB, 0)),
            pl.BlockSpec((NW, RB), lambda i: (0, i)),
            pl.BlockSpec((1, 64), lambda i: (0, 0)),
        ],
        out_specs=pl.BlockSpec((RB, 64), lambda i: (i, 0)),
        out_shape=jax.ShapeDtypeStruct((NP, 64), jnp.float32),
    )(agg2, agg2, p_in, b2)


def kernel(inputs, edge_index, W1, b1, W2, b2):
    x = inputs
    eflat = edge_index.reshape(-1)
    pad = EPAD - E
    pad_src = (jnp.arange(pad, dtype=jnp.int32) % N).astype(jnp.int32)
    pad_dst = (N + jnp.arange(pad, dtype=jnp.int32) % (NP - N)).astype(jnp.int32)
    srcp = jnp.concatenate([edge_index[0], pad_src]).reshape(NW * NCH, CH)
    dstp = jnp.concatenate([edge_index[1], pad_dst]).reshape(NW * NCH, CH)
    xp = jnp.pad(x, ((0, NP - N), (0, 0)))

    parts = _deg_kernel(eflat, jnp.zeros((2 * NP,), jnp.float32))
    pflat = parts.reshape(NW, 2 * NP)
    p_out = pflat[:, :NP]
    p_in = pflat[:, NP:]

    y1 = _tc_proj1(xp, W1, p_out)
    agg1a = _spmm64(y1[:, :64], srcp, dstp)
    agg1b = _spmm64(y1[:, 64:], srcp, dstp)
    y2 = _tc_mid(agg1a, agg1b, p_in, p_out, b1.reshape(1, 128), W2)
    agg2 = _spmm64(y2, srcp, dstp)
    out = _tc_out(agg2, p_in, b2.reshape(1, 64))
    return out[:N]

# --- scband reference (transcript-rebuilt; emitter-appended) ---
"""Pipeline reference for scband-gcnsoftmax-43722767073362 (READ-ONLY COPY).

The authoritative reference and input builder live on the scoring server;
editing this copy changes nothing except your own understanding.
"""

import jax, jax.numpy as jnp
import numpy as np

N = 10000
E = 320000
D_IN = 128
D_H = 128
N_CLS = 64


def setup_inputs(seed: int = 0) -> dict:
    key = jax.random.key(seed)
    k1, k2, k3, k4, k5, k6 = jax.random.split(key, 6)
    inputs = jax.random.normal(k1, (N, D_IN), dtype=jnp.float32)
    edge_index = jax.random.randint(k2, (2, E), 0, N, dtype=jnp.int32)
    # GraphConv layer 1 params (glorot-ish init)
    W1 = jax.random.normal(k3, (D_IN, D_H), dtype=jnp.float32) * (1.0 / np.sqrt(D_IN))
    b1 = jnp.zeros((D_H,), dtype=jnp.float32)
    # GraphConv layer 2 params
    W2 = jax.random.normal(k4, (D_H, N_CLS), dtype=jnp.float32) * (1.0 / np.sqrt(D_H))
    b2 = jnp.zeros((N_CLS,), dtype=jnp.float32)
    return {"inputs": inputs, "edge_index": edge_index, "W1": W1, "b1": b1, "W2": W2, "b2": b2}


def _gcn_conv(h, edge_index, W, b):
    # DGL GraphConv with norm='both':
    #   out = D_in^{-1/2} * A * (D_out^{-1/2} * h) @ W + b
    src = edge_index[0]
    dst = edge_index[1]
    ones = jnp.ones((src.shape[0],), dtype=h.dtype)
    deg_out = jax.ops.segment_sum(ones, src, num_segments=N)
    deg_in = jax.ops.segment_sum(ones, dst, num_segments=N)
    norm_src = jnp.where(deg_out > 0, 1.0 / jnp.sqrt(jnp.clip(deg_out, 1.0)), 0.0)
    norm_dst = jnp.where(deg_in > 0, 1.0 / jnp.sqrt(jnp.clip(deg_in, 1.0)), 0.0)
    h = h * norm_src[:, None]
    msgs = jnp.take(h, src, axis=0)
    agg = jax.ops.segment_sum(msgs, dst, num_segments=N)
    agg = agg * norm_dst[:, None]
    return agg @ W + b


def reference(inputs, edge_index, W1, b1, W2, b2):
    h = _gcn_conv(inputs, edge_index, W1, b1)
    h = jax.nn.relu(h)
    # dropout is identity in eval mode (training=False)
    h = _gcn_conv(h, edge_index, W2, b2)
    h = jax.nn.softmax(h, axis=1)
    return h

if __name__ == "__main__":
    import jax
    _d = setup_inputs()
    print(jax.jit(kernel)(*tuple(_d.values())))

</pallas_src>

<mosaic_0001>
#map = affine_map<(d0, d1) -> (0)>
module attributes {stable_mosaic.version = 14 : i64} {
  func.func @_deg_kernel(%arg0: i32, %arg1: i32, %arg2: memref<640000xi32, #tpu.memory_space<hbm>>, %arg3: memref<20480xf32, #tpu.memory_space<hbm>>, %arg4: memref<655360xf32, #tpu.memory_space<hbm>>, %arg5: memref<20000xi32, #tpu.memory_space<vmem>>, %arg6: memref<20480xf32, #tpu.memory_space<vmem>>) attributes {dimension_semantics = [#tpu.dimension_semantics<core_parallel>, #tpu.dimension_semantics<subcore_parallel>], iteration_bounds = array<i64: 2, 16>, scalar_prefetch = 0 : i64, scratch_operands = 2 : i64, tpu.core_type = #tpu.core_type<sc_vector_subcore>, window_params = [{transform_indices = #map}, {transform_indices = #map}, {transform_indices = #map}]} {
    %mul3A = arith.constant 2 : i32
    %mul3A_0 = arith.muli %arg1, %mul3A : i32
    %add3A = arith.addi %mul3A_0, %arg0 : i32
    %mul3A_1 = arith.constant 20000 : i32
    %mul3A_2 = arith.muli %add3A, %mul3A_1 : i32
    "tpu.region"() ({
      %run_scoped3A = tpu.sem_alloc : memref<!tpu.dma_semaphore, #tpu.memory_space<semaphore_mem>>
      %dma_start3A = tpu.memref_slice %arg2[%mul3A_2] : memref<640000xi32, #tpu.memory_space<hbm>> -> memref<20000xi32, #tpu.memory_space<hbm>>
      %dma_start3A_15 = tpu.memref_slice %arg2[%mul3A_2] : memref<640000xi32, #tpu.memory_space<hbm>> -> memref<20000xi32, #tpu.memory_space<hbm>>
      tpu.enqueue_dma source(%dma_start3A_15 : memref<20000xi32, #tpu.memory_space<hbm>>) target(%arg5 : memref<20000xi32, #tpu.memory_space<vmem>>) target_semaphore(%run_scoped3A : memref<!tpu.dma_semaphore, #tpu.memory_space<semaphore_mem>>)
      %dma_wait3A = tpu.memref_slice %arg2[%mul3A_2] : memref<640000xi32, #tpu.memory_space<hbm>> -> memref<20000xi32, #tpu.memory_space<hbm>>
      %dma_wait3A_16 = tpu.memref_slice %arg2[%mul3A_2] : memref<640000xi32, #tpu.memory_space<hbm>> -> memref<20000xi32, #tpu.memory_space<hbm>>
      tpu.wait_dma2 semaphore(%run_scoped3A : memref<!tpu.dma_semaphore, #tpu.memory_space<semaphore_mem>>) src(%dma_wait3A_16 : memref<20000xi32, #tpu.memory_space<hbm>>) dst(%arg5 : memref<20000xi32, #tpu.memory_space<vmem>>)
      tpu.yield
    }) : () -> ()
    "tpu.region"() ({
      %run_scoped3A = tpu.sem_alloc : memref<!tpu.dma_semaphore, #tpu.memory_space<semaphore_mem>>
      tpu.enqueue_dma source(%arg3 : memref<20480xf32, #tpu.memory_space<hbm>>) target(%arg6 : memref<20480xf32, #tpu.memory_space<vmem>>) target_semaphore(%run_scoped3A : memref<!tpu.dma_semaphore, #tpu.memory_space<semaphore_mem>>)
      tpu.wait_dma2 semaphore(%run_scoped3A : memref<!tpu.dma_semaphore, #tpu.memory_space<semaphore_mem>>) src(%arg3 : memref<20480xf32, #tpu.memory_space<hbm>>) dst(%arg6 : memref<20480xf32, #tpu.memory_space<vmem>>)
      tpu.yield
    }) : () -> ()
    %ge3A = arith.constant 16 : i32
    %ge3A_3 = arith.cmpi sge, %add3A, %ge3A : i32
    %jit3A = arith.constant 10240 : i32
    %jit3A_4 = arith.constant 0 : i32
    %select_n3A = arith.select %ge3A_3, %jit3A, %jit3A_4 : i32
    %broadcast_in_dim3A = arith.constant 1.000000e+00 : f32
    %broadcast_in_dim3A_5 = vector.broadcast %broadcast_in_dim3A : f32 to vector<16xf32>
    %scan3A = arith.constant 0 : i32
    %scan3A_6 = arith.constant 0 : i32
    %scan3A_7 = arith.constant 312 : i32
    %scan3A_8 = arith.addi %scan3A_6, %scan3A_7 : i32
    %scan3A_9 = arith.constant 1 : i32
    scf.for %scan3A_15 = %scan3A_6 to %scan3A_8 step %scan3A_9  : i32 {
      %mul3A_16 = arith.constant 64 : i32
      %mul3A_17 = arith.muli %scan3A_15, %mul3A_16 : i32
      %add3A_18 = arith.constant 0 : i32
      %add3A_19 = arith.addi %mul3A_17, %add3A_18 : i32
      %get3A = arith.index_cast %add3A_19 : i32 to index
      %get3A_20 = tpu.vector_load %arg5[%get3A] {strides = array<i32>} : memref<20000xi32, #tpu.memory_space<vmem>>, vector<16xi32>,
      %add3A_21 = vector.broadcast %select_n3A : i32 to vector<16xi32>
      %add3A_22 = arith.addi %get3A_20, %add3A_21 : vector<16xi32>
      tpu.vector_store_idx %arg6[%add3A_22], %broadcast_in_dim3A_5 {add = true} : memref<20480xf32, #tpu.memory_space<vmem>>[vector<16xi32>], vector<16xf32>,
      %mul3A_23 = arith.constant 64 : i32
      %mul3A_24 = arith.muli %scan3A_15, %mul3A_23 : i32
      %add3A_25 = arith.constant 16 : i32
      %add3A_26 = arith.addi %mul3A_24, %add3A_25 : i32
      %get3A_27 = arith.index_cast %add3A_26 : i32 to index
      %get3A_28 = tpu.vector_load %arg5[%get3A_27] {strides = array<i32>} : memref<20000xi32, #tpu.memory_space<vmem>>, vector<16xi32>,
      %add3A_29 = vector.broadcast %select_n3A : i32 to vector<16xi32>
      %add3A_30 = arith.addi %get3A_28, %add3A_29 : vector<16xi32>
      tpu.vector_store_idx %arg6[%add3A_30], %broadcast_in_dim3A_5 {add = true} : memref<20480xf32, #tpu.memory_space<vmem>>[vector<16xi32>], vector<16xf32>,
      %mul3A_31 = arith.constant 64 : i32
      %mul3A_32 = arith.muli %scan3A_15, %mul3A_31 : i32
      %add3A_33 = arith.constant 32 : i32
      %add3A_34 = arith.addi %mul3A_32, %add3A_33 : i32
      %get3A_35 = arith.index_cast %add3A_34 : i32 to index
      %get3A_36 = tpu.vector_load %arg5[%get3A_35] {strides = array<i32>} : memref<20000xi32, #tpu.memory_space<vmem>>, vector<16xi32>,
      %add3A_37 = vector.broadcast %select_n3A : i32 to vector<16xi32>
      %add3A_38 = arith.addi %get3A_36, %add3A_37 : vector<16xi32>
      tpu.vector_store_idx %arg6[%add3A_38], %broadcast_in_dim3A_5 {add = true} : memref<20480xf32, #tpu.memory_space<vmem>>[vector<16xi32>], vector<16xf32>,
      %mul3A_39 = arith.constant 64 : i32
      %mul3A_40 = arith.muli %scan3A_15, %mul3A_39 : i32
      %add3A_41 = arith.constant 48 : i32
      %add3A_42 = arith.addi %mul3A_40, %add3A_41 : i32
      %get3A_43 = arith.index_cast %add3A_42 : i32 to index
      %get3A_44 = tpu.vector_load %arg5[%get3A_43] {strides = array<i32>} : memref<20000xi32, #tpu.memory_space<vmem>>, vector<16xi32>,
      %add3A_45 = vector.broadcast %select_n3A : i32 to vector<16xi32>
      %add3A_46 = arith.addi %get3A_44, %add3A_45 : vector<16xi32>
      tpu.vector_store_idx %arg6[%add3A_46], %broadcast_in_dim3A_5 {add = true} : memref<20480xf32, #tpu.memory_space<vmem>>[vector<16xi32>], vector<16xf32>,
    }
    %scan3A_10 = arith.constant 312 : i32
    %mul3A_11 = arith.constant 2 : i32
    %mul3A_12 = arith.muli %add3A, %mul3A_11 : i32
    %mul3A_13 = arith.constant 10240 : i32
    %mul3A_14 = arith.muli %mul3A_12, %mul3A_13 : i32
    "tpu.region"() ({
      %run_scoped3A = tpu.sem_alloc : memref<!tpu.dma_semaphore, #tpu.memory_space<semaphore_mem>>
      %dma_start3A = tpu.memref_slice %arg4[%mul3A_14] : memref<655360xf32, #tpu.memory_space<hbm>> -> memref<20480xf32, #tpu.memory_space<hbm>>
      %dma_start3A_15 = tpu.memref_slice %arg4[%mul3A_14] : memref<655360xf32, #tpu.memory_space<hbm>> -> memref<20480xf32, #tpu.memory_space<hbm>>
      tpu.enqueue_dma source(%arg6 : memref<20480xf32, #tpu.memory_space<vmem>>) target(%dma_start3A_15 : memref<20480xf32, #tpu.memory_space<hbm>>) target_semaphore(%run_scoped3A : memref<!tpu.dma_semaphore, #tpu.memory_space<semaphore_mem>>)
      %dma_wait3A = tpu.memref_slice %arg4[%mul3A_14] : memref<655360xf32, #tpu.memory_space<hbm>> -> memref<20480xf32, #tpu.memory_space<hbm>>
      %dma_wait3A_16 = tpu.memref_slice %arg4[%mul3A_14] : memref<655360xf32, #tpu.memory_space<hbm>> -> memref<20480xf32, #tpu.memory_space<hbm>>
      tpu.wait_dma2 semaphore(%run_scoped3A : memref<!tpu.dma_semaphore, #tpu.memory_space<semaphore_mem>>) src(%arg6 : memref<20480xf32, #tpu.memory_space<vmem>>) dst(%dma_wait3A_16 : memref<20480xf32, #tpu.memory_space<hbm>>)
      tpu.yield
    }) : () -> ()
    return
  }
}

#map = affine_map<(d0, d1) -> (0, 0)>
module attributes {stable_mosaic.version = 14 : i64} {
  func.func @spmm(%arg0: i32, %arg1: i32, %arg2: memref<10240x64xf32, #tpu.memory_space<hbm>>, %arg3: memref<2560x128xi32, #tpu.memory_space<hbm>>, %arg4: memref<2560x128xi32, #tpu.memory_space<hbm>>, %arg5: memref<20480x64xf32, #tpu.memory_space<hbm>>, %arg6: memref<80x128xi32, #tpu.memory_space<vmem>>, %arg7: memref<80x128xi32, #tpu.memory_space<vmem>>, %arg8: memref<8x128x64xf32, #tpu.memory_space<vmem>>, %arg9: memref<10240x64xf32, #tpu.memory_space<vmem_shared>>, %arg10: memref<!tpu.dma_semaphore, #tpu.memory_space<semaphore_mem>>, %arg11: memref<!tpu.dma_semaphore, #tpu.memory_space<semaphore_mem>>, %arg12: memref<!tpu.dma_semaphore, #tpu.memory_space<semaphore_mem>>, %arg13: memref<!tpu.dma_semaphore, #tpu.memory_space<semaphore_mem>>) attributes {dimension_semantics = [#tpu.dimension_semantics<core_parallel>, #tpu.dimension_semantics<subcore_parallel>], iteration_bounds = array<i64: 2, 16>, scalar_prefetch = 0 : i64, scratch_operands = 8 : i64, tpu.core_type = #tpu.core_type<sc_vector_subcore>, window_params = [{transform_indices = #map}, {transform_indices = #map}, {transform_indices = #map}, {transform_indices = #map}]} {
    %mul3A = arith.constant 2 : i32
    %mul3A_0 = arith.muli %arg1, %mul3A : i32
    %add3A = arith.addi %mul3A_0, %arg0 : i32
    %mul3A_1 = arith.constant 80 : i32
    %mul3A_2 = arith.muli %add3A, %mul3A_1 : i32
    "tpu.region"() ({
      %run_scoped3A = tpu.sem_alloc : memref<!tpu.dma_semaphore, #tpu.memory_space<semaphore_mem>>
      %dma_start3A_258 = arith.constant 0 : i32
      %dma_start3A_259 = tpu.memref_slice %arg3[%mul3A_2, %dma_start3A_258] : memref<2560x128xi32, #tpu.memory_space<hbm>> -> memref<80x128xi32, #tpu.memory_space<hbm>>
      %dma_start3A_260 = arith.constant 0 : i32
      %dma_start3A_261 = tpu.memref_slice %arg3[%mul3A_2, %dma_start3A_260] : memref<2560x128xi32, #tpu.memory_space<hbm>> -> memref<80x128xi32, #tpu.memory_space<hbm>>
      tpu.enqueue_dma source(%dma_start3A_261 : memref<80x128xi32, #tpu.memory_space<hbm>>) target(%arg6 : memref<80x128xi32, #tpu.memory_space<vmem>>) target_semaphore(%run_scoped3A : memref<!tpu.dma_semaphore, #tpu.memory_space<semaphore_mem>>)
      %dma_wait3A_262 = arith.constant 0 : i32
      %dma_wait3A_263 = tpu.memref_slice %arg3[%mul3A_2, %dma_wait3A_262] : memref<2560x128xi32, #tpu.memory_space<hbm>> -> memref<80x128xi32, #tpu.memory_space<hbm>>
      %dma_wait3A_264 = arith.constant 0 : i32
      %dma_wait3A_265 = tpu.memref_slice %arg3[%mul3A_2, %dma_wait3A_264] : memref<2560x128xi32, #tpu.memory_space<hbm>> -> memref<80x128xi32, #tpu.memory_space<hbm>>
      tpu.wait_dma2 semaphore(%run_scoped3A : memref<!tpu.dma_semaphore, #tpu.memory_space<semaphore_mem>>) src(%dma_wait3A_265 : memref<80x128xi32, #tpu.memory_space<hbm>>) dst(%arg6 : memref<80x128xi32, #tpu.memory_space<vmem>>)
      tpu.yield
    }) : () -> ()
    %mul3A_3 = arith.constant 80 : i32
    %mul3A_4 = arith.muli %add3A, %mul3A_3 : i32
    "tpu.region"() ({
      %run_scoped3A = tpu.sem_alloc : memref<!tpu.dma_semaphore, #tpu.memory_space<semaphore_mem>>
      %dma_start3A_258 = arith.constant 0 : i32
      %dma_start3A_259 = tpu.memref_slice %arg4[%mul3A_4, %dma_start3A_258] : memref<2560x128xi32, #tpu.memory_space<hbm>> -> memref<80x128xi32, #tpu.memory_space<hbm>>
      %dma_start3A_260 = arith.constant 0 : i32
      %dma_start3A_261 = tpu.memref_slice %arg4[%mul3A_4, %dma_start3A_260] : memref<2560x128xi32, #tpu.memory_space<hbm>> -> memref<80x128xi32, #tpu.memory_space<hbm>>
      tpu.enqueue_dma source(%dma_start3A_261 : memref<80x128xi32, #tpu.memory_space<hbm>>) target(%arg7 : memref<80x128xi32, #tpu.memory_space<vmem>>) target_semaphore(%run_scoped3A : memref<!tpu.dma_semaphore, #tpu.memory_space<semaphore_mem>>)
      %dma_wait3A_262 = arith.constant 0 : i32
      %dma_wait3A_263 = tpu.memref_slice %arg4[%mul3A_4, %dma_wait3A_262] : memref<2560x128xi32, #tpu.memory_space<hbm>> -> memref<80x128xi32, #tpu.memory_space<hbm>>
      %dma_wait3A_264 = arith.constant 0 : i32
      %dma_wait3A_265 = tpu.memref_slice %arg4[%mul3A_4, %dma_wait3A_264] : memref<2560x128xi32, #tpu.memory_space<hbm>> -> memref<80x128xi32, #tpu.memory_space<hbm>>
      tpu.wait_dma2 semaphore(%run_scoped3A : memref<!tpu.dma_semaphore, #tpu.memory_space<semaphore_mem>>) src(%dma_wait3A_265 : memref<80x128xi32, #tpu.memory_space<hbm>>) dst(%arg7 : memref<80x128xi32, #tpu.memory_space<vmem>>)
      tpu.yield
    }) : () -> ()
    %dma_start3A = arith.constant 0 : i32
    %dma_start3A_5 = arith.constant 0 : i32
    %dma_start3A_6 = arith.constant 0 : i32
    %dma_start3A_7 = arith.constant 0 : i32
    %dma_start3A_8 = tpu.memref_slice %arg8[%dma_start3A_5, %dma_start3A_6, %dma_start3A_7] : memref<8x128x64xf32, #tpu.memory_space<vmem>> -> memref<1x128x64xf32, #tpu.memory_space<vmem>>
    %dma_start3A_9 = tpu.memref_squeeze %dma_start3A_8 : memref<1x128x64xf32, #tpu.memory_space<vmem>> -> memref<128x64xf32, #tpu.memory_space<vmem>>
    %dma_start3A_10 = arith.constant 0 : i32
    %dma_start3A_11 = tpu.memref_slice %arg6[%dma_start3A, %dma_start3A_10] : memref<80x128xi32, #tpu.memory_space<vmem>> -> memref<1x128xi32, #tpu.memory_space<vmem>>
    %dma_start3A_12 = tpu.memref_squeeze %dma_start3A_11 : memref<1x128xi32, #tpu.memory_space<vmem>> -> memref<128xi32, #tpu.memory_space<vmem>>
    %dma_start3A_13 = arith.constant 0 : i32
    %dma_start3A_14 = arith.constant 0 : i32
    %dma_start3A_15 = tpu.memref_slice %arg2[%dma_start3A_13, %dma_start3A_14] : memref<10240x64xf32, #tpu.memory_space<hbm>> -> memref<10240x64xf32, #tpu.memory_space<hbm>>
    tpu.enqueue_indirect_dma source(%dma_start3A_15 : memref<10240x64xf32, #tpu.memory_space<hbm>>) target(%dma_start3A_9 : memref<128x64xf32, #tpu.memory_space<vmem>>) offsets(%dma_start3A_12 : memref<128xi32, #tpu.memory_space<vmem>>) semaphore(%arg10 : memref<!tpu.dma_semaphore, #tpu.memory_space<semaphore_mem>>)
    %dma_start3A_16 = arith.constant 1 : i32
    %dma_start3A_17 = arith.constant 1 : i32
    %dma_start3A_18 = arith.constant 0 : i32
    %dma_start3A_19 = arith.constant 0 : i32
    %dma_start3A_20 = tpu.memref_slice %arg8[%dma_start3A_17, %dma_start3A_18, %dma_start3A_19] : memref<8x128x64xf32, #tpu.memory_space<vmem>> -> memref<1x128x64xf32, #tpu.memory_space<vmem>>
    %dma_start3A_21 = tpu.memref_squeeze %dma_start3A_20 : memref<1x128x64xf32, #tpu.memory_space<vmem>> -> memref<128x64xf32, #tpu.memory_space<vmem>>
    %dma_start3A_22 = arith.constant 0 : i32
    %dma_start3A_23 = tpu.memref_slice %arg6[%dma_start3A_16, %dma_start3A_22] : memref<80x128xi32, #tpu.memory_space<vmem>> -> memref<1x128xi32, #tpu.memory_space<vmem>>
    %dma_start3A_24 = tpu.memref_squeeze %dma_start3A_23 : memref<1x128xi32, #tpu.memory_space<vmem>> -> memref<128xi32, #tpu.memory_space<vmem>>
    %dma_start3A_25 = arith.constant 0 : i32
    %dma_start3A_26 = arith.constant 0 : i32
    %dma_start3A_27 = tpu.memref_slice %arg2[%dma_start3A_25, %dma_start3A_26] : memref<10240x64xf32, #tpu.memory_space<hbm>> -> memref<10240x64xf32, #tpu.memory_space<hbm>>
    tpu.enqueue_indirect_dma source(%dma_start3A_27 : memref<10240x64xf32, #tpu.memory_space<hbm>>) target(%dma_start3A_21 : memref<128x64xf32, #tpu.memory_space<vmem>>) offsets(%dma_start3A_24 : memref<128xi32, #tpu.memory_space<vmem>>) semaphore(%arg10 : memref<!tpu.dma_semaphore, #tpu.memory_space<semaphore_mem>>)
    %dma_start3A_28 = arith.constant 2 : i32
    %dma_start3A_29 = arith.constant 2 : i32
    %dma_start3A_30 = arith.constant 0 : i32
    %dma_start3A_31 = arith.constant 0 : i32
    %dma_start3A_32 = tpu.memref_slice %arg8[%dma_start3A_29, %dma_start3A_30, %dma_start3A_31] : memref<8x128x64xf32, #tpu.memory_space<vmem>> -> memref<1x128x64xf32, #tpu.memory_space<vmem>>
    %dma_start3A_33 = tpu.memref_squeeze %dma_start3A_32 : memref<1x128x64xf32, #tpu.memory_space<vmem>> -> memref<128x64xf32, #tpu.memory_space<vmem>>
    %dma_start3A_34 = arith.constant 0 : i32
    %dma_start3A_35 = tpu.memref_slice %arg6[%dma_start3A_28, %dma_start3A_34] : memref<80x128xi32, #tpu.memory_space<vmem>> -> memref<1x128xi32, #tpu.memory_space<vmem>>
    %dma_start3A_36 = tpu.memref_squeeze %dma_start3A_35 : memref<1x128xi32, #tpu.memory_space<vmem>> -> memref<128xi32, #tpu.memory_space<vmem>>
    %dma_start3A_37 = arith.constant 0 : i32
    %dma_start3A_38 = arith.constant 0 : i32
    %dma_start3A_39 = tpu.memref_slice %arg2[%dma_start3A_37, %dma_start3A_38] : memref<10240x64xf32, #tpu.memory_space<hbm>> -> memref<10240x64xf32, #tpu.memory_space<hbm>>
    tpu.enqueue_indirect_dma source(%dma_start3A_39 : memref<10240x64xf32, #tpu.memory_space<hbm>>) target(%dma_start3A_33 : memref<128x64xf32, #tpu.memory_space<vmem>>) offsets(%dma_start3A_36 : memref<128xi32, #tpu.memory_space<vmem>>) semaphore(%arg10 : memref<!tpu.dma_semaphore, #tpu.memory_space<semaphore_mem>>)
    %dma_start3A_40 = arith.constant 3 : i32
    %dma_start3A_41 = arith.constant 3 : i32
    %dma_start3A_42 = arith.constant 0 : i32
    %dma_start3A_43 = arith.constant 0 : i32
    %dma_start3A_44 = tpu.memref_slice %arg8[%dma_start3A_41, %dma_start3A_42, %dma_start3A_43] : memref<8x128x64xf32, #tpu.memory_space<vmem>> -> memref<1x128x64xf32, #tpu.memory_space<vmem>>
    %dma_start3A_45 = tpu.memref_squeeze %dma_start3A_44 : memref<1x128x64xf32, #tpu.memory_space<vmem>> -> memref<128x64xf32, #tpu.memory_space<vmem>>
    %dma_start3A_46 = arith.constant 0 : i32
    %dma_start3A_47 = tpu.memref_slice %arg6[%dma_start3A_40, %dma_start3A_46] : memref<80x128xi32, #tpu.memory_space<vmem>> -> memref<1x128xi32, #tpu.memory_space<vmem>>
    %dma_start3A_48 = tpu.memref_squeeze %dma_start3A_47 : memref<1x128xi32, #tpu.memory_space<vmem>> -> memref<128xi32, #tpu.memory_space<vmem>>
    %dma_start3A_49 = arith.constant 0 : i32
    %dma_start3A_50 = arith.constant 0 : i32
    %dma_start3A_51 = tpu.memref_slice %arg2[%dma_start3A_49, %dma_start3A_50] : memref<10240x64xf32, #tpu.memory_space<hbm>> -> memref<10240x64xf32, #tpu.memory_space<hbm>>
    tpu.enqueue_indirect_dma source(%dma_start3A_51 : memref<10240x64xf32, #tpu.memory_space<hbm>>) target(%dma_start3A_45 : memref<128x64xf32, #tpu.memory_space<vmem>>) offsets(%dma_start3A_48 : memref<128xi32, #tpu.memory_space<vmem>>) semaphore(%arg10 : memref<!tpu.dma_semaphore, #tpu.memory_space<semaphore_mem>>)
    %scan3A = arith.constant 0 : i32
    %scan3A_52 = arith.constant 0 : i32
    %scan3A_53 = arith.constant 128 : i32
    %scan3A_54 = arith.addi %scan3A_52, %scan3A_53 : i32
    %scan3A_55 = arith.constant 1 : i32
    scf.for %scan3A_258 = %scan3A_52 to %scan3A_54 step %scan3A_55  : i32 {
      %broadcast_in_dim3A = arith.constant 0.000000e+00 : f32
      %broadcast_in_dim3A_259 = vector.broadcast %broadcast_in_dim3A : f32 to vector<16xf32>
      %swap3A = arith.constant 4 : i32
      %swap3A_260 = arith.index_cast %swap3A : i32 to index
      %swap3A_261 = arith.index_cast %scan3A_258 : i32 to index
      %swap3A_262 = arith.constant 0 : index
      %swap3A_263 = tpu.vector_load %arg8[%swap3A_260, %swap3A_261, %swap3A_262] {strides = array<i32>} : memref<8x128x64xf32, #tpu.memory_space<vmem>>, vector<1x1x16xf32>,
      %swap3A_264 = vector.shape_cast %swap3A_263 : vector<1x1x16xf32> to vector<16xf32>
      %swap3A_265 = vector.shape_cast %broadcast_in_dim3A_259 : vector<16xf32> to vector<1x1x16xf32>
      tpu.vector_store %arg8[%swap3A_260, %swap3A_261, %swap3A_262], %swap3A_265 {strides = array<i32>} : memref<8x128x64xf32, #tpu.memory_space<vmem>>, vector<1x1x16xf32>,
      %broadcast_in_dim3A_266 = arith.constant 0.000000e+00 : f32
      %broadcast_in_dim3A_267 = vector.broadcast %broadcast_in_dim3A_266 : f32 to vector<16xf32>
      %swap3A_268 = arith.constant 4 : i32
      %swap3A_269 = arith.index_cast %swap3A_268 : i32 to index
      %swap3A_270 = arith.index_cast %scan3A_258 : i32 to index
      %swap3A_271 = arith.constant 16 : index
      %swap3A_272 = tpu.vector_load %arg8[%swap3A_269, %swap3A_270, %swap3A_271] {strides = array<i32>} : memref<8x128x64xf32, #tpu.memory_space<vmem>>, vector<1x1x16xf32>,
      %swap3A_273 = vector.shape_cast %swap3A_272 : vector<1x1x16xf32> to vector<16xf32>
      %swap3A_274 = vector.shape_cast %broadcast_in_dim3A_267 : vector<16xf32> to vector<1x1x16xf32>
      tpu.vector_store %arg8[%swap3A_269, %swap3A_270, %swap3A_271], %swap3A_274 {strides = array<i32>} : memref<8x128x64xf32, #tpu.memory_space<vmem>>, vector<1x1x16xf32>,
      %broadcast_in_dim3A_275 = arith.constant 0.000000e+00 : f32
      %broadcast_in_dim3A_276 = vector.broadcast %broadcast_in_dim3A_275 : f32 to vector<16xf32>
      %swap3A_277 = arith.constant 4 : i32
      %swap3A_278 = arith.index_cast %swap3A_277 : i32 to index
      %swap3A_279 = arith.index_cast %scan3A_258 : i32 to index
      %swap3A_280 = arith.constant 32 : index
      %swap3A_281 = tpu.vector_load %arg8[%swap3A_278, %swap3A_279, %swap3A_280] {strides = array<i32>} : memref<8x128x64xf32, #tpu.memory_space<vmem>>, vector<1x1x16xf32>,
      %swap3A_282 = vector.shape_cast %swap3A_281 : vector<1x1x16xf32> to vector<16xf32>
      %swap3A_283 = vector.shape_cast %broadcast_in_dim3A_276 : vector<16xf32> to vector<1x1x16xf32>
      tpu.vector_store %arg8[%swap3A_278, %swap3A_279, %swap3A_280], %swap3A_283 {strides = array<i32>} : memref<8x128x64xf32, #tpu.memory_space<vmem>>, vector<1x1x16xf32>,
      %broadcast_in_dim3A_284 = arith.constant 0.000000e+00 : f32
      %broadcast_in_dim3A_285 = vector.broadcast %broadcast_in_dim3A_284 : f32 to vector<16xf32>
      %swap3A_286 = arith.constant 4 : i32
      %swap3A_287 = arith.index_cast %swap3A_286 : i32 to index
      %swap3A_288 = arith.index_cast %scan3A_258 : i32 to index
      %swap3A_289 = arith.constant 48 : index
      %swap3A_290 = tpu.vector_load %arg8[%swap3A_287, %swap3A_288, %swap3A_289] {strides = array<i32>} : memref<8x128x64xf32, #tpu.memory_space<vmem>>, vector<1x1x16xf32>,
      %swap3A_291 = vector.shape_cast %swap3A_290 : vector<1x1x16xf32> to vector<16xf32>
      %swap3A_292 = vector.shape_cast %broadcast_in_dim3A_285 : vector<16xf32> to vector<1x1x16xf32>
      tpu.vector_store %arg8[%swap3A_287, %swap3A_288, %swap3A_289], %swap3A_292 {strides = array<i32>} : memref<8x128x64xf32, #tpu.memory_space<vmem>>, vector<1x1x16xf32>,
    }
    %scan3A_56 = arith.constant 128 : i32
    %mul3A_57 = arith.constant 640 : i32
    %mul3A_58 = arith.muli %arg1, %mul3A_57 : i32
    %add3A_59 = arith.constant 0 : i32
    %add3A_60 = arith.addi %mul3A_58, %add3A_59 : i32
    %dma_start3A_61 = arith.constant 4 : i32
    %dma_start3A_62 = arith.constant 0 : i32
    %dma_start3A_63 = arith.constant 0 : i32
    %dma_start3A_64 = tpu.memref_slice %arg8[%dma_start3A_61, %dma_start3A_62, %dma_start3A_63] : memref<8x128x64xf32, #tpu.memory_space<vmem>> -> memref<1x128x64xf32, #tpu.memory_space<vmem>>
    %dma_start3A_65 = tpu.memref_squeeze %dma_start3A_64 : memref<1x128x64xf32, #tpu.memory_space<vmem>> -> memref<128x64xf32, #tpu.memory_space<vmem>>
    %dma_start3A_66 = arith.constant 0 : i32
    %dma_start3A_67 = tpu.memref_slice %arg9[%add3A_60, %dma_start3A_66] : memref<10240x64xf32, #tpu.memory_space<vmem_shared>> -> memref<128x64xf32, #tpu.memory_space<vmem_shared>>
    %dma_start3A_68 = arith.constant 0 : i32
    %dma_start3A_69 = tpu.memref_slice %arg9[%add3A_60, %dma_start3A_68] : memref<10240x64xf32, #tpu.memory_space<vmem_shared>> -> memref<128x64xf32, #tpu.memory_space<vmem_shared>>
    %dma_start3A_70 = arith.constant 0 : i32
    %dma_start3A_71 = arith.constant 0 : i32
    %dma_start3A_72 = tpu.memref_slice %arg8[%dma_start3A_61, %dma_start3A_70, %dma_start3A_71] : memref<8x128x64xf32, #tpu.memory_space<vmem>> -> memref<1x128x64xf32, #tpu.memory_space<vmem>>
    %dma_start3A_73 = tpu.memref_squeeze %dma_start3A_72 : memref<1x128x64xf32, #tpu.memory_space<vmem>> -> memref<128x64xf32, #tpu.memory_space<vmem>>
    tpu.enqueue_dma source(%dma_start3A_73 : memref<128x64xf32, #tpu.memory_space<vmem>>) target(%dma_start3A_69 : memref<128x64xf32, #tpu.memory_space<vmem_shared>>) target_semaphore(%arg12 : memref<!tpu.dma_semaphore, #tpu.memory_space<semaphore_mem>>)
    %mul3A_74 = arith.constant 640 : i32
    %mul3A_75 = arith.muli %arg1, %mul3A_74 : i32
    %add3A_76 = arith.constant 128 : i32
    %add3A_77 = arith.addi %mul3A_75, %add3A_76 : i32
    %dma_start3A_78 = arith.constant 4 : i32
    %dma_start3A_79 = arith.constant 0 : i32
    %dma_start3A_80 = arith.constant 0 : i32
    %dma_start3A_81 = tpu.memref_slice %arg8[%dma_start3A_78, %dma_start3A_79, %dma_start3A_80] : memref<8x128x64xf32, #tpu.memory_space<vmem>> -> memref<1x128x64xf32, #tpu.memory_space<vmem>>
    %dma_start3A_82 = tpu.memref_squeeze %dma_start3A_81 : memref<1x128x64xf32, #tpu.memory_space<vmem>> -> memref<128x64xf32, #tpu.memory_space<vmem>>
    %dma_start3A_83 = arith.constant 0 : i32
    %dma_start3A_84 = tpu.memref_slice %arg9[%add3A_77, %dma_start3A_83] : memref<10240x64xf32, #tpu.memory_space<vmem_shared>> -> memref<128x64xf32, #tpu.memory_space<vmem_shared>>
    %dma_start3A_85 = arith.constant 0 : i32
    %dma_start3A_86 = tpu.memref_slice %arg9[%add3A_77, %dma_start3A_85] : memref<10240x64xf32, #tpu.memory_space<vmem_shared>> -> memref<128x64xf32, #tpu.memory_space<vmem_shared>>
    %dma_start3A_87 = arith.constant 0 : i32
    %dma_start3A_88 = arith.constant 0 : i32
    %dma_start3A_89 = tpu.memref_slice %arg8[%dma_start3A_78, %dma_start3A_87, %dma_start3A_88] : memref<8x128x64xf32, #tpu.memory_space<vmem>> -> memref<1x128x64xf32, #tpu.memory_space<vmem>>
    %dma_start3A_90 = tpu.memref_squeeze %dma_start3A_89 : memref<1x128x64xf32, #tpu.memory_space<vmem>> -> memref<128x64xf32, #tpu.memory_space<vmem>>
    tpu.enqueue_dma source(%dma_start3A_90 : memref<128x64xf32, #tpu.memory_space<vmem>>) target(%dma_start3A_86 : memref<128x64xf32, #tpu.memory_space<vmem_shared>>) target_semaphore(%arg12 : memref<!tpu.dma_semaphore, #tpu.memory_space<semaphore_mem>>)
    %mul3A_91 = arith.constant 640 : i32
    %mul3A_92 = arith.muli %arg1, %mul3A_91 : i32
    %add3A_93 = arith.constant 256 : i32
    %add3A_94 = arith.addi %mul3A_92, %add3A_93 : i32
    %dma_start3A_95 = arith.constant 4 : i32
    %dma_start3A_96 = arith.constant 0 : i32
    %dma_start3A_97 = arith.constant 0 : i32
    %dma_start3A_98 = tpu.memref_slice %arg8[%dma_start3A_95, %dma_start3A_96, %dma_start3A_97] : memref<8x128x64xf32, #tpu.memory_space<vmem>> -> memref<1x128x64xf32, #tpu.memory_space<vmem>>
    %dma_start3A_99 = tpu.memref_squeeze %dma_start3A_98 : memref<1x128x64xf32, #tpu.memory_space<vmem>> -> memref<128x64xf32, #tpu.memory_space<vmem>>
    %dma_start3A_100 = arith.constant 0 : i32
    %dma_start3A_101 = tpu.memref_slice %arg9[%add3A_94, %dma_start3A_100] : memref<10240x64xf32, #tpu.memory_space<vmem_shared>> -> memref<128x64xf32, #tpu.memory_space<vmem_shared>>
    %dma_start3A_102 = arith.constant 0 : i32
    %dma_start3A_103 = tpu.memref_slice %arg9[%add3A_94, %dma_start3A_102] : memref<10240x64xf32, #tpu.memory_space<vmem_shared>> -> memref<128x64xf32, #tpu.memory_space<vmem_shared>>
    %dma_start3A_104 = arith.constant 0 : i32
    %dma_start3A_105 = arith.constant 0 : i32
    %dma_start3A_106 = tpu.memref_slice %arg8[%dma_start3A_95, %dma_start3A_104, %dma_start3A_105] : memref<8x128x64xf32, #tpu.memory_space<vmem>> -> memref<1x128x64xf32, #tpu.memory_space<vmem>>
    %dma_start3A_107 = tpu.memref_squeeze %dma_start3A_106 : memref<1x128x64xf32, #tpu.memory_space<vmem>> -> memref<128x64xf32, #tpu.memory_space<vmem>>
    tpu.enqueue_dma source(%dma_start3A_107 : memref<128x64xf32, #tpu.memory_space<vmem>>) target(%dma_start3A_103 : memref<128x64xf32, #tpu.memory_space<vmem_shared>>) target_semaphore(%arg12 : memref<!tpu.dma_semaphore, #tpu.memory_space<semaphore_mem>>)
    %mul3A_108 = arith.constant 640 : i32
    %mul3A_109 = arith.muli %arg1, %mul3A_108 : i32
    %add3A_110 = arith.constant 384 : i32
    %add3A_111 = arith.addi %mul3A_109, %add3A_110 : i32
    %dma_start3A_112 = arith.constant 4 : i32
    %dma_start3A_113 = arith.constant 0 : i32
    %dma_start3A_114 = arith.constant 0 : i32
    %dma_start3A_115 = tpu.memref_slice %arg8[%dma_start3A_112, %dma_start3A_113, %dma_start3A_114] : memref<8x128x64xf32, #tpu.memory_space<vmem>> -> memref<1x128x64xf32, #tpu.memory_space<vmem>>
    %dma_start3A_116 = tpu.memref_squeeze %dma_start3A_115 : memref<1x128x64xf32, #tpu.memory_space<vmem>> -> memref<128x64xf32, #tpu.memory_space<vmem>>
    %dma_start3A_117 = arith.constant 0 : i32
    %dma_start3A_118 = tpu.memref_slice %arg9[%add3A_111, %dma_start3A_117] : memref<10240x64xf32, #tpu.memory_space<vmem_shared>> -> memref<128x64xf32, #tpu.memory_space<vmem_shared>>
    %dma_start3A_119 = arith.constant 0 : i32
    %dma_start3A_120 = tpu.memref_slice %arg9[%add3A_111, %dma_start3A_119] : memref<10240x64xf32, #tpu.memory_space<vmem_shared>> -> memref<128x64xf32, #tpu.memory_space<vmem_shared>>
    %dma_start3A_121 = arith.constant 0 : i32
    %dma_start3A_122 = arith.constant 0 : i32
    %dma_start3A_123 = tpu.memref_slice %arg8[%dma_start3A_112, %dma_start3A_121, %dma_start3A_122] : memref<8x128x64xf32, #tpu.memory_space<vmem>> -> memref<1x128x64xf32, #tpu.memory_space<vmem>>
    %dma_start3A_124 = tpu.memref_squeeze %dma_start3A_123 : memref<1x128x64xf32, #tpu.memory_space<vmem>> -> memref<128x64xf32, #tpu.memory_space<vmem>>
    tpu.enqueue_dma source(%dma_start3A_124 : memref<128x64xf32, #tpu.memory_space<vmem>>) target(%dma_start3A_120 : memref<128x64xf32, #tpu.memory_space<vmem_shared>>) target_semaphore(%arg12 : memref<!tpu.dma_semaphore, #tpu.memory_space<semaphore_mem>>)
    %mul3A_125 = arith.constant 640 : i32
    %mul3A_126 = arith.muli %arg1, %mul3A_125 : i32
    %add3A_127 = arith.constant 512 : i32
    %add3A_128 = arith.addi %mul3A_126, %add3A_127 : i32
    %dma_start3A_129 = arith.constant 4 : i32
    %dma_start3A_130 = arith.constant 0 : i32
    %dma_start3A_131 = arith.constant 0 : i32
    %dma_start3A_132 = tpu.memref_slice %arg8[%dma_start3A_129, %dma_start3A_130, %dma_start3A_131] : memref<8x128x64xf32, #tpu.memory_space<vmem>> -> memref<1x128x64xf32, #tpu.memory_space<vmem>>
    %dma_start3A_133 = tpu.memref_squeeze %dma_start3A_132 : memref<1x128x64xf32, #tpu.memory_space<vmem>> -> memref<128x64xf32, #tpu.memory_space<vmem>>
    %dma_start3A_134 = arith.constant 0 : i32
    %dma_start3A_135 = tpu.memref_slice %arg9[%add3A_128, %dma_start3A_134] : memref<10240x64xf32, #tpu.memory_space<vmem_shared>> -> memref<128x64xf32, #tpu.memory_space<vmem_shared>>
    %dma_start3A_136 = arith.constant 0 : i32
    %dma_start3A_137 = tpu.memref_slice %arg9[%add3A_128, %dma_start3A_136] : memref<10240x64xf32, #tpu.memory_space<vmem_shared>> -> memref<128x64xf32, #tpu.memory_space<vmem_shared>>
    %dma_start3A_138 = arith.constant 0 : i32
    %dma_start3A_139 = arith.constant 0 : i32
    %dma_start3A_140 = tpu.memref_slice %arg8[%dma_start3A_129, %dma_start3A_138, %dma_start3A_139] : memref<8x128x64xf32, #tpu.memory_space<vmem>> -> memref<1x128x64xf32, #tpu.memory_space<vmem>>
    %dma_start3A_141 = tpu.memref_squeeze %dma_start3A_140 : memref<1x128x64xf32, #tpu.memory_space<vmem>> -> memref<128x64xf32, #tpu.memory_space<vmem>>
    tpu.enqueue_dma source(%dma_start3A_141 : memref<128x64xf32, #tpu.memory_space<vmem>>) target(%dma_start3A_137 : memref<128x64xf32, #tpu.memory_space<vmem_shared>>) target_semaphore(%arg12 : memref<!tpu.dma_semaphore, #tpu.memory_space<semaphore_mem>>)
    %mul3A_142 = arith.constant 640 : i32
    %mul3A_143 = arith.muli %arg1, %mul3A_142 : i32
    %dma_wait3A = arith.constant 4 : i32
    %dma_wait3A_144 = arith.constant 0 : i32
    %dma_wait3A_145 = arith.constant 0 : i32
    %dma_wait3A_146 = tpu.memref_slice %arg8[%dma_wait3A, %dma_wait3A_144, %dma_wait3A_145] : memref<8x128x64xf32, #tpu.memory_space<vmem>> -> memref<1x128x64xf32, #tpu.memory_space<vmem>>
    %dma_wait3A_147 = tpu.memref_squeeze %dma_wait3A_146 : memref<1x128x64xf32, #tpu.memory_space<vmem>> -> memref<128x64xf32, #tpu.memory_space<vmem>>
    %dma_wait3A_148 = arith.constant 0 : i32
    %dma_wait3A_149 = tpu.memref_slice %arg9[%mul3A_143, %dma_wait3A_148] : memref<10240x64xf32, #tpu.memory_space<vmem_shared>> -> memref<128x64xf32, #tpu.memory_space<vmem_shared>>
    %dma_wait3A_150 = arith.constant 0 : i32
    %dma_wait3A_151 = tpu.memref_slice %arg9[%mul3A_143, %dma_wait3A_150] : memref<10240x64xf32, #tpu.memory_space<vmem_shared>> -> memref<128x64xf32, #tpu.memory_space<vmem_shared>>
    %dma_wait3A_152 = arith.constant 0 : i32
    %dma_wait3A_153 = arith.constant 0 : i32
    %dma_wait3A_154 = tpu.memref_slice %arg8[%dma_wait3A, %dma_wait3A_152, %dma_wait3A_153] : memref<8x128x64xf32, #tpu.memory_space<vmem>> -> memref<1x128x64xf32, #tpu.memory_space<vmem>>
    %dma_wait3A_155 = tpu.memref_squeeze %dma_wait3A_154 : memref<1x128x64xf32, #tpu.memory_space<vmem>> -> memref<128x64xf32, #tpu.memory_space<vmem>>
    tpu.wait_dma2 semaphore(%arg12 : memref<!tpu.dma_semaphore, #tpu.memory_space<semaphore_mem>>) src(%dma_wait3A_155 : memref<128x64xf32, #tpu.memory_space<vmem>>) dst(%dma_wait3A_151 : memref<128x64xf32, #tpu.memory_space<vmem_shared>>)
    %mul3A_156 = arith.constant 640 : i32
    %mul3A_157 = arith.muli %arg1, %mul3A_156 : i32
    %dma_wait3A_158 = arith.constant 4 : i32
    %dma_wait3A_159 = arith.constant 0 : i32
    %dma_wait3A_160 = arith.constant 0 : i32
    %dma_wait3A_161 = tpu.memref_slice %arg8[%dma_wait3A_158, %dma_wait3A_159, %dma_wait3A_160] : memref<8x128x64xf32, #tpu.memory_space<vmem>> -> memref<1x128x64xf32, #tpu.memory_space<vmem>>
    %dma_wait3A_162 = tpu.memref_squeeze %dma_wait3A_161 : memref<1x128x64xf32, #tpu.memory_space<vmem>> -> memref<128x64xf32, #tpu.memory_space<vmem>>
    %dma_wait3A_163 = arith.constant 0 : i32
    %dma_wait3A_164 = tpu.memref_slice %arg9[%mul3A_157, %dma_wait3A_163] : memref<10240x64xf32, #tpu.memory_space<vmem_shared>> -> memref<128x64xf32, #tpu.memory_space<vmem_shared>>
    %dma_wait3A_165 = arith.constant 0 : i32
    %dma_wait3A_166 = tpu.memref_slice %arg9[%mul3A_157, %dma_wait3A_165] : memref<10240x64xf32, #tpu.memory_space<vmem_shared>> -> memref<128x64xf32, #tpu.memory_space<vmem_shared>>
    %dma_wait3A_167 = arith.constant 0 : i32
    %dma_wait3A_168 = arith.constant 0 : i32
    %dma_wait3A_169 = tpu.memref_slice %arg8[%dma_wait3A_158, %dma_wait3A_167, %dma_wait3A_168] : memref<8x128x64xf32, #tpu.memory_space<vmem>> -> memref<1x128x64xf32, #tpu.memory_space<vmem>>
    %dma_wait3A_170 = tpu.memref_squeeze %dma_wait3A_169 : memref<1x128x64xf32, #tpu.memory_space<vmem>> -> memref<128x64xf32, #tpu.memory_space<vmem>>
    tpu.wait_dma2 semaphore(%arg12 : memref<!tpu.dma_semaphore, #tpu.memory_space<semaphore_mem>>) src(%dma_wait3A_170 : memref<128x64xf32, #tpu.memory_space<vmem>>) dst(%dma_wait3A_166 : memref<128x64xf32, #tpu.memory_space<vmem_shared>>)
    %mul3A_171 = arith.constant 640 : i32
    %mul3A_172 = arith.muli %arg1, %mul3A_171 : i32
    %dma_wait3A_173 = arith.constant 4 : i32
    %dma_wait3A_174 = arith.constant 0 : i32
    %dma_wait3A_175 = arith.constant 0 : i32
    %dma_wait3A_176 = tpu.memref_slice %arg8[%dma_wait3A_173, %dma_wait3A_174, %dma_wait3A_175] : memref<8x128x64xf32, #tpu.memory_space<vmem>> -> memref<1x128x64xf32, #tpu.memory_space<vmem>>
    %dma_wait3A_177 = tpu.memref_squeeze %dma_wait3A_176 : memref<1x128x64xf32, #tpu.memory_space<vmem>> -> memref<128x64xf32, #tpu.memory_space<vmem>>
    %dma_wait3A_178 = arith.constant 0 : i32
    %dma_wait3A_179 = tpu.memref_slice %arg9[%mul3A_172, %dma_wait3A_178] : memref<10240x64xf32, #tpu.memory_space<vmem_shared>> -> memref<128x64xf32, #tpu.memory_space<vmem_shared>>
    %dma_wait3A_180 = arith.constant 0 : i32
    %dma_wait3A_181 = tpu.memref_slice %arg9[%mul3A_172, %dma_wait3A_180] : memref<10240x64xf32, #tpu.memory_space<vmem_shared>> -> memref<128x64xf32, #tpu.memory_space<vmem_shared>>
    %dma_wait3A_182 = arith.constant 0 : i32
    %dma_wait3A_183 = arith.constant 0 : i32
    %dma_wait3A_184 = tpu.memref_slice %arg8[%dma_wait3A_173, %dma_wait3A_182, %dma_wait3A_183] : memref<8x128x64xf32, #tpu.memory_space<vmem>> -> memref<1x128x64xf32, #tpu.memory_space<vmem>>
    %dma_wait3A_185 = tpu.memref_squeeze %dma_wait3A_184 : memref<1x128x64xf32, #tpu.memory_space<vmem>> -> memref<128x64xf32, #tpu.memory_space<vmem>>
    tpu.wait_dma2 semaphore(%arg12 : memref<!tpu.dma_semaphore, #tpu.memory_space<semaphore_mem>>) src(%dma_wait3A_185 : memref<128x64xf32, #tpu.memory_space<vmem>>) dst(%dma_wait3A_181 : memref<128x64xf32, #tpu.memory_space<vmem_shared>>)
    %mul3A_186 = arith.constant 640 : i32
    %mul3A_187 = arith.muli %arg1, %mul3A_186 : i32
    %dma_wait3A_188 = arith.constant 4 : i32
    %dma_wait3A_189 = arith.constant 0 : i32
    %dma_wait3A_190 = arith.constant 0 : i32
    %dma_wait3A_191 = tpu.memref_slice %arg8[%dma_wait3A_188, %dma_wait3A_189, %dma_wait3A_190] : memref<8x128x64xf32, #tpu.memory_space<vmem>> -> memref<1x128x64xf32, #tpu.memory_space<vmem>>
    %dma_wait3A_192 = tpu.memref_squeeze %dma_wait3A_191 : memref<1x128x64xf32, #tpu.memory_space<vmem>> -> memref<128x64xf32, #tpu.memory_space<vmem>>
    %dma_wait3A_193 = arith.constant 0 : i32
    %dma_wait3A_194 = tpu.memref_slice %arg9[%mul3A_187, %dma_wait3A_193] : memref<10240x64xf32, #tpu.memory_space<vmem_shared>> -> memref<128x64xf32, #tpu.memory_space<vmem_shared>>
    %dma_wait3A_195 = arith.constant 0 : i32
    %dma_wait3A_196 = tpu.memref_slice %arg9[%mul3A_187, %dma_wait3A_195] : memref<10240x64xf32, #tpu.memory_space<vmem_shared>> -> memref<128x64xf32, #tpu.memory_space<vmem_shared>>
    %dma_wait3A_197 = arith.constant 0 : i32
    %dma_wait3A_198 = arith.constant 0 : i32
    %dma_wait3A_199 = tpu.memref_slice %arg8[%dma_wait3A_188, %dma_wait3A_197, %dma_wait3A_198] : memref<8x128x64xf32, #tpu.memory_space<vmem>> -> memref<1x128x64xf32, #tpu.memory_space<vmem>>
    %dma_wait3A_200 = tpu.memref_squeeze %dma_wait3A_199 : memref<1x128x64xf32, #tpu.memory_space<vmem>> -> memref<128x64xf32, #tpu.memory_space<vmem>>
    tpu.wait_dma2 semaphore(%arg12 : memref<!tpu.dma_semaphore, #tpu.memory_space<semaphore_mem>>) src(%dma_wait3A_200 : memref<128x64xf32, #tpu.memory_space<vmem>>) dst(%dma_wait3A_196 : memref<128x64xf32, #tpu.memory_space<vmem_shared>>)
    %mul3A_201 = arith.constant 640 : i32
    %mul3A_202 = arith.muli %arg1, %mul3A_201 : i32
    %dma_wait3A_203 = arith.constant 4 : i32
    %dma_wait3A_204 = arith.constant 0 : i32
    %dma_wait3A_205 = arith.constant 0 : i32
    %dma_wait3A_206 = tpu.memref_slice %arg8[%dma_wait3A_203, %dma_wait3A_204, %dma_wait3A_205] : memref<8x128x64xf32, #tpu.memory_space<vmem>> -> memref<1x128x64xf32, #tpu.memory_space<vmem>>
    %dma_wait3A_207 = tpu.memref_squeeze %dma_wait3A_206 : memref<1x128x64xf32, #tpu.memory_space<vmem>> -> memref<128x64xf32, #tpu.memory_space<vmem>>
    %dma_wait3A_208 = arith.constant 0 : i32
    %dma_wait3A_209 = tpu.memref_slice %arg9[%mul3A_202, %dma_wait3A_208] : memref<10240x64xf32, #tpu.memory_space<vmem_shared>> -> memref<128x64xf32, #tpu.memory_space<vmem_shared>>
    %dma_wait3A_210 = arith.constant 0 : i32
    %dma_wait3A_211 = tpu.memref_slice %arg9[%mul3A_202, %dma_wait3A_210] : memref<10240x64xf32, #tpu.memory_space<vmem_shared>> -> memref<128x64xf32, #tpu.memory_space<vmem_shared>>
    %dma_wait3A_212 = arith.constant 0 : i32
    %dma_wait3A_213 = arith.constant 0 : i32
    %dma_wait3A_214 = tpu.memref_slice %arg8[%dma_wait3A_203, %dma_wait3A_212, %dma_wait3A_213] : memref<8x128x64xf32, #tpu.memory_space<vmem>> -> memref<1x128x64xf32, #tpu.memory_space<vmem>>
    %dma_wait3A_215 = tpu.memref_squeeze %dma_wait3A_214 : memref<1x128x64xf32, #tpu.memory_space<vmem>> -> memref<128x64xf32, #tpu.memory_space<vmem>>
    tpu.wait_dma2 semaphore(%arg12 : memref<!tpu.dma_semaphore, #tpu.memory_space<semaphore_mem>>) src(%dma_wait3A_215 : memref<128x64xf32, #tpu.memory_space<vmem>>) dst(%dma_wait3A_211 : memref<128x64xf32, #tpu.memory_space<vmem_shared>>)
    %barrier3A = arith.constant 0 : index
    tpu.barrier barrier_id(%barrier3A)
    %scan3A_216 = arith.constant 0 : i32
    %scan3A_217 = arith.constant 0 : i32
    %scan3A_218 = arith.constant 10 : i32
    %scan3A_219 = arith.addi %scan3A_217, %scan3A_218 : i32
    %scan3A_220 = arith.constant 1 : i32
    scf.for %scan3A_258 = %scan3A_217 to %scan3A_219 step %scan3A_220  : i32 {
      %mul3A_259 = arith.constant 2 : i32
      %mul3A_260 = arith.muli %scan3A_258, %mul3A_259 : i32
      %mul3A_261 = arith.constant 4 : i32
      %mul3A_262 = arith.muli %mul3A_260, %mul3A_261 : i32
      %add3A_263 = arith.constant 4 : i32
      %add3A_264 = arith.addi %mul3A_262, %add3A_263 : i32
      %add3A_265 = arith.constant 0 : i32
      %add3A_266 = arith.addi %add3A_264, %add3A_265 : i32
      %dma_start3A_267 = arith.constant 4 : i32
      %dma_start3A_268 = arith.constant 0 : i32
      %dma_start3A_269 = arith.constant 0 : i32
      %dma_start3A_270 = tpu.memref_slice %arg8[%dma_start3A_267, %dma_start3A_268, %dma_start3A_269] : memref<8x128x64xf32, #tpu.memory_space<vmem>> -> memref<1x128x64xf32, #tpu.memory_space<vmem>>
      %dma_start3A_271 = tpu.memref_squeeze %dma_start3A_270 : memref<1x128x64xf32, #tpu.memory_space<vmem>> -> memref<128x64xf32, #tpu.memory_space<vmem>>
      %dma_start3A_272 = arith.constant 0 : i32
      %dma_start3A_273 = tpu.memref_slice %arg6[%add3A_266, %dma_start3A_272] : memref<80x128xi32, #tpu.memory_space<vmem>> -> memref<1x128xi32, #tpu.memory_space<vmem>>
      %dma_start3A_274 = tpu.memref_squeeze %dma_start3A_273 : memref<1x128xi32, #tpu.memory_space<vmem>> -> memref<128xi32, #tpu.memory_space<vmem>>
      %dma_start3A_275 = arith.constant 0 : i32
      %dma_start3A_276 = arith.constant 0 : i32
      %dma_start3A_277 = tpu.memref_slice %arg2[%dma_start3A_275, %dma_start3A_276] : memref<10240x64xf32, #tpu.memory_space<hbm>> -> memref<10240x64xf32, #tpu.memory_space<hbm>>
      tpu.enqueue_indirect_dma source(%dma_start3A_277 : memref<10240x64xf32, #tpu.memory_space<hbm>>) target(%dma_start3A_271 : memref<128x64xf32, #tpu.memory_space<vmem>>) offsets(%dma_start3A_274 : memref<128xi32, #tpu.memory_space<vmem>>) semaphore(%arg11 : memref<!tpu.dma_semaphore, #tpu.memory_space<semaphore_mem>>)
      %add3A_278 = arith.constant 1 : i32
      %add3A_279 = arith.addi %add3A_264, %add3A_278 : i32
      %dma_start3A_280 = arith.constant 5 : i32
      %dma_start3A_281 = arith.constant 0 : i32
      %dma_start3A_282 = arith.constant 0 : i32
      %dma_start3A_283 = tpu.memref_slice %arg8[%dma_start3A_280, %dma_start3A_281, %dma_start3A_282] : memref<8x128x64xf32, #tpu.memory_space<vmem>> -> memref<1x128x64xf32, #tpu.memory_space<vmem>>
      %dma_start3A_284 = tpu.memref_squeeze %dma_start3A_283 : memref<1x128x64xf32, #tpu.memory_space<vmem>> -> memref<128x64xf32, #tpu.memory_space<vmem>>
      %dma_start3A_285 = arith.constant 0 : i32
      %dma_start3A_286 = tpu.memref_slice %arg6[%add3A_279, %dma_start3A_285] : memref<80x128xi32, #tpu.memory_space<vmem>> -> memref<1x128xi32, #tpu.memory_space<vmem>>
      %dma_start3A_287 = tpu.memref_squeeze %dma_start3A_286 : memref<1x128xi32, #tpu.memory_space<vmem>> -> memref<128xi32, #tpu.memory_space<vmem>>
      %dma_start3A_288 = arith.constant 0 : i32
      %dma_start3A_289 = arith.constant 0 : i32
      %dma_start3A_290 = tpu.memref_slice %arg2[%dma_start3A_288, %dma_start3A_289] : memref<10240x64xf32, #tpu.memory_space<hbm>> -> memref<10240x64xf32, #tpu.memory_space<hbm>>
      tpu.enqueue_indirect_dma source(%dma_start3A_290 : memref<10240x64xf32, #tpu.memory_space<hbm>>) target(%dma_start3A_284 : memref<128x64xf32, #tpu.memory_space<vmem>>) offsets(%dma_start3A_287 : memref<128xi32, #tpu.memory_space<vmem>>) semaphore(%arg11 : memref<!tpu.dma_semaphore, #tpu.memory_space<semaphore_mem>>)
      %add3A_291 = arith.constant 2 : i32
      %add3A_292 = arith.addi %add3A_264, %add3A_291 : i32
      %dma_start3A_293 = arith.constant 6 : i32
      %dma_start3A_294 = arith.constant 0 : i32
      %dma_start3A_295 = arith.constant 0 : i32
      %dma_start3A_296 = tpu.memref_slice %arg8[%dma_start3A_293, %dma_start3A_294, %dma_start3A_295] : memref<8x128x64xf32, #tpu.memory_space<vmem>> -> memref<1x128x64xf32, #tpu.memory_space<vmem>>
      %dma_start3A_297 = tpu.memref_squeeze %dma_start3A_296 : memref<1x128x64xf32, #tpu.memory_space<vmem>> -> memref<128x64xf32, #tpu.memory_space<vmem>>
      %dma_start3A_298 = arith.constant 0 : i32
      %dma_start3A_299 = tpu.memref_slice %arg6[%add3A_292, %dma_start3A_298] : memref<80x128xi32, #tpu.memory_space<vmem>> -> memref<1x128xi32, #tpu.memory_space<vmem>>
      %dma_start3A_300 = tpu.memref_squeeze %dma_start3A_299 : memref<1x128xi32, #tpu.memory_space<vmem>> -> memref<128xi32, #tpu.memory_space<vmem>>
      %dma_start3A_301 = arith.constant 0 : i32
      %dma_start3A_302 = arith.constant 0 : i32
      %dma_start3A_303 = tpu.memref_slice %arg2[%dma_start3A_301, %dma_start3A_302] : memref<10240x64xf32, #tpu.memory_space<hbm>> -> memref<10240x64xf32, #tpu.memory_space<hbm>>
      tpu.enqueue_indirect_dma source(%dma_start3A_303 : memref<10240x64xf32, #tpu.memory_space<hbm>>) target(%dma_start3A_297 : memref<128x64xf32, #tpu.memory_space<vmem>>) offsets(%dma_start3A_300 : memref<128xi32, #tpu.memory_space<vmem>>) semaphore(%arg11 : memref<!tpu.dma_semaphore, #tpu.memory_space<semaphore_mem>>)
      %add3A_304 = arith.constant 3 : i32
      %add3A_305 = arith.addi %add3A_264, %add3A_304 : i32
      %dma_start3A_306 = arith.constant 7 : i32
      %dma_start3A_307 = arith.constant 0 : i32
      %dma_start3A_308 = arith.constant 0 : i32
      %dma_start3A_309 = tpu.memref_slice %arg8[%dma_start3A_306, %dma_start3A_307, %dma_start3A_308] : memref<8x128x64xf32, #tpu.memory_space<vmem>> -> memref<1x128x64xf32, #tpu.memory_space<vmem>>
      %dma_start3A_310 = tpu.memref_squeeze %dma_start3A_309 : memref<1x128x64xf32, #tpu.memory_space<vmem>> -> memref<128x64xf32, #tpu.memory_space<vmem>>
      %dma_start3A_311 = arith.constant 0 : i32
      %dma_start3A_312 = tpu.memref_slice %arg6[%add3A_305, %dma_start3A_311] : memref<80x128xi32, #tpu.memory_space<vmem>> -> memref<1x128xi32, #tpu.memory_space<vmem>>
      %dma_start3A_313 = tpu.memref_squeeze %dma_start3A_312 : memref<1x128xi32, #tpu.memory_space<vmem>> -> memref<128xi32, #tpu.memory_space<vmem>>
      %dma_start3A_314 = arith.constant 0 : i32
      %dma_start3A_315 = arith.constant 0 : i32
      %dma_start3A_316 = tpu.memref_slice %arg2[%dma_start3A_314, %dma_start3A_315] : memref<10240x64xf32, #tpu.memory_space<hbm>> -> memref<10240x64xf32, #tpu.memory_space<hbm>>
      tpu.enqueue_indirect_dma source(%dma_start3A_316 : memref<10240x64xf32, #tpu.memory_space<hbm>>) target(%dma_start3A_310 : memref<128x64xf32, #tpu.memory_space<vmem>>) offsets(%dma_start3A_313 : memref<128xi32, #tpu.memory_space<vmem>>) semaphore(%arg11 : memref<!tpu.dma_semaphore, #tpu.memory_space<semaphore_mem>>)
      %dma_wait3A_317 = arith.constant 0 : i32
      %dma_wait3A_318 = arith.constant 0 : i32
      %dma_wait3A_319 = arith.constant 0 : i32
      %dma_wait3A_320 = arith.constant 0 : i32
      %dma_wait3A_321 = tpu.memref_slice %arg8[%dma_wait3A_318, %dma_wait3A_319, %dma_wait3A_320] : memref<8x128x64xf32, #tpu.memory_space<vmem>> -> memref<1x128x64xf32, #tpu.memory_space<vmem>>
      %dma_wait3A_322 = tpu.memref_squeeze %dma_wait3A_321 : memref<1x128x64xf32, #tpu.memory_space<vmem>> -> memref<128x64xf32, #tpu.memory_space<vmem>>
      %dma_wait3A_323 = arith.constant 0 : i32
      %dma_wait3A_324 = tpu.memref_slice %arg6[%dma_wait3A_317, %dma_wait3A_323] : memref<80x128xi32, #tpu.memory_space<vmem>> -> memref<1x128xi32, #tpu.memory_space<vmem>>
      %dma_wait3A_325 = tpu.memref_squeeze %dma_wait3A_324 : memref<1x128xi32, #tpu.memory_space<vmem>> -> memref<128xi32, #tpu.memory_space<vmem>>
      %dma_wait3A_326 = arith.constant 0 : i32
      %dma_wait3A_327 = arith.constant 0 : i32
      %dma_wait3A_328 = tpu.memref_slice %arg2[%dma_wait3A_326, %dma_wait3A_327] : memref<10240x64xf32, #tpu.memory_space<hbm>> -> memref<10240x64xf32, #tpu.memory_space<hbm>>
      tpu.wait_indirect_dma semaphore(%arg10 : memref<!tpu.dma_semaphore, #tpu.memory_space<semaphore_mem>>) src(%dma_wait3A_328 : memref<10240x64xf32, #tpu.memory_space<hbm>>) dst(%dma_wait3A_322 : memref<128x64xf32, #tpu.memory_space<vmem>>)
      %add3A_329 = arith.constant 0 : i32
      %add3A_330 = arith.addi %mul3A_262, %add3A_329 : i32
      %dma_start3A_331 = arith.constant 0 : i32
      %dma_start3A_332 = arith.constant 0 : i32
      %dma_start3A_333 = arith.constant 0 : i32
      %dma_start3A_334 = tpu.memref_slice %arg8[%dma_start3A_331, %dma_start3A_332, %dma_start3A_333] : memref<8x128x64xf32, #tpu.memory_space<vmem>> -> memref<1x128x64xf32, #tpu.memory_space<vmem>>
      %dma_start3A_335 = tpu.memref_squeeze %dma_start3A_334 : memref<1x128x64xf32, #tpu.memory_space<vmem>> -> memref<128x64xf32, #tpu.memory_space<vmem>>
      %dma_start3A_336 = arith.constant 0 : i32
      %dma_start3A_337 = tpu.memref_slice %arg7[%add3A_330, %dma_start3A_336] : memref<80x128xi32, #tpu.memory_space<vmem>> -> memref<1x128xi32, #tpu.memory_space<vmem>>
      %dma_start3A_338 = tpu.memref_squeeze %dma_start3A_337 : memref<1x128xi32, #tpu.memory_space<vmem>> -> memref<128xi32, #tpu.memory_space<vmem>>
      %dma_start3A_339 = arith.constant 0 : i32
      %dma_start3A_340 = arith.constant 0 : i32
      %dma_start3A_341 = tpu.memref_slice %arg9[%dma_start3A_339, %dma_start3A_340] : memref<10240x64xf32, #tpu.memory_space<vmem_shared>> -> memref<10240x64xf32, #tpu.memory_space<vmem_shared>>
      tpu.enqueue_indirect_dma source(%dma_start3A_335 : memref<128x64xf32, #tpu.memory_space<vmem>>) target(%dma_start3A_341 : memref<10240x64xf32, #tpu.memory_space<vmem_shared>>) offsets(%dma_start3A_338 : memref<128xi32, #tpu.memory_space<vmem>>) semaphore(%arg12 : memref<!tpu.dma_semaphore, #tpu.memory_space<semaphore_mem>>) {add = true}
      %dma_wait3A_342 = arith.constant 0 : i32
      %dma_wait3A_343 = arith.constant 1 : i32
      %dma_wait3A_344 = arith.constant 0 : i32
      %dma_wait3A_345 = arith.constant 0 : i32
      %dma_wait3A_346 = tpu.memref_slice %arg8[%dma_wait3A_343, %dma_wait3A_344, %dma_wait3A_345] : memref<8x128x64xf32, #tpu.memory_space<vmem>> -> memref<1x128x64xf32, #tpu.memory_space<vmem>>
      %dma_wait3A_347 = tpu.memref_squeeze %dma_wait3A_346 : memref<1x128x64xf32, #tpu.memory_space<vmem>> -> memref<128x64xf32, #tpu.memory_space<vmem>>
      %dma_wait3A_348 = arith.constant 0 : i32
      %dma_wait3A_349 = tpu.memref_slice %arg6[%dma_wait3A_342, %dma_wait3A_348] : memref<80x128xi32, #tpu.memory_space<vmem>> -> memref<1x128xi32, #tpu.memory_space<vmem>>
      %dma_wait3A_350 = tpu.memref_squeeze %dma_wait3A_349 : memref<1x128xi32, #tpu.memory_space<vmem>> -> memref<128xi32, #tpu.memory_space<vmem>>
      %dma_wait3A_351 = arith.constant 0 : i32
      %dma_wait3A_352 = arith.constant 0 : i32
      %dma_wait3A_353 = tpu.memref_slice %arg2[%dma_wait3A_351, %dma_wait3A_352] : memref<10240x64xf32, #tpu.memory_space<hbm>> -> memref<10240x64xf32, #tpu.memory_space<hbm>>
      tpu.wait_indirect_dma semaphore(%arg10 : memref<!tpu.dma_semaphore, #tpu.memory_space<semaphore_mem>>) src(%dma_wait3A_353 : memref<10240x64xf32, #tpu.memory_space<hbm>>) dst(%dma_wait3A_347 : memref<128x64xf32, #tpu.memory_space<vmem>>)
      %add3A_354 = arith.constant 1 : i32
      %add3A_355 = arith.addi %mul3A_262, %add3A_354 : i32
      %dma_start3A_356 = arith.constant 1 : i32
      %dma_start3A_357 = arith.constant 0 : i32
      %dma_start3A_358 = arith.constant 0 : i32
      %dma_start3A_359 = tpu.memref_slice %arg8[%dma_start3A_356, %dma_start3A_357, %dma_start3A_358] : memref<8x128x64xf32, #tpu.memory_space<vmem>> -> memref<1x128x64xf32, #tpu.memory_space<vmem>>
      %dma_start3A_360 = tpu.memref_squeeze %dma_start3A_359 : memref<1x128x64xf32, #tpu.memory_space<vmem>> -> memref<128x64xf32, #tpu.memory_space<vmem>>
      %dma_start3A_361 = arith.constant 0 : i32
      %dma_start3A_362 = tpu.memref_slice %arg7[%add3A_355, %dma_start3A_361] : memref<80x128xi32, #tpu.memory_space<vmem>> -> memref<1x128xi32, #tpu.memory_space<vmem>>
      %dma_start3A_363 = tpu.memref_squeeze %dma_start3A_362 : memref<1x128xi32, #tpu.memory_space<vmem>> -> memref<128xi32, #tpu.memory_space<vmem>>
      %dma_start3A_364 = arith.constant 0 : i32
      %dma_start3A_365 = arith.constant 0 : i32
      %dma_start3A_366 = tpu.memref_slice %arg9[%dma_start3A_364, %dma_start3A_365] : memref<10240x64xf32, #tpu.memory_space<vmem_shared>> -> memref<10240x64xf32, #tpu.memory_space<vmem_shared>>
      tpu.enqueue_indirect_dma source(%dma_start3A_360 : memref<128x64xf32, #tpu.memory_space<vmem>>) target(%dma_start3A_366 : memref<10240x64xf32, #tpu.memory_space<vmem_shared>>) offsets(%dma_start3A_363 : memref<128xi32, #tpu.memory_space<vmem>>) semaphore(%arg12 : memref<!tpu.dma_semaphore, #tpu.memory_space<semaphore_mem>>) {add = true}
      %dma_wait3A_367 = arith.constant 0 : i32
      %dma_wait3A_368 = arith.constant 2 : i32
      %dma_wait3A_369 = arith.constant 0 : i32
      %dma_wait3A_370 = arith.constant 0 : i32
      %dma_wait3A_371 = tpu.memref_slice %arg8[%dma_wait3A_368, %dma_wait3A_369, %dma_wait3A_370] : memref<8x128x64xf32, #tpu.memory_space<vmem>> -> memref<1x128x64xf32, #tpu.memory_space<vmem>>
      %dma_wait3A_372 = tpu.memref_squeeze %dma_wait3A_371 : memref<1x128x64xf32, #tpu.memory_space<vmem>> -> memref<128x64xf32, #tpu.memory_space<vmem>>
      %dma_wait3A_373 = arith.constant 0 : i32
      %dma_wait3A_374 = tpu.memref_slice %arg6[%dma_wait3A_367, %dma_wait3A_373] : memref<80x128xi32, #tpu.memory_space<vmem>> -> memref<1x128xi32, #tpu.memory_space<vmem>>
      %dma_wait3A_375 = tpu.memref_squeeze %dma_wait3A_374 : memref<1x128xi32, #tpu.memory_space<vmem>> -> memref<128xi32, #tpu.memory_space<vmem>>
      %dma_wait3A_376 = arith.constant 0 : i32
      %dma_wait3A_377 = arith.constant 0 : i32
      %dma_wait3A_378 = tpu.memref_slice %arg2[%dma_wait3A_376, %dma_wait3A_377] : memref<10240x64xf32, #tpu.memory_space<hbm>> -> memref<10240x64xf32, #tpu.memory_space<hbm>>
      tpu.wait_indirect_dma semaphore(%arg10 : memref<!tpu.dma_semaphore, #tpu.memory_space<semaphore_mem>>) src(%dma_wait3A_378 : memref<10240x64xf32, #tpu.memory_space<hbm>>) dst(%dma_wait3A_372 : memref<128x64xf32, #tpu.memory_space<vmem>>)
      %add3A_379 = arith.constant 2 : i32
      %add3A_380 = arith.addi %mul3A_262, %add3A_379 : i32
      %dma_start3A_381 = arith.constant 2 : i32
      %dma_start3A_382 = arith.constant 0 : i32
      %dma_start3A_383 = arith.constant 0 : i32
      %dma_start3A_384 = tpu.memref_slice %arg8[%dma_start3A_381, %dma_start3A_382, %dma_start3A_383] : memref<8x128x64xf32, #tpu.memory_space<vmem>> -> memref<1x128x64xf32, #tpu.memory_space<vmem>>
      %dma_start3A_385 = tpu.memref_squeeze %dma_start3A_384 : memref<1x128x64xf32, #tpu.memory_space<vmem>> -> memref<128x64xf32, #tpu.memory_space<vmem>>
      %dma_start3A_386 = arith.constant 0 : i32
      %dma_start3A_387 = tpu.memref_slice %arg7[%add3A_380, %dma_start3A_386] : memref<80x128xi32, #tpu.memory_space<vmem>> -> memref<1x128xi32, #tpu.memory_space<vmem>>
      %dma_start3A_388 = tpu.memref_squeeze %dma_start3A_387 : memref<1x128xi32, #tpu.memory_space<vmem>> -> memref<128xi32, #tpu.memory_space<vmem>>
      %dma_start3A_389 = arith.constant 0 : i32
      %dma_start3A_390 = arith.constant 0 : i32
      %dma_start3A_391 = tpu.memref_slice %arg9[%dma_start3A_389, %dma_start3A_390] : memref<10240x64xf32, #tpu.memory_space<vmem_shared>> -> memref<10240x64xf32, #tpu.memory_space<vmem_shared>>
      tpu.enqueue_indirect_dma source(%dma_start3A_385 : memref<128x64xf32, #tpu.memory_space<vmem>>) target(%dma_start3A_391 : memref<10240x64xf32, #tpu.memory_space<vmem_shared>>) offsets(%dma_start3A_388 : memref<128xi32, #tpu.memory_space<vmem>>) semaphore(%arg12 : memref<!tpu.dma_semaphore, #tpu.memory_space<semaphore_mem>>) {add = true}
      %dma_wait3A_392 = arith.constant 0 : i32
      %dma_wait3A_393 = arith.constant 3 : i32
      %dma_wait3A_394 = arith.constant 0 : i32
      %dma_wait3A_395 = arith.constant 0 : i32
      %dma_wait3A_396 = tpu.memref_slice %arg8[%dma_wait3A_393, %dma_wait3A_394, %dma_wait3A_395] : memref<8x128x64xf32, #tpu.memory_space<vmem>> -> memref<1x128x64xf32, #tpu.memory_space<vmem>>
      %dma_wait3A_397 = tpu.memref_squeeze %dma_wait3A_396 : memref<1x128x64xf32, #tpu.memory_space<vmem>> -> memref<128x64xf32, #tpu.memory_space<vmem>>
      %dma_wait3A_398 = arith.constant 0 : i32
      %dma_wait3A_399 = tpu.memref_slice %arg6[%dma_wait3A_392, %dma_wait3A_398] : memref<80x128xi32, #tpu.memory_space<vmem>> -> memref<1x128xi32, #tpu.memory_space<vmem>>
      %dma_wait3A_400 = tpu.memref_squeeze %dma_wait3A_399 : memref<1x128xi32, #tpu.memory_space<vmem>> -> memref<128xi32, #tpu.memory_space<vmem>>
      %dma_wait3A_401 = arith.constant 0 : i32
      %dma_wait3A_402 = arith.constant 0 : i32
      %dma_wait3A_403 = tpu.memref_slice %arg2[%dma_wait3A_401, %dma_wait3A_402] : memref<10240x64xf32, #tpu.memory_space<hbm>> -> memref<10240x64xf32, #tpu.memory_space<hbm>>
      tpu.wait_indirect_dma semaphore(%arg10 : memref<!tpu.dma_semaphore, #tpu.memory_space<semaphore_mem>>) src(%dma_wait3A_403 : memref<10240x64xf32, #tpu.memory_space<hbm>>) dst(%dma_wait3A_397 : memref<128x64xf32, #tpu.memory_space<vmem>>)
      %add3A_404 = arith.constant 3 : i32
      %add3A_405 = arith.addi %mul3A_262, %add3A_404 : i32
      %dma_start3A_406 = arith.constant 3 : i32
      %dma_start3A_407 = arith.constant 0 : i32
      %dma_start3A_408 = arith.constant 0 : i32
      %dma_start3A_409 = tpu.memref_slice %arg8[%dma_start3A_406, %dma_start3A_407, %dma_start3A_408] : memref<8x128x64xf32, #tpu.memory_space<vmem>> -> memref<1x128x64xf32, #tpu.memory_space<vmem>>
      %dma_start3A_410 = tpu.memref_squeeze %dma_start3A_409 : memref<1x128x64xf32, #tpu.memory_space<vmem>> -> memref<128x64xf32, #tpu.memory_space<vmem>>
      %dma_start3A_411 = arith.constant 0 : i32
      %dma_start3A_412 = tpu.memref_slice %arg7[%add3A_405, %dma_start3A_411] : memref<80x128xi32, #tpu.memory_space<vmem>> -> memref<1x128xi32, #tpu.memory_space<vmem>>
      %dma_start3A_413 = tpu.memref_squeeze %dma_start3A_412 : memref<1x128xi32, #tpu.memory_space<vmem>> -> memref<128xi32, #tpu.memory_space<vmem>>
      %dma_start3A_414 = arith.constant 0 : i32
      %dma_start3A_415 = arith.constant 0 : i32
      %dma_start3A_416 = tpu.memref_slice %arg9[%dma_start3A_414, %dma_start3A_415] : memref<10240x64xf32, #tpu.memory_space<vmem_shared>> -> memref<10240x64xf32, #tpu.memory_space<vmem_shared>>
      tpu.enqueue_indirect_dma source(%dma_start3A_410 : memref<128x64xf32, #tpu.memory_space<vmem>>) target(%dma_start3A_416 : memref<10240x64xf32, #tpu.memory_space<vmem_shared>>) offsets(%dma_start3A_413 : memref<128xi32, #tpu.memory_space<vmem>>) semaphore(%arg12 : memref<!tpu.dma_semaphore, #tpu.memory_space<semaphore_mem>>) {add = true}
      %dma_wait3A_417 = arith.constant 0 : i32
      %dma_wait3A_418 = arith.constant 0 : i32
      %dma_wait3A_419 = arith.constant 0 : i32
      %dma_wait3A_420 = arith.constant 0 : i32
      %dma_wait3A_421 = tpu.memref_slice %arg8[%dma_wait3A_417, %dma_wait3A_419, %dma_wait3A_420] : memref<8x128x64xf32, #tpu.memory_space<vmem>> -> memref<1x128x64xf32, #tpu.memory_space<vmem>>
      %dma_wait3A_422 = tpu.memref_squeeze %dma_wait3A_421 : memref<1x128x64xf32, #tpu.memory_space<vmem>> -> memref<128x64xf32, #tpu.memory_space<vmem>>
      %dma_wait3A_423 = arith.constant 0 : i32
      %dma_wait3A_424 = tpu.memref_slice %arg7[%dma_wait3A_418, %dma_wait3A_423] : memref<80x128xi32, #tpu.memory_space<vmem>> -> memref<1x128xi32, #tpu.memory_space<vmem>>
      %dma_wait3A_425 = tpu.memref_squeeze %dma_wait3A_424 : memref<1x128xi32, #tpu.memory_space<vmem>> -> memref<128xi32, #tpu.memory_space<vmem>>
      %dma_wait3A_426 = arith.constant 0 : i32
      %dma_wait3A_427 = arith.constant 0 : i32
      %dma_wait3A_428 = tpu.memref_slice %arg9[%dma_wait3A_426, %dma_wait3A_427] : memref<10240x64xf32, #tpu.memory_space<vmem_shared>> -> memref<10240x64xf32, #tpu.memory_space<vmem_shared>>
      tpu.wait_indirect_dma semaphore(%arg12 : memref<!tpu.dma_semaphore, #tpu.memory_space<semaphore_mem>>) src(%dma_wait3A_422 : memref<128x64xf32, #tpu.memory_space<vmem>>) dst(%dma_wait3A_428 : memref<10240x64xf32, #tpu.memory_space<vmem_shared>>)
      %dma_wait3A_429 = arith.constant 1 : i32
      %dma_wait3A_430 = arith.constant 0 : i32
      %dma_wait3A_431 = arith.constant 0 : i32
      %dma_wait3A_432 = arith.constant 0 : i32
      %dma_wait3A_433 = tpu.memref_slice %arg8[%dma_wait3A_429, %dma_wait3A_431, %dma_wait3A_432] : memref<8x128x64xf32, #tpu.memory_space<vmem>> -> memref<1x128x64xf32, #tpu.memory_space<vmem>>
      %dma_wait3A_434 = tpu.memref_squeeze %dma_wait3A_433 : memref<1x128x64xf32, #tpu.memory_space<vmem>> -> memref<128x64xf32, #tpu.memory_space<vmem>>
      %dma_wait3A_435 = arith.constant 0 : i32
      %dma_wait3A_436 = tpu.memref_slice %arg7[%dma_wait3A_430, %dma_wait3A_435] : memref<80x128xi32, #tpu.memory_space<vmem>> -> memref<1x128xi32, #tpu.memory_space<vmem>>
      %dma_wait3A_437 = tpu.memref_squeeze %dma_wait3A_436 : memref<1x128xi32, #tpu.memory_space<vmem>> -> memref<128xi32, #tpu.memory_space<vmem>>
      %dma_wait3A_438 = arith.constant 0 : i32
      %dma_wait3A_439 = arith.constant 0 : i32
      %dma_wait3A_440 = tpu.memref_slice %arg9[%dma_wait3A_438, %dma_wait3A_439] : memref<10240x64xf32, #tpu.memory_space<vmem_shared>> -> memref<10240x64xf32, #tpu.memory_space<vmem_shared>>
      tpu.wait_indirect_dma semaphore(%arg12 : memref<!tpu.dma_semaphore, #tpu.memory_space<semaphore_mem>>) src(%dma_wait3A_434 : memref<128x64xf32, #tpu.memory_space<vmem>>) dst(%dma_wait3A_440 : memref<10240x64xf32, #tpu.memory_space<vmem_shared>>)
      %dma_wait3A_441 = arith.constant 2 : i32
      %dma_wait3A_442 = arith.constant 0 : i32
      %dma_wait3A_443 = arith.constant 0 : i32
      %dma_wait3A_444 = arith.constant 0 : i32
      %dma_wait3A_445 = tpu.memref_slice %arg8[%dma_wait3A_441, %dma_wait3A_443, %dma_wait3A_444] : memref<8x128x64xf32, #tpu.memory_space<vmem>> -> memref<1x128x64xf32, #tpu.memory_space<vmem>>
      %dma_wait3A_446 = tpu.memref_squeeze %dma_wait3A_445 : memref<1x128x64xf32, #tpu.memory_space<vmem>> -> memref<128x64xf32, #tpu.memory_space<vmem>>
      %dma_wait3A_447 = arith.constant 0 : i32
      %dma_wait3A_448 = tpu.memref_slice %arg7[%dma_wait3A_442, %dma_wait3A_447] : memref<80x128xi32, #tpu.memory_space<vmem>> -> memref<1x128xi32, #tpu.memory_space<vmem>>
      %dma_wait3A_449 = tpu.memref_squeeze %dma_wait3A_448 : memref<1x128xi32, #tpu.memory_space<vmem>> -> memref<128xi32, #tpu.memory_space<vmem>>
      %dma_wait3A_450 = arith.constant 0 : i32
      %dma_wait3A_451 = arith.constant 0 : i32
      %dma_wait3A_452 = tpu.memref_slice %arg9[%dma_wait3A_450, %dma_wait3A_451] : memref<10240x64xf32, #tpu.memory_space<vmem_shared>> -> memref<10240x64xf32, #tpu.memory_space<vmem_shared>>
      tpu.wait_indirect_dma semaphore(%arg12 : memref<!tpu.dma_semaphore, #tpu.memory_space<semaphore_mem>>) src(%dma_wait3A_446 : memref<128x64xf32, #tpu.memory_space<vmem>>) dst(%dma_wait3A_452 : memref<10240x64xf32, #tpu.memory_space<vmem_shared>>)
      %dma_wait3A_453 = arith.constant 3 : i32
      %dma_wait3A_454 = arith.constant 0 : i32
      %dma_wait3A_455 = arith.constant 0 : i32
      %dma_wait3A_456 = arith.constant 0 : i32
      %dma_wait3A_457 = tpu.memref_slice %arg8[%dma_wait3A_453, %dma_wait3A_455, %dma_wait3A_456] : memref<8x128x64xf32, #tpu.memory_space<vmem>> -> memref<1x128x64xf32, #tpu.memory_space<vmem>>
      %dma_wait3A_458 = tpu.memref_squeeze %dma_wait3A_457 : memref<1x128x64xf32, #tpu.memory_space<vmem>> -> memref<128x64xf32, #tpu.memory_space<vmem>>
      %dma_wait3A_459 = arith.constant 0 : i32
      %dma_wait3A_460 = tpu.memref_slice %arg7[%dma_wait3A_454, %dma_wait3A_459] : memref<80x128xi32, #tpu.memory_space<vmem>> -> memref<1x128xi32, #tpu.memory_space<vmem>>
      %dma_wait3A_461 = tpu.memref_squeeze %dma_wait3A_460 : memref<1x128xi32, #tpu.memory_space<vmem>> -> memref<128xi32, #tpu.memory_space<vmem>>
      %dma_wait3A_462 = arith.constant 0 : i32
      %dma_wait3A_463 = arith.constant 0 : i32
      %dma_wait3A_464 = tpu.memref_slice %arg9[%dma_wait3A_462, %dma_wait3A_463] : memref<10240x64xf32, #tpu.memory_space<vmem_shared>> -> memref<10240x64xf32, #tpu.memory_space<vmem_shared>>
      tpu.wait_indirect_dma semaphore(%arg12 : memref<!tpu.dma_semaphore, #tpu.memory_space<semaphore_mem>>) src(%dma_wait3A_458 : memref<128x64xf32, #tpu.memory_space<vmem>>) dst(%dma_wait3A_464 : memref<10240x64xf32, #tpu.memory_space<vmem_shared>>)
      %lt3A = arith.constant 9 : i32
      %lt3A_465 = arith.cmpi slt, %scan3A_258, %lt3A : i32
      %convert_element_type3A = arith.extui %lt3A_465 : i1 to i32
      %cond3A = arith.constant 0 : i32
      %cond3A_466 = arith.cmpi ne, %convert_element_type3A, %cond3A : i32
      scf.if %cond3A_466 {
        %add3A_615 = arith.constant 8 : i32
        %add3A_616 = arith.addi %mul3A_262, %add3A_615 : i32
        %add3A_617 = arith.constant 0 : i32
        %add3A_618 = arith.addi %add3A_616, %add3A_617 : i32
        %dma_start3A_619 = arith.constant 0 : i32
        %dma_start3A_620 = arith.constant 0 : i32
        %dma_start3A_621 = arith.constant 0 : i32
        %dma_start3A_622 = tpu.memref_slice %arg8[%dma_start3A_619, %dma_start3A_620, %dma_start3A_621] : memref<8x128x64xf32, #tpu.memory_space<vmem>> -> memref<1x128x64xf32, #tpu.memory_space<vmem>>
        %dma_start3A_623 = tpu.memref_squeeze %dma_start3A_622 : memref<1x128x64xf32, #tpu.memory_space<vmem>> -> memref<128x64xf32, #tpu.memory_space<vmem>>
        %dma_start3A_624 = arith.constant 0 : i32
        %dma_start3A_625 = tpu.memref_slice %arg6[%add3A_618, %dma_start3A_624] : memref<80x128xi32, #tpu.memory_space<vmem>> -> memref<1x128xi32, #tpu.memory_space<vmem>>
        %dma_start3A_626 = tpu.memref_squeeze %dma_start3A_625 : memref<1x128xi32, #tpu.memory_space<vmem>> -> memref<128xi32, #tpu.memory_space<vmem>>
        %dma_start3A_627 = arith.constant 0 : i32
        %dma_start3A_628 = arith.constant 0 : i32
        %dma_start3A_629 = tpu.memref_slice %arg2[%dma_start3A_627, %dma_start3A_628] : memref<10240x64xf32, #tpu.memory_space<hbm>> -> memref<10240x64xf32, #tpu.memory_space<hbm>>
        tpu.enqueue_indirect_dma source(%dma_start3A_629 : memref<10240x64xf32, #tpu.memory_space<hbm>>) target(%dma_start3A_623 : memref<128x64xf32, #tpu.memory_space<vmem>>) offsets(%dma_start3A_626 : memref<128xi32, #tpu.memory_space<vmem>>) semaphore(%arg10 : memref<!tpu.dma_semaphore, #tpu.memory_space<semaphore_mem>>)
        %add3A_630 = arith.constant 8 : i32
        %add3A_631 = arith.addi %mul3A_262, %add3A_630 : i32
        %add3A_632 = arith.constant 1 : i32
        %add3A_633 = arith.addi %add3A_631, %add3A_632 : i32
        %dma_start3A_634 = arith.constant 1 : i32
        %dma_start3A_635 = arith.constant 0 : i32
        %dma_start3A_636 = arith.constant 0 : i32
        %dma_start3A_637 = tpu.memref_slice %arg8[%dma_start3A_634, %dma_start3A_635, %dma_start3A_636] : memref<8x128x64xf32, #tpu.memory_space<vmem>> -> memref<1x128x64xf32, #tpu.memory_space<vmem>>
        %dma_start3A_638 = tpu.memref_squeeze %dma_start3A_637 : memref<1x128x64xf32, #tpu.memory_space<vmem>> -> memref<128x64xf32, #tpu.memory_space<vmem>>
        %dma_start3A_639 = arith.constant 0 : i32
        %dma_start3A_640 = tpu.memref_slice %arg6[%add3A_633, %dma_start3A_639] : memref<80x128xi32, #tpu.memory_space<vmem>> -> memref<1x128xi32, #tpu.memory_space<vmem>>
        %dma_start3A_641 = tpu.memref_squeeze %dma_start3A_640 : memref<1x128xi32, #tpu.memory_space<vmem>> -> memref<128xi32, #tpu.memory_space<vmem>>
        %dma_start3A_642 = arith.constant 0 : i32
        %dma_start3A_643 = arith.constant 0 : i32
        %dma_start3A_644 = tpu.memref_slice %arg2[%dma_start3A_642, %dma_start3A_643] : memref<10240x64xf32, #tpu.memory_space<hbm>> -> memref<10240x64xf32, #tpu.memory_space<hbm>>
        tpu.enqueue_indirect_dma source(%dma_start3A_644 : memref<10240x64xf32, #tpu.memory_space<hbm>>) target(%dma_start3A_638 : memref<128x64xf32, #tpu.memory_space<vmem>>) offsets(%dma_start3A_641 : memref<128xi32, #tpu.memory_space<vmem>>) semaphore(%arg10 : memref<!tpu.dma_semaphore, #tpu.memory_space<semaphore_mem>>)
        %add3A_645 = arith.constant 8 : i32
        %add3A_646 = arith.addi %mul3A_262, %add3A_645 : i32
        %add3A_647 = arith.constant 2 : i32
        %add3A_648 = arith.addi %add3A_646, %add3A_647 : i32
        %dma_start3A_649 = arith.constant 2 : i32
        %dma_start3A_650 = arith.constant 0 : i32
        %dma_start3A_651 = arith.constant 0 : i32
        %dma_start3A_652 = tpu.memref_slice %arg8[%dma_start3A_649, %dma_start3A_650, %dma_start3A_651] : memref<8x128x64xf32, #tpu.memory_space<vmem>> -> memref<1x128x64xf32, #tpu.memory_space<vmem>>
        %dma_start3A_653 = tpu.memref_squeeze %dma_start3A_652 : memref<1x128x64xf32, #tpu.memory_space<vmem>> -> memref<128x64xf32, #tpu.memory_space<vmem>>
        %dma_start3A_654 = arith.constant 0 : i32
        %dma_start3A_655 = tpu.memref_slice %arg6[%add3A_648, %dma_start3A_654] : memref<80x128xi32, #tpu.memory_space<vmem>> -> memref<1x128xi32, #tpu.memory_space<vmem>>
        %dma_start3A_656 = tpu.memref_squeeze %dma_start3A_655 : memref<1x128xi32, #tpu.memory_space<vmem>> -> memref<128xi32, #tpu.memory_space<vmem>>
        %dma_start3A_657 = arith.constant 0 : i32
        %dma_start3A_658 = arith.constant 0 : i32
        %dma_start3A_659 = tpu.memref_slice %arg2[%dma_start3A_657, %dma_start3A_658] : memref<10240x64xf32, #tpu.memory_space<hbm>> -> memref<10240x64xf32, #tpu.memory_space<hbm>>
        tpu.enqueue_indirect_dma source(%dma_start3A_659 : memref<10240x64xf32, #tpu.memory_space<hbm>>) target(%dma_start3A_653 : memref<128x64xf32, #tpu.memory_space<vmem>>) offsets(%dma_start3A_656 : memref<128xi32, #tpu.memory_space<vmem>>) semaphore(%arg10 : memref<!tpu.dma_semaphore, #tpu.memory_space<semaphore_mem>>)
        %add3A_660 = arith.constant 8 : i32
        %add3A_661 = arith.addi %mul3A_262, %add3A_660 : i32
        %add3A_662 = arith.constant 3 : i32
        %add3A_663 = arith.addi %add3A_661, %add3A_662 : i32
        %dma_start3A_664 = arith.constant 3 : i32
        %dma_start3A_665 = arith.constant 0 : i32
        %dma_start3A_666 = arith.constant 0 : i32
        %dma_start3A_667 = tpu.memref_slice %arg8[%dma_start3A_664, %dma_start3A_665, %dma_start3A_666] : memref<8x128x64xf32, #tpu.memory_space<vmem>> -> memref<1x128x64xf32, #tpu.memory_space<vmem>>
        %dma_start3A_668 = tpu.memref_squeeze %dma_start3A_667 : memref<1x128x64xf32, #tpu.memory_space<vmem>> -> memref<128x64xf32, #tpu.memory_space<vmem>>
        %dma_start3A_669 = arith.constant 0 : i32
        %dma_start3A_670 = tpu.memref_slice %arg6[%add3A_663, %dma_start3A_669] : memref<80x128xi32, #tpu.memory_space<vmem>> -> memref<1x128xi32, #tpu.memory_space<vmem>>
        %dma_start3A_671 = tpu.memref_squeeze %dma_start3A_670 : memref<1x128xi32, #tpu.memory_space<vmem>> -> memref<128xi32, #tpu.memory_space<vmem>>
        %dma_start3A_672 = arith.constant 0 : i32
        %dma_start3A_673 = arith.constant 0 : i32
        %dma_start3A_674 = tpu.memref_slice %arg2[%dma_start3A_672, %dma_start3A_673] : memref<10240x64xf32, #tpu.memory_space<hbm>> -> memref<10240x64xf32, #tpu.memory_space<hbm>>
        tpu.enqueue_indirect_dma source(%dma_start3A_674 : memref<10240x64xf32, #tpu.memory_space<hbm>>) target(%dma_start3A_668 : memref<128x64xf32, #tpu.memory_space<vmem>>) offsets(%dma_start3A_671 : memref<128xi32, #tpu.memory_space<vmem>>) semaphore(%arg10 : memref<!tpu.dma_semaphore, #tpu.memory_space<semaphore_mem>>)
      } else {
      }
      %dma_wait3A_467 = arith.constant 0 : i32
      %dma_wait3A_468 = arith.constant 4 : i32
      %dma_wait3A_469 = arith.constant 0 : i32
      %dma_wait3A_470 = arith.constant 0 : i32
      %dma_wait3A_471 = tpu.memref_slice %arg8[%dma_wait3A_468, %dma_wait3A_469, %dma_wait3A_470] : memref<8x128x64xf32, #tpu.memory_space<vmem>> -> memref<1x128x64xf32, #tpu.memory_space<vmem>>
      %dma_wait3A_472 = tpu.memref_squeeze %dma_wait3A_471 : memref<1x128x64xf32, #tpu.memory_space<vmem>> -> memref<128x64xf32, #tpu.memory_space<vmem>>
      %dma_wait3A_473 = arith.constant 0 : i32
      %dma_wait3A_474 = tpu.memref_slice %arg6[%dma_wait3A_467, %dma_wait3A_473] : memref<80x128xi32, #tpu.memory_space<vmem>> -> memref<1x128xi32, #tpu.memory_space<vmem>>
      %dma_wait3A_475 = tpu.memref_squeeze %dma_wait3A_474 : memref<1x128xi32, #tpu.memory_space<vmem>> -> memref<128xi32, #tpu.memory_space<vmem>>
      %dma_wait3A_476 = arith.constant 0 : i32
      %dma_wait3A_477 = arith.constant 0 : i32
      %dma_wait3A_478 = tpu.memref_slice %arg2[%dma_wait3A_476, %dma_wait3A_477] : memref<10240x64xf32, #tpu.memory_space<hbm>> -> memref<10240x64xf32, #tpu.memory_space<hbm>>
      tpu.wait_indirect_dma semaphore(%arg11 : memref<!tpu.dma_semaphore, #tpu.memory_space<semaphore_mem>>) src(%dma_wait3A_478 : memref<10240x64xf32, #tpu.memory_space<hbm>>) dst(%dma_wait3A_472 : memref<128x64xf32, #tpu.memory_space<vmem>>)
      %add3A_479 = arith.constant 0 : i32
      %add3A_480 = arith.addi %add3A_264, %add3A_479 : i32
      %dma_start3A_481 = arith.constant 4 : i32
      %dma_start3A_482 = arith.constant 0 : i32
      %dma_start3A_483 = arith.constant 0 : i32
      %dma_start3A_484 = tpu.memref_slice %arg8[%dma_start3A_481, %dma_start3A_482, %dma_start3A_483] : memref<8x128x64xf32, #tpu.memory_space<vmem>> -> memref<1x128x64xf32, #tpu.memory_space<vmem>>
      %dma_start3A_485 = tpu.memref_squeeze %dma_start3A_484 : memref<1x128x64xf32, #tpu.memory_space<vmem>> -> memref<128x64xf32, #tpu.memory_space<vmem>>
      %dma_start3A_486 = arith.constant 0 : i32
      %dma_start3A_487 = tpu.memref_slice %arg7[%add3A_480, %dma_start3A_486] : memref<80x128xi32, #tpu.memory_space<vmem>> -> memref<1x128xi32, #tpu.memory_space<vmem>>
      %dma_start3A_488 = tpu.memref_squeeze %dma_start3A_487 : memref<1x128xi32, #tpu.memory_space<vmem>> -> memref<128xi32, #tpu.memory_space<vmem>>
      %dma_start3A_489 = arith.constant 0 : i32
      %dma_start3A_490 = arith.constant 0 : i32
      %dma_start3A_491 = tpu.memref_slice %arg9[%dma_start3A_489, %dma_start3A_490] : memref<10240x64xf32, #tpu.memory_space<vmem_shared>> -> memref<10240x64xf32, #tpu.memory_space<vmem_shared>>
      tpu.enqueue_indirect_dma source(%dma_start3A_485 : memref<128x64xf32, #tpu.memory_space<vmem>>) target(%dma_start3A_491 : memref<10240x64xf32, #tpu.memory_space<vmem_shared>>) offsets(%dma_start3A_488 : memref<128xi32, #tpu.memory_space<vmem>>) semaphore(%arg13 : memref<!tpu.dma_semaphore, #tpu.memory_space<semaphore_mem>>) {add = true}
      %dma_wait3A_492 = arith.constant 0 : i32
      %dma_wait3A_493 = arith.constant 5 : i32
      %dma_wait3A_494 = arith.constant 0 : i32
      %dma_wait3A_495 = arith.constant 0 : i32
      %dma_wait3A_496 = tpu.memref_slice %arg8[%dma_wait3A_493, %dma_wait3A_494, %dma_wait3A_495] : memref<8x128x64xf32, #tpu.memory_space<vmem>> -> memref<1x128x64xf32, #tpu.memory_space<vmem>>
      %dma_wait3A_497 = tpu.memref_squeeze %dma_wait3A_496 : memref<1x128x64xf32, #tpu.memory_space<vmem>> -> memref<128x64xf32, #tpu.memory_space<vmem>>
      %dma_wait3A_498 = arith.constant 0 : i32
      %dma_wait3A_499 = tpu.memref_slice %arg6[%dma_wait3A_492, %dma_wait3A_498] : memref<80x128xi32, #tpu.memory_space<vmem>> -> memref<1x128xi32, #tpu.memory_space<vmem>>
      %dma_wait3A_500 = tpu.memref_squeeze %dma_wait3A_499 : memref<1x128xi32, #tpu.memory_space<vmem>> -> memref<128xi32, #tpu.memory_space<vmem>>
      %dma_wait3A_501 = arith.constant 0 : i32
      %dma_wait3A_502 = arith.constant 0 : i32
      %dma_wait3A_503 = tpu.memref_slice %arg2[%dma_wait3A_501, %dma_wait3A_502] : memref<10240x64xf32, #tpu.memory_space<hbm>> -> memref<10240x64xf32, #tpu.memory_space<hbm>>
      tpu.wait_indirect_dma semaphore(%arg11 : memref<!tpu.dma_semaphore, #tpu.memory_space<semaphore_mem>>) src(%dma_wait3A_503 : memref<10240x64xf32, #tpu.memory_space<hbm>>) dst(%dma_wait3A_497 : memref<128x64xf32, #tpu.memory_space<vmem>>)
      %add3A_504 = arith.constant 1 : i32
      %add3A_505 = arith.addi %add3A_264, %add3A_504 : i32
      %dma_start3A_506 = arith.constant 5 : i32
      %dma_start3A_507 = arith.constant 0 : i32
      %dma_start3A_508 = arith.constant 0 : i32
      %dma_start3A_509 = tpu.memref_slice %arg8[%dma_start3A_506, %dma_start3A_507, %dma_start3A_508] : memref<8x128x64xf32, #tpu.memory_space<vmem>> -> memref<1x128x64xf32, #tpu.memory_space<vmem>>
      %dma_start3A_510 = tpu.memref_squeeze %dma_start3A_509 : memref<1x128x64xf32, #tpu.memory_space<vmem>> -> memref<128x64xf32, #tpu.memory_space<vmem>>
      %dma_start3A_511 = arith.constant 0 : i32
      %dma_start3A_512 = tpu.memref_slice %arg7[%add3A_505, %dma_start3A_511] : memref<80x128xi32, #tpu.memory_space<vmem>> -> memref<1x128xi32, #tpu.memory_space<vmem>>
      %dma_start3A_513 = tpu.memref_squeeze %dma_start3A_512 : memref<1x128xi32, #tpu.memory_space<vmem>> -> memref<128xi32, #tpu.memory_space<vmem>>
      %dma_start3A_514 = arith.constant 0 : i32
      %dma_start3A_515 = arith.constant 0 : i32
      %dma_start3A_516 = tpu.memref_slice %arg9[%dma_start3A_514, %dma_start3A_515] : memref<10240x64xf32, #tpu.memory_space<vmem_shared>> -> memref<10240x64xf32, #tpu.memory_space<vmem_shared>>
      tpu.enqueue_indirect_dma source(%dma_start3A_510 : memref<128x64xf32, #tpu.memory_space<vmem>>) target(%dma_start3A_516 : memref<10240x64xf32, #tpu.memory_space<vmem_shared>>) offsets(%dma_start3A_513 : memref<128xi32, #tpu.memory_space<vmem>>) semaphore(%arg13 : memref<!tpu.dma_semaphore, #tpu.memory_space<semaphore_mem>>) {add = true}
      %dma_wait3A_517 = arith.constant 0 : i32
      %dma_wait3A_518 = arith.constant 6 : i32
      %dma_wait3A_519 = arith.constant 0 : i32
      %dma_wait3A_520 = arith.constant 0 : i32
      %dma_wait3A_521 = tpu.memref_slice %arg8[%dma_wait3A_518, %dma_wait3A_519, %dma_wait3A_520] : memref<8x128x64xf32, #tpu.memory_space<vmem>> -> memref<1x128x64xf32, #tpu.memory_space<vmem>>
      %dma_wait3A_522 = tpu.memref_squeeze %dma_wait3A_521 : memref<1x128x64xf32, #tpu.memory_space<vmem>> -> memref<128x64xf32, #tpu.memory_space<vmem>>
      %dma_wait3A_523 = arith.constant 0 : i32
      %dma_wait3A_524 = tpu.memref_slice %arg6[%dma_wait3A_517, %dma_wait3A_523] : memref<80x128xi32, #tpu.memory_space<vmem>> -> memref<1x128xi32, #tpu.memory_space<vmem>>
      %dma_wait3A_525 = tpu.memref_squeeze %dma_wait3A_524 : memref<1x128xi32, #tpu.memory_space<vmem>> -> memref<128xi32, #tpu.memory_space<vmem>>
      %dma_wait3A_526 = arith.constant 0 : i32
      %dma_wait3A_527 = arith.constant 0 : i32
      %dma_wait3A_528 = tpu.memref_slice %arg2[%dma_wait3A_526, %dma_wait3A_527] : memref<10240x64xf32, #tpu.memory_space<hbm>> -> memref<10240x64xf32, #tpu.memory_space<hbm>>
      tpu.wait_indirect_dma semaphore(%arg11 : memref<!tpu.dma_semaphore, #tpu.memory_space<semaphore_mem>>) src(%dma_wait3A_528 : memref<10240x64xf32, #tpu.memory_space<hbm>>) dst(%dma_wait3A_522 : memref<128x64xf32, #tpu.memory_space<vmem>>)
      %add3A_529 = arith.constant 2 : i32
      %add3A_530 = arith.addi %add3A_264, %add3A_529 : i32
      %dma_start3A_531 = arith.constant 6 : i32
      %dma_start3A_532 = arith.constant 0 : i32
      %dma_start3A_533 = arith.constant 0 : i32
      %dma_start3A_534 = tpu.memref_slice %arg8[%dma_start3A_531, %dma_start3A_532, %dma_start3A_533] : memref<8x128x64xf32, #tpu.memory_space<vmem>> -> memref<1x128x64xf32, #tpu.memory_space<vmem>>
      %dma_start3A_535 = tpu.memref_squeeze %dma_start3A_534 : memref<1x128x64xf32, #tpu.memory_space<vmem>> -> memref<128x64xf32, #tpu.memory_space<vmem>>
      %dma_start3A_536 = arith.constant 0 : i32
      %dma_start3A_537 = tpu.memref_slice %arg7[%add3A_530, %dma_start3A_536] : memref<80x128xi32, #tpu.memory_space<vmem>> -> memref<1x128xi32, #tpu.memory_space<vmem>>
      %dma_start3A_538 = tpu.memref_squeeze %dma_start3A_537 : memref<1x128xi32, #tpu.memory_space<vmem>> -> memref<128xi32, #tpu.memory_space<vmem>>
      %dma_start3A_539 = arith.constant 0 : i32
      %dma_start3A_540 = arith.constant 0 : i32
      %dma_start3A_541 = tpu.memref_slice %arg9[%dma_start3A_539, %dma_start3A_540] : memref<10240x64xf32, #tpu.memory_space<vmem_shared>> -> memref<10240x64xf32, #tpu.memory_space<vmem_shared>>
      tpu.enqueue_indirect_dma source(%dma_start3A_535 : memref<128x64xf32, #tpu.memory_space<vmem>>) target(%dma_start3A_541 : memref<10240x64xf32, #tpu.memory_space<vmem_shared>>) offsets(%dma_start3A_538 : memref<128xi32, #tpu.memory_space<vmem>>) semaphore(%arg13 : memref<!tpu.dma_semaphore, #tpu.memory_space<semaphore_mem>>) {add = true}
      %dma_wait3A_542 = arith.constant 0 : i32
      %dma_wait3A_543 = arith.constant 7 : i32
      %dma_wait3A_544 = arith.constant 0 : i32
      %dma_wait3A_545 = arith.constant 0 : i32
      %dma_wait3A_546 = tpu.memref_slice %arg8[%dma_wait3A_543, %dma_wait3A_544, %dma_wait3A_545] : memref<8x128x64xf32, #tpu.memory_space<vmem>> -> memref<1x128x64xf32, #tpu.memory_space<vmem>>
      %dma_wait3A_547 = tpu.memref_squeeze %dma_wait3A_546 : memref<1x128x64xf32, #tpu.memory_space<vmem>> -> memref<128x64xf32, #tpu.memory_space<vmem>>
      %dma_wait3A_548 = arith.constant 0 : i32
      %dma_wait3A_549 = tpu.memref_slice %arg6[%dma_wait3A_542, %dma_wait3A_548] : memref<80x128xi32, #tpu.memory_space<vmem>> -> memref<1x128xi32, #tpu.memory_space<vmem>>
      %dma_wait3A_550 = tpu.memref_squeeze %dma_wait3A_549 : memref<1x128xi32, #tpu.memory_space<vmem>> -> memref<128xi32, #tpu.memory_space<vmem>>
      %dma_wait3A_551 = arith.constant 0 : i32
      %dma_wait3A_552 = arith.constant 0 : i32
      %dma_wait3A_553 = tpu.memref_slice %arg2[%dma_wait3A_551, %dma_wait3A_552] : memref<10240x64xf32, #tpu.memory_space<hbm>> -> memref<10240x64xf32, #tpu.memory_space<hbm>>
      tpu.wait_indirect_dma semaphore(%arg11 : memref<!tpu.dma_semaphore, #tpu.memory_space<semaphore_mem>>) src(%dma_wait3A_553 : memref<10240x64xf32, #tpu.memory_space<hbm>>) dst(%dma_wait3A_547 : memref<128x64xf32, #tpu.memory_space<vmem>>)
      %add3A_554 = arith.constant 3 : i32
      %add3A_555 = arith.addi %add3A_264, %add3A_554 : i32
      %dma_start3A_556 = arith.constant 7 : i32
      %dma_start3A_557 = arith.constant 0 : i32
      %dma_start3A_558 = arith.constant 0 : i32
      %dma_start3A_559 = tpu.memref_slice %arg8[%dma_start3A_556, %dma_start3A_557, %dma_start3A_558] : memref<8x128x64xf32, #tpu.memory_space<vmem>> -> memref<1x128x64xf32, #tpu.memory_space<vmem>>
      %dma_start3A_560 = tpu.memref_squeeze %dma_start3A_559 : memref<1x128x64xf32, #tpu.memory_space<vmem>> -> memref<128x64xf32, #tpu.memory_space<vmem>>
      %dma_start3A_561 = arith.constant 0 : i32
      %dma_start3A_562 = tpu.memref_slice %arg7[%add3A_555, %dma_start3A_561] : memref<80x128xi32, #tpu.memory_space<vmem>> -> memref<1x128xi32, #tpu.memory_space<vmem>>
      %dma_start3A_563 = tpu.memref_squeeze %dma_start3A_562 : memref<1x128xi32, #tpu.memory_space<vmem>> -> memref<128xi32, #tpu.memory_space<vmem>>
      %dma_start3A_564 = arith.constant 0 : i32
      %dma_start3A_565 = arith.constant 0 : i32
      %dma_start3A_566 = tpu.memref_slice %arg9[%dma_start3A_564, %dma_start3A_565] : memref<10240x64xf32, #tpu.memory_space<vmem_shared>> -> memref<10240x64xf32, #tpu.memory_space<vmem_shared>>
      tpu.enqueue_indirect_dma source(%dma_start3A_560 : memref<128x64xf32, #tpu.memory_space<vmem>>) target(%dma_start3A_566 : memref<10240x64xf32, #tpu.memory_space<vmem_shared>>) offsets(%dma_start3A_563 : memref<128xi32, #tpu.memory_space<vmem>>) semaphore(%arg13 : memref<!tpu.dma_semaphore, #tpu.memory_space<semaphore_mem>>) {add = true}
      %dma_wait3A_567 = arith.constant 4 : i32
      %dma_wait3A_568 = arith.constant 0 : i32
      %dma_wait3A_569 = arith.constant 0 : i32
      %dma_wait3A_570 = arith.constant 0 : i32
      %dma_wait3A_571 = tpu.memref_slice %arg8[%dma_wait3A_567, %dma_wait3A_569, %dma_wait3A_570] : memref<8x128x64xf32, #tpu.memory_space<vmem>> -> memref<1x128x64xf32, #tpu.memory_space<vmem>>
      %dma_wait3A_572 = tpu.memref_squeeze %dma_wait3A_571 : memref<1x128x64xf32, #tpu.memory_space<vmem>> -> memref<128x64xf32, #tpu.memory_space<vmem>>
      %dma_wait3A_573 = arith.constant 0 : i32
      %dma_wait3A_574 = tpu.memref_slice %arg7[%dma_wait3A_568, %dma_wait3A_573] : memref<80x128xi32, #tpu.memory_space<vmem>> -> memref<1x128xi32, #tpu.memory_space<vmem>>
      %dma_wait3A_575 = tpu.memref_squeeze %dma_wait3A_574 : memref<1x128xi32, #tpu.memory_space<vmem>> -> memref<128xi32, #tpu.memory_space<vmem>>
      %dma_wait3A_576 = arith.constant 0 : i32
      %dma_wait3A_577 = arith.constant 0 : i32
      %dma_wait3A_578 = tpu.memref_slice %arg9[%dma_wait3A_576, %dma_wait3A_577] : memref<10240x64xf32, #tpu.memory_space<vmem_shared>> -> memref<10240x64xf32, #tpu.memory_space<vmem_shared>>
      tpu.wait_indirect_dma semaphore(%arg13 : memref<!tpu.dma_semaphore, #tpu.memory_space<semaphore_mem>>) src(%dma_wait3A_572 : memref<128x64xf32, #tpu.memory_space<vmem>>) dst(%dma_wait3A_578 : memref<10240x64xf32, #tpu.memory_space<vmem_shared>>)
      %dma_wait3A_579 = arith.constant 5 : i32
      %dma_wait3A_580 = arith.constant 0 : i32
      %dma_wait3A_581 = arith.constant 0 : i32
      %dma_wait3A_582 = arith.constant 0 : i32
      %dma_wait3A_583 = tpu.memref_slice %arg8[%dma_wait3A_579, %dma_wait3A_581, %dma_wait3A_582] : memref<8x128x64xf32, #tpu.memory_space<vmem>> -> memref<1x128x64xf32, #tpu.memory_space<vmem>>
      %dma_wait3A_584 = tpu.memref_squeeze %dma_wait3A_583 : memref<1x128x64xf32, #tpu.memory_space<vmem>> -> memref<128x64xf32, #tpu.memory_space<vmem>>
      %dma_wait3A_585 = arith.constant 0 : i32
      %dma_wait3A_586 = tpu.memref_slice %arg7[%dma_wait3A_580, %dma_wait3A_585] : memref<80x128xi32, #tpu.memory_space<vmem>> -> memref<1x128xi32, #tpu.memory_space<vmem>>
      %dma_wait3A_587 = tpu.memref_squeeze %dma_wait3A_586 : memref<1x128xi32, #tpu.memory_space<vmem>> -> memref<128xi32, #tpu.memory_space<vmem>>
      %dma_wait3A_588 = arith.constant 0 : i32
      %dma_wait3A_589 = arith.constant 0 : i32
      %dma_wait3A_590 = tpu.memref_slice %arg9[%dma_wait3A_588, %dma_wait3A_589] : memref<10240x64xf32, #tpu.memory_space<vmem_shared>> -> memref<10240x64xf32, #tpu.memory_space<vmem_shared>>
      tpu.wait_indirect_dma semaphore(%arg13 : memref<!tpu.dma_semaphore, #tpu.memory_space<semaphore_mem>>) src(%dma_wait3A_584 : memref<128x64xf32, #tpu.memory_space<vmem>>) dst(%dma_wait3A_590 : memref<10240x64xf32, #tpu.memory_space<vmem_shared>>)
      %dma_wait3A_591 = arith.constant 6 : i32
      %dma_wait3A_592 = arith.constant 0 : i32
      %dma_wait3A_593 = arith.constant 0 : i32
      %dma_wait3A_594 = arith.constant 0 : i32
      %dma_wait3A_595 = tpu.memref_slice %arg8[%dma_wait3A_591, %dma_wait3A_593, %dma_wait3A_594] : memref<8x128x64xf32, #tpu.memory_space<vmem>> -> memref<1x128x64xf32, #tpu.memory_space<vmem>>
      %dma_wait3A_596 = tpu.memref_squeeze %dma_wait3A_595 : memref<1x128x64xf32, #tpu.memory_space<vmem>> -> memref<128x64xf32, #tpu.memory_space<vmem>>
      %dma_wait3A_597 = arith.constant 0 : i32
      %dma_wait3A_598 = tpu.memref_slice %arg7[%dma_wait3A_592, %dma_wait3A_597] : memref<80x128xi32, #tpu.memory_space<vmem>> -> memref<1x128xi32, #tpu.memory_space<vmem>>
      %dma_wait3A_599 = tpu.memref_squeeze %dma_wait3A_598 : memref<1x128xi32, #tpu.memory_space<vmem>> -> memref<128xi32, #tpu.memory_space<vmem>>
      %dma_wait3A_600 = arith.constant 0 : i32
      %dma_wait3A_601 = arith.constant 0 : i32
      %dma_wait3A_602 = tpu.memref_slice %arg9[%dma_wait3A_600, %dma_wait3A_601] : memref<10240x64xf32, #tpu.memory_space<vmem_shared>> -> memref<10240x64xf32, #tpu.memory_space<vmem_shared>>
      tpu.wait_indirect_dma semaphore(%arg13 : memref<!tpu.dma_semaphore, #tpu.memory_space<semaphore_mem>>) src(%dma_wait3A_596 : memref<128x64xf32, #tpu.memory_space<vmem>>) dst(%dma_wait3A_602 : memref<10240x64xf32, #tpu.memory_space<vmem_shared>>)
      %dma_wait3A_603 = arith.constant 7 : i32
      %dma_wait3A_604 = arith.constant 0 : i32
      %dma_wait3A_605 = arith.constant 0 : i32
      %dma_wait3A_606 = arith.constant 0 : i32
      %dma_wait3A_607 = tpu.memref_slice %arg8[%dma_wait3A_603, %dma_wait3A_605, %dma_wait3A_606] : memref<8x128x64xf32, #tpu.memory_space<vmem>> -> memref<1x128x64xf32, #tpu.memory_space<vmem>>
      %dma_wait3A_608 = tpu.memref_squeeze %dma_wait3A_607 : memref<1x128x64xf32, #tpu.memory_space<vmem>> -> memref<128x64xf32, #tpu.memory_space<vmem>>
      %dma_wait3A_609 = arith.constant 0 : i32
      %dma_wait3A_610 = tpu.memref_slice %arg7[%dma_wait3A_604, %dma_wait3A_609] : memref<80x128xi32, #tpu.memory_space<vmem>> -> memref<1x128xi32, #tpu.memory_space<vmem>>
      %dma_wait3A_611 = tpu.memref_squeeze %dma_wait3A_610 : memref<1x128xi32, #tpu.memory_space<vmem>> -> memref<128xi32, #tpu.memory_space<vmem>>
      %dma_wait3A_612 = arith.constant 0 : i32
      %dma_wait3A_613 = arith.constant 0 : i32
      %dma_wait3A_614 = tpu.memref_slice %arg9[%dma_wait3A_612, %dma_wait3A_613] : memref<10240x64xf32, #tpu.memory_space<vmem_shared>> -> memref<10240x64xf32, #tpu.memory_space<vmem_shared>>
      tpu.wait_indirect_dma semaphore(%arg13 : memref<!tpu.dma_semaphore, #tpu.memory_space<semaphore_mem>>) src(%dma_wait3A_608 : memref<128x64xf32, #tpu.memory_space<vmem>>) dst(%dma_wait3A_614 : memref<10240x64xf32, #tpu.memory_space<vmem_shared>>)
    }
    %scan3A_221 = arith.constant 10 : i32
    %barrier3A_222 = arith.constant 0 : index
    tpu.barrier barrier_id(%barrier3A_222)
    %mul3A_223 = arith.constant 640 : i32
    %mul3A_224 = arith.muli %arg1, %mul3A_223 : i32
    %add3A_225 = arith.constant 0 : i32
    %add3A_226 = arith.addi %mul3A_224, %add3A_225 : i32
    %mul3A_227 = arith.constant 10240 : i32
    %mul3A_228 = arith.muli %arg0, %mul3A_227 : i32
    %add3A_229 = arith.addi %mul3A_228, %add3A_226 : i32
    "tpu.region"() ({
      %run_scoped3A = tpu.sem_alloc : memref<!tpu.dma_semaphore, #tpu.memory_space<semaphore_mem>>
      %dma_start3A_258 = arith.constant 0 : i32
      %dma_start3A_259 = tpu.memref_slice %arg5[%add3A_229, %dma_start3A_258] : memref<20480x64xf32, #tpu.memory_space<hbm>> -> memref<128x64xf32, #tpu.memory_space<hbm>>
      %dma_start3A_260 = arith.constant 0 : i32
      %dma_start3A_261 = tpu.memref_slice %arg9[%add3A_226, %dma_start3A_260] : memref<10240x64xf32, #tpu.memory_space<vmem_shared>> -> memref<128x64xf32, #tpu.memory_space<vmem_shared>>
      tpu.enqueue_dma source(%dma_start3A_261 : memref<128x64xf32, #tpu.memory_space<vmem_shared>>) target(%dma_start3A_259 : memref<128x64xf32, #tpu.memory_space<hbm>>) target_semaphore(%run_scoped3A : memref<!tpu.dma_semaphore, #tpu.memory_space<semaphore_mem>>)
      %dma_wait3A_262 = arith.constant 0 : i32
      %dma_wait3A_263 = tpu.memref_slice %arg5[%add3A_229, %dma_wait3A_262] : memref<20480x64xf32, #tpu.memory_space<hbm>> -> memref<128x64xf32, #tpu.memory_space<hbm>>
      %dma_wait3A_264 = arith.constant 0 : i32
      %dma_wait3A_265 = tpu.memref_slice %arg9[%add3A_226, %dma_wait3A_264] : memref<10240x64xf32, #tpu.memory_space<vmem_shared>> -> memref<128x64xf32, #tpu.memory_space<vmem_shared>>
      tpu.wait_dma2 semaphore(%run_scoped3A : memref<!tpu.dma_semaphore, #tpu.memory_space<semaphore_mem>>) src(%dma_wait3A_265 : memref<128x64xf32, #tpu.memory_space<vmem_shared>>) dst(%dma_wait3A_263 : memref<128x64xf32, #tpu.memory_space<hbm>>)
      tpu.yield
    }) : () -> ()
    %mul3A_230 = arith.constant 640 : i32
    %mul3A_231 = arith.muli %arg1, %mul3A_230 : i32
    %add3A_232 = arith.constant 128 : i32
    %add3A_233 = arith.addi %mul3A_231, %add3A_232 : i32
    %mul3A_234 = arith.constant 10240 : i32
    %mul3A_235 = arith.muli %arg0, %mul3A_234 : i32
    %add3A_236 = arith.addi %mul3A_235, %add3A_233 : i32
    "tpu.region"() ({
      %run_scoped3A = tpu.sem_alloc : memref<!tpu.dma_semaphore, #tpu.memory_space<semaphore_mem>>
      %dma_start3A_258 = arith.constant 0 : i32
      %dma_start3A_259 = tpu.memref_slice %arg5[%add3A_236, %dma_start3A_258] : memref<20480x64xf32, #tpu.memory_space<hbm>> -> memref<128x64xf32, #tpu.memory_space<hbm>>
      %dma_start3A_260 = arith.constant 0 : i32
      %dma_start3A_261 = tpu.memref_slice %arg9[%add3A_233, %dma_start3A_260] : memref<10240x64xf32, #tpu.memory_space<vmem_shared>> -> memref<128x64xf32, #tpu.memory_space<vmem_shared>>
      tpu.enqueue_dma source(%dma_start3A_261 : memref<128x64xf32, #tpu.memory_space<vmem_shared>>) target(%dma_start3A_259 : memref<128x64xf32, #tpu.memory_space<hbm>>) target_semaphore(%run_scoped3A : memref<!tpu.dma_semaphore, #tpu.memory_space<semaphore_mem>>)
      %dma_wait3A_262 = arith.constant 0 : i32
      %dma_wait3A_263 = tpu.memref_slice %arg5[%add3A_236, %dma_wait3A_262] : memref<20480x64xf32, #tpu.memory_space<hbm>> -> memref<128x64xf32, #tpu.memory_space<hbm>>
      %dma_wait3A_264 = arith.constant 0 : i32
      %dma_wait3A_265 = tpu.memref_slice %arg9[%add3A_233, %dma_wait3A_264] : memref<10240x64xf32, #tpu.memory_space<vmem_shared>> -> memref<128x64xf32, #tpu.memory_space<vmem_shared>>
      tpu.wait_dma2 semaphore(%run_scoped3A : memref<!tpu.dma_semaphore, #tpu.memory_space<semaphore_mem>>) src(%dma_wait3A_265 : memref<128x64xf32, #tpu.memory_space<vmem_shared>>) dst(%dma_wait3A_263 : memref<128x64xf32, #tpu.memory_space<hbm>>)
      tpu.yield
    }) : () -> ()
    %mul3A_237 = arith.constant 640 : i32
    %mul3A_238 = arith.muli %arg1, %mul3A_237 : i32
    %add3A_239 = arith.constant 256 : i32
    %add3A_240 = arith.addi %mul3A_238, %add3A_239 : i32
    %mul3A_241 = arith.constant 10240 : i32
    %mul3A_242 = arith.muli %arg0, %mul3A_241 : i32
    %add3A_243 = arith.addi %mul3A_242, %add3A_240 : i32
    "tpu.region"() ({
      %run_scoped3A = tpu.sem_alloc : memref<!tpu.dma_semaphore, #tpu.memory_space<semaphore_mem>>
      %dma_start3A_258 = arith.constant 0 : i32
      %dma_start3A_259 = tpu.memref_slice %arg5[%add3A_243, %dma_start3A_258] : memref<20480x64xf32, #tpu.memory_space<hbm>> -> memref<128x64xf32, #tpu.memory_space<hbm>>
      %dma_start3A_260 = arith.constant 0 : i32
      %dma_start3A_261 = tpu.memref_slice %arg9[%add3A_240, %dma_start3A_260] : memref<10240x64xf32, #tpu.memory_space<vmem_shared>> -> memref<128x64xf32, #tpu.memory_space<vmem_shared>>
      tpu.enqueue_dma source(%dma_start3A_261 : memref<128x64xf32, #tpu.memory_space<vmem_shared>>) target(%dma_start3A_259 : memref<128x64xf32, #tpu.memory_space<hbm>>) target_semaphore(%run_scoped3A : memref<!tpu.dma_semaphore, #tpu.memory_space<semaphore_mem>>)
      %dma_wait3A_262 = arith.constant 0 : i32
      %dma_wait3A_263 = tpu.memref_slice %arg5[%add3A_243, %dma_wait3A_262] : memref<20480x64xf32, #tpu.memory_space<hbm>> -> memref<128x64xf32, #tpu.memory_space<hbm>>
      %dma_wait3A_264 = arith.constant 0 : i32
      %dma_wait3A_265 = tpu.memref_slice %arg9[%add3A_240, %dma_wait3A_264] : memref<10240x64xf32, #tpu.memory_space<vmem_shared>> -> memref<128x64xf32, #tpu.memory_space<vmem_shared>>
      tpu.wait_dma2 semaphore(%run_scoped3A : memref<!tpu.dma_semaphore, #tpu.memory_space<semaphore_mem>>) src(%dma_wait3A_265 : memref<128x64xf32, #tpu.memory_space<vmem_shared>>) dst(%dma_wait3A_263 : memref<128x64xf32, #tpu.memory_space<hbm>>)
      tpu.yield
    }) : () -> ()
    %mul3A_244 = arith.constant 640 : i32
    %mul3A_245 = arith.muli %arg1, %mul3A_244 : i32
    %add3A_246 = arith.constant 384 : i32
    %add3A_247 = arith.addi %mul3A_245, %add3A_246 : i32
    %mul3A_248 = arith.constant 10240 : i32
    %mul3A_249 = arith.muli %arg0, %mul3A_248 : i32
    %add3A_250 = arith.addi %mul3A_249, %add3A_247 : i32
    "tpu.region"() ({
      %run_scoped3A = tpu.sem_alloc : memref<!tpu.dma_semaphore, #tpu.memory_space<semaphore_mem>>
      %dma_start3A_258 = arith.constant 0 : i32
      %dma_start3A_259 = tpu.memref_slice %arg5[%add3A_250, %dma_start3A_258] : memref<20480x64xf32, #tpu.memory_space<hbm>> -> memref<128x64xf32, #tpu.memory_space<hbm>>
      %dma_start3A_260 = arith.constant 0 : i32
      %dma_start3A_261 = tpu.memref_slice %arg9[%add3A_247, %dma_start3A_260] : memref<10240x64xf32, #tpu.memory_space<vmem_shared>> -> memref<128x64xf32, #tpu.memory_space<vmem_shared>>
      tpu.enqueue_dma source(%dma_start3A_261 : memref<128x64xf32, #tpu.memory_space<vmem_shared>>) target(%dma_start3A_259 : memref<128x64xf32, #tpu.memory_space<hbm>>) target_semaphore(%run_scoped3A : memref<!tpu.dma_semaphore, #tpu.memory_space<semaphore_mem>>)
      %dma_wait3A_262 = arith.constant 0 : i32
      %dma_wait3A_263 = tpu.memref_slice %arg5[%add3A_250, %dma_wait3A_262] : memref<20480x64xf32, #tpu.memory_space<hbm>> -> memref<128x64xf32, #tpu.memory_space<hbm>>
      %dma_wait3A_264 = arith.constant 0 : i32
      %dma_wait3A_265 = tpu.memref_slice %arg9[%add3A_247, %dma_wait3A_264] : memref<10240x64xf32, #tpu.memory_space<vmem_shared>> -> memref<128x64xf32, #tpu.memory_space<vmem_shared>>
      tpu.wait_dma2 semaphore(%run_scoped3A : memref<!tpu.dma_semaphore, #tpu.memory_space<semaphore_mem>>) src(%dma_wait3A_265 : memref<128x64xf32, #tpu.memory_space<vmem_shared>>) dst(%dma_wait3A_263 : memref<128x64xf32, #tpu.memory_space<hbm>>)
      tpu.yield
    }) : () -> ()
    %mul3A_251 = arith.constant 640 : i32
    %mul3A_252 = arith.muli %arg1, %mul3A_251 : i32
    %add3A_253 = arith.constant 512 : i32
    %add3A_254 = arith.addi %mul3A_252, %add3A_253 : i32
    %mul3A_255 = arith.constant 10240 : i32
    %mul3A_256 = arith.muli %arg0, %mul3A_255 : i32
    %add3A_257 = arith.addi %mul3A_256, %add3A_254 : i32
    "tpu.region"() ({
      %run_scoped3A = tpu.sem_alloc : memref<!tpu.dma_semaphore, #tpu.memory_space<semaphore_mem>>
      %dma_start3A_258 = arith.constant 0 : i32
      %dma_start3A_259 = tpu.memref_slice %arg5[%add3A_257, %dma_start3A_258] : memref<20480x64xf32, #tpu.memory_space<hbm>> -> memref<128x64xf32, #tpu.memory_space<hbm>>
      %dma_start3A_260 = arith.constant 0 : i32
      %dma_start3A_261 = tpu.memref_slice %arg9[%add3A_254, %dma_start3A_260] : memref<10240x64xf32, #tpu.memory_space<vmem_shared>> -> memref<128x64xf32, #tpu.memory_space<vmem_shared>>
      tpu.enqueue_dma source(%dma_start3A_261 : memref<128x64xf32, #tpu.memory_space<vmem_shared>>) target(%dma_start3A_259 : memref<128x64xf32, #tpu.memory_space<hbm>>) target_semaphore(%run_scoped3A : memref<!tpu.dma_semaphore, #tpu.memory_space<semaphore_mem>>)
      %dma_wait3A_262 = arith.constant 0 : i32
      %dma_wait3A_263 = tpu.memref_slice %arg5[%add3A_257, %dma_wait3A_262] : memref<20480x64xf32, #tpu.memory_space<hbm>> -> memref<128x64xf32, #tpu.memory_space<hbm>>
      %dma_wait3A_264 = arith.constant 0 : i32
      %dma_wait3A_265 = tpu.memref_slice %arg9[%add3A_254, %dma_wait3A_264] : memref<10240x64xf32, #tpu.memory_space<vmem_shared>> -> memref<128x64xf32, #tpu.memory_space<vmem_shared>>
      tpu.wait_dma2 semaphore(%run_scoped3A : memref<!tpu.dma_semaphore, #tpu.memory_space<semaphore_mem>>) src(%dma_wait3A_265 : memref<128x64xf32, #tpu.memory_space<vmem_shared>>) dst(%dma_wait3A_263 : memref<128x64xf32, #tpu.memory_space<hbm>>)
      tpu.yield
    }) : () -> ()
    return
  }
}

#map = affine_map<(d0, d1) -> (0, 0)>
module attributes {stable_mosaic.version = 14 : i64} {
  func.func @spmm(%arg0: i32, %arg1: i32, %arg2: memref<10240x64xf32, #tpu.memory_space<hbm>>, %arg3: memref<2560x128xi32, #tpu.memory_space<hbm>>, %arg4: memref<2560x128xi32, #tpu.memory_space<hbm>>, %arg5: memref<20480x64xf32, #tpu.memory_space<hbm>>, %arg6: memref<80x128xi32, #tpu.memory_space<vmem>>, %arg7: memref<80x128xi32, #tpu.memory_space<vmem>>, %arg8: memref<8x128x64xf32, #tpu.memory_space<vmem>>, %arg9: memref<10240x64xf32, #tpu.memory_space<vmem_shared>>, %arg10: memref<!tpu.dma_semaphore, #tpu.memory_space<semaphore_mem>>, %arg11: memref<!tpu.dma_semaphore, #tpu.memory_space<semaphore_mem>>, %arg12: memref<!tpu.dma_semaphore, #tpu.memory_space<semaphore_mem>>, %arg13: memref<!tpu.dma_semaphore, #tpu.memory_space<semaphore_mem>>) attributes {dimension_semantics = [#tpu.dimension_semantics<core_parallel>, #tpu.dimension_semantics<subcore_parallel>], iteration_bounds = array<i64: 2, 16>, scalar_prefetch = 0 : i64, scratch_operands = 8 : i64, tpu.core_type = #tpu.core_type<sc_vector_subcore>, window_params = [{transform_indices = #map}, {transform_indices = #map}, {transform_indices = #map}, {transform_indices = #map}]} {
    %mul3A = arith.constant 2 : i32
    %mul3A_0 = arith.muli %arg1, %mul3A : i32
    %add3A = arith.addi %mul3A_0, %arg0 : i32
    %mul3A_1 = arith.constant 80 : i32
    %mul3A_2 = arith.muli %add3A, %mul3A_1 : i32
    "tpu.region"() ({
      %run_scoped3A = tpu.sem_alloc : memref<!tpu.dma_semaphore, #tpu.memory_space<semaphore_mem>>
      %dma_start3A_258 = arith.constant 0 : i32
      %dma_start3A_259 = tpu.memref_slice %arg3[%mul3A_2, %dma_start3A_258] : memref<2560x128xi32, #tpu.memory_space<hbm>> -> memref<80x128xi32, #tpu.memory_space<hbm>>
      %dma_start3A_260 = arith.constant 0 : i32
      %dma_start3A_261 = tpu.memref_slice %arg3[%mul3A_2, %dma_start3A_260] : memref<2560x128xi32, #tpu.memory_space<hbm>> -> memref<80x128xi32, #tpu.memory_space<hbm>>
      tpu.enqueue_dma source(%dma_start3A_261 : memref<80x128xi32, #tpu.memory_space<hbm>>) target(%arg6 : memref<80x128xi32, #tpu.memory_space<vmem>>) target_semaphore(%run_scoped3A : memref<!tpu.dma_semaphore, #tpu.memory_space<semaphore_mem>>)
      %dma_wait3A_262 = arith.constant 0 : i32
      %dma_wait3A_263 = tpu.memref_slice %arg3[%mul3A_2, %dma_wait3A_262] : memref<2560x128xi32, #tpu.memory_space<hbm>> -> memref<80x128xi32, #tpu.memory_space<hbm>>
      %dma_wait3A_264 = arith.constant 0 : i32
      %dma_wait3A_265 = tpu.memref_slice %arg3[%mul3A_2, %dma_wait3A_264] : memref<2560x128xi32, #tpu.memory_space<hbm>> -> memref<80x128xi32, #tpu.memory_space<hbm>>
      tpu.wait_dma2 semaphore(%run_scoped3A : memref<!tpu.dma_semaphore, #tpu.memory_space<semaphore_mem>>) src(%dma_wait3A_265 : memref<80x128xi32, #tpu.memory_space<hbm>>) dst(%arg6 : memref<80x128xi32, #tpu.memory_space<vmem>>)
      tpu.yield
    }) : () -> ()
    %mul3A_3 = arith.constant 80 : i32
    %mul3A_4 = arith.muli %add3A, %mul3A_3 : i32
    "tpu.region"() ({
      %run_scoped3A = tpu.sem_alloc : memref<!tpu.dma_semaphore, #tpu.memory_space<semaphore_mem>>
      %dma_start3A_258 = arith.constant 0 : i32
      %dma_start3A_259 = tpu.memref_slice %arg4[%mul3A_4, %dma_start3A_258] : memref<2560x128xi32, #tpu.memory_space<hbm>> -> memref<80x128xi32, #tpu.memory_space<hbm>>
      %dma_start3A_260 = arith.constant 0 : i32
      %dma_start3A_261 = tpu.memref_slice %arg4[%mul3A_4, %dma_start3A_260] : memref<2560x128xi32, #tpu.memory_space<hbm>> -> memref<80x128xi32, #tpu.memory_space<hbm>>
      tpu.enqueue_dma source(%dma_start3A_261 : memref<80x128xi32, #tpu.memory_space<hbm>>) target(%arg7 : memref<80x128xi32, #tpu.memory_space<vmem>>) target_semaphore(%run_scoped3A : memref<!tpu.dma_semaphore, #tpu.memory_space<semaphore_mem>>)
      %dma_wait3A_262 = arith.constant 0 : i32
      %dma_wait3A_263 = tpu.memref_slice %arg4[%mul3A_4, %dma_wait3A_262] : memref<2560x128xi32, #tpu.memory_space<hbm>> -> memref<80x128xi32, #tpu.memory_space<hbm>>
      %dma_wait3A_264 = arith.constant 0 : i32
      %dma_wait3A_265 = tpu.memref_slice %arg4[%mul3A_4, %dma_wait3A_264] : memref<2560x128xi32, #tpu.memory_space<hbm>> -> memref<80x128xi32, #tpu.memory_space<hbm>>
      tpu.wait_dma2 semaphore(%run_scoped3A : memref<!tpu.dma_semaphore, #tpu.memory_space<semaphore_mem>>) src(%dma_wait3A_265 : memref<80x128xi32, #tpu.memory_space<hbm>>) dst(%arg7 : memref<80x128xi32, #tpu.memory_space<vmem>>)
      tpu.yield
    }) : () -> ()
    %dma_start3A = arith.constant 0 : i32
    %dma_start3A_5 = arith.constant 0 : i32
    %dma_start3A_6 = arith.constant 0 : i32
    %dma_start3A_7 = arith.constant 0 : i32
    %dma_start3A_8 = tpu.memref_slice %arg8[%dma_start3A_5, %dma_start3A_6, %dma_start3A_7] : memref<8x128x64xf32, #tpu.memory_space<vmem>> -> memref<1x128x64xf32, #tpu.memory_space<vmem>>
    %dma_start3A_9 = tpu.memref_squeeze %dma_start3A_8 : memref<1x128x64xf32, #tpu.memory_space<vmem>> -> memref<128x64xf32, #tpu.memory_space<vmem>>
    %dma_start3A_10 = arith.constant 0 : i32
    %dma_start3A_11 = tpu.memref_slice %arg6[%dma_start3A, %dma_start3A_10] : memref<80x128xi32, #tpu.memory_space<vmem>> -> memref<1x128xi32, #tpu.memory_space<vmem>>
    %dma_start3A_12 = tpu.memref_squeeze %dma_start3A_11 : memref<1x128xi32, #tpu.memory_space<vmem>> -> memref<128xi32, #tpu.memory_space<vmem>>
    %dma_start3A_13 = arith.constant 0 : i32
    %dma_start3A_14 = arith.constant 0 : i32
    %dma_start3A_15 = tpu.memref_slice %arg2[%dma_start3A_13, %dma_start3A_14] : memref<10240x64xf32, #tpu.memory_space<hbm>> -> memref<10240x64xf32, #tpu.memory_space<hbm>>
    tpu.enqueue_indirect_dma source(%dma_start3A_15 : memref<10240x64xf32, #tpu.memory_space<hbm>>) target(%dma_start3A_9 : memref<128x64xf32, #tpu.memory_space<vmem>>) offsets(%dma_start3A_12 : memref<128xi32, #tpu.memory_space<vmem>>) semaphore(%arg10 : memref<!tpu.dma_semaphore, #tpu.memory_space<semaphore_mem>>)
    %dma_start3A_16 = arith.constant 1 : i32
    %dma_start3A_17 = arith.constant 1 : i32
    %dma_start3A_18 = arith.constant 0 : i32
    %dma_start3A_19 = arith.constant 0 : i32
    %dma_start3A_20 = tpu.memref_slice %arg8[%dma_start3A_17, %dma_start3A_18, %dma_start3A_19] : memref<8x128x64xf32, #tpu.memory_space<vmem>> -> memref<1x128x64xf32, #tpu.memory_space<vmem>>
    %dma_start3A_21 = tpu.memref_squeeze %dma_start3A_20 : memref<1x128x64xf32, #tpu.memory_space<vmem>> -> memref<128x64xf32, #tpu.memory_space<vmem>>
    %dma_start3A_22 = arith.constant 0 : i32
    %dma_start3A_23 = tpu.memref_slice %arg6[%dma_start3A_16, %dma_start3A_22] : memref<80x128xi32, #tpu.memory_space<vmem>> -> memref<1x128xi32, #tpu.memory_space<vmem>>
    %dma_start3A_24 = tpu.memref_squeeze %dma_start3A_23 : memref<1x128xi32, #tpu.memory_space<vmem>> -> memref<128xi32, #tpu.memory_space<vmem>>
    %dma_start3A_25 = arith.constant 0 : i32
    %dma_start3A_26 = arith.constant 0 : i32
    %dma_start3A_27 = tpu.memref_slice %arg2[%dma_start3A_25, %dma_start3A_26] : memref<10240x64xf32, #tpu.memory_space<hbm>> -> memref<10240x64xf32, #tpu.memory_space<hbm>>
    tpu.enqueue_indirect_dma source(%dma_start3A_27 : memref<10240x64xf32, #tpu.memory_space<hbm>>) target(%dma_start3A_21 : memref<128x64xf32, #tpu.memory_space<vmem>>) offsets(%dma_start3A_24 : memref<128xi32, #tpu.memory_space<vmem>>) semaphore(%arg10 : memref<!tpu.dma_semaphore, #tpu.memory_space<semaphore_mem>>)
    %dma_start3A_28 = arith.constant 2 : i32
    %dma_start3A_29 = arith.constant 2 : i32
    %dma_start3A_30 = arith.constant 0 : i32
    %dma_start3A_31 = arith.constant 0 : i32
    %dma_start3A_32 = tpu.memref_slice %arg8[%dma_start3A_29, %dma_start3A_30, %dma_start3A_31] : memref<8x128x64xf32, #tpu.memory_space<vmem>> -> memref<1x128x64xf32, #tpu.memory_space<vmem>>
    %dma_start3A_33 = tpu.memref_squeeze %dma_start3A_32 : memref<1x128x64xf32, #tpu.memory_space<vmem>> -> memref<128x64xf32, #tpu.memory_space<vmem>>
    %dma_start3A_34 = arith.constant 0 : i32
    %dma_start3A_35 = tpu.memref_slice %arg6[%dma_start3A_28, %dma_start3A_34] : memref<80x128xi32, #tpu.memory_space<vmem>> -> memref<1x128xi32, #tpu.memory_space<vmem>>
    %dma_start3A_36 = tpu.memref_squeeze %dma_start3A_35 : memref<1x128xi32, #tpu.memory_space<vmem>> -> memref<128xi32, #tpu.memory_space<vmem>>
    %dma_start3A_37 = arith.constant 0 : i32
    %dma_start3A_38 = arith.constant 0 : i32
    %dma_start3A_39 = tpu.memref_slice %arg2[%dma_start3A_37, %dma_start3A_38] : memref<10240x64xf32, #tpu.memory_space<hbm>> -> memref<10240x64xf32, #tpu.memory_space<hbm>>
    tpu.enqueue_indirect_dma source(%dma_start3A_39 : memref<10240x64xf32, #tpu.memory_space<hbm>>) target(%dma_start3A_33 : memref<128x64xf32, #tpu.memory_space<vmem>>) offsets(%dma_start3A_36 : memref<128xi32, #tpu.memory_space<vmem>>) semaphore(%arg10 : memref<!tpu.dma_semaphore, #tpu.memory_space<semaphore_mem>>)
    %dma_start3A_40 = arith.constant 3 : i32
    %dma_start3A_41 = arith.constant 3 : i32
    %dma_start3A_42 = arith.constant 0 : i32
    %dma_start3A_43 = arith.constant 0 : i32
    %dma_start3A_44 = tpu.memref_slice %arg8[%dma_start3A_41, %dma_start3A_42, %dma_start3A_43] : memref<8x128x64xf32, #tpu.memory_space<vmem>> -> memref<1x128x64xf32, #tpu.memory_space<vmem>>
    %dma_start3A_45 = tpu.memref_squeeze %dma_start3A_44 : memref<1x128x64xf32, #tpu.memory_space<vmem>> -> memref<128x64xf32, #tpu.memory_space<vmem>>
    %dma_start3A_46 = arith.constant 0 : i32
    %dma_start3A_47 = tpu.memref_slice %arg6[%dma_start3A_40, %dma_start3A_46] : memref<80x128xi32, #tpu.memory_space<vmem>> -> memref<1x128xi32, #tpu.memory_space<vmem>>
    %dma_start3A_48 = tpu.memref_squeeze %dma_start3A_47 : memref<1x128xi32, #tpu.memory_space<vmem>> -> memref<128xi32, #tpu.memory_space<vmem>>
    %dma_start3A_49 = arith.constant 0 : i32
    %dma_start3A_50 = arith.constant 0 : i32
    %dma_start3A_51 = tpu.memref_slice %arg2[%dma_start3A_49, %dma_start3A_50] : memref<10240x64xf32, #tpu.memory_space<hbm>> -> memref<10240x64xf32, #tpu.memory_space<hbm>>
    tpu.enqueue_indirect_dma source(%dma_start3A_51 : memref<10240x64xf32, #tpu.memory_space<hbm>>) target(%dma_start3A_45 : memref<128x64xf32, #tpu.memory_space<vmem>>) offsets(%dma_start3A_48 : memref<128xi32, #tpu.memory_space<vmem>>) semaphore(%arg10 : memref<!tpu.dma_semaphore, #tpu.memory_space<semaphore_mem>>)
    %scan3A = arith.constant 0 : i32
    %scan3A_52 = arith.constant 0 : i32
    %scan3A_53 = arith.constant 128 : i32
    %scan3A_54 = arith.addi %scan3A_52, %scan3A_53 : i32
    %scan3A_55 = arith.constant 1 : i32
    scf.for %scan3A_258 = %scan3A_52 to %scan3A_54 step %scan3A_55  : i32 {
      %broadcast_in_dim3A = arith.constant 0.000000e+00 : f32
      %broadcast_in_dim3A_259 = vector.broadcast %broadcast_in_dim3A : f32 to vector<16xf32>
      %swap3A = arith.constant 4 : i32
      %swap3A_260 = arith.index_cast %swap3A : i32 to index
      %swap3A_261 = arith.index_cast %scan3A_258 : i32 to index
      %swap3A_262 = arith.constant 0 : index
      %swap3A_263 = tpu.vector_load %arg8[%swap3A_260, %swap3A_261, %swap3A_262] {strides = array<i32>} : memref<8x128x64xf32, #tpu.memory_space<vmem>>, vector<1x1x16xf32>,
      %swap3A_264 = vector.shape_cast %swap3A_263 : vector<1x1x16xf32> to vector<16xf32>
      %swap3A_265 = vector.shape_cast %broadcast_in_dim3A_259 : vector<16xf32> to vector<1x1x16xf32>
      tpu.vector_store %arg8[%swap3A_260, %swap3A_261, %swap3A_262], %swap3A_265 {strides = array<i32>} : memref<8x128x64xf32, #tpu.memory_space<vmem>>, vector<1x1x16xf32>,
      %broadcast_in_dim3A_266 = arith.constant 0.000000e+00 : f32
      %broadcast_in_dim3A_267 = vector.broadcast %broadcast_in_dim3A_266 : f32 to vector<16xf32>
      %swap3A_268 = arith.constant 4 : i32
      %swap3A_269 = arith.index_cast %swap3A_268 : i32 to index
      %swap3A_270 = arith.index_cast %scan3A_258 : i32 to index
      %swap3A_271 = arith.constant 16 : index
      %swap3A_272 = tpu.vector_load %arg8[%swap3A_269, %swap3A_270, %swap3A_271] {strides = array<i32>} : memref<8x128x64xf32, #tpu.memory_space<vmem>>, vector<1x1x16xf32>,
      %swap3A_273 = vector.shape_cast %swap3A_272 : vector<1x1x16xf32> to vector<16xf32>
      %swap3A_274 = vector.shape_cast %broadcast_in_dim3A_267 : vector<16xf32> to vector<1x1x16xf32>
      tpu.vector_store %arg8[%swap3A_269, %swap3A_270, %swap3A_271], %swap3A_274 {strides = array<i32>} : memref<8x128x64xf32, #tpu.memory_space<vmem>>, vector<1x1x16xf32>,
      %broadcast_in_dim3A_275 = arith.constant 0.000000e+00 : f32
      %broadcast_in_dim3A_276 = vector.broadcast %broadcast_in_dim3A_275 : f32 to vector<16xf32>
      %swap3A_277 = arith.constant 4 : i32
      %swap3A_278 = arith.index_cast %swap3A_277 : i32 to index
      %swap3A_279 = arith.index_cast %scan3A_258 : i32 to index
      %swap3A_280 = arith.constant 32 : index
      %swap3A_281 = tpu.vector_load %arg8[%swap3A_278, %swap3A_279, %swap3A_280] {strides = array<i32>} : memref<8x128x64xf32, #tpu.memory_space<vmem>>, vector<1x1x16xf32>,
      %swap3A_282 = vector.shape_cast %swap3A_281 : vector<1x1x16xf32> to vector<16xf32>
      %swap3A_283 = vector.shape_cast %broadcast_in_dim3A_276 : vector<16xf32> to vector<1x1x16xf32>
      tpu.vector_store %arg8[%swap3A_278, %swap3A_279, %swap3A_280], %swap3A_283 {strides = array<i32>} : memref<8x128x64xf32, #tpu.memory_space<vmem>>, vector<1x1x16xf32>,
      %broadcast_in_dim3A_284 = arith.constant 0.000000e+00 : f32
      %broadcast_in_dim3A_285 = vector.broadcast %broadcast_in_dim3A_284 : f32 to vector<16xf32>
      %swap3A_286 = arith.constant 4 : i32
      %swap3A_287 = arith.index_cast %swap3A_286 : i32 to index
      %swap3A_288 = arith.index_cast %scan3A_258 : i32 to index
      %swap3A_289 = arith.constant 48 : index
      %swap3A_290 = tpu.vector_load %arg8[%swap3A_287, %swap3A_288, %swap3A_289] {strides = array<i32>} : memref<8x128x64xf32, #tpu.memory_space<vmem>>, vector<1x1x16xf32>,
      %swap3A_291 = vector.shape_cast %swap3A_290 : vector<1x1x16xf32> to vector<16xf32>
      %swap3A_292 = vector.shape_cast %broadcast_in_dim3A_285 : vector<16xf32> to vector<1x1x16xf32>
      tpu.vector_store %arg8[%swap3A_287, %swap3A_288, %swap3A_289], %swap3A_292 {strides = array<i32>} : memref<8x128x64xf32, #tpu.memory_space<vmem>>, vector<1x1x16xf32>,
    }
    %scan3A_56 = arith.constant 128 : i32
    %mul3A_57 = arith.constant 640 : i32
    %mul3A_58 = arith.muli %arg1, %mul3A_57 : i32
    %add3A_59 = arith.constant 0 : i32
    %add3A_60 = arith.addi %mul3A_58, %add3A_59 : i32
    %dma_start3A_61 = arith.constant 4 : i32
    %dma_start3A_62 = arith.constant 0 : i32
    %dma_start3A_63 = arith.constant 0 : i32
    %dma_start3A_64 = tpu.memref_slice %arg8[%dma_start3A_61, %dma_start3A_62, %dma_start3A_63] : memref<8x128x64xf32, #tpu.memory_space<vmem>> -> memref<1x128x64xf32, #tpu.memory_space<vmem>>
    %dma_start3A_65 = tpu.memref_squeeze %dma_start3A_64 : memref<1x128x64xf32, #tpu.memory_space<vmem>> -> memref<128x64xf32, #tpu.memory_space<vmem>>
    %dma_start3A_66 = arith.constant 0 : i32
    %dma_start3A_67 = tpu.memref_slice %arg9[%add3A_60, %dma_start3A_66] : memref<10240x64xf32, #tpu.memory_space<vmem_shared>> -> memref<128x64xf32, #tpu.memory_space<vmem_shared>>
    %dma_start3A_68 = arith.constant 0 : i32
    %dma_start3A_69 = tpu.memref_slice %arg9[%add3A_60, %dma_start3A_68] : memref<10240x64xf32, #tpu.memory_space<vmem_shared>> -> memref<128x64xf32, #tpu.memory_space<vmem_shared>>
    %dma_start3A_70 = arith.constant 0 : i32
    %dma_start3A_71 = arith.constant 0 : i32
    %dma_start3A_72 = tpu.memref_slice %arg8[%dma_start3A_61, %dma_start3A_70, %dma_start3A_71] : memref<8x128x64xf32, #tpu.memory_space<vmem>> -> memref<1x128x64xf32, #tpu.memory_space<vmem>>
    %dma_start3A_73 = tpu.memref_squeeze %dma_start3A_72 : memref<1x128x64xf32, #tpu.memory_space<vmem>> -> memref<128x64xf32, #tpu.memory_space<vmem>>
    tpu.enqueue_dma source(%dma_start3A_73 : memref<128x64xf32, #tpu.memory_space<vmem>>) target(%dma_start3A_69 : memref<128x64xf32, #tpu.memory_space<vmem_shared>>) target_semaphore(%arg12 : memref<!tpu.dma_semaphore, #tpu.memory_space<semaphore_mem>>)
    %mul3A_74 = arith.constant 640 : i32
    %mul3A_75 = arith.muli %arg1, %mul3A_74 : i32
    %add3A_76 = arith.constant 128 : i32
    %add3A_77 = arith.addi %mul3A_75, %add3A_76 : i32
    %dma_start3A_78 = arith.constant 4 : i32
    %dma_start3A_79 = arith.constant 0 : i32
    %dma_start3A_80 = arith.constant 0 : i32
    %dma_start3A_81 = tpu.memref_slice %arg8[%dma_start3A_78, %dma_start3A_79, %dma_start3A_80] : memref<8x128x64xf32, #tpu.memory_space<vmem>> -> memref<1x128x64xf32, #tpu.memory_space<vmem>>
    %dma_start3A_82 = tpu.memref_squeeze %dma_start3A_81 : memref<1x128x64xf32, #tpu.memory_space<vmem>> -> memref<128x64xf32, #tpu.memory_space<vmem>>
    %dma_start3A_83 = arith.constant 0 : i32
    %dma_start3A_84 = tpu.memref_slice %arg9[%add3A_77, %dma_start3A_83] : memref<10240x64xf32, #tpu.memory_space<vmem_shared>> -> memref<128x64xf32, #tpu.memory_space<vmem_shared>>
    %dma_start3A_85 = arith.constant 0 : i32
    %dma_start3A_86 = tpu.memref_slice %arg9[%add3A_77, %dma_start3A_85] : memref<10240x64xf32, #tpu.memory_space<vmem_shared>> -> memref<128x64xf32, #tpu.memory_space<vmem_shared>>
    %dma_start3A_87 = arith.constant 0 : i32
    %dma_start3A_88 = arith.constant 0 : i32
    %dma_start3A_89 = tpu.memref_slice %arg8[%dma_start3A_78, %dma_start3A_87, %dma_start3A_88] : memref<8x128x64xf32, #tpu.memory_space<vmem>> -> memref<1x128x64xf32, #tpu.memory_space<vmem>>
    %dma_start3A_90 = tpu.memref_squeeze %dma_start3A_89 : memref<1x128x64xf32, #tpu.memory_space<vmem>> -> memref<128x64xf32, #tpu.memory_space<vmem>>
    tpu.enqueue_dma source(%dma_start3A_90 : memref<128x64xf32, #tpu.memory_space<vmem>>) target(%dma_start3A_86 : memref<128x64xf32, #tpu.memory_space<vmem_shared>>) target_semaphore(%arg12 : memref<!tpu.dma_semaphore, #tpu.memory_space<semaphore_mem>>)
    %mul3A_91 = arith.constant 640 : i32
    %mul3A_92 = arith.muli %arg1, %mul3A_91 : i32
    %add3A_93 = arith.constant 256 : i32
    %add3A_94 = arith.addi %mul3A_92, %add3A_93 : i32
    %dma_start3A_95 = arith.constant 4 : i32
    %dma_start3A_96 = arith.constant 0 : i32
    %dma_start3A_97 = arith.constant 0 : i32
    %dma_start3A_98 = tpu.memref_slice %arg8[%dma_start3A_95, %dma_start3A_96, %dma_start3A_97] : memref<8x128x64xf32, #tpu.memory_space<vmem>> -> memref<1x128x64xf32, #tpu.memory_space<vmem>>
    %dma_start3A_99 = tpu.memref_squeeze %dma_start3A_98 : memref<1x128x64xf32, #tpu.memory_space<vmem>> -> memref<128x64xf32, #tpu.memory_space<vmem>>
    %dma_start3A_100 = arith.constant 0 : i32
    %dma_start3A_101 = tpu.memref_slice %arg9[%add3A_94, %dma_start3A_100] : memref<10240x64xf32, #tpu.memory_space<vmem_shared>> -> memref<128x64xf32, #tpu.memory_space<vmem_shared>>
    %dma_start3A_102 = arith.constant 0 : i32
    %dma_start3A_103 = tpu.memref_slice %arg9[%add3A_94, %dma_start3A_102] : memref<10240x64xf32, #tpu.memory_space<vmem_shared>> -> memref<128x64xf32, #tpu.memory_space<vmem_shared>>
    %dma_start3A_104 = arith.constant 0 : i32
    %dma_start3A_105 = arith.constant 0 : i32
    %dma_start3A_106 = tpu.memref_slice %arg8[%dma_start3A_95, %dma_start3A_104, %dma_start3A_105] : memref<8x128x64xf32, #tpu.memory_space<vmem>> -> memref<1x128x64xf32, #tpu.memory_space<vmem>>
    %dma_start3A_107 = tpu.memref_squeeze %dma_start3A_106 : memref<1x128x64xf32, #tpu.memory_space<vmem>> -> memref<128x64xf32, #tpu.memory_space<vmem>>
    tpu.enqueue_dma source(%dma_start3A_107 : memref<128x64xf32, #tpu.memory_space<vmem>>) target(%dma_start3A_103 : memref<128x64xf32, #tpu.memory_space<vmem_shared>>) target_semaphore(%arg12 : memref<!tpu.dma_semaphore, #tpu.memory_space<semaphore_mem>>)
    %mul3A_108 = arith.constant 640 : i32
    %mul3A_109 = arith.muli %arg1, %mul3A_108 : i32
    %add3A_110 = arith.constant 384 : i32
    %add3A_111 = arith.addi %mul3A_109, %add3A_110 : i32
    %dma_start3A_112 = arith.constant 4 : i32
    %dma_start3A_113 = arith.constant 0 : i32
    %dma_start3A_114 = arith.constant 0 : i32
    %dma_start3A_115 = tpu.memref_slice %arg8[%dma_start3A_112, %dma_start3A_113, %dma_start3A_114] : memref<8x128x64xf32, #tpu.memory_space<vmem>> -> memref<1x128x64xf32, #tpu.memory_space<vmem>>
    %dma_start3A_116 = tpu.memref_squeeze %dma_start3A_115 : memref<1x128x64xf32, #tpu.memory_space<vmem>> -> memref<128x64xf32, #tpu.memory_space<vmem>>
    %dma_start3A_117 = arith.constant 0 : i32
    %dma_start3A_118 = tpu.memref_slice %arg9[%add3A_111, %dma_start3A_117] : memref<10240x64xf32, #tpu.memory_space<vmem_shared>> -> memref<128x64xf32, #tpu.memory_space<vmem_shared>>
    %dma_start3A_119 = arith.constant 0 : i32
    %dma_start3A_120 = tpu.memref_slice %arg9[%add3A_111, %dma_start3A_119] : memref<10240x64xf32, #tpu.memory_space<vmem_shared>> -> memref<128x64xf32, #tpu.memory_space<vmem_shared>>
    %dma_start3A_121 = arith.constant 0 : i32
    %dma_start3A_122 = arith.constant 0 : i32
    %dma_start3A_123 = tpu.memref_slice %arg8[%dma_start3A_112, %dma_start3A_121, %dma_start3A_122] : memref<8x128x64xf32, #tpu.memory_space<vmem>> -> memref<1x128x64xf32, #tpu.memory_space<vmem>>
    %dma_start3A_124 = tpu.memref_squeeze %dma_start3A_123 : memref<1x128x64xf32, #tpu.memory_space<vmem>> -> memref<128x64xf32, #tpu.memory_space<vmem>>
    tpu.enqueue_dma source(%dma_start3A_124 : memref<128x64xf32, #tpu.memory_space<vmem>>) target(%dma_start3A_120 : memref<128x64xf32, #tpu.memory_space<vmem_shared>>) target_semaphore(%arg12 : memref<!tpu.dma_semaphore, #tpu.memory_space<semaphore_mem>>)
    %mul3A_125 = arith.constant 640 : i32
    %mul3A_126 = arith.muli %arg1, %mul3A_125 : i32
    %add3A_127 = arith.constant 512 : i32
    %add3A_128 = arith.addi %mul3A_126, %add3A_127 : i32
    %dma_start3A_129 = arith.constant 4 : i32
    %dma_start3A_130 = arith.constant 0 : i32
    %dma_start3A_131 = arith.constant 0 : i32
    %dma_start3A_132 = tpu.memref_slice %arg8[%dma_start3A_129, %dma_start3A_130, %dma_start3A_131] : memref<8x128x64xf32, #tpu.memory_space<vmem>> -> memref<1x128x64xf32, #tpu.memory_space<vmem>>
    %dma_start3A_133 = tpu.memref_squeeze %dma_start3A_132 : memref<1x128x64xf32, #tpu.memory_space<vmem>> -> memref<128x64xf32, #tpu.memory_space<vmem>>
    %dma_start3A_134 = arith.constant 0 : i32
    %dma_start3A_135 = tpu.memref_slice %arg9[%add3A_128, %dma_start3A_134] : memref<10240x64xf32, #tpu.memory_space<vmem_shared>> -> memref<128x64xf32, #tpu.memory_space<vmem_shared>>
    %dma_start3A_136 = arith.constant 0 : i32
    %dma_start3A_137 = tpu.memref_slice %arg9[%add3A_128, %dma_start3A_136] : memref<10240x64xf32, #tpu.memory_space<vmem_shared>> -> memref<128x64xf32, #tpu.memory_space<vmem_shared>>
    %dma_start3A_138 = arith.constant 0 : i32
    %dma_start3A_139 = arith.constant 0 : i32
    %dma_start3A_140 = tpu.memref_slice %arg8[%dma_start3A_129, %dma_start3A_138, %dma_start3A_139] : memref<8x128x64xf32, #tpu.memory_space<vmem>> -> memref<1x128x64xf32, #tpu.memory_space<vmem>>
    %dma_start3A_141 = tpu.memref_squeeze %dma_start3A_140 : memref<1x128x64xf32, #tpu.memory_space<vmem>> -> memref<128x64xf32, #tpu.memory_space<vmem>>
    tpu.enqueue_dma source(%dma_start3A_141 : memref<128x64xf32, #tpu.memory_space<vmem>>) target(%dma_start3A_137 : memref<128x64xf32, #tpu.memory_space<vmem_shared>>) target_semaphore(%arg12 : memref<!tpu.dma_semaphore, #tpu.memory_space<semaphore_mem>>)
    %mul3A_142 = arith.constant 640 : i32
    %mul3A_143 = arith.muli %arg1, %mul3A_142 : i32
    %dma_wait3A = arith.constant 4 : i32
    %dma_wait3A_144 = arith.constant 0 : i32
    %dma_wait3A_145 = arith.constant 0 : i32
    %dma_wait3A_146 = tpu.memref_slice %arg8[%dma_wait3A, %dma_wait3A_144, %dma_wait3A_145] : memref<8x128x64xf32, #tpu.memory_space<vmem>> -> memref<1x128x64xf32, #tpu.memory_space<vmem>>
    %dma_wait3A_147 = tpu.memref_squeeze %dma_wait3A_146 : memref<1x128x64xf32, #tpu.memory_space<vmem>> -> memref<128x64xf32, #tpu.memory_space<vmem>>
    %dma_wait3A_148 = arith.constant 0 : i32
    %dma_wait3A_149 = tpu.memref_slice %arg9[%mul3A_143, %dma_wait3A_148] : memref<10240x64xf32, #tpu.memory_space<vmem_shared>> -> memref<128x64xf32, #tpu.memory_space<vmem_shared>>
    %dma_wait3A_150 = arith.constant 0 : i32
    %dma_wait3A_151 = tpu.memref_slice %arg9[%mul3A_143, %dma_wait3A_150] : memref<10240x64xf32, #tpu.memory_space<vmem_shared>> -> memref<128x64xf32, #tpu.memory_space<vmem_shared>>
    %dma_wait3A_152 = arith.constant 0 : i32
    %dma_wait3A_153 = arith.constant 0 : i32
    %dma_wait3A_154 = tpu.memref_slice %arg8[%dma_wait3A, %dma_wait3A_152, %dma_wait3A_153] : memref<8x128x64xf32, #tpu.memory_space<vmem>> -> memref<1x128x64xf32, #tpu.memory_space<vmem>>
    %dma_wait3A_155 = tpu.memref_squeeze %dma_wait3A_154 : memref<1x128x64xf32, #tpu.memory_space<vmem>> -> memref<128x64xf32, #tpu.memory_space<vmem>>
    tpu.wait_dma2 semaphore(%arg12 : memref<!tpu.dma_semaphore, #tpu.memory_space<semaphore_mem>>) src(%dma_wait3A_155 : memref<128x64xf32, #tpu.memory_space<vmem>>) dst(%dma_wait3A_151 : memref<128x64xf32, #tpu.memory_space<vmem_shared>>)
    %mul3A_156 = arith.constant 640 : i32
    %mul3A_157 = arith.muli %arg1, %mul3A_156 : i32
    %dma_wait3A_158 = arith.constant 4 : i32
    %dma_wait3A_159 = arith.constant 0 : i32
    %dma_wait3A_160 = arith.constant 0 : i32
    %dma_wait3A_161 = tpu.memref_slice %arg8[%dma_wait3A_158, %dma_wait3A_159, %dma_wait3A_160] : memref<8x128x64xf32, #tpu.memory_space<vmem>> -> memref<1x128x64xf32, #tpu.memory_space<vmem>>
    %dma_wait3A_162 = tpu.memref_squeeze %dma_wait3A_161 : memref<1x128x64xf32, #tpu.memory_space<vmem>> -> memref<128x64xf32, #tpu.memory_space<vmem>>
    %dma_wait3A_163 = arith.constant 0 : i32
    %dma_wait3A_164 = tpu.memref_slice %arg9[%mul3A_157, %dma_wait3A_163] : memref<10240x64xf32, #tpu.memory_space<vmem_shared>> -> memref<128x64xf32, #tpu.memory_space<vmem_shared>>
    %dma_wait3A_165 = arith.constant 0 : i32
    %dma_wait3A_166 = tpu.memref_slice %arg9[%mul3A_157, %dma_wait3A_165] : memref<10240x64xf32, #tpu.memory_space<vmem_shared>> -> memref<128x64xf32, #tpu.memory_space<vmem_shared>>
    %dma_wait3A_167 = arith.constant 0 : i32
    %dma_wait3A_168 = arith.constant 0 : i32
    %dma_wait3A_169 = tpu.memref_slice %arg8[%dma_wait3A_158, %dma_wait3A_167, %dma_wait3A_168] : memref<8x128x64xf32, #tpu.memory_space<vmem>> -> memref<1x128x64xf32, #tpu.memory_space<vmem>>
    %dma_wait3A_170 = tpu.memref_squeeze %dma_wait3A_169 : memref<1x128x64xf32, #tpu.memory_space<vmem>> -> memref<128x64xf32, #tpu.memory_space<vmem>>
    tpu.wait_dma2 semaphore(%arg12 : memref<!tpu.dma_semaphore, #tpu.memory_space<semaphore_mem>>) src(%dma_wait3A_170 : memref<128x64xf32, #tpu.memory_space<vmem>>) dst(%dma_wait3A_166 : memref<128x64xf32, #tpu.memory_space<vmem_shared>>)
    %mul3A_171 = arith.constant 640 : i32
    %mul3A_172 = arith.muli %arg1, %mul3A_171 : i32
    %dma_wait3A_173 = arith.constant 4 : i32
    %dma_wait3A_174 = arith.constant 0 : i32
    %dma_wait3A_175 = arith.constant 0 : i32
    %dma_wait3A_176 = tpu.memref_slice %arg8[%dma_wait3A_173, %dma_wait3A_174, %dma_wait3A_175] : memref<8x128x64xf32, #tpu.memory_space<vmem>> -> memref<1x128x64xf32, #tpu.memory_space<vmem>>
    %dma_wait3A_177 = tpu.memref_squeeze %dma_wait3A_176 : memref<1x128x64xf32, #tpu.memory_space<vmem>> -> memref<128x64xf32, #tpu.memory_space<vmem>>
    %dma_wait3A_178 = arith.constant 0 : i32
    %dma_wait3A_179 = tpu.memref_slice %arg9[%mul3A_172, %dma_wait3A_178] : memref<10240x64xf32, #tpu.memory_space<vmem_shared>> -> memref<128x64xf32, #tpu.memory_space<vmem_shared>>
    %dma_wait3A_180 = arith.constant 0 : i32
    %dma_wait3A_181 = tpu.memref_slice %arg9[%mul3A_172, %dma_wait3A_180] : memref<10240x64xf32, #tpu.memory_space<vmem_shared>> -> memref<128x64xf32, #tpu.memory_space<vmem_shared>>
    %dma_wait3A_182 = arith.constant 0 : i32
    %dma_wait3A_183 = arith.constant 0 : i32
    %dma_wait3A_184 = tpu.memref_slice %arg8[%dma_wait3A_173, %dma_wait3A_182, %dma_wait3A_183] : memref<8x128x64xf32, #tpu.memory_space<vmem>> -> memref<1x128x64xf32, #tpu.memory_space<vmem>>
    %dma_wait3A_185 = tpu.memref_squeeze %dma_wait3A_184 : memref<1x128x64xf32, #tpu.memory_space<vmem>> -> memref<128x64xf32, #tpu.memory_space<vmem>>
    tpu.wait_dma2 semaphore(%arg12 : memref<!tpu.dma_semaphore, #tpu.memory_space<semaphore_mem>>) src(%dma_wait3A_185 : memref<128x64xf32, #tpu.memory_space<vmem>>) dst(%dma_wait3A_181 : memref<128x64xf32, #tpu.memory_space<vmem_shared>>)
    %mul3A_186 = arith.constant 640 : i32
    %mul3A_187 = arith.muli %arg1, %mul3A_186 : i32
    %dma_wait3A_188 = arith.constant 4 : i32
    %dma_wait3A_189 = arith.constant 0 : i32
    %dma_wait3A_190 = arith.constant 0 : i32
    %dma_wait3A_191 = tpu.memref_slice %arg8[%dma_wait3A_188, %dma_wait3A_189, %dma_wait3A_190] : memref<8x128x64xf32, #tpu.memory_space<vmem>> -> memref<1x128x64xf32, #tpu.memory_space<vmem>>
    %dma_wait3A_192 = tpu.memref_squeeze %dma_wait3A_191 : memref<1x128x64xf32, #tpu.memory_space<vmem>> -> memref<128x64xf32, #tpu.memory_space<vmem>>
    %dma_wait3A_193 = arith.constant 0 : i32
    %dma_wait3A_194 = tpu.memref_slice %arg9[%mul3A_187, %dma_wait3A_193] : memref<10240x64xf32, #tpu.memory_space<vmem_shared>> -> memref<128x64xf32, #tpu.memory_space<vmem_shared>>
    %dma_wait3A_195 = arith.constant 0 : i32
    %dma_wait3A_196 = tpu.memref_slice %arg9[%mul3A_187, %dma_wait3A_195] : memref<10240x64xf32, #tpu.memory_space<vmem_shared>> -> memref<128x64xf32, #tpu.memory_space<vmem_shared>>
    %dma_wait3A_197 = arith.constant 0 : i32
    %dma_wait3A_198 = arith.constant 0 : i32
    %dma_wait3A_199 = tpu.memref_slice %arg8[%dma_wait3A_188, %dma_wait3A_197, %dma_wait3A_198] : memref<8x128x64xf32, #tpu.memory_space<vmem>> -> memref<1x128x64xf32, #tpu.memory_space<vmem>>
    %dma_wait3A_200 = tpu.memref_squeeze %dma_wait3A_199 : memref<1x128x64xf32, #tpu.memory_space<vmem>> -> memref<128x64xf32, #tpu.memory_space<vmem>>
    tpu.wait_dma2 semaphore(%arg12 : memref<!tpu.dma_semaphore, #tpu.memory_space<semaphore_mem>>) src(%dma_wait3A_200 : memref<128x64xf32, #tpu.memory_space<vmem>>) dst(%dma_wait3A_196 : memref<128x64xf32, #tpu.memory_space<vmem_shared>>)
    %mul3A_201 = arith.constant 640 : i32
    %mul3A_202 = arith.muli %arg1, %mul3A_201 : i32
    %dma_wait3A_203 = arith.constant 4 : i32
    %dma_wait3A_204 = arith.constant 0 : i32
    %dma_wait3A_205 = arith.constant 0 : i32
    %dma_wait3A_206 = tpu.memref_slice %arg8[%dma_wait3A_203, %dma_wait3A_204, %dma_wait3A_205] : memref<8x128x64xf32, #tpu.memory_space<vmem>> -> memref<1x128x64xf32, #tpu.memory_space<vmem>>
    %dma_wait3A_207 = tpu.memref_squeeze %dma_wait3A_206 : memref<1x128x64xf32, #tpu.memory_space<vmem>> -> memref<128x64xf32, #tpu.memory_space<vmem>>
    %dma_wait3A_208 = arith.constant 0 : i32
    %dma_wait3A_209 = tpu.memref_slice %arg9[%mul3A_202, %dma_wait3A_208] : memref<10240x64xf32, #tpu.memory_space<vmem_shared>> -> memref<128x64xf32, #tpu.memory_space<vmem_shared>>
    %dma_wait3A_210 = arith.constant 0 : i32
    %dma_wait3A_211 = tpu.memref_slice %arg9[%mul3A_202, %dma_wait3A_210] : memref<10240x64xf32, #tpu.memory_space<vmem_shared>> -> memref<128x64xf32, #tpu.memory_space<vmem_shared>>
    %dma_wait3A_212 = arith.constant 0 : i32
    %dma_wait3A_213 = arith.constant 0 : i32
    %dma_wait3A_214 = tpu.memref_slice %arg8[%dma_wait3A_203, %dma_wait3A_212, %dma_wait3A_213] : memref<8x128x64xf32, #tpu.memory_space<vmem>> -> memref<1x128x64xf32, #tpu.memory_space<vmem>>
    %dma_wait3A_215 = tpu.memref_squeeze %dma_wait3A_214 : memref<1x128x64xf32, #tpu.memory_space<vmem>> -> memref<128x64xf32, #tpu.memory_space<vmem>>
    tpu.wait_dma2 semaphore(%arg12 : memref<!tpu.dma_semaphore, #tpu.memory_space<semaphore_mem>>) src(%dma_wait3A_215 : memref<128x64xf32, #tpu.memory_space<vmem>>) dst(%dma_wait3A_211 : memref<128x64xf32, #tpu.memory_space<vmem_shared>>)
    %barrier3A = arith.constant 0 : index
    tpu.barrier barrier_id(%barrier3A)
    %scan3A_216 = arith.constant 0 : i32
    %scan3A_217 = arith.constant 0 : i32
    %scan3A_218 = arith.constant 10 : i32
    %scan3A_219 = arith.addi %scan3A_217, %scan3A_218 : i32
    %scan3A_220 = arith.constant 1 : i32
    scf.for %scan3A_258 = %scan3A_217 to %scan3A_219 step %scan3A_220  : i32 {
      %mul3A_259 = arith.constant 2 : i32
      %mul3A_260 = arith.muli %scan3A_258, %mul3A_259 : i32
      %mul3A_261 = arith.constant 4 : i32
      %mul3A_262 = arith.muli %mul3A_260, %mul3A_261 : i32
      %add3A_263 = arith.constant 4 : i32
      %add3A_264 = arith.addi %mul3A_262, %add3A_263 : i32
      %add3A_265 = arith.constant 0 : i32
      %add3A_266 = arith.addi %add3A_264, %add3A_265 : i32
      %dma_start3A_267 = arith.constant 4 : i32
      %dma_start3A_268 = arith.constant 0 : i32
      %dma_start3A_269 = arith.constant 0 : i32
      %dma_start3A_270 = tpu.memref_slice %arg8[%dma_start3A_267, %dma_start3A_268, %dma_start3A_269] : memref<8x128x64xf32, #tpu.memory_space<vmem>> -> memref<1x128x64xf32, #tpu.memory_space<vmem>>
      %dma_start3A_271 = tpu.memref_squeeze %dma_start3A_270 : memref<1x128x64xf32, #tpu.memory_space<vmem>> -> memref<128x64xf32, #tpu.memory_space<vmem>>
      %dma_start3A_272 = arith.constant 0 : i32
      %dma_start3A_273 = tpu.memref_slice %arg6[%add3A_266, %dma_start3A_272] : memref<80x128xi32, #tpu.memory_space<vmem>> -> memref<1x128xi32, #tpu.memory_space<vmem>>
      %dma_start3A_274 = tpu.memref_squeeze %dma_start3A_273 : memref<1x128xi32, #tpu.memory_space<vmem>> -> memref<128xi32, #tpu.memory_space<vmem>>
      %dma_start3A_275 = arith.constant 0 : i32
      %dma_start3A_276 = arith.constant 0 : i32
      %dma_start3A_277 = tpu.memref_slice %arg2[%dma_start3A_275, %dma_start3A_276] : memref<10240x64xf32, #tpu.memory_space<hbm>> -> memref<10240x64xf32, #tpu.memory_space<hbm>>
      tpu.enqueue_indirect_dma source(%dma_start3A_277 : memref<10240x64xf32, #tpu.memory_space<hbm>>) target(%dma_start3A_271 : memref<128x64xf32, #tpu.memory_space<vmem>>) offsets(%dma_start3A_274 : memref<128xi32, #tpu.memory_space<vmem>>) semaphore(%arg11 : memref<!tpu.dma_semaphore, #tpu.memory_space<semaphore_mem>>)
      %add3A_278 = arith.constant 1 : i32
      %add3A_279 = arith.addi %add3A_264, %add3A_278 : i32
      %dma_start3A_280 = arith.constant 5 : i32
      %dma_start3A_281 = arith.constant 0 : i32
      %dma_start3A_282 = arith.constant 0 : i32
      %dma_start3A_283 = tpu.memref_slice %arg8[%dma_start3A_280, %dma_start3A_281, %dma_start3A_282] : memref<8x128x64xf32, #tpu.memory_space<vmem>> -> memref<1x128x64xf32, #tpu.memory_space<vmem>>
      %dma_start3A_284 = tpu.memref_squeeze %dma_start3A_283 : memref<1x128x64xf32, #tpu.memory_space<vmem>> -> memref<128x64xf32, #tpu.memory_space<vmem>>
      %dma_start3A_285 = arith.constant 0 : i32
      %dma_start3A_286 = tpu.memref_slice %arg6[%add3A_279, %dma_start3A_285] : memref<80x128xi32, #tpu.memory_space<vmem>> -> memref<1x128xi32, #tpu.memory_space<vmem>>
      %dma_start3A_287 = tpu.memref_squeeze %dma_start3A_286 : memref<1x128xi32, #tpu.memory_space<vmem>> -> memref<128xi32, #tpu.memory_space<vmem>>
      %dma_start3A_288 = arith.constant 0 : i32
      %dma_start3A_289 = arith.constant 0 : i32
      %dma_start3A_290 = tpu.memref_slice %arg2[%dma_start3A_288, %dma_start3A_289] : memref<10240x64xf32, #tpu.memory_space<hbm>> -> memref<10240x64xf32, #tpu.memory_space<hbm>>
      tpu.enqueue_indirect_dma source(%dma_start3A_290 : memref<10240x64xf32, #tpu.memory_space<hbm>>) target(%dma_start3A_284 : memref<128x64xf32, #tpu.memory_space<vmem>>) offsets(%dma_start3A_287 : memref<128xi32, #tpu.memory_space<vmem>>) semaphore(%arg11 : memref<!tpu.dma_semaphore, #tpu.memory_space<semaphore_mem>>)
      %add3A_291 = arith.constant 2 : i32
      %add3A_292 = arith.addi %add3A_264, %add3A_291 : i32
      %dma_start3A_293 = arith.constant 6 : i32
      %dma_start3A_294 = arith.constant 0 : i32
      %dma_start3A_295 = arith.constant 0 : i32
      %dma_start3A_296 = tpu.memref_slice %arg8[%dma_start3A_293, %dma_start3A_294, %dma_start3A_295] : memref<8x128x64xf32, #tpu.memory_space<vmem>> -> memref<1x128x64xf32, #tpu.memory_space<vmem>>
      %dma_start3A_297 = tpu.memref_squeeze %dma_start3A_296 : memref<1x128x64xf32, #tpu.memory_space<vmem>> -> memref<128x64xf32, #tpu.memory_space<vmem>>
      %dma_start3A_298 = arith.constant 0 : i32
      %dma_start3A_299 = tpu.memref_slice %arg6[%add3A_292, %dma_start3A_298] : memref<80x128xi32, #tpu.memory_space<vmem>> -> memref<1x128xi32, #tpu.memory_space<vmem>>
      %dma_start3A_300 = tpu.memref_squeeze %dma_start3A_299 : memref<1x128xi32, #tpu.memory_space<vmem>> -> memref<128xi32, #tpu.memory_space<vmem>>
      %dma_start3A_301 = arith.constant 0 : i32
      %dma_start3A_302 = arith.constant 0 : i32
      %dma_start3A_303 = tpu.memref_slice %arg2[%dma_start3A_301, %dma_start3A_302] : memref<10240x64xf32, #tpu.memory_space<hbm>> -> memref<10240x64xf32, #tpu.memory_space<hbm>>
      tpu.enqueue_indirect_dma source(%dma_start3A_303 : memref<10240x64xf32, #tpu.memory_space<hbm>>) target(%dma_start3A_297 : memref<128x64xf32, #tpu.memory_space<vmem>>) offsets(%dma_start3A_300 : memref<128xi32, #tpu.memory_space<vmem>>) semaphore(%arg11 : memref<!tpu.dma_semaphore, #tpu.memory_space<semaphore_mem>>)
      %add3A_304 = arith.constant 3 : i32
      %add3A_305 = arith.addi %add3A_264, %add3A_304 : i32
      %dma_start3A_306 = arith.constant 7 : i32
      %dma_start3A_307 = arith.constant 0 : i32
      %dma_start3A_308 = arith.constant 0 : i32
      %dma_start3A_309 = tpu.memref_slice %arg8[%dma_start3A_306, %dma_start3A_307, %dma_start3A_308] : memref<8x128x64xf32, #tpu.memory_space<vmem>> -> memref<1x128x64xf32, #tpu.memory_space<vmem>>
      %dma_start3A_310 = tpu.memref_squeeze %dma_start3A_309 : memref<1x128x64xf32, #tpu.memory_space<vmem>> -> memref<128x64xf32, #tpu.memory_space<vmem>>
      %dma_start3A_311 = arith.constant 0 : i32
      %dma_start3A_312 = tpu.memref_slice %arg6[%add3A_305, %dma_start3A_311] : memref<80x128xi32, #tpu.memory_space<vmem>> -> memref<1x128xi32, #tpu.memory_space<vmem>>
      %dma_start3A_313 = tpu.memref_squeeze %dma_start3A_312 : memref<1x128xi32, #tpu.memory_space<vmem>> -> memref<128xi32, #tpu.memory_space<vmem>>
      %dma_start3A_314 = arith.constant 0 : i32
      %dma_start3A_315 = arith.constant 0 : i32
      %dma_start3A_316 = tpu.memref_slice %arg2[%dma_start3A_314, %dma_start3A_315] : memref<10240x64xf32, #tpu.memory_space<hbm>> -> memref<10240x64xf32, #tpu.memory_space<hbm>>
      tpu.enqueue_indirect_dma source(%dma_start3A_316 : memref<10240x64xf32, #tpu.memory_space<hbm>>) target(%dma_start3A_310 : memref<128x64xf32, #tpu.memory_space<vmem>>) offsets(%dma_start3A_313 : memref<128xi32, #tpu.memory_space<vmem>>) semaphore(%arg11 : memref<!tpu.dma_semaphore, #tpu.memory_space<semaphore_mem>>)
      %dma_wait3A_317 = arith.constant 0 : i32
      %dma_wait3A_318 = arith.constant 0 : i32
      %dma_wait3A_319 = arith.constant 0 : i32
      %dma_wait3A_320 = arith.constant 0 : i32
      %dma_wait3A_321 = tpu.memref_slice %arg8[%dma_wait3A_318, %dma_wait3A_319, %dma_wait3A_320] : memref<8x128x64xf32, #tpu.memory_space<vmem>> -> memref<1x128x64xf32, #tpu.memory_space<vmem>>
      %dma_wait3A_322 = tpu.memref_squeeze %dma_wait3A_321 : memref<1x128x64xf32, #tpu.memory_space<vmem>> -> memref<128x64xf32, #tpu.memory_space<vmem>>
      %dma_wait3A_323 = arith.constant 0 : i32
      %dma_wait3A_324 = tpu.memref_slice %arg6[%dma_wait3A_317, %dma_wait3A_323] : memref<80x128xi32, #tpu.memory_space<vmem>> -> memref<1x128xi32, #tpu.memory_space<vmem>>
      %dma_wait3A_325 = tpu.memref_squeeze %dma_wait3A_324 : memref<1x128xi32, #tpu.memory_space<vmem>> -> memref<128xi32, #tpu.memory_space<vmem>>
      %dma_wait3A_326 = arith.constant 0 : i32
      %dma_wait3A_327 = arith.constant 0 : i32
      %dma_wait3A_328 = tpu.memref_slice %arg2[%dma_wait3A_326, %dma_wait3A_327] : memref<10240x64xf32, #tpu.memory_space<hbm>> -> memref<10240x64xf32, #tpu.memory_space<hbm>>
      tpu.wait_indirect_dma semaphore(%arg10 : memref<!tpu.dma_semaphore, #tpu.memory_space<semaphore_mem>>) src(%dma_wait3A_328 : memref<10240x64xf32, #tpu.memory_space<hbm>>) dst(%dma_wait3A_322 : memref<128x64xf32, #tpu.memory_space<vmem>>)
      %add3A_329 = arith.constant 0 : i32
      %add3A_330 = arith.addi %mul3A_262, %add3A_329 : i32
      %dma_start3A_331 = arith.constant 0 : i32
      %dma_start3A_332 = arith.constant 0 : i32
      %dma_start3A_333 = arith.constant 0 : i32
      %dma_start3A_334 = tpu.memref_slice %arg8[%dma_start3A_331, %dma_start3A_332, %dma_start3A_333] : memref<8x128x64xf32, #tpu.memory_space<vmem>> -> memref<1x128x64xf32, #tpu.memory_space<vmem>>
      %dma_start3A_335 = tpu.memref_squeeze %dma_start3A_334 : memref<1x128x64xf32, #tpu.memory_space<vmem>> -> memref<128x64xf32, #tpu.memory_space<vmem>>
      %dma_start3A_336 = arith.constant 0 : i32
      %dma_start3A_337 = tpu.memref_slice %arg7[%add3A_330, %dma_start3A_336] : memref<80x128xi32, #tpu.memory_space<vmem>> -> memref<1x128xi32, #tpu.memory_space<vmem>>
      %dma_start3A_338 = tpu.memref_squeeze %dma_start3A_337 : memref<1x128xi32, #tpu.memory_space<vmem>> -> memref<128xi32, #tpu.memory_space<vmem>>
      %dma_start3A_339 = arith.constant 0 : i32
      %dma_start3A_340 = arith.constant 0 : i32
      %dma_start3A_341 = tpu.memref_slice %arg9[%dma_start3A_339, %dma_start3A_340] : memref<10240x64xf32, #tpu.memory_space<vmem_shared>> -> memref<10240x64xf32, #tpu.memory_space<vmem_shared>>
      tpu.enqueue_indirect_dma source(%dma_start3A_335 : memref<128x64xf32, #tpu.memory_space<vmem>>) target(%dma_start3A_341 : memref<10240x64xf32, #tpu.memory_space<vmem_shared>>) offsets(%dma_start3A_338 : memref<128xi32, #tpu.memory_space<vmem>>) semaphore(%arg12 : memref<!tpu.dma_semaphore, #tpu.memory_space<semaphore_mem>>) {add = true}
      %dma_wait3A_342 = arith.constant 0 : i32
      %dma_wait3A_343 = arith.constant 1 : i32
      %dma_wait3A_344 = arith.constant 0 : i32
      %dma_wait3A_345 = arith.constant 0 : i32
      %dma_wait3A_346 = tpu.memref_slice %arg8[%dma_wait3A_343, %dma_wait3A_344, %dma_wait3A_345] : memref<8x128x64xf32, #tpu.memory_space<vmem>> -> memref<1x128x64xf32, #tpu.memory_space<vmem>>
      %dma_wait3A_347 = tpu.memref_squeeze %dma_wait3A_346 : memref<1x128x64xf32, #tpu.memory_space<vmem>> -> memref<128x64xf32, #tpu.memory_space<vmem>>
      %dma_wait3A_348 = arith.constant 0 : i32
      %dma_wait3A_349 = tpu.memref_slice %arg6[%dma_wait3A_342, %dma_wait3A_348] : memref<80x128xi32, #tpu.memory_space<vmem>> -> memref<1x128xi32, #tpu.memory_space<vmem>>
      %dma_wait3A_350 = tpu.memref_squeeze %dma_wait3A_349 : memref<1x128xi32, #tpu.memory_space<vmem>> -> memref<128xi32, #tpu.memory_space<vmem>>
      %dma_wait3A_351 = arith.constant 0 : i32
      %dma_wait3A_352 = arith.constant 0 : i32
      %dma_wait3A_353 = tpu.memref_slice %arg2[%dma_wait3A_351, %dma_wait3A_352] : memref<10240x64xf32, #tpu.memory_space<hbm>> -> memref<10240x64xf32, #tpu.memory_space<hbm>>
      tpu.wait_indirect_dma semaphore(%arg10 : memref<!tpu.dma_semaphore, #tpu.memory_space<semaphore_mem>>) src(%dma_wait3A_353 : memref<10240x64xf32, #tpu.memory_space<hbm>>) dst(%dma_wait3A_347 : memref<128x64xf32, #tpu.memory_space<vmem>>)
      %add3A_354 = arith.constant 1 : i32
      %add3A_355 = arith.addi %mul3A_262, %add3A_354 : i32
      %dma_start3A_356 = arith.constant 1 : i32
      %dma_start3A_357 = arith.constant 0 : i32
      %dma_start3A_358 = arith.constant 0 : i32
      %dma_start3A_359 = tpu.memref_slice %arg8[%dma_start3A_356, %dma_start3A_357, %dma_start3A_358] : memref<8x128x64xf32, #tpu.memory_space<vmem>> -> memref<1x128x64xf32, #tpu.memory_space<vmem>>
      %dma_start3A_360 = tpu.memref_squeeze %dma_start3A_359 : memref<1x128x64xf32, #tpu.memory_space<vmem>> -> memref<128x64xf32, #tpu.memory_space<vmem>>
      %dma_start3A_361 = arith.constant 0 : i32
      %dma_start3A_362 = tpu.memref_slice %arg7[%add3A_355, %dma_start3A_361] : memref<80x128xi32, #tpu.memory_space<vmem>> -> memref<1x128xi32, #tpu.memory_space<vmem>>
      %dma_start3A_363 = tpu.memref_squeeze %dma_start3A_362 : memref<1x128xi32, #tpu.memory_space<vmem>> -> memref<128xi32, #tpu.memory_space<vmem>>
      %dma_start3A_364 = arith.constant 0 : i32
      %dma_start3A_365 = arith.constant 0 : i32
      %dma_start3A_366 = tpu.memref_slice %arg9[%dma_start3A_364, %dma_start3A_365] : memref<10240x64xf32, #tpu.memory_space<vmem_shared>> -> memref<10240x64xf32, #tpu.memory_space<vmem_shared>>
      tpu.enqueue_indirect_dma source(%dma_start3A_360 : memref<128x64xf32, #tpu.memory_space<vmem>>) target(%dma_start3A_366 : memref<10240x64xf32, #tpu.memory_space<vmem_shared>>) offsets(%dma_start3A_363 : memref<128xi32, #tpu.memory_space<vmem>>) semaphore(%arg12 : memref<!tpu.dma_semaphore, #tpu.memory_space<semaphore_mem>>) {add = true}
      %dma_wait3A_367 = arith.constant 0 : i32
      %dma_wait3A_368 = arith.constant 2 : i32
      %dma_wait3A_369 = arith.constant 0 : i32
      %dma_wait3A_370 = arith.constant 0 : i32
      %dma_wait3A_371 = tpu.memref_slice %arg8[%dma_wait3A_368, %dma_wait3A_369, %dma_wait3A_370] : memref<8x128x64xf32, #tpu.memory_space<vmem>> -> memref<1x128x64xf32, #tpu.memory_space<vmem>>
      %dma_wait3A_372 = tpu.memref_squeeze %dma_wait3A_371 : memref<1x128x64xf32, #tpu.memory_space<vmem>> -> memref<128x64xf32, #tpu.memory_space<vmem>>
      %dma_wait3A_373 = arith.constant 0 : i32
      %dma_wait3A_374 = tpu.memref_slice %arg6[%dma_wait3A_367, %dma_wait3A_373] : memref<80x128xi32, #tpu.memory_space<vmem>> -> memref<1x128xi32, #tpu.memory_space<vmem>>
      %dma_wait3A_375 = tpu.memref_squeeze %dma_wait3A_374 : memref<1x128xi32, #tpu.memory_space<vmem>> -> memref<128xi32, #tpu.memory_space<vmem>>
      %dma_wait3A_376 = arith.constant 0 : i32
      %dma_wait3A_377 = arith.constant 0 : i32
      %dma_wait3A_378 = tpu.memref_slice %arg2[%dma_wait3A_376, %dma_wait3A_377] : memref<10240x64xf32, #tpu.memory_space<hbm>> -> memref<10240x64xf32, #tpu.memory_space<hbm>>
      tpu.wait_indirect_dma semaphore(%arg10 : memref<!tpu.dma_semaphore, #tpu.memory_space<semaphore_mem>>) src(%dma_wait3A_378 : memref<10240x64xf32, #tpu.memory_space<hbm>>) dst(%dma_wait3A_372 : memref<128x64xf32, #tpu.memory_space<vmem>>)
      %add3A_379 = arith.constant 2 : i32
      %add3A_380 = arith.addi %mul3A_262, %add3A_379 : i32
      %dma_start3A_381 = arith.constant 2 : i32
      %dma_start3A_382 = arith.constant 0 : i32
      %dma_start3A_383 = arith.constant 0 : i32
      %dma_start3A_384 = tpu.memref_slice %arg8[%dma_start3A_381, %dma_start3A_382, %dma_start3A_383] : memref<8x128x64xf32, #tpu.memory_space<vmem>> -> memref<1x128x64xf32, #tpu.memory_space<vmem>>
      %dma_start3A_385 = tpu.memref_squeeze %dma_start3A_384 : memref<1x128x64xf32, #tpu.memory_space<vmem>> -> memref<128x64xf32, #tpu.memory_space<vmem>>
      %dma_start3A_386 = arith.constant 0 : i32
      %dma_start3A_387 = tpu.memref_slice %arg7[%add3A_380, %dma_start3A_386] : memref<80x128xi32, #tpu.memory_space<vmem>> -> memref<1x128xi32, #tpu.memory_space<vmem>>
      %dma_start3A_388 = tpu.memref_squeeze %dma_start3A_387 : memref<1x128xi32, #tpu.memory_space<vmem>> -> memref<128xi32, #tpu.memory_space<vmem>>
      %dma_start3A_389 = arith.constant 0 : i32
      %dma_start3A_390 = arith.constant 0 : i32
      %dma_start3A_391 = tpu.memref_slice %arg9[%dma_start3A_389, %dma_start3A_390] : memref<10240x64xf32, #tpu.memory_space<vmem_shared>> -> memref<10240x64xf32, #tpu.memory_space<vmem_shared>>
      tpu.enqueue_indirect_dma source(%dma_start3A_385 : memref<128x64xf32, #tpu.memory_space<vmem>>) target(%dma_start3A_391 : memref<10240x64xf32, #tpu.memory_space<vmem_shared>>) offsets(%dma_start3A_388 : memref<128xi32, #tpu.memory_space<vmem>>) semaphore(%arg12 : memref<!tpu.dma_semaphore, #tpu.memory_space<semaphore_mem>>) {add = true}
      %dma_wait3A_392 = arith.constant 0 : i32
      %dma_wait3A_393 = arith.constant 3 : i32
      %dma_wait3A_394 = arith.constant 0 : i32
      %dma_wait3A_395 = arith.constant 0 : i32
      %dma_wait3A_396 = tpu.memref_slice %arg8[%dma_wait3A_393, %dma_wait3A_394, %dma_wait3A_395] : memref<8x128x64xf32, #tpu.memory_space<vmem>> -> memref<1x128x64xf32, #tpu.memory_space<vmem>>
      %dma_wait3A_397 = tpu.memref_squeeze %dma_wait3A_396 : memref<1x128x64xf32, #tpu.memory_space<vmem>> -> memref<128x64xf32, #tpu.memory_space<vmem>>
      %dma_wait3A_398 = arith.constant 0 : i32
      %dma_wait3A_399 = tpu.memref_slice %arg6[%dma_wait3A_392, %dma_wait3A_398] : memref<80x128xi32, #tpu.memory_space<vmem>> -> memref<1x128xi32, #tpu.memory_space<vmem>>
      %dma_wait3A_400 = tpu.memref_squeeze %dma_wait3A_399 : memref<1x128xi32, #tpu.memory_space<vmem>> -> memref<128xi32, #tpu.memory_space<vmem>>
      %dma_wait3A_401 = arith.constant 0 : i32
      %dma_wait3A_402 = arith.constant 0 : i32
      %dma_wait3A_403 = tpu.memref_slice %arg2[%dma_wait3A_401, %dma_wait3A_402] : memref<10240x64xf32, #tpu.memory_space<hbm>> -> memref<10240x64xf32, #tpu.memory_space<hbm>>
      tpu.wait_indirect_dma semaphore(%arg10 : memref<!tpu.dma_semaphore, #tpu.memory_space<semaphore_mem>>) src(%dma_wait3A_403 : memref<10240x64xf32, #tpu.memory_space<hbm>>) dst(%dma_wait3A_397 : memref<128x64xf32, #tpu.memory_space<vmem>>)
      %add3A_404 = arith.constant 3 : i32
      %add3A_405 = arith.addi %mul3A_262, %add3A_404 : i32
      %dma_start3A_406 = arith.constant 3 : i32
      %dma_start3A_407 = arith.constant 0 : i32
      %dma_start3A_408 = arith.constant 0 : i32
      %dma_start3A_409 = tpu.memref_slice %arg8[%dma_start3A_406, %dma_start3A_407, %dma_start3A_408] : memref<8x128x64xf32, #tpu.memory_space<vmem>> -> memref<1x128x64xf32, #tpu.memory_space<vmem>>
      %dma_start3A_410 = tpu.memref_squeeze %dma_start3A_409 : memref<1x128x64xf32, #tpu.memory_space<vmem>> -> memref<128x64xf32, #tpu.memory_space<vmem>>
      %dma_start3A_411 = arith.constant 0 : i32
      %dma_start3A_412 = tpu.memref_slice %arg7[%add3A_405, %dma_start3A_411] : memref<80x128xi32, #tpu.memory_space<vmem>> -> memref<1x128xi32, #tpu.memory_space<vmem>>
      %dma_start3A_413 = tpu.memref_squeeze %dma_start3A_412 : memref<1x128xi32, #tpu.memory_space<vmem>> -> memref<128xi32, #tpu.memory_space<vmem>>
      %dma_start3A_414 = arith.constant 0 : i32
      %dma_start3A_415 = arith.constant 0 : i32
      %dma_start3A_416 = tpu.memref_slice %arg9[%dma_start3A_414, %dma_start3A_415] : memref<10240x64xf32, #tpu.memory_space<vmem_shared>> -> memref<10240x64xf32, #tpu.memory_space<vmem_shared>>
      tpu.enqueue_indirect_dma source(%dma_start3A_410 : memref<128x64xf32, #tpu.memory_space<vmem>>) target(%dma_start3A_416 : memref<10240x64xf32, #tpu.memory_space<vmem_shared>>) offsets(%dma_start3A_413 : memref<128xi32, #tpu.memory_space<vmem>>) semaphore(%arg12 : memref<!tpu.dma_semaphore, #tpu.memory_space<semaphore_mem>>) {add = true}
      %dma_wait3A_417 = arith.constant 0 : i32
      %dma_wait3A_418 = arith.constant 0 : i32
      %dma_wait3A_419 = arith.constant 0 : i32
      %dma_wait3A_420 = arith.constant 0 : i32
      %dma_wait3A_421 = tpu.memref_slice %arg8[%dma_wait3A_417, %dma_wait3A_419, %dma_wait3A_420] : memref<8x128x64xf32, #tpu.memory_space<vmem>> -> memref<1x128x64xf32, #tpu.memory_space<vmem>>
      %dma_wait3A_422 = tpu.memref_squeeze %dma_wait3A_421 : memref<1x128x64xf32, #tpu.memory_space<vmem>> -> memref<128x64xf32, #tpu.memory_space<vmem>>
      %dma_wait3A_423 = arith.constant 0 : i32
      %dma_wait3A_424 = tpu.memref_slice %arg7[%dma_wait3A_418, %dma_wait3A_423] : memref<80x128xi32, #tpu.memory_space<vmem>> -> memref<1x128xi32, #tpu.memory_space<vmem>>
      %dma_wait3A_425 = tpu.memref_squeeze %dma_wait3A_424 : memref<1x128xi32, #tpu.memory_space<vmem>> -> memref<128xi32, #tpu.memory_space<vmem>>
      %dma_wait3A_426 = arith.constant 0 : i32
      %dma_wait3A_427 = arith.constant 0 : i32
      %dma_wait3A_428 = tpu.memref_slice %arg9[%dma_wait3A_426, %dma_wait3A_427] : memref<10240x64xf32, #tpu.memory_space<vmem_shared>> -> memref<10240x64xf32, #tpu.memory_space<vmem_shared>>
      tpu.wait_indirect_dma semaphore(%arg12 : memref<!tpu.dma_semaphore, #tpu.memory_space<semaphore_mem>>) src(%dma_wait3A_422 : memref<128x64xf32, #tpu.memory_space<vmem>>) dst(%dma_wait3A_428 : memref<10240x64xf32, #tpu.memory_space<vmem_shared>>)
      %dma_wait3A_429 = arith.constant 1 : i32
      %dma_wait3A_430 = arith.constant 0 : i32
      %dma_wait3A_431 = arith.constant 0 : i32
      %dma_wait3A_432 = arith.constant 0 : i32
      %dma_wait3A_433 = tpu.memref_slice %arg8[%dma_wait3A_429, %dma_wait3A_431, %dma_wait3A_432] : memref<8x128x64xf32, #tpu.memory_space<vmem>> -> memref<1x128x64xf32, #tpu.memory_space<vmem>>
      %dma_wait3A_434 = tpu.memref_squeeze %dma_wait3A_433 : memref<1x128x64xf32, #tpu.memory_space<vmem>> -> memref<128x64xf32, #tpu.memory_space<vmem>>
      %dma_wait3A_435 = arith.constant 0 : i32
      %dma_wait3A_436 = tpu.memref_slice %arg7[%dma_wait3A_430, %dma_wait3A_435] : memref<80x128xi32, #tpu.memory_space<vmem>> -> memref<1x128xi32, #tpu.memory_space<vmem>>
      %dma_wait3A_437 = tpu.memref_squeeze %dma_wait3A_436 : memref<1x128xi32, #tpu.memory_space<vmem>> -> memref<128xi32, #tpu.memory_space<vmem>>
      %dma_wait3A_438 = arith.constant 0 : i32
      %dma_wait3A_439 = arith.constant 0 : i32
      %dma_wait3A_440 = tpu.memref_slice %arg9[%dma_wait3A_438, %dma_wait3A_439] : memref<10240x64xf32, #tpu.memory_space<vmem_shared>> -> memref<10240x64xf32, #tpu.memory_space<vmem_shared>>
      tpu.wait_indirect_dma semaphore(%arg12 : memref<!tpu.dma_semaphore, #tpu.memory_space<semaphore_mem>>) src(%dma_wait3A_434 : memref<128x64xf32, #tpu.memory_space<vmem>>) dst(%dma_wait3A_440 : memref<10240x64xf32, #tpu.memory_space<vmem_shared>>)
      %dma_wait3A_441 = arith.constant 2 : i32
      %dma_wait3A_442 = arith.constant 0 : i32
      %dma_wait3A_443 = arith.constant 0 : i32
      %dma_wait3A_444 = arith.constant 0 : i32
      %dma_wait3A_445 = tpu.memref_slice %arg8[%dma_wait3A_441, %dma_wait3A_443, %dma_wait3A_444] : memref<8x128x64xf32, #tpu.memory_space<vmem>> -> memref<1x128x64xf32, #tpu.memory_space<vmem>>
      %dma_wait3A_446 = tpu.memref_squeeze %dma_wait3A_445 : memref<1x128x64xf32, #tpu.memory_space<vmem>> -> memref<128x64xf32, #tpu.memory_space<vmem>>
      %dma_wait3A_447 = arith.constant 0 : i32
      %dma_wait3A_448 = tpu.memref_slice %arg7[%dma_wait3A_442, %dma_wait3A_447] : memref<80x128xi32, #tpu.memory_space<vmem>> -> memref<1x128xi32, #tpu.memory_space<vmem>>
      %dma_wait3A_449 = tpu.memref_squeeze %dma_wait3A_448 : memref<1x128xi32, #tpu.memory_space<vmem>> -> memref<128xi32, #tpu.memory_space<vmem>>
      %dma_wait3A_450 = arith.constant 0 : i32
      %dma_wait3A_451 = arith.constant 0 : i32
      %dma_wait3A_452 = tpu.memref_slice %arg9[%dma_wait3A_450, %dma_wait3A_451] : memref<10240x64xf32, #tpu.memory_space<vmem_shared>> -> memref<10240x64xf32, #tpu.memory_space<vmem_shared>>
      tpu.wait_indirect_dma semaphore(%arg12 : memref<!tpu.dma_semaphore, #tpu.memory_space<semaphore_mem>>) src(%dma_wait3A_446 : memref<128x64xf32, #tpu.memory_space<vmem>>) dst(%dma_wait3A_452 : memref<10240x64xf32, #tpu.memory_space<vmem_shared>>)
      %dma_wait3A_453 = arith.constant 3 : i32
      %dma_wait3A_454 = arith.constant 0 : i32
      %dma_wait3A_455 = arith.constant 0 : i32
      %dma_wait3A_456 = arith.constant 0 : i32
      %dma_wait3A_457 = tpu.memref_slice %arg8[%dma_wait3A_453, %dma_wait3A_455, %dma_wait3A_456] : memref<8x128x64xf32, #tpu.memory_space<vmem>> -> memref<1x128x64xf32, #tpu.memory_space<vmem>>
      %dma_wait3A_458 = tpu.memref_squeeze %dma_wait3A_457 : memref<1x128x64xf32, #tpu.memory_space<vmem>> -> memref<128x64xf32, #tpu.memory_space<vmem>>
      %dma_wait3A_459 = arith.constant 0 : i32
      %dma_wait3A_460 = tpu.memref_slice %arg7[%dma_wait3A_454, %dma_wait3A_459] : memref<80x128xi32, #tpu.memory_space<vmem>> -> memref<1x128xi32, #tpu.memory_space<vmem>>
      %dma_wait3A_461 = tpu.memref_squeeze %dma_wait3A_460 : memref<1x128xi32, #tpu.memory_space<vmem>> -> memref<128xi32, #tpu.memory_space<vmem>>
      %dma_wait3A_462 = arith.constant 0 : i32
      %dma_wait3A_463 = arith.constant 0 : i32
      %dma_wait3A_464 = tpu.memref_slice %arg9[%dma_wait3A_462, %dma_wait3A_463] : memref<10240x64xf32, #tpu.memory_space<vmem_shared>> -> memref<10240x64xf32, #tpu.memory_space<vmem_shared>>
      tpu.wait_indirect_dma semaphore(%arg12 : memref<!tpu.dma_semaphore, #tpu.memory_space<semaphore_mem>>) src(%dma_wait3A_458 : memref<128x64xf32, #tpu.memory_space<vmem>>) dst(%dma_wait3A_464 : memref<10240x64xf32, #tpu.memory_space<vmem_shared>>)
      %lt3A = arith.constant 9 : i32
      %lt3A_465 = arith.cmpi slt, %scan3A_258, %lt3A : i32
      %convert_element_type3A = arith.extui %lt3A_465 : i1 to i32
      %cond3A = arith.constant 0 : i32
      %cond3A_466 = arith.cmpi ne, %convert_element_type3A, %cond3A : i32
      scf.if %cond3A_466 {
        %add3A_615 = arith.constant 8 : i32
        %add3A_616 = arith.addi %mul3A_262, %add3A_615 : i32
        %add3A_617 = arith.constant 0 : i32
        %add3A_618 = arith.addi %add3A_616, %add3A_617 : i32
        %dma_start3A_619 = arith.constant 0 : i32
        %dma_start3A_620 = arith.constant 0 : i32
        %dma_start3A_621 = arith.constant 0 : i32
        %dma_start3A_622 = tpu.memref_slice %arg8[%dma_start3A_619, %dma_start3A_620, %dma_start3A_621] : memref<8x128x64xf32, #tpu.memory_space<vmem>> -> memref<1x128x64xf32, #tpu.memory_space<vmem>>
        %dma_start3A_623 = tpu.memref_squeeze %dma_start3A_622 : memref<1x128x64xf32, #tpu.memory_space<vmem>> -> memref<128x64xf32, #tpu.memory_space<vmem>>
        %dma_start3A_624 = arith.constant 0 : i32
        %dma_start3A_625 = tpu.memref_slice %arg6[%add3A_618, %dma_start3A_624] : memref<80x128xi32, #tpu.memory_space<vmem>> -> memref<1x128xi32, #tpu.memory_space<vmem>>
        %dma_start3A_626 = tpu.memref_squeeze %dma_start3A_625 : memref<1x128xi32, #tpu.memory_space<vmem>> -> memref<128xi32, #tpu.memory_space<vmem>>
        %dma_start3A_627 = arith.constant 0 : i32
        %dma_start3A_628 = arith.constant 0 : i32
        %dma_start3A_629 = tpu.memref_slice %arg2[%dma_start3A_627, %dma_start3A_628] : memref<10240x64xf32, #tpu.memory_space<hbm>> -> memref<10240x64xf32, #tpu.memory_space<hbm>>
        tpu.enqueue_indirect_dma source(%dma_start3A_629 : memref<10240x64xf32, #tpu.memory_space<hbm>>) target(%dma_start3A_623 : memref<128x64xf32, #tpu.memory_space<vmem>>) offsets(%dma_start3A_626 : memref<128xi32, #tpu.memory_space<vmem>>) semaphore(%arg10 : memref<!tpu.dma_semaphore, #tpu.memory_space<semaphore_mem>>)
        %add3A_630 = arith.constant 8 : i32
        %add3A_631 = arith.addi %mul3A_262, %add3A_630 : i32
        %add3A_632 = arith.constant 1 : i32
        %add3A_633 = arith.addi %add3A_631, %add3A_632 : i32
        %dma_start3A_634 = arith.constant 1 : i32
        %dma_start3A_635 = arith.constant 0 : i32
        %dma_start3A_636 = arith.constant 0 : i32
        %dma_start3A_637 = tpu.memref_slice %arg8[%dma_start3A_634, %dma_start3A_635, %dma_start3A_636] : memref<8x128x64xf32, #tpu.memory_space<vmem>> -> memref<1x128x64xf32, #tpu.memory_space<vmem>>
        %dma_start3A_638 = tpu.memref_squeeze %dma_start3A_637 : memref<1x128x64xf32, #tpu.memory_space<vmem>> -> memref<128x64xf32, #tpu.memory_space<vmem>>
        %dma_start3A_639 = arith.constant 0 : i32
        %dma_start3A_640 = tpu.memref_slice %arg6[%add3A_633, %dma_start3A_639] : memref<80x128xi32, #tpu.memory_space<vmem>> -> memref<1x128xi32, #tpu.memory_space<vmem>>
        %dma_start3A_641 = tpu.memref_squeeze %dma_start3A_640 : memref<1x128xi32, #tpu.memory_space<vmem>> -> memref<128xi32, #tpu.memory_space<vmem>>
        %dma_start3A_642 = arith.constant 0 : i32
        %dma_start3A_643 = arith.constant 0 : i32
        %dma_start3A_644 = tpu.memref_slice %arg2[%dma_start3A_642, %dma_start3A_643] : memref<10240x64xf32, #tpu.memory_space<hbm>> -> memref<10240x64xf32, #tpu.memory_space<hbm>>
        tpu.enqueue_indirect_dma source(%dma_start3A_644 : memref<10240x64xf32, #tpu.memory_space<hbm>>) target(%dma_start3A_638 : memref<128x64xf32, #tpu.memory_space<vmem>>) offsets(%dma_start3A_641 : memref<128xi32, #tpu.memory_space<vmem>>) semaphore(%arg10 : memref<!tpu.dma_semaphore, #tpu.memory_space<semaphore_mem>>)
        %add3A_645 = arith.constant 8 : i32
        %add3A_646 = arith.addi %mul3A_262, %add3A_645 : i32
        %add3A_647 = arith.constant 2 : i32
        %add3A_648 = arith.addi %add3A_646, %add3A_647 : i32
        %dma_start3A_649 = arith.constant 2 : i32
        %dma_start3A_650 = arith.constant 0 : i32
        %dma_start3A_651 = arith.constant 0 : i32
        %dma_start3A_652 = tpu.memref_slice %arg8[%dma_start3A_649, %dma_start3A_650, %dma_start3A_651] : memref<8x128x64xf32, #tpu.memory_space<vmem>> -> memref<1x128x64xf32, #tpu.memory_space<vmem>>
        %dma_start3A_653 = tpu.memref_squeeze %dma_start3A_652 : memref<1x128x64xf32, #tpu.memory_space<vmem>> -> memref<128x64xf32, #tpu.memory_space<vmem>>
        %dma_start3A_654 = arith.constant 0 : i32
        %dma_start3A_655 = tpu.memref_slice %arg6[%add3A_648, %dma_start3A_654] : memref<80x128xi32, #tpu.memory_space<vmem>> -> memref<1x128xi32, #tpu.memory_space<vmem>>
        %dma_start3A_656 = tpu.memref_squeeze %dma_start3A_655 : memref<1x128xi32, #tpu.memory_space<vmem>> -> memref<128xi32, #tpu.memory_space<vmem>>
        %dma_start3A_657 = arith.constant 0 : i32
        %dma_start3A_658 = arith.constant 0 : i32
        %dma_start3A_659 = tpu.memref_slice %arg2[%dma_start3A_657, %dma_start3A_658] : memref<10240x64xf32, #tpu.memory_space<hbm>> -> memref<10240x64xf32, #tpu.memory_space<hbm>>
        tpu.enqueue_indirect_dma source(%dma_start3A_659 : memref<10240x64xf32, #tpu.memory_space<hbm>>) target(%dma_start3A_653 : memref<128x64xf32, #tpu.memory_space<vmem>>) offsets(%dma_start3A_656 : memref<128xi32, #tpu.memory_space<vmem>>) semaphore(%arg10 : memref<!tpu.dma_semaphore, #tpu.memory_space<semaphore_mem>>)
        %add3A_660 = arith.constant 8 : i32
        %add3A_661 = arith.addi %mul3A_262, %add3A_660 : i32
        %add3A_662 = arith.constant 3 : i32
        %add3A_663 = arith.addi %add3A_661, %add3A_662 : i32
        %dma_start3A_664 = arith.constant 3 : i32
        %dma_start3A_665 = arith.constant 0 : i32
        %dma_start3A_666 = arith.constant 0 : i32
        %dma_start3A_667 = tpu.memref_slice %arg8[%dma_start3A_664, %dma_start3A_665, %dma_start3A_666] : memref<8x128x64xf32, #tpu.memory_space<vmem>> -> memref<1x128x64xf32, #tpu.memory_space<vmem>>
        %dma_start3A_668 = tpu.memref_squeeze %dma_start3A_667 : memref<1x128x64xf32, #tpu.memory_space<vmem>> -> memref<128x64xf32, #tpu.memory_space<vmem>>
        %dma_start3A_669 = arith.constant 0 : i32
        %dma_start3A_670 = tpu.memref_slice %arg6[%add3A_663, %dma_start3A_669] : memref<80x128xi32, #tpu.memory_space<vmem>> -> memref<1x128xi32, #tpu.memory_space<vmem>>
        %dma_start3A_671 = tpu.memref_squeeze %dma_start3A_670 : memref<1x128xi32, #tpu.memory_space<vmem>> -> memref<128xi32, #tpu.memory_space<vmem>>
        %dma_start3A_672 = arith.constant 0 : i32
        %dma_start3A_673 = arith.constant 0 : i32
        %dma_start3A_674 = tpu.memref_slice %arg2[%dma_start3A_672, %dma_start3A_673] : memref<10240x64xf32, #tpu.memory_space<hbm>> -> memref<10240x64xf32, #tpu.memory_space<hbm>>
        tpu.enqueue_indirect_dma source(%dma_start3A_674 : memref<10240x64xf32, #tpu.memory_space<hbm>>) target(%dma_start3A_668 : memref<128x64xf32, #tpu.memory_space<vmem>>) offsets(%dma_start3A_671 : memref<128xi32, #tpu.memory_space<vmem>>) semaphore(%arg10 : memref<!tpu.dma_semaphore, #tpu.memory_space<semaphore_mem>>)
      } else {
      }
      %dma_wait3A_467 = arith.constant 0 : i32
      %dma_wait3A_468 = arith.constant 4 : i32
      %dma_wait3A_469 = arith.constant 0 : i32
      %dma_wait3A_470 = arith.constant 0 : i32
      %dma_wait3A_471 = tpu.memref_slice %arg8[%dma_wait3A_468, %dma_wait3A_469, %dma_wait3A_470] : memref<8x128x64xf32, #tpu.memory_space<vmem>> -> memref<1x128x64xf32, #tpu.memory_space<vmem>>
      %dma_wait3A_472 = tpu.memref_squeeze %dma_wait3A_471 : memref<1x128x64xf32, #tpu.memory_space<vmem>> -> memref<128x64xf32, #tpu.memory_space<vmem>>
      %dma_wait3A_473 = arith.constant 0 : i32
      %dma_wait3A_474 = tpu.memref_slice %arg6[%dma_wait3A_467, %dma_wait3A_473] : memref<80x128xi32, #tpu.memory_space<vmem>> -> memref<1x128xi32, #tpu.memory_space<vmem>>
      %dma_wait3A_475 = tpu.memref_squeeze %dma_wait3A_474 : memref<1x128xi32, #tpu.memory_space<vmem>> -> memref<128xi32, #tpu.memory_space<vmem>>
      %dma_wait3A_476 = arith.constant 0 : i32
      %dma_wait3A_477 = arith.constant 0 : i32
      %dma_wait3A_478 = tpu.memref_slice %arg2[%dma_wait3A_476, %dma_wait3A_477] : memref<10240x64xf32, #tpu.memory_space<hbm>> -> memref<10240x64xf32, #tpu.memory_space<hbm>>
      tpu.wait_indirect_dma semaphore(%arg11 : memref<!tpu.dma_semaphore, #tpu.memory_space<semaphore_mem>>) src(%dma_wait3A_478 : memref<10240x64xf32, #tpu.memory_space<hbm>>) dst(%dma_wait3A_472 : memref<128x64xf32, #tpu.memory_space<vmem>>)
      %add3A_479 = arith.constant 0 : i32
      %add3A_480 = arith.addi %add3A_264, %add3A_479 : i32
      %dma_start3A_481 = arith.constant 4 : i32
      %dma_start3A_482 = arith.constant 0 : i32
      %dma_start3A_483 = arith.constant 0 : i32
      %dma_start3A_484 = tpu.memref_slice %arg8[%dma_start3A_481, %dma_start3A_482, %dma_start3A_483] : memref<8x128x64xf32, #tpu.memory_space<vmem>> -> memref<1x128x64xf32, #tpu.memory_space<vmem>>
      %dma_start3A_485 = tpu.memref_squeeze %dma_start3A_484 : memref<1x128x64xf32, #tpu.memory_space<vmem>> -> memref<128x64xf32, #tpu.memory_space<vmem>>
      %dma_start3A_486 = arith.constant 0 : i32
      %dma_start3A_487 = tpu.memref_slice %arg7[%add3A_480, %dma_start3A_486] : memref<80x128xi32, #tpu.memory_space<vmem>> -> memref<1x128xi32, #tpu.memory_space<vmem>>
      %dma_start3A_488 = tpu.memref_squeeze %dma_start3A_487 : memref<1x128xi32, #tpu.memory_space<vmem>> -> memref<128xi32, #tpu.memory_space<vmem>>
      %dma_start3A_489 = arith.constant 0 : i32
      %dma_start3A_490 = arith.constant 0 : i32
      %dma_start3A_491 = tpu.memref_slice %arg9[%dma_start3A_489, %dma_start3A_490] : memref<10240x64xf32, #tpu.memory_space<vmem_shared>> -> memref<10240x64xf32, #tpu.memory_space<vmem_shared>>
      tpu.enqueue_indirect_dma source(%dma_start3A_485 : memref<128x64xf32, #tpu.memory_space<vmem>>) target(%dma_start3A_491 : memref<10240x64xf32, #tpu.memory_space<vmem_shared>>) offsets(%dma_start3A_488 : memref<128xi32, #tpu.memory_space<vmem>>) semaphore(%arg13 : memref<!tpu.dma_semaphore, #tpu.memory_space<semaphore_mem>>) {add = true}
      %dma_wait3A_492 = arith.constant 0 : i32
      %dma_wait3A_493 = arith.constant 5 : i32
      %dma_wait3A_494 = arith.constant 0 : i32
      %dma_wait3A_495 = arith.constant 0 : i32
      %dma_wait3A_496 = tpu.memref_slice %arg8[%dma_wait3A_493, %dma_wait3A_494, %dma_wait3A_495] : memref<8x128x64xf32, #tpu.memory_space<vmem>> -> memref<1x128x64xf32, #tpu.memory_space<vmem>>
      %dma_wait3A_497 = tpu.memref_squeeze %dma_wait3A_496 : memref<1x128x64xf32, #tpu.memory_space<vmem>> -> memref<128x64xf32, #tpu.memory_space<vmem>>
      %dma_wait3A_498 = arith.constant 0 : i32
      %dma_wait3A_499 = tpu.memref_slice %arg6[%dma_wait3A_492, %dma_wait3A_498] : memref<80x128xi32, #tpu.memory_space<vmem>> -> memref<1x128xi32, #tpu.memory_space<vmem>>
      %dma_wait3A_500 = tpu.memref_squeeze %dma_wait3A_499 : memref<1x128xi32, #tpu.memory_space<vmem>> -> memref<128xi32, #tpu.memory_space<vmem>>
      %dma_wait3A_501 = arith.constant 0 : i32
      %dma_wait3A_502 = arith.constant 0 : i32
      %dma_wait3A_503 = tpu.memref_slice %arg2[%dma_wait3A_501, %dma_wait3A_502] : memref<10240x64xf32, #tpu.memory_space<hbm>> -> memref<10240x64xf32, #tpu.memory_space<hbm>>
      tpu.wait_indirect_dma semaphore(%arg11 : memref<!tpu.dma_semaphore, #tpu.memory_space<semaphore_mem>>) src(%dma_wait3A_503 : memref<10240x64xf32, #tpu.memory_space<hbm>>) dst(%dma_wait3A_497 : memref<128x64xf32, #tpu.memory_space<vmem>>)
      %add3A_504 = arith.constant 1 : i32
      %add3A_505 = arith.addi %add3A_264, %add3A_504 : i32
      %dma_start3A_506 = arith.constant 5 : i32
      %dma_start3A_507 = arith.constant 0 : i32
      %dma_start3A_508 = arith.constant 0 : i32
      %dma_start3A_509 = tpu.memref_slice %arg8[%dma_start3A_506, %dma_start3A_507, %dma_start3A_508] : memref<8x128x64xf32, #tpu.memory_space<vmem>> -> memref<1x128x64xf32, #tpu.memory_space<vmem>>
      %dma_start3A_510 = tpu.memref_squeeze %dma_start3A_509 : memref<1x128x64xf32, #tpu.memory_space<vmem>> -> memref<128x64xf32, #tpu.memory_space<vmem>>
      %dma_start3A_511 = arith.constant 0 : i32
      %dma_start3A_512 = tpu.memref_slice %arg7[%add3A_505, %dma_start3A_511] : memref<80x128xi32, #tpu.memory_space<vmem>> -> memref<1x128xi32, #tpu.memory_space<vmem>>
      %dma_start3A_513 = tpu.memref_squeeze %dma_start3A_512 : memref<1x128xi32, #tpu.memory_space<vmem>> -> memref<128xi32, #tpu.memory_space<vmem>>
      %dma_start3A_514 = arith.constant 0 : i32
      %dma_start3A_515 = arith.constant 0 : i32
      %dma_start3A_516 = tpu.memref_slice %arg9[%dma_start3A_514, %dma_start3A_515] : memref<10240x64xf32, #tpu.memory_space<vmem_shared>> -> memref<10240x64xf32, #tpu.memory_space<vmem_shared>>
      tpu.enqueue_indirect_dma source(%dma_start3A_510 : memref<128x64xf32, #tpu.memory_space<vmem>>) target(%dma_start3A_516 : memref<10240x64xf32, #tpu.memory_space<vmem_shared>>) offsets(%dma_start3A_513 : memref<128xi32, #tpu.memory_space<vmem>>) semaphore(%arg13 : memref<!tpu.dma_semaphore, #tpu.memory_space<semaphore_mem>>) {add = true}
      %dma_wait3A_517 = arith.constant 0 : i32
      %dma_wait3A_518 = arith.constant 6 : i32
      %dma_wait3A_519 = arith.constant 0 : i32
      %dma_wait3A_520 = arith.constant 0 : i32
      %dma_wait3A_521 = tpu.memref_slice %arg8[%dma_wait3A_518, %dma_wait3A_519, %dma_wait3A_520] : memref<8x128x64xf32, #tpu.memory_space<vmem>> -> memref<1x128x64xf32, #tpu.memory_space<vmem>>
      %dma_wait3A_522 = tpu.memref_squeeze %dma_wait3A_521 : memref<1x128x64xf32, #tpu.memory_space<vmem>> -> memref<128x64xf32, #tpu.memory_space<vmem>>
      %dma_wait3A_523 = arith.constant 0 : i32
      %dma_wait3A_524 = tpu.memref_slice %arg6[%dma_wait3A_517, %dma_wait3A_523] : memref<80x128xi32, #tpu.memory_space<vmem>> -> memref<1x128xi32, #tpu.memory_space<vmem>>
      %dma_wait3A_525 = tpu.memref_squeeze %dma_wait3A_524 : memref<1x128xi32, #tpu.memory_space<vmem>> -> memref<128xi32, #tpu.memory_space<vmem>>
      %dma_wait3A_526 = arith.constant 0 : i32
      %dma_wait3A_527 = arith.constant 0 : i32
      %dma_wait3A_528 = tpu.memref_slice %arg2[%dma_wait3A_526, %dma_wait3A_527] : memref<10240x64xf32, #tpu.memory_space<hbm>> -> memref<10240x64xf32, #tpu.memory_space<hbm>>
      tpu.wait_indirect_dma semaphore(%arg11 : memref<!tpu.dma_semaphore, #tpu.memory_space<semaphore_mem>>) src(%dma_wait3A_528 : memref<10240x64xf32, #tpu.memory_space<hbm>>) dst(%dma_wait3A_522 : memref<128x64xf32, #tpu.memory_space<vmem>>)
      %add3A_529 = arith.constant 2 : i32
      %add3A_530 = arith.addi %add3A_264, %add3A_529 : i32
      %dma_start3A_531 = arith.constant 6 : i32
      %dma_start3A_532 = arith.constant 0 : i32
      %dma_start3A_533 = arith.constant 0 : i32
      %dma_start3A_534 = tpu.memref_slice %arg8[%dma_start3A_531, %dma_start3A_532, %dma_start3A_533] : memref<8x128x64xf32, #tpu.memory_space<vmem>> -> memref<1x128x64xf32, #tpu.memory_space<vmem>>
      %dma_start3A_535 = tpu.memref_squeeze %dma_start3A_534 : memref<1x128x64xf32, #tpu.memory_space<vmem>> -> memref<128x64xf32, #tpu.memory_space<vmem>>
      %dma_start3A_536 = arith.constant 0 : i32
      %dma_start3A_537 = tpu.memref_slice %arg7[%add3A_530, %dma_start3A_536] : memref<80x128xi32, #tpu.memory_space<vmem>> -> memref<1x128xi32, #tpu.memory_space<vmem>>
      %dma_start3A_538 = tpu.memref_squeeze %dma_start3A_537 : memref<1x128xi32, #tpu.memory_space<vmem>> -> memref<128xi32, #tpu.memory_space<vmem>>
      %dma_start3A_539 = arith.constant 0 : i32
      %dma_start3A_540 = arith.constant 0 : i32
      %dma_start3A_541 = tpu.memref_slice %arg9[%dma_start3A_539, %dma_start3A_540] : memref<10240x64xf32, #tpu.memory_space<vmem_shared>> -> memref<10240x64xf32, #tpu.memory_space<vmem_shared>>
      tpu.enqueue_indirect_dma source(%dma_start3A_535 : memref<128x64xf32, #tpu.memory_space<vmem>>) target(%dma_start3A_541 : memref<10240x64xf32, #tpu.memory_space<vmem_shared>>) offsets(%dma_start3A_538 : memref<128xi32, #tpu.memory_space<vmem>>) semaphore(%arg13 : memref<!tpu.dma_semaphore, #tpu.memory_space<semaphore_mem>>) {add = true}
      %dma_wait3A_542 = arith.constant 0 : i32
      %dma_wait3A_543 = arith.constant 7 : i32
      %dma_wait3A_544 = arith.constant 0 : i32
      %dma_wait3A_545 = arith.constant 0 : i32
      %dma_wait3A_546 = tpu.memref_slice %arg8[%dma_wait3A_543, %dma_wait3A_544, %dma_wait3A_545] : memref<8x128x64xf32, #tpu.memory_space<vmem>> -> memref<1x128x64xf32, #tpu.memory_space<vmem>>
      %dma_wait3A_547 = tpu.memref_squeeze %dma_wait3A_546 : memref<1x128x64xf32, #tpu.memory_space<vmem>> -> memref<128x64xf32, #tpu.memory_space<vmem>>
      %dma_wait3A_548 = arith.constant 0 : i32
      %dma_wait3A_549 = tpu.memref_slice %arg6[%dma_wait3A_542, %dma_wait3A_548] : memref<80x128xi32, #tpu.memory_space<vmem>> -> memref<1x128xi32, #tpu.memory_space<vmem>>
      %dma_wait3A_550 = tpu.memref_squeeze %dma_wait3A_549 : memref<1x128xi32, #tpu.memory_space<vmem>> -> memref<128xi32, #tpu.memory_space<vmem>>
      %dma_wait3A_551 = arith.constant 0 : i32
      %dma_wait3A_552 = arith.constant 0 : i32
      %dma_wait3A_553 = tpu.memref_slice %arg2[%dma_wait3A_551, %dma_wait3A_552] : memref<10240x64xf32, #tpu.memory_space<hbm>> -> memref<10240x64xf32, #tpu.memory_space<hbm>>
      tpu.wait_indirect_dma semaphore(%arg11 : memref<!tpu.dma_semaphore, #tpu.memory_space<semaphore_mem>>) src(%dma_wait3A_553 : memref<10240x64xf32, #tpu.memory_space<hbm>>) dst(%dma_wait3A_547 : memref<128x64xf32, #tpu.memory_space<vmem>>)
      %add3A_554 = arith.constant 3 : i32
      %add3A_555 = arith.addi %add3A_264, %add3A_554 : i32
      %dma_start3A_556 = arith.constant 7 : i32
      %dma_start3A_557 = arith.constant 0 : i32
      %dma_start3A_558 = arith.constant 0 : i32
      %dma_start3A_559 = tpu.memref_slice %arg8[%dma_start3A_556, %dma_start3A_557, %dma_start3A_558] : memref<8x128x64xf32, #tpu.memory_space<vmem>> -> memref<1x128x64xf32, #tpu.memory_space<vmem>>
      %dma_start3A_560 = tpu.memref_squeeze %dma_start3A_559 : memref<1x128x64xf32, #tpu.memory_space<vmem>> -> memref<128x64xf32, #tpu.memory_space<vmem>>
      %dma_start3A_561 = arith.constant 0 : i32
      %dma_start3A_562 = tpu.memref_slice %arg7[%add3A_555, %dma_start3A_561] : memref<80x128xi32, #tpu.memory_space<vmem>> -> memref<1x128xi32, #tpu.memory_space<vmem>>
      %dma_start3A_563 = tpu.memref_squeeze %dma_start3A_562 : memref<1x128xi32, #tpu.memory_space<vmem>> -> memref<128xi32, #tpu.memory_space<vmem>>
      %dma_start3A_564 = arith.constant 0 : i32
      %dma_start3A_565 = arith.constant 0 : i32
      %dma_start3A_566 = tpu.memref_slice %arg9[%dma_start3A_564, %dma_start3A_565] : memref<10240x64xf32, #tpu.memory_space<vmem_shared>> -> memref<10240x64xf32, #tpu.memory_space<vmem_shared>>
      tpu.enqueue_indirect_dma source(%dma_start3A_560 : memref<128x64xf32, #tpu.memory_space<vmem>>) target(%dma_start3A_566 : memref<10240x64xf32, #tpu.memory_space<vmem_shared>>) offsets(%dma_start3A_563 : memref<128xi32, #tpu.memory_space<vmem>>) semaphore(%arg13 : memref<!tpu.dma_semaphore, #tpu.memory_space<semaphore_mem>>) {add = true}
      %dma_wait3A_567 = arith.constant 4 : i32
      %dma_wait3A_568 = arith.constant 0 : i32
      %dma_wait3A_569 = arith.constant 0 : i32
      %dma_wait3A_570 = arith.constant 0 : i32
      %dma_wait3A_571 = tpu.memref_slice %arg8[%dma_wait3A_567, %dma_wait3A_569, %dma_wait3A_570] : memref<8x128x64xf32, #tpu.memory_space<vmem>> -> memref<1x128x64xf32, #tpu.memory_space<vmem>>
      %dma_wait3A_572 = tpu.memref_squeeze %dma_wait3A_571 : memref<1x128x64xf32, #tpu.memory_space<vmem>> -> memref<128x64xf32, #tpu.memory_space<vmem>>
      %dma_wait3A_573 = arith.constant 0 : i32
      %dma_wait3A_574 = tpu.memref_slice %arg7[%dma_wait3A_568, %dma_wait3A_573] : memref<80x128xi32, #tpu.memory_space<vmem>> -> memref<1x128xi32, #tpu.memory_space<vmem>>
      %dma_wait3A_575 = tpu.memref_squeeze %dma_wait3A_574 : memref<1x128xi32, #tpu.memory_space<vmem>> -> memref<128xi32, #tpu.memory_space<vmem>>
      %dma_wait3A_576 = arith.constant 0 : i32
      %dma_wait3A_577 = arith.constant 0 : i32
      %dma_wait3A_578 = tpu.memref_slice %arg9[%dma_wait3A_576, %dma_wait3A_577] : memref<10240x64xf32, #tpu.memory_space<vmem_shared>> -> memref<10240x64xf32, #tpu.memory_space<vmem_shared>>
      tpu.wait_indirect_dma semaphore(%arg13 : memref<!tpu.dma_semaphore, #tpu.memory_space<semaphore_mem>>) src(%dma_wait3A_572 : memref<128x64xf32, #tpu.memory_space<vmem>>) dst(%dma_wait3A_578 : memref<10240x64xf32, #tpu.memory_space<vmem_shared>>)
      %dma_wait3A_579 = arith.constant 5 : i32
      %dma_wait3A_580 = arith.constant 0 : i32
      %dma_wait3A_581 = arith.constant 0 : i32
      %dma_wait3A_582 = arith.constant 0 : i32
      %dma_wait3A_583 = tpu.memref_slice %arg8[%dma_wait3A_579, %dma_wait3A_581, %dma_wait3A_582] : memref<8x128x64xf32, #tpu.memory_space<vmem>> -> memref<1x128x64xf32, #tpu.memory_space<vmem>>
      %dma_wait3A_584 = tpu.memref_squeeze %dma_wait3A_583 : memref<1x128x64xf32, #tpu.memory_space<vmem>> -> memref<128x64xf32, #tpu.memory_space<vmem>>
      %dma_wait3A_585 = arith.constant 0 : i32
      %dma_wait3A_586 = tpu.memref_slice %arg7[%dma_wait3A_580, %dma_wait3A_585] : memref<80x128xi32, #tpu.memory_space<vmem>> -> memref<1x128xi32, #tpu.memory_space<vmem>>
      %dma_wait3A_587 = tpu.memref_squeeze %dma_wait3A_586 : memref<1x128xi32, #tpu.memory_space<vmem>> -> memref<128xi32, #tpu.memory_space<vmem>>
      %dma_wait3A_588 = arith.constant 0 : i32
      %dma_wait3A_589 = arith.constant 0 : i32
      %dma_wait3A_590 = tpu.memref_slice %arg9[%dma_wait3A_588, %dma_wait3A_589] : memref<10240x64xf32, #tpu.memory_space<vmem_shared>> -> memref<10240x64xf32, #tpu.memory_space<vmem_shared>>
      tpu.wait_indirect_dma semaphore(%arg13 : memref<!tpu.dma_semaphore, #tpu.memory_space<semaphore_mem>>) src(%dma_wait3A_584 : memref<128x64xf32, #tpu.memory_space<vmem>>) dst(%dma_wait3A_590 : memref<10240x64xf32, #tpu.memory_space<vmem_shared>>)
      %dma_wait3A_591 = arith.constant 6 : i32
      %dma_wait3A_592 = arith.constant 0 : i32
      %dma_wait3A_593 = arith.constant 0 : i32
      %dma_wait3A_594 = arith.constant 0 : i32
      %dma_wait3A_595 = tpu.memref_slice %arg8[%dma_wait3A_591, %dma_wait3A_593, %dma_wait3A_594] : memref<8x128x64xf32, #tpu.memory_space<vmem>> -> memref<1x128x64xf32, #tpu.memory_space<vmem>>
      %dma_wait3A_596 = tpu.memref_squeeze %dma_wait3A_595 : memref<1x128x64xf32, #tpu.memory_space<vmem>> -> memref<128x64xf32, #tpu.memory_space<vmem>>
      %dma_wait3A_597 = arith.constant 0 : i32
      %dma_wait3A_598 = tpu.memref_slice %arg7[%dma_wait3A_592, %dma_wait3A_597] : memref<80x128xi32, #tpu.memory_space<vmem>> -> memref<1x128xi32, #tpu.memory_space<vmem>>
      %dma_wait3A_599 = tpu.memref_squeeze %dma_wait3A_598 : memref<1x128xi32, #tpu.memory_space<vmem>> -> memref<128xi32, #tpu.memory_space<vmem>>
      %dma_wait3A_600 = arith.constant 0 : i32
      %dma_wait3A_601 = arith.constant 0 : i32
      %dma_wait3A_602 = tpu.memref_slice %arg9[%dma_wait3A_600, %dma_wait3A_601] : memref<10240x64xf32, #tpu.memory_space<vmem_shared>> -> memref<10240x64xf32, #tpu.memory_space<vmem_shared>>
      tpu.wait_indirect_dma semaphore(%arg13 : memref<!tpu.dma_semaphore, #tpu.memory_space<semaphore_mem>>) src(%dma_wait3A_596 : memref<128x64xf32, #tpu.memory_space<vmem>>) dst(%dma_wait3A_602 : memref<10240x64xf32, #tpu.memory_space<vmem_shared>>)
      %dma_wait3A_603 = arith.constant 7 : i32
      %dma_wait3A_604 = arith.constant 0 : i32
      %dma_wait3A_605 = arith.constant 0 : i32
      %dma_wait3A_606 = arith.constant 0 : i32
      %dma_wait3A_607 = tpu.memref_slice %arg8[%dma_wait3A_603, %dma_wait3A_605, %dma_wait3A_606] : memref<8x128x64xf32, #tpu.memory_space<vmem>> -> memref<1x128x64xf32, #tpu.memory_space<vmem>>
      %dma_wait3A_608 = tpu.memref_squeeze %dma_wait3A_607 : memref<1x128x64xf32, #tpu.memory_space<vmem>> -> memref<128x64xf32, #tpu.memory_space<vmem>>
      %dma_wait3A_609 = arith.constant 0 : i32
      %dma_wait3A_610 = tpu.memref_slice %arg7[%dma_wait3A_604, %dma_wait3A_609] : memref<80x128xi32, #tpu.memory_space<vmem>> -> memref<1x128xi32, #tpu.memory_space<vmem>>
      %dma_wait3A_611 = tpu.memref_squeeze %dma_wait3A_610 : memref<1x128xi32, #tpu.memory_space<vmem>> -> memref<128xi32, #tpu.memory_space<vmem>>
      %dma_wait3A_612 = arith.constant 0 : i32
      %dma_wait3A_613 = arith.constant 0 : i32
      %dma_wait3A_614 = tpu.memref_slice %arg9[%dma_wait3A_612, %dma_wait3A_613] : memref<10240x64xf32, #tpu.memory_space<vmem_shared>> -> memref<10240x64xf32, #tpu.memory_space<vmem_shared>>
      tpu.wait_indirect_dma semaphore(%arg13 : memref<!tpu.dma_semaphore, #tpu.memory_space<semaphore_mem>>) src(%dma_wait3A_608 : memref<128x64xf32, #tpu.memory_space<vmem>>) dst(%dma_wait3A_614 : memref<10240x64xf32, #tpu.memory_space<vmem_shared>>)
    }
    %scan3A_221 = arith.constant 10 : i32
    %barrier3A_222 = arith.constant 0 : index
    tpu.barrier barrier_id(%barrier3A_222)
    %mul3A_223 = arith.constant 640 : i32
    %mul3A_224 = arith.muli %arg1, %mul3A_223 : i32
    %add3A_225 = arith.constant 0 : i32
    %add3A_226 = arith.addi %mul3A_224, %add3A_225 : i32
    %mul3A_227 = arith.constant 10240 : i32
    %mul3A_228 = arith.muli %arg0, %mul3A_227 : i32
    %add3A_229 = arith.addi %mul3A_228, %add3A_226 : i32
    "tpu.region"() ({
      %run_scoped3A = tpu.sem_alloc : memref<!tpu.dma_semaphore, #tpu.memory_space<semaphore_mem>>
      %dma_start3A_258 = arith.constant 0 : i32
      %dma_start3A_259 = tpu.memref_slice %arg5[%add3A_229, %dma_start3A_258] : memref<20480x64xf32, #tpu.memory_space<hbm>> -> memref<128x64xf32, #tpu.memory_space<hbm>>
      %dma_start3A_260 = arith.constant 0 : i32
      %dma_start3A_261 = tpu.memref_slice %arg9[%add3A_226, %dma_start3A_260] : memref<10240x64xf32, #tpu.memory_space<vmem_shared>> -> memref<128x64xf32, #tpu.memory_space<vmem_shared>>
      tpu.enqueue_dma source(%dma_start3A_261 : memref<128x64xf32, #tpu.memory_space<vmem_shared>>) target(%dma_start3A_259 : memref<128x64xf32, #tpu.memory_space<hbm>>) target_semaphore(%run_scoped3A : memref<!tpu.dma_semaphore, #tpu.memory_space<semaphore_mem>>)
      %dma_wait3A_262 = arith.constant 0 : i32
      %dma_wait3A_263 = tpu.memref_slice %arg5[%add3A_229, %dma_wait3A_262] : memref<20480x64xf32, #tpu.memory_space<hbm>> -> memref<128x64xf32, #tpu.memory_space<hbm>>
      %dma_wait3A_264 = arith.constant 0 : i32
      %dma_wait3A_265 = tpu.memref_slice %arg9[%add3A_226, %dma_wait3A_264] : memref<10240x64xf32, #tpu.memory_space<vmem_shared>> -> memref<128x64xf32, #tpu.memory_space<vmem_shared>>
      tpu.wait_dma2 semaphore(%run_scoped3A : memref<!tpu.dma_semaphore, #tpu.memory_space<semaphore_mem>>) src(%dma_wait3A_265 : memref<128x64xf32, #tpu.memory_space<vmem_shared>>) dst(%dma_wait3A_263 : memref<128x64xf32, #tpu.memory_space<hbm>>)
      tpu.yield
    }) : () -> ()
    %mul3A_230 = arith.constant 640 : i32
    %mul3A_231 = arith.muli %arg1, %mul3A_230 : i32
    %add3A_232 = arith.constant 128 : i32
    %add3A_233 = arith.addi %mul3A_231, %add3A_232 : i32
    %mul3A_234 = arith.constant 10240 : i32
    %mul3A_235 = arith.muli %arg0, %mul3A_234 : i32
    %add3A_236 = arith.addi %mul3A_235, %add3A_233 : i32
    "tpu.region"() ({
      %run_scoped3A = tpu.sem_alloc : memref<!tpu.dma_semaphore, #tpu.memory_space<semaphore_mem>>
      %dma_start3A_258 = arith.constant 0 : i32
      %dma_start3A_259 = tpu.memref_slice %arg5[%add3A_236, %dma_start3A_258] : memref<20480x64xf32, #tpu.memory_space<hbm>> -> memref<128x64xf32, #tpu.memory_space<hbm>>
      %dma_start3A_260 = arith.constant 0 : i32
      %dma_start3A_261 = tpu.memref_slice %arg9[%add3A_233, %dma_start3A_260] : memref<10240x64xf32, #tpu.memory_space<vmem_shared>> -> memref<128x64xf32, #tpu.memory_space<vmem_shared>>
      tpu.enqueue_dma source(%dma_start3A_261 : memref<128x64xf32, #tpu.memory_space<vmem_shared>>) target(%dma_start3A_259 : memref<128x64xf32, #tpu.memory_space<hbm>>) target_semaphore(%run_scoped3A : memref<!tpu.dma_semaphore, #tpu.memory_space<semaphore_mem>>)
      %dma_wait3A_262 = arith.constant 0 : i32
      %dma_wait3A_263 = tpu.memref_slice %arg5[%add3A_236, %dma_wait3A_262] : memref<20480x64xf32, #tpu.memory_space<hbm>> -> memref<128x64xf32, #tpu.memory_space<hbm>>
      %dma_wait3A_264 = arith.constant 0 : i32
      %dma_wait3A_265 = tpu.memref_slice %arg9[%add3A_233, %dma_wait3A_264] : memref<10240x64xf32, #tpu.memory_space<vmem_shared>> -> memref<128x64xf32, #tpu.memory_space<vmem_shared>>
      tpu.wait_dma2 semaphore(%run_scoped3A : memref<!tpu.dma_semaphore, #tpu.memory_space<semaphore_mem>>) src(%dma_wait3A_265 : memref<128x64xf32, #tpu.memory_space<vmem_shared>>) dst(%dma_wait3A_263 : memref<128x64xf32, #tpu.memory_space<hbm>>)
      tpu.yield
    }) : () -> ()
    %mul3A_237 = arith.constant 640 : i32
    %mul3A_238 = arith.muli %arg1, %mul3A_237 : i32
    %add3A_239 = arith.constant 256 : i32
    %add3A_240 = arith.addi %mul3A_238, %add3A_239 : i32
    %mul3A_241 = arith.constant 10240 : i32
    %mul3A_242 = arith.muli %arg0, %mul3A_241 : i32
    %add3A_243 = arith.addi %mul3A_242, %add3A_240 : i32
    "tpu.region"() ({
      %run_scoped3A = tpu.sem_alloc : memref<!tpu.dma_semaphore, #tpu.memory_space<semaphore_mem>>
      %dma_start3A_258 = arith.constant 0 : i32
      %dma_start3A_259 = tpu.memref_slice %arg5[%add3A_243, %dma_start3A_258] : memref<20480x64xf32, #tpu.memory_space<hbm>> -> memref<128x64xf32, #tpu.memory_space<hbm>>
      %dma_start3A_260 = arith.constant 0 : i32
      %dma_start3A_261 = tpu.memref_slice %arg9[%add3A_240, %dma_start3A_260] : memref<10240x64xf32, #tpu.memory_space<vmem_shared>> -> memref<128x64xf32, #tpu.memory_space<vmem_shared>>
      tpu.enqueue_dma source(%dma_start3A_261 : memref<128x64xf32, #tpu.memory_space<vmem_shared>>) target(%dma_start3A_259 : memref<128x64xf32, #tpu.memory_space<hbm>>) target_semaphore(%run_scoped3A : memref<!tpu.dma_semaphore, #tpu.memory_space<semaphore_mem>>)
      %dma_wait3A_262 = arith.constant 0 : i32
      %dma_wait3A_263 = tpu.memref_slice %arg5[%add3A_243, %dma_wait3A_262] : memref<20480x64xf32, #tpu.memory_space<hbm>> -> memref<128x64xf32, #tpu.memory_space<hbm>>
      %dma_wait3A_264 = arith.constant 0 : i32
      %dma_wait3A_265 = tpu.memref_slice %arg9[%add3A_240, %dma_wait3A_264] : memref<10240x64xf32, #tpu.memory_space<vmem_shared>> -> memref<128x64xf32, #tpu.memory_space<vmem_shared>>
      tpu.wait_dma2 semaphore(%run_scoped3A : memref<!tpu.dma_semaphore, #tpu.memory_space<semaphore_mem>>) src(%dma_wait3A_265 : memref<128x64xf32, #tpu.memory_space<vmem_shared>>) dst(%dma_wait3A_263 : memref<128x64xf32, #tpu.memory_space<hbm>>)
      tpu.yield
    }) : () -> ()
    %mul3A_244 = arith.constant 640 : i32
    %mul3A_245 = arith.muli %arg1, %mul3A_244 : i32
    %add3A_246 = arith.constant 384 : i32
    %add3A_247 = arith.addi %mul3A_245, %add3A_246 : i32
    %mul3A_248 = arith.constant 10240 : i32
    %mul3A_249 = arith.muli %arg0, %mul3A_248 : i32
    %add3A_250 = arith.addi %mul3A_249, %add3A_247 : i32
    "tpu.region"() ({
      %run_scoped3A = tpu.sem_alloc : memref<!tpu.dma_semaphore, #tpu.memory_space<semaphore_mem>>
      %dma_start3A_258 = arith.constant 0 : i32
      %dma_start3A_259 = tpu.memref_slice %arg5[%add3A_250, %dma_start3A_258] : memref<20480x64xf32, #tpu.memory_space<hbm>> -> memref<128x64xf32, #tpu.memory_space<hbm>>
      %dma_start3A_260 = arith.constant 0 : i32
      %dma_start3A_261 = tpu.memref_slice %arg9[%add3A_247, %dma_start3A_260] : memref<10240x64xf32, #tpu.memory_space<vmem_shared>> -> memref<128x64xf32, #tpu.memory_space<vmem_shared>>
      tpu.enqueue_dma source(%dma_start3A_261 : memref<128x64xf32, #tpu.memory_space<vmem_shared>>) target(%dma_start3A_259 : memref<128x64xf32, #tpu.memory_space<hbm>>) target_semaphore(%run_scoped3A : memref<!tpu.dma_semaphore, #tpu.memory_space<semaphore_mem>>)
      %dma_wait3A_262 = arith.constant 0 : i32
      %dma_wait3A_263 = tpu.memref_slice %arg5[%add3A_250, %dma_wait3A_262] : memref<20480x64xf32, #tpu.memory_space<hbm>> -> memref<128x64xf32, #tpu.memory_space<hbm>>
      %dma_wait3A_264 = arith.constant 0 : i32
      %dma_wait3A_265 = tpu.memref_slice %arg9[%add3A_247, %dma_wait3A_264] : memref<10240x64xf32, #tpu.memory_space<vmem_shared>> -> memref<128x64xf32, #tpu.memory_space<vmem_shared>>
      tpu.wait_dma2 semaphore(%run_scoped3A : memref<!tpu.dma_semaphore, #tpu.memory_space<semaphore_mem>>) src(%dma_wait3A_265 : memref<128x64xf32, #tpu.memory_space<vmem_shared>>) dst(%dma_wait3A_263 : memref<128x64xf32, #tpu.memory_space<hbm>>)
      tpu.yield
    }) : () -> ()
    %mul3A_251 = arith.constant 640 : i32
    %mul3A_252 = arith.muli %arg1, %mul3A_251 : i32
    %add3A_253 = arith.constant 512 : i32
    %add3A_254 = arith.addi %mul3A_252, %add3A_253 : i32
    %mul3A_255 = arith.constant 10240 : i32
    %mul3A_256 = arith.muli %arg0, %mul3A_255 : i32
    %add3A_257 = arith.addi %mul3A_256, %add3A_254 : i32
    "tpu.region"() ({
      %run_scoped3A = tpu.sem_alloc : memref<!tpu.dma_semaphore, #tpu.memory_space<semaphore_mem>>
      %dma_start3A_258 = arith.constant 0 : i32
      %dma_start3A_259 = tpu.memref_slice %arg5[%add3A_257, %dma_start3A_258] : memref<20480x64xf32, #tpu.memory_space<hbm>> -> memref<128x64xf32, #tpu.memory_space<hbm>>
      %dma_start3A_260 = arith.constant 0 : i32
      %dma_start3A_261 = tpu.memref_slice %arg9[%add3A_254, %dma_start3A_260] : memref<10240x64xf32, #tpu.memory_space<vmem_shared>> -> memref<128x64xf32, #tpu.memory_space<vmem_shared>>
      tpu.enqueue_dma source(%dma_start3A_261 : memref<128x64xf32, #tpu.memory_space<vmem_shared>>) target(%dma_start3A_259 : memref<128x64xf32, #tpu.memory_space<hbm>>) target_semaphore(%run_scoped3A : memref<!tpu.dma_semaphore, #tpu.memory_space<semaphore_mem>>)
      %dma_wait3A_262 = arith.constant 0 : i32
      %dma_wait3A_263 = tpu.memref_slice %arg5[%add3A_257, %dma_wait3A_262] : memref<20480x64xf32, #tpu.memory_space<hbm>> -> memref<128x64xf32, #tpu.memory_space<hbm>>
      %dma_wait3A_264 = arith.constant 0 : i32
      %dma_wait3A_265 = tpu.memref_slice %arg9[%add3A_254, %dma_wait3A_264] : memref<10240x64xf32, #tpu.memory_space<vmem_shared>> -> memref<128x64xf32, #tpu.memory_space<vmem_shared>>
      tpu.wait_dma2 semaphore(%run_scoped3A : memref<!tpu.dma_semaphore, #tpu.memory_space<semaphore_mem>>) src(%dma_wait3A_265 : memref<128x64xf32, #tpu.memory_space<vmem_shared>>) dst(%dma_wait3A_263 : memref<128x64xf32, #tpu.memory_space<hbm>>)
      tpu.yield
    }) : () -> ()
    return
  }
}

#map = affine_map<(d0, d1) -> (0, 0)>
module attributes {stable_mosaic.version = 14 : i64} {
  func.func @spmm(%arg0: i32, %arg1: i32, %arg2: memref<10240x64xf32, #tpu.memory_space<hbm>>, %arg3: memref<2560x128xi32, #tpu.memory_space<hbm>>, %arg4: memref<2560x128xi32, #tpu.memory_space<hbm>>, %arg5: memref<20480x64xf32, #tpu.memory_space<hbm>>, %arg6: memref<80x128xi32, #tpu.memory_space<vmem>>, %arg7: memref<80x128xi32, #tpu.memory_space<vmem>>, %arg8: memref<8x128x64xf32, #tpu.memory_space<vmem>>, %arg9: memref<10240x64xf32, #tpu.memory_space<vmem_shared>>, %arg10: memref<!tpu.dma_semaphore, #tpu.memory_space<semaphore_mem>>, %arg11: memref<!tpu.dma_semaphore, #tpu.memory_space<semaphore_mem>>, %arg12: memref<!tpu.dma_semaphore, #tpu.memory_space<semaphore_mem>>, %arg13: memref<!tpu.dma_semaphore, #tpu.memory_space<semaphore_mem>>) attributes {dimension_semantics = [#tpu.dimension_semantics<core_parallel>, #tpu.dimension_semantics<subcore_parallel>], iteration_bounds = array<i64: 2, 16>, scalar_prefetch = 0 : i64, scratch_operands = 8 : i64, tpu.core_type = #tpu.core_type<sc_vector_subcore>, window_params = [{transform_indices = #map}, {transform_indices = #map}, {transform_indices = #map}, {transform_indices = #map}]} {
    %mul3A = arith.constant 2 : i32
    %mul3A_0 = arith.muli %arg1, %mul3A : i32
    %add3A = arith.addi %mul3A_0, %arg0 : i32
    %mul3A_1 = arith.constant 80 : i32
    %mul3A_2 = arith.muli %add3A, %mul3A_1 : i32
    "tpu.region"() ({
      %run_scoped3A = tpu.sem_alloc : memref<!tpu.dma_semaphore, #tpu.memory_space<semaphore_mem>>
      %dma_start3A_258 = arith.constant 0 : i32
      %dma_start3A_259 = tpu.memref_slice %arg3[%mul3A_2, %dma_start3A_258] : memref<2560x128xi32, #tpu.memory_space<hbm>> -> memref<80x128xi32, #tpu.memory_space<hbm>>
      %dma_start3A_260 = arith.constant 0 : i32
      %dma_start3A_261 = tpu.memref_slice %arg3[%mul3A_2, %dma_start3A_260] : memref<2560x128xi32, #tpu.memory_space<hbm>> -> memref<80x128xi32, #tpu.memory_space<hbm>>
      tpu.enqueue_dma source(%dma_start3A_261 : memref<80x128xi32, #tpu.memory_space<hbm>>) target(%arg6 : memref<80x128xi32, #tpu.memory_space<vmem>>) target_semaphore(%run_scoped3A : memref<!tpu.dma_semaphore, #tpu.memory_space<semaphore_mem>>)
      %dma_wait3A_262 = arith.constant 0 : i32
      %dma_wait3A_263 = tpu.memref_slice %arg3[%mul3A_2, %dma_wait3A_262] : memref<2560x128xi32, #tpu.memory_space<hbm>> -> memref<80x128xi32, #tpu.memory_space<hbm>>
      %dma_wait3A_264 = arith.constant 0 : i32
      %dma_wait3A_265 = tpu.memref_slice %arg3[%mul3A_2, %dma_wait3A_264] : memref<2560x128xi32, #tpu.memory_space<hbm>> -> memref<80x128xi32, #tpu.memory_space<hbm>>
      tpu.wait_dma2 semaphore(%run_scoped3A : memref<!tpu.dma_semaphore, #tpu.memory_space<semaphore_mem>>) src(%dma_wait3A_265 : memref<80x128xi32, #tpu.memory_space<hbm>>) dst(%arg6 : memref<80x128xi32, #tpu.memory_space<vmem>>)
      tpu.yield
    }) : () -> ()
    %mul3A_3 = arith.constant 80 : i32
    %mul3A_4 = arith.muli %add3A, %mul3A_3 : i32
    "tpu.region"() ({
      %run_scoped3A = tpu.sem_alloc : memref<!tpu.dma_semaphore, #tpu.memory_space<semaphore_mem>>
      %dma_start3A_258 = arith.constant 0 : i32
      %dma_start3A_259 = tpu.memref_slice %arg4[%mul3A_4, %dma_start3A_258] : memref<2560x128xi32, #tpu.memory_space<hbm>> -> memref<80x128xi32, #tpu.memory_space<hbm>>
      %dma_start3A_260 = arith.constant 0 : i32
      %dma_start3A_261 = tpu.memref_slice %arg4[%mul3A_4, %dma_start3A_260] : memref<2560x128xi32, #tpu.memory_space<hbm>> -> memref<80x128xi32, #tpu.memory_space<hbm>>
      tpu.enqueue_dma source(%dma_start3A_261 : memref<80x128xi32, #tpu.memory_space<hbm>>) target(%arg7 : memref<80x128xi32, #tpu.memory_space<vmem>>) target_semaphore(%run_scoped3A : memref<!tpu.dma_semaphore, #tpu.memory_space<semaphore_mem>>)
      %dma_wait3A_262 = arith.constant 0 : i32
      %dma_wait3A_263 = tpu.memref_slice %arg4[%mul3A_4, %dma_wait3A_262] : memref<2560x128xi32, #tpu.memory_space<hbm>> -> memref<80x128xi32, #tpu.memory_space<hbm>>
      %dma_wait3A_264 = arith.constant 0 : i32
      %dma_wait3A_265 = tpu.memref_slice %arg4[%mul3A_4, %dma_wait3A_264] : memref<2560x128xi32, #tpu.memory_space<hbm>> -> memref<80x128xi32, #tpu.memory_space<hbm>>
      tpu.wait_dma2 semaphore(%run_scoped3A : memref<!tpu.dma_semaphore, #tpu.memory_space<semaphore_mem>>) src(%dma_wait3A_265 : memref<80x128xi32, #tpu.memory_space<hbm>>) dst(%arg7 : memref<80x128xi32, #tpu.memory_space<vmem>>)
      tpu.yield
    }) : () -> ()
    %dma_start3A = arith.constant 0 : i32
    %dma_start3A_5 = arith.constant 0 : i32
    %dma_start3A_6 = arith.constant 0 : i32
    %dma_start3A_7 = arith.constant 0 : i32
    %dma_start3A_8 = tpu.memref_slice %arg8[%dma_start3A_5, %dma_start3A_6, %dma_start3A_7] : memref<8x128x64xf32, #tpu.memory_space<vmem>> -> memref<1x128x64xf32, #tpu.memory_space<vmem>>
    %dma_start3A_9 = tpu.memref_squeeze %dma_start3A_8 : memref<1x128x64xf32, #tpu.memory_space<vmem>> -> memref<128x64xf32, #tpu.memory_space<vmem>>
    %dma_start3A_10 = arith.constant 0 : i32
    %dma_start3A_11 = tpu.memref_slice %arg6[%dma_start3A, %dma_start3A_10] : memref<80x128xi32, #tpu.memory_space<vmem>> -> memref<1x128xi32, #tpu.memory_space<vmem>>
    %dma_start3A_12 = tpu.memref_squeeze %dma_start3A_11 : memref<1x128xi32, #tpu.memory_space<vmem>> -> memref<128xi32, #tpu.memory_space<vmem>>
    %dma_start3A_13 = arith.constant 0 : i32
    %dma_start3A_14 = arith.constant 0 : i32
    %dma_start3A_15 = tpu.memref_slice %arg2[%dma_start3A_13, %dma_start3A_14] : memref<10240x64xf32, #tpu.memory_space<hbm>> -> memref<10240x64xf32, #tpu.memory_space<hbm>>
    tpu.enqueue_indirect_dma source(%dma_start3A_15 : memref<10240x64xf32, #tpu.memory_space<hbm>>) target(%dma_start3A_9 : memref<128x64xf32, #tpu.memory_space<vmem>>) offsets(%dma_start3A_12 : memref<128xi32, #tpu.memory_space<vmem>>) semaphore(%arg10 : memref<!tpu.dma_semaphore, #tpu.memory_space<semaphore_mem>>)
    %dma_start3A_16 = arith.constant 1 : i32
    %dma_start3A_17 = arith.constant 1 : i32
    %dma_start3A_18 = arith.constant 0 : i32
    %dma_start3A_19 = arith.constant 0 : i32
    %dma_start3A_20 = tpu.memref_slice %arg8[%dma_start3A_17, %dma_start3A_18, %dma_start3A_19] : memref<8x128x64xf32, #tpu.memory_space<vmem>> -> memref<1x128x64xf32, #tpu.memory_space<vmem>>
    %dma_start3A_21 = tpu.memref_squeeze %dma_start3A_20 : memref<1x128x64xf32, #tpu.memory_space<vmem>> -> memref<128x64xf32, #tpu.memory_space<vmem>>
    %dma_start3A_22 = arith.constant 0 : i32
    %dma_start3A_23 = tpu.memref_slice %arg6[%dma_start3A_16, %dma_start3A_22] : memref<80x128xi32, #tpu.memory_space<vmem>> -> memref<1x128xi32, #tpu.memory_space<vmem>>
    %dma_start3A_24 = tpu.memref_squeeze %dma_start3A_23 : memref<1x128xi32, #tpu.memory_space<vmem>> -> memref<128xi32, #tpu.memory_space<vmem>>
    %dma_start3A_25 = arith.constant 0 : i32
    %dma_start3A_26 = arith.constant 0 : i32
    %dma_start3A_27 = tpu.memref_slice %arg2[%dma_start3A_25, %dma_start3A_26] : memref<10240x64xf32, #tpu.memory_space<hbm>> -> memref<10240x64xf32, #tpu.memory_space<hbm>>
    tpu.enqueue_indirect_dma source(%dma_start3A_27 : memref<10240x64xf32, #tpu.memory_space<hbm>>) target(%dma_start3A_21 : memref<128x64xf32, #tpu.memory_space<vmem>>) offsets(%dma_start3A_24 : memref<128xi32, #tpu.memory_space<vmem>>) semaphore(%arg10 : memref<!tpu.dma_semaphore, #tpu.memory_space<semaphore_mem>>)
    %dma_start3A_28 = arith.constant 2 : i32
    %dma_start3A_29 = arith.constant 2 : i32
    %dma_start3A_30 = arith.constant 0 : i32
    %dma_start3A_31 = arith.constant 0 : i32
    %dma_start3A_32 = tpu.memref_slice %arg8[%dma_start3A_29, %dma_start3A_30, %dma_start3A_31] : memref<8x128x64xf32, #tpu.memory_space<vmem>> -> memref<1x128x64xf32, #tpu.memory_space<vmem>>
    %dma_start3A_33 = tpu.memref_squeeze %dma_start3A_32 : memref<1x128x64xf32, #tpu.memory_space<vmem>> -> memref<128x64xf32, #tpu.memory_space<vmem>>
    %dma_start3A_34 = arith.constant 0 : i32
    %dma_start3A_35 = tpu.memref_slice %arg6[%dma_start3A_28, %dma_start3A_34] : memref<80x128xi32, #tpu.memory_space<vmem>> -> memref<1x128xi32, #tpu.memory_space<vmem>>
    %dma_start3A_36 = tpu.memref_squeeze %dma_start3A_35 : memref<1x128xi32, #tpu.memory_space<vmem>> -> memref<128xi32, #tpu.memory_space<vmem>>
    %dma_start3A_37 = arith.constant 0 : i32
    %dma_start3A_38 = arith.constant 0 : i32
    %dma_start3A_39 = tpu.memref_slice %arg2[%dma_start3A_37, %dma_start3A_38] : memref<10240x64xf32, #tpu.memory_space<hbm>> -> memref<10240x64xf32, #tpu.memory_space<hbm>>
    tpu.enqueue_indirect_dma source(%dma_start3A_39 : memref<10240x64xf32, #tpu.memory_space<hbm>>) target(%dma_start3A_33 : memref<128x64xf32, #tpu.memory_space<vmem>>) offsets(%dma_start3A_36 : memref<128xi32, #tpu.memory_space<vmem>>) semaphore(%arg10 : memref<!tpu.dma_semaphore, #tpu.memory_space<semaphore_mem>>)
    %dma_start3A_40 = arith.constant 3 : i32
    %dma_start3A_41 = arith.constant 3 : i32
    %dma_start3A_42 = arith.constant 0 : i32
    %dma_start3A_43 = arith.constant 0 : i32
    %dma_start3A_44 = tpu.memref_slice %arg8[%dma_start3A_41, %dma_start3A_42, %dma_start3A_43] : memref<8x128x64xf32, #tpu.memory_space<vmem>> -> memref<1x128x64xf32, #tpu.memory_space<vmem>>
    %dma_start3A_45 = tpu.memref_squeeze %dma_start3A_44 : memref<1x128x64xf32, #tpu.memory_space<vmem>> -> memref<128x64xf32, #tpu.memory_space<vmem>>
    %dma_start3A_46 = arith.constant 0 : i32
    %dma_start3A_47 = tpu.memref_slice %arg6[%dma_start3A_40, %dma_start3A_46] : memref<80x128xi32, #tpu.memory_space<vmem>> -> memref<1x128xi32, #tpu.memory_space<vmem>>
    %dma_start3A_48 = tpu.memref_squeeze %dma_start3A_47 : memref<1x128xi32, #tpu.memory_space<vmem>> -> memref<128xi32, #tpu.memory_space<vmem>>
    %dma_start3A_49 = arith.constant 0 : i32
    %dma_start3A_50 = arith.constant 0 : i32
    %dma_start3A_51 = tpu.memref_slice %arg2[%dma_start3A_49, %dma_start3A_50] : memref<10240x64xf32, #tpu.memory_space<hbm>> -> memref<10240x64xf32, #tpu.memory_space<hbm>>
    tpu.enqueue_indirect_dma source(%dma_start3A_51 : memref<10240x64xf32, #tpu.memory_space<hbm>>) target(%dma_start3A_45 : memref<128x64xf32, #tpu.memory_space<vmem>>) offsets(%dma_start3A_48 : memref<128xi32, #tpu.memory_space<vmem>>) semaphore(%arg10 : memref<!tpu.dma_semaphore, #tpu.memory_space<semaphore_mem>>)
    %scan3A = arith.constant 0 : i32
    %scan3A_52 = arith.constant 0 : i32
    %scan3A_53 = arith.constant 128 : i32
    %scan3A_54 = arith.addi %scan3A_52, %scan3A_53 : i32
    %scan3A_55 = arith.constant 1 : i32
    scf.for %scan3A_258 = %scan3A_52 to %scan3A_54 step %scan3A_55  : i32 {
      %broadcast_in_dim3A = arith.constant 0.000000e+00 : f32
      %broadcast_in_dim3A_259 = vector.broadcast %broadcast_in_dim3A : f32 to vector<16xf32>
      %swap3A = arith.constant 4 : i32
      %swap3A_260 = arith.index_cast %swap3A : i32 to index
      %swap3A_261 = arith.index_cast %scan3A_258 : i32 to index
      %swap3A_262 = arith.constant 0 : index
      %swap3A_263 = tpu.vector_load %arg8[%swap3A_260, %swap3A_261, %swap3A_262] {strides = array<i32>} : memref<8x128x64xf32, #tpu.memory_space<vmem>>, vector<1x1x16xf32>,
      %swap3A_264 = vector.shape_cast %swap3A_263 : vector<1x1x16xf32> to vector<16xf32>
      %swap3A_265 = vector.shape_cast %broadcast_in_dim3A_259 : vector<16xf32> to vector<1x1x16xf32>
      tpu.vector_store %arg8[%swap3A_260, %swap3A_261, %swap3A_262], %swap3A_265 {strides = array<i32>} : memref<8x128x64xf32, #tpu.memory_space<vmem>>, vector<1x1x16xf32>,
      %broadcast_in_dim3A_266 = arith.constant 0.000000e+00 : f32
      %broadcast_in_dim3A_267 = vector.broadcast %broadcast_in_dim3A_266 : f32 to vector<16xf32>
      %swap3A_268 = arith.constant 4 : i32
      %swap3A_269 = arith.index_cast %swap3A_268 : i32 to index
      %swap3A_270 = arith.index_cast %scan3A_258 : i32 to index
      %swap3A_271 = arith.constant 16 : index
      %swap3A_272 = tpu.vector_load %arg8[%swap3A_269, %swap3A_270, %swap3A_271] {strides = array<i32>} : memref<8x128x64xf32, #tpu.memory_space<vmem>>, vector<1x1x16xf32>,
      %swap3A_273 = vector.shape_cast %swap3A_272 : vector<1x1x16xf32> to vector<16xf32>
      %swap3A_274 = vector.shape_cast %broadcast_in_dim3A_267 : vector<16xf32> to vector<1x1x16xf32>
      tpu.vector_store %arg8[%swap3A_269, %swap3A_270, %swap3A_271], %swap3A_274 {strides = array<i32>} : memref<8x128x64xf32, #tpu.memory_space<vmem>>, vector<1x1x16xf32>,
      %broadcast_in_dim3A_275 = arith.constant 0.000000e+00 : f32
      %broadcast_in_dim3A_276 = vector.broadcast %broadcast_in_dim3A_275 : f32 to vector<16xf32>
      %swap3A_277 = arith.constant 4 : i32
      %swap3A_278 = arith.index_cast %swap3A_277 : i32 to index
      %swap3A_279 = arith.index_cast %scan3A_258 : i32 to index
      %swap3A_280 = arith.constant 32 : index
      %swap3A_281 = tpu.vector_load %arg8[%swap3A_278, %swap3A_279, %swap3A_280] {strides = array<i32>} : memref<8x128x64xf32, #tpu.memory_space<vmem>>, vector<1x1x16xf32>,
      %swap3A_282 = vector.shape_cast %swap3A_281 : vector<1x1x16xf32> to vector<16xf32>
      %swap3A_283 = vector.shape_cast %broadcast_in_dim3A_276 : vector<16xf32> to vector<1x1x16xf32>
      tpu.vector_store %arg8[%swap3A_278, %swap3A_279, %swap3A_280], %swap3A_283 {strides = array<i32>} : memref<8x128x64xf32, #tpu.memory_space<vmem>>, vector<1x1x16xf32>,
      %broadcast_in_dim3A_284 = arith.constant 0.000000e+00 : f32
      %broadcast_in_dim3A_285 = vector.broadcast %broadcast_in_dim3A_284 : f32 to vector<16xf32>
      %swap3A_286 = arith.constant 4 : i32
      %swap3A_287 = arith.index_cast %swap3A_286 : i32 to index
      %swap3A_288 = arith.index_cast %scan3A_258 : i32 to index
      %swap3A_289 = arith.constant 48 : index
      %swap3A_290 = tpu.vector_load %arg8[%swap3A_287, %swap3A_288, %swap3A_289] {strides = array<i32>} : memref<8x128x64xf32, #tpu.memory_space<vmem>>, vector<1x1x16xf32>,
      %swap3A_291 = vector.shape_cast %swap3A_290 : vector<1x1x16xf32> to vector<16xf32>
      %swap3A_292 = vector.shape_cast %broadcast_in_dim3A_285 : vector<16xf32> to vector<1x1x16xf32>
      tpu.vector_store %arg8[%swap3A_287, %swap3A_288, %swap3A_289], %swap3A_292 {strides = array<i32>} : memref<8x128x64xf32, #tpu.memory_space<vmem>>, vector<1x1x16xf32>,
    }
    %scan3A_56 = arith.constant 128 : i32
    %mul3A_57 = arith.constant 640 : i32
    %mul3A_58 = arith.muli %arg1, %mul3A_57 : i32
    %add3A_59 = arith.constant 0 : i32
    %add3A_60 = arith.addi %mul3A_58, %add3A_59 : i32
    %dma_start3A_61 = arith.constant 4 : i32
    %dma_start3A_62 = arith.constant 0 : i32
    %dma_start3A_63 = arith.constant 0 : i32
    %dma_start3A_64 = tpu.memref_slice %arg8[%dma_start3A_61, %dma_start3A_62, %dma_start3A_63] : memref<8x128x64xf32, #tpu.memory_space<vmem>> -> memref<1x128x64xf32, #tpu.memory_space<vmem>>
    %dma_start3A_65 = tpu.memref_squeeze %dma_start3A_64 : memref<1x128x64xf32, #tpu.memory_space<vmem>> -> memref<128x64xf32, #tpu.memory_space<vmem>>
    %dma_start3A_66 = arith.constant 0 : i32
    %dma_start3A_67 = tpu.memref_slice %arg9[%add3A_60, %dma_start3A_66] : memref<10240x64xf32, #tpu.memory_space<vmem_shared>> -> memref<128x64xf32, #tpu.memory_space<vmem_shared>>
    %dma_start3A_68 = arith.constant 0 : i32
    %dma_start3A_69 = tpu.memref_slice %arg9[%add3A_60, %dma_start3A_68] : memref<10240x64xf32, #tpu.memory_space<vmem_shared>> -> memref<128x64xf32, #tpu.memory_space<vmem_shared>>
    %dma_start3A_70 = arith.constant 0 : i32
    %dma_start3A_71 = arith.constant 0 : i32
    %dma_start3A_72 = tpu.memref_slice %arg8[%dma_start3A_61, %dma_start3A_70, %dma_start3A_71] : memref<8x128x64xf32, #tpu.memory_space<vmem>> -> memref<1x128x64xf32, #tpu.memory_space<vmem>>
    %dma_start3A_73 = tpu.memref_squeeze %dma_start3A_72 : memref<1x128x64xf32, #tpu.memory_space<vmem>> -> memref<128x64xf32, #tpu.memory_space<vmem>>
    tpu.enqueue_dma source(%dma_start3A_73 : memref<128x64xf32, #tpu.memory_space<vmem>>) target(%dma_start3A_69 : memref<128x64xf32, #tpu.memory_space<vmem_shared>>) target_semaphore(%arg12 : memref<!tpu.dma_semaphore, #tpu.memory_space<semaphore_mem>>)
    %mul3A_74 = arith.constant 640 : i32
    %mul3A_75 = arith.muli %arg1, %mul3A_74 : i32
    %add3A_76 = arith.constant 128 : i32
    %add3A_77 = arith.addi %mul3A_75, %add3A_76 : i32
    %dma_start3A_78 = arith.constant 4 : i32
    %dma_start3A_79 = arith.constant 0 : i32
    %dma_start3A_80 = arith.constant 0 : i32
    %dma_start3A_81 = tpu.memref_slice %arg8[%dma_start3A_78, %dma_start3A_79, %dma_start3A_80] : memref<8x128x64xf32, #tpu.memory_space<vmem>> -> memref<1x128x64xf32, #tpu.memory_space<vmem>>
    %dma_start3A_82 = tpu.memref_squeeze %dma_start3A_81 : memref<1x128x64xf32, #tpu.memory_space<vmem>> -> memref<128x64xf32, #tpu.memory_space<vmem>>
    %dma_start3A_83 = arith.constant 0 : i32
    %dma_start3A_84 = tpu.memref_slice %arg9[%add3A_77, %dma_start3A_83] : memref<10240x64xf32, #tpu.memory_space<vmem_shared>> -> memref<128x64xf32, #tpu.memory_space<vmem_shared>>
    %dma_start3A_85 = arith.constant 0 : i32
    %dma_start3A_86 = tpu.memref_slice %arg9[%add3A_77, %dma_start3A_85] : memref<10240x64xf32, #tpu.memory_space<vmem_shared>> -> memref<128x64xf32, #tpu.memory_space<vmem_shared>>
    %dma_start3A_87 = arith.constant 0 : i32
    %dma_start3A_88 = arith.constant 0 : i32
    %dma_start3A_89 = tpu.memref_slice %arg8[%dma_start3A_78, %dma_start3A_87, %dma_start3A_88] : memref<8x128x64xf32, #tpu.memory_space<vmem>> -> memref<1x128x64xf32, #tpu.memory_space<vmem>>
    %dma_start3A_90 = tpu.memref_squeeze %dma_start3A_89 : memref<1x128x64xf32, #tpu.memory_space<vmem>> -> memref<128x64xf32, #tpu.memory_space<vmem>>
    tpu.enqueue_dma source(%dma_start3A_90 : memref<128x64xf32, #tpu.memory_space<vmem>>) target(%dma_start3A_86 : memref<128x64xf32, #tpu.memory_space<vmem_shared>>) target_semaphore(%arg12 : memref<!tpu.dma_semaphore, #tpu.memory_space<semaphore_mem>>)
    %mul3A_91 = arith.constant 640 : i32
    %mul3A_92 = arith.muli %arg1, %mul3A_91 : i32
    %add3A_93 = arith.constant 256 : i32
    %add3A_94 = arith.addi %mul3A_92, %add3A_93 : i32
    %dma_start3A_95 = arith.constant 4 : i32
    %dma_start3A_96 = arith.constant 0 : i32
    %dma_start3A_97 = arith.constant 0 : i32
    %dma_start3A_98 = tpu.memref_slice %arg8[%dma_start3A_95, %dma_start3A_96, %dma_start3A_97] : memref<8x128x64xf32, #tpu.memory_space<vmem>> -> memref<1x128x64xf32, #tpu.memory_space<vmem>>
    %dma_start3A_99 = tpu.memref_squeeze %dma_start3A_98 : memref<1x128x64xf32, #tpu.memory_space<vmem>> -> memref<128x64xf32, #tpu.memory_space<vmem>>
    %dma_start3A_100 = arith.constant 0 : i32
    %dma_start3A_101 = tpu.memref_slice %arg9[%add3A_94, %dma_start3A_100] : memref<10240x64xf32, #tpu.memory_space<vmem_shared>> -> memref<128x64xf32, #tpu.memory_space<vmem_shared>>
    %dma_start3A_102 = arith.constant 0 : i32
    %dma_start3A_103 = tpu.memref_slice %arg9[%add3A_94, %dma_start3A_102] : memref<10240x64xf32, #tpu.memory_space<vmem_shared>> -> memref<128x64xf32, #tpu.memory_space<vmem_shared>>
    %dma_start3A_104 = arith.constant 0 : i32
    %dma_start3A_105 = arith.constant 0 : i32
    %dma_start3A_106 = tpu.memref_slice %arg8[%dma_start3A_95, %dma_start3A_104, %dma_start3A_105] : memref<8x128x64xf32, #tpu.memory_space<vmem>> -> memref<1x128x64xf32, #tpu.memory_space<vmem>>
    %dma_start3A_107 = tpu.memref_squeeze %dma_start3A_106 : memref<1x128x64xf32, #tpu.memory_space<vmem>> -> memref<128x64xf32, #tpu.memory_space<vmem>>
    tpu.enqueue_dma source(%dma_start3A_107 : memref<128x64xf32, #tpu.memory_space<vmem>>) target(%dma_start3A_103 : memref<128x64xf32, #tpu.memory_space<vmem_shared>>) target_semaphore(%arg12 : memref<!tpu.dma_semaphore, #tpu.memory_space<semaphore_mem>>)
    %mul3A_108 = arith.constant 640 : i32
    %mul3A_109 = arith.muli %arg1, %mul3A_108 : i32
    %add3A_110 = arith.constant 384 : i32
    %add3A_111 = arith.addi %mul3A_109, %add3A_110 : i32
    %dma_start3A_112 = arith.constant 4 : i32
    %dma_start3A_113 = arith.constant 0 : i32
    %dma_start3A_114 = arith.constant 0 : i32
    %dma_start3A_115 = tpu.memref_slice %arg8[%dma_start3A_112, %dma_start3A_113, %dma_start3A_114] : memref<8x128x64xf32, #tpu.memory_space<vmem>> -> memref<1x128x64xf32, #tpu.memory_space<vmem>>
    %dma_start3A_116 = tpu.memref_squeeze %dma_start3A_115 : memref<1x128x64xf32, #tpu.memory_space<vmem>> -> memref<128x64xf32, #tpu.memory_space<vmem>>
    %dma_start3A_117 = arith.constant 0 : i32
    %dma_start3A_118 = tpu.memref_slice %arg9[%add3A_111, %dma_start3A_117] : memref<10240x64xf32, #tpu.memory_space<vmem_shared>> -> memref<128x64xf32, #tpu.memory_space<vmem_shared>>
    %dma_start3A_119 = arith.constant 0 : i32
    %dma_start3A_120 = tpu.memref_slice %arg9[%add3A_111, %dma_start3A_119] : memref<10240x64xf32, #tpu.memory_space<vmem_shared>> -> memref<128x64xf32, #tpu.memory_space<vmem_shared>>
    %dma_start3A_121 = arith.constant 0 : i32
    %dma_start3A_122 = arith.constant 0 : i32
    %dma_start3A_123 = tpu.memref_slice %arg8[%dma_start3A_112, %dma_start3A_121, %dma_start3A_122] : memref<8x128x64xf32, #tpu.memory_space<vmem>> -> memref<1x128x64xf32, #tpu.memory_space<vmem>>
    %dma_start3A_124 = tpu.memref_squeeze %dma_start3A_123 : memref<1x128x64xf32, #tpu.memory_space<vmem>> -> memref<128x64xf32, #tpu.memory_space<vmem>>
    tpu.enqueue_dma source(%dma_start3A_124 : memref<128x64xf32, #tpu.memory_space<vmem>>) target(%dma_start3A_120 : memref<128x64xf32, #tpu.memory_space<vmem_shared>>) target_semaphore(%arg12 : memref<!tpu.dma_semaphore, #tpu.memory_space<semaphore_mem>>)
    %mul3A_125 = arith.constant 640 : i32
    %mul3A_126 = arith.muli %arg1, %mul3A_125 : i32
    %add3A_127 = arith.constant 512 : i32
    %add3A_128 = arith.addi %mul3A_126, %add3A_127 : i32
    %dma_start3A_129 = arith.constant 4 : i32
    %dma_start3A_130 = arith.constant 0 : i32
    %dma_start3A_131 = arith.constant 0 : i32
    %dma_start3A_132 = tpu.memref_slice %arg8[%dma_start3A_129, %dma_start3A_130, %dma_start3A_131] : memref<8x128x64xf32, #tpu.memory_space<vmem>> -> memref<1x128x64xf32, #tpu.memory_space<vmem>>
    %dma_start3A_133 = tpu.memref_squeeze %dma_start3A_132 : memref<1x128x64xf32, #tpu.memory_space<vmem>> -> memref<128x64xf32, #tpu.memory_space<vmem>>
    %dma_start3A_134 = arith.constant 0 : i32
    %dma_start3A_135 = tpu.memref_slice %arg9[%add3A_128, %dma_start3A_134] : memref<10240x64xf32, #tpu.memory_space<vmem_shared>> -> memref<128x64xf32, #tpu.memory_space<vmem_shared>>
    %dma_start3A_136 = arith.constant 0 : i32
    %dma_start3A_137 = tpu.memref_slice %arg9[%add3A_128, %dma_start3A_136] : memref<10240x64xf32, #tpu.memory_space<vmem_shared>> -> memref<128x64xf32, #tpu.memory_space<vmem_shared>>
    %dma_start3A_138 = arith.constant 0 : i32
    %dma_start3A_139 = arith.constant 0 : i32
    %dma_start3A_140 = tpu.memref_slice %arg8[%dma_start3A_129, %dma_start3A_138, %dma_start3A_139] : memref<8x128x64xf32, #tpu.memory_space<vmem>> -> memref<1x128x64xf32, #tpu.memory_space<vmem>>
    %dma_start3A_141 = tpu.memref_squeeze %dma_start3A_140 : memref<1x128x64xf32, #tpu.memory_space<vmem>> -> memref<128x64xf32, #tpu.memory_space<vmem>>
    tpu.enqueue_dma source(%dma_start3A_141 : memref<128x64xf32, #tpu.memory_space<vmem>>) target(%dma_start3A_137 : memref<128x64xf32, #tpu.memory_space<vmem_shared>>) target_semaphore(%arg12 : memref<!tpu.dma_semaphore, #tpu.memory_space<semaphore_mem>>)
    %mul3A_142 = arith.constant 640 : i32
    %mul3A_143 = arith.muli %arg1, %mul3A_142 : i32
    %dma_wait3A = arith.constant 4 : i32
    %dma_wait3A_144 = arith.constant 0 : i32
    %dma_wait3A_145 = arith.constant 0 : i32
    %dma_wait3A_146 = tpu.memref_slice %arg8[%dma_wait3A, %dma_wait3A_144, %dma_wait3A_145] : memref<8x128x64xf32, #tpu.memory_space<vmem>> -> memref<1x128x64xf32, #tpu.memory_space<vmem>>
    %dma_wait3A_147 = tpu.memref_squeeze %dma_wait3A_146 : memref<1x128x64xf32, #tpu.memory_space<vmem>> -> memref<128x64xf32, #tpu.memory_space<vmem>>
    %dma_wait3A_148 = arith.constant 0 : i32
    %dma_wait3A_149 = tpu.memref_slice %arg9[%mul3A_143, %dma_wait3A_148] : memref<10240x64xf32, #tpu.memory_space<vmem_shared>> -> memref<128x64xf32, #tpu.memory_space<vmem_shared>>
    %dma_wait3A_150 = arith.constant 0 : i32
    %dma_wait3A_151 = tpu.memref_slice %arg9[%mul3A_143, %dma_wait3A_150] : memref<10240x64xf32, #tpu.memory_space<vmem_shared>> -> memref<128x64xf32, #tpu.memory_space<vmem_shared>>
    %dma_wait3A_152 = arith.constant 0 : i32
    %dma_wait3A_153 = arith.constant 0 : i32
    %dma_wait3A_154 = tpu.memref_slice %arg8[%dma_wait3A, %dma_wait3A_152, %dma_wait3A_153] : memref<8x128x64xf32, #tpu.memory_space<vmem>> -> memref<1x128x64xf32, #tpu.memory_space<vmem>>
    %dma_wait3A_155 = tpu.memref_squeeze %dma_wait3A_154 : memref<1x128x64xf32, #tpu.memory_space<vmem>> -> memref<128x64xf32, #tpu.memory_space<vmem>>
    tpu.wait_dma2 semaphore(%arg12 : memref<!tpu.dma_semaphore, #tpu.memory_space<semaphore_mem>>) src(%dma_wait3A_155 : memref<128x64xf32, #tpu.memory_space<vmem>>) dst(%dma_wait3A_151 : memref<128x64xf32, #tpu.memory_space<vmem_shared>>)
    %mul3A_156 = arith.constant 640 : i32
    %mul3A_157 = arith.muli %arg1, %mul3A_156 : i32
    %dma_wait3A_158 = arith.constant 4 : i32
    %dma_wait3A_159 = arith.constant 0 : i32
    %dma_wait3A_160 = arith.constant 0 : i32
    %dma_wait3A_161 = tpu.memref_slice %arg8[%dma_wait3A_158, %dma_wait3A_159, %dma_wait3A_160] : memref<8x128x64xf32, #tpu.memory_space<vmem>> -> memref<1x128x64xf32, #tpu.memory_space<vmem>>
    %dma_wait3A_162 = tpu.memref_squeeze %dma_wait3A_161 : memref<1x128x64xf32, #tpu.memory_space<vmem>> -> memref<128x64xf32, #tpu.memory_space<vmem>>
    %dma_wait3A_163 = arith.constant 0 : i32
    %dma_wait3A_164 = tpu.memref_slice %arg9[%mul3A_157, %dma_wait3A_163] : memref<10240x64xf32, #tpu.memory_space<vmem_shared>> -> memref<128x64xf32, #tpu.memory_space<vmem_shared>>
    %dma_wait3A_165 = arith.constant 0 : i32
    %dma_wait3A_166 = tpu.memref_slice %arg9[%mul3A_157, %dma_wait3A_165] : memref<10240x64xf32, #tpu.memory_space<vmem_shared>> -> memref<128x64xf32, #tpu.memory_space<vmem_shared>>
    %dma_wait3A_167 = arith.constant 0 : i32
    %dma_wait3A_168 = arith.constant 0 : i32
    %dma_wait3A_169 = tpu.memref_slice %arg8[%dma_wait3A_158, %dma_wait3A_167, %dma_wait3A_168] : memref<8x128x64xf32, #tpu.memory_space<vmem>> -> memref<1x128x64xf32, #tpu.memory_space<vmem>>
    %dma_wait3A_170 = tpu.memref_squeeze %dma_wait3A_169 : memref<1x128x64xf32, #tpu.memory_space<vmem>> -> memref<128x64xf32, #tpu.memory_space<vmem>>
    tpu.wait_dma2 semaphore(%arg12 : memref<!tpu.dma_semaphore, #tpu.memory_space<semaphore_mem>>) src(%dma_wait3A_170 : memref<128x64xf32, #tpu.memory_space<vmem>>) dst(%dma_wait3A_166 : memref<128x64xf32, #tpu.memory_space<vmem_shared>>)
    %mul3A_171 = arith.constant 640 : i32
    %mul3A_172 = arith.muli %arg1, %mul3A_171 : i32
    %dma_wait3A_173 = arith.constant 4 : i32
    %dma_wait3A_174 = arith.constant 0 : i32
    %dma_wait3A_175 = arith.constant 0 : i32
    %dma_wait3A_176 = tpu.memref_slice %arg8[%dma_wait3A_173, %dma_wait3A_174, %dma_wait3A_175] : memref<8x128x64xf32, #tpu.memory_space<vmem>> -> memref<1x128x64xf32, #tpu.memory_space<vmem>>
    %dma_wait3A_177 = tpu.memref_squeeze %dma_wait3A_176 : memref<1x128x64xf32, #tpu.memory_space<vmem>> -> memref<128x64xf32, #tpu.memory_space<vmem>>
    %dma_wait3A_178 = arith.constant 0 : i32
    %dma_wait3A_179 = tpu.memref_slice %arg9[%mul3A_172, %dma_wait3A_178] : memref<10240x64xf32, #tpu.memory_space<vmem_shared>> -> memref<128x64xf32, #tpu.memory_space<vmem_shared>>
    %dma_wait3A_180 = arith.constant 0 : i32
    %dma_wait3A_181 = tpu.memref_slice %arg9[%mul3A_172, %dma_wait3A_180] : memref<10240x64xf32, #tpu.memory_space<vmem_shared>> -> memref<128x64xf32, #tpu.memory_space<vmem_shared>>
    %dma_wait3A_182 = arith.constant 0 : i32
    %dma_wait3A_183 = arith.constant 0 : i32
    %dma_wait3A_184 = tpu.memref_slice %arg8[%dma_wait3A_173, %dma_wait3A_182, %dma_wait3A_183] : memref<8x128x64xf32, #tpu.memory_space<vmem>> -> memref<1x128x64xf32, #tpu.memory_space<vmem>>
    %dma_wait3A_185 = tpu.memref_squeeze %dma_wait3A_184 : memref<1x128x64xf32, #tpu.memory_space<vmem>> -> memref<128x64xf32, #tpu.memory_space<vmem>>
    tpu.wait_dma2 semaphore(%arg12 : memref<!tpu.dma_semaphore, #tpu.memory_space<semaphore_mem>>) src(%dma_wait3A_185 : memref<128x64xf32, #tpu.memory_space<vmem>>) dst(%dma_wait3A_181 : memref<128x64xf32, #tpu.memory_space<vmem_shared>>)
    %mul3A_186 = arith.constant 640 : i32
    %mul3A_187 = arith.muli %arg1, %mul3A_186 : i32
    %dma_wait3A_188 = arith.constant 4 : i32
    %dma_wait3A_189 = arith.constant 0 : i32
    %dma_wait3A_190 = arith.constant 0 : i32
    %dma_wait3A_191 = tpu.memref_slice %arg8[%dma_wait3A_188, %dma_wait3A_189, %dma_wait3A_190] : memref<8x128x64xf32, #tpu.memory_space<vmem>> -> memref<1x128x64xf32, #tpu.memory_space<vmem>>
    %dma_wait3A_192 = tpu.memref_squeeze %dma_wait3A_191 : memref<1x128x64xf32, #tpu.memory_space<vmem>> -> memref<128x64xf32, #tpu.memory_space<vmem>>
    %dma_wait3A_193 = arith.constant 0 : i32
    %dma_wait3A_194 = tpu.memref_slice %arg9[%mul3A_187, %dma_wait3A_193] : memref<10240x64xf32, #tpu.memory_space<vmem_shared>> -> memref<128x64xf32, #tpu.memory_space<vmem_shared>>
    %dma_wait3A_195 = arith.constant 0 : i32
    %dma_wait3A_196 = tpu.memref_slice %arg9[%mul3A_187, %dma_wait3A_195] : memref<10240x64xf32, #tpu.memory_space<vmem_shared>> -> memref<128x64xf32, #tpu.memory_space<vmem_shared>>
    %dma_wait3A_197 = arith.constant 0 : i32
    %dma_wait3A_198 = arith.constant 0 : i32
    %dma_wait3A_199 = tpu.memref_slice %arg8[%dma_wait3A_188, %dma_wait3A_197, %dma_wait3A_198] : memref<8x128x64xf32, #tpu.memory_space<vmem>> -> memref<1x128x64xf32, #tpu.memory_space<vmem>>
    %dma_wait3A_200 = tpu.memref_squeeze %dma_wait3A_199 : memref<1x128x64xf32, #tpu.memory_space<vmem>> -> memref<128x64xf32, #tpu.memory_space<vmem>>
    tpu.wait_dma2 semaphore(%arg12 : memref<!tpu.dma_semaphore, #tpu.memory_space<semaphore_mem>>) src(%dma_wait3A_200 : memref<128x64xf32, #tpu.memory_space<vmem>>) dst(%dma_wait3A_196 : memref<128x64xf32, #tpu.memory_space<vmem_shared>>)
    %mul3A_201 = arith.constant 640 : i32
    %mul3A_202 = arith.muli %arg1, %mul3A_201 : i32
    %dma_wait3A_203 = arith.constant 4 : i32
    %dma_wait3A_204 = arith.constant 0 : i32
    %dma_wait3A_205 = arith.constant 0 : i32
    %dma_wait3A_206 = tpu.memref_slice %arg8[%dma_wait3A_203, %dma_wait3A_204, %dma_wait3A_205] : memref<8x128x64xf32, #tpu.memory_space<vmem>> -> memref<1x128x64xf32, #tpu.memory_space<vmem>>
    %dma_wait3A_207 = tpu.memref_squeeze %dma_wait3A_206 : memref<1x128x64xf32, #tpu.memory_space<vmem>> -> memref<128x64xf32, #tpu.memory_space<vmem>>
    %dma_wait3A_208 = arith.constant 0 : i32
    %dma_wait3A_209 = tpu.memref_slice %arg9[%mul3A_202, %dma_wait3A_208] : memref<10240x64xf32, #tpu.memory_space<vmem_shared>> -> memref<128x64xf32, #tpu.memory_space<vmem_shared>>
    %dma_wait3A_210 = arith.constant 0 : i32
    %dma_wait3A_211 = tpu.memref_slice %arg9[%mul3A_202, %dma_wait3A_210] : memref<10240x64xf32, #tpu.memory_space<vmem_shared>> -> memref<128x64xf32, #tpu.memory_space<vmem_shared>>
    %dma_wait3A_212 = arith.constant 0 : i32
    %dma_wait3A_213 = arith.constant 0 : i32
    %dma_wait3A_214 = tpu.memref_slice %arg8[%dma_wait3A_203, %dma_wait3A_212, %dma_wait3A_213] : memref<8x128x64xf32, #tpu.memory_space<vmem>> -> memref<1x128x64xf32, #tpu.memory_space<vmem>>
    %dma_wait3A_215 = tpu.memref_squeeze %dma_wait3A_214 : memref<1x128x64xf32, #tpu.memory_space<vmem>> -> memref<128x64xf32, #tpu.memory_space<vmem>>
    tpu.wait_dma2 semaphore(%arg12 : memref<!tpu.dma_semaphore, #tpu.memory_space<semaphore_mem>>) src(%dma_wait3A_215 : memref<128x64xf32, #tpu.memory_space<vmem>>) dst(%dma_wait3A_211 : memref<128x64xf32, #tpu.memory_space<vmem_shared>>)
    %barrier3A = arith.constant 0 : index
    tpu.barrier barrier_id(%barrier3A)
    %scan3A_216 = arith.constant 0 : i32
    %scan3A_217 = arith.constant 0 : i32
    %scan3A_218 = arith.constant 10 : i32
    %scan3A_219 = arith.addi %scan3A_217, %scan3A_218 : i32
    %scan3A_220 = arith.constant 1 : i32
    scf.for %scan3A_258 = %scan3A_217 to %scan3A_219 step %scan3A_220  : i32 {
      %mul3A_259 = arith.constant 2 : i32
      %mul3A_260 = arith.muli %scan3A_258, %mul3A_259 : i32
      %mul3A_261 = arith.constant 4 : i32
      %mul3A_262 = arith.muli %mul3A_260, %mul3A_261 : i32
      %add3A_263 = arith.constant 4 : i32
      %add3A_264 = arith.addi %mul3A_262, %add3A_263 : i32
      %add3A_265 = arith.constant 0 : i32
      %add3A_266 = arith.addi %add3A_264, %add3A_265 : i32
      %dma_start3A_267 = arith.constant 4 : i32
      %dma_start3A_268 = arith.constant 0 : i32
      %dma_start3A_269 = arith.constant 0 : i32
      %dma_start3A_270 = tpu.memref_slice %arg8[%dma_start3A_267, %dma_start3A_268, %dma_start3A_269] : memref<8x128x64xf32, #tpu.memory_space<vmem>> -> memref<1x128x64xf32, #tpu.memory_space<vmem>>
      %dma_start3A_271 = tpu.memref_squeeze %dma_start3A_270 : memref<1x128x64xf32, #tpu.memory_space<vmem>> -> memref<128x64xf32, #tpu.memory_space<vmem>>
      %dma_start3A_272 = arith.constant 0 : i32
      %dma_start3A_273 = tpu.memref_slice %arg6[%add3A_266, %dma_start3A_272] : memref<80x128xi32, #tpu.memory_space<vmem>> -> memref<1x128xi32, #tpu.memory_space<vmem>>
      %dma_start3A_274 = tpu.memref_squeeze %dma_start3A_273 : memref<1x128xi32, #tpu.memory_space<vmem>> -> memref<128xi32, #tpu.memory_space<vmem>>
      %dma_start3A_275 = arith.constant 0 : i32
      %dma_start3A_276 = arith.constant 0 : i32
      %dma_start3A_277 = tpu.memref_slice %arg2[%dma_start3A_275, %dma_start3A_276] : memref<10240x64xf32, #tpu.memory_space<hbm>> -> memref<10240x64xf32, #tpu.memory_space<hbm>>
      tpu.enqueue_indirect_dma source(%dma_start3A_277 : memref<10240x64xf32, #tpu.memory_space<hbm>>) target(%dma_start3A_271 : memref<128x64xf32, #tpu.memory_space<vmem>>) offsets(%dma_start3A_274 : memref<128xi32, #tpu.memory_space<vmem>>) semaphore(%arg11 : memref<!tpu.dma_semaphore, #tpu.memory_space<semaphore_mem>>)
      %add3A_278 = arith.constant 1 : i32
      %add3A_279 = arith.addi %add3A_264, %add3A_278 : i32
      %dma_start3A_280 = arith.constant 5 : i32
      %dma_start3A_281 = arith.constant 0 : i32
      %dma_start3A_282 = arith.constant 0 : i32
      %dma_start3A_283 = tpu.memref_slice %arg8[%dma_start3A_280, %dma_start3A_281, %dma_start3A_282] : memref<8x128x64xf32, #tpu.memory_space<vmem>> -> memref<1x128x64xf32, #tpu.memory_space<vmem>>
      %dma_start3A_284 = tpu.memref_squeeze %dma_start3A_283 : memref<1x128x64xf32, #tpu.memory_space<vmem>> -> memref<128x64xf32, #tpu.memory_space<vmem>>
      %dma_start3A_285 = arith.constant 0 : i32
      %dma_start3A_286 = tpu.memref_slice %arg6[%add3A_279, %dma_start3A_285] : memref<80x128xi32, #tpu.memory_space<vmem>> -> memref<1x128xi32, #tpu.memory_space<vmem>>
      %dma_start3A_287 = tpu.memref_squeeze %dma_start3A_286 : memref<1x128xi32, #tpu.memory_space<vmem>> -> memref<128xi32, #tpu.memory_space<vmem>>
      %dma_start3A_288 = arith.constant 0 : i32
      %dma_start3A_289 = arith.constant 0 : i32
      %dma_start3A_290 = tpu.memref_slice %arg2[%dma_start3A_288, %dma_start3A_289] : memref<10240x64xf32, #tpu.memory_space<hbm>> -> memref<10240x64xf32, #tpu.memory_space<hbm>>
      tpu.enqueue_indirect_dma source(%dma_start3A_290 : memref<10240x64xf32, #tpu.memory_space<hbm>>) target(%dma_start3A_284 : memref<128x64xf32, #tpu.memory_space<vmem>>) offsets(%dma_start3A_287 : memref<128xi32, #tpu.memory_space<vmem>>) semaphore(%arg11 : memref<!tpu.dma_semaphore, #tpu.memory_space<semaphore_mem>>)
      %add3A_291 = arith.constant 2 : i32
      %add3A_292 = arith.addi %add3A_264, %add3A_291 : i32
      %dma_start3A_293 = arith.constant 6 : i32
      %dma_start3A_294 = arith.constant 0 : i32
      %dma_start3A_295 = arith.constant 0 : i32
      %dma_start3A_296 = tpu.memref_slice %arg8[%dma_start3A_293, %dma_start3A_294, %dma_start3A_295] : memref<8x128x64xf32, #tpu.memory_space<vmem>> -> memref<1x128x64xf32, #tpu.memory_space<vmem>>
      %dma_start3A_297 = tpu.memref_squeeze %dma_start3A_296 : memref<1x128x64xf32, #tpu.memory_space<vmem>> -> memref<128x64xf32, #tpu.memory_space<vmem>>
      %dma_start3A_298 = arith.constant 0 : i32
      %dma_start3A_299 = tpu.memref_slice %arg6[%add3A_292, %dma_start3A_298] : memref<80x128xi32, #tpu.memory_space<vmem>> -> memref<1x128xi32, #tpu.memory_space<vmem>>
      %dma_start3A_300 = tpu.memref_squeeze %dma_start3A_299 : memref<1x128xi32, #tpu.memory_space<vmem>> -> memref<128xi32, #tpu.memory_space<vmem>>
      %dma_start3A_301 = arith.constant 0 : i32
      %dma_start3A_302 = arith.constant 0 : i32
      %dma_start3A_303 = tpu.memref_slice %arg2[%dma_start3A_301, %dma_start3A_302] : memref<10240x64xf32, #tpu.memory_space<hbm>> -> memref<10240x64xf32, #tpu.memory_space<hbm>>
      tpu.enqueue_indirect_dma source(%dma_start3A_303 : memref<10240x64xf32, #tpu.memory_space<hbm>>) target(%dma_start3A_297 : memref<128x64xf32, #tpu.memory_space<vmem>>) offsets(%dma_start3A_300 : memref<128xi32, #tpu.memory_space<vmem>>) semaphore(%arg11 : memref<!tpu.dma_semaphore, #tpu.memory_space<semaphore_mem>>)
      %add3A_304 = arith.constant 3 : i32
      %add3A_305 = arith.addi %add3A_264, %add3A_304 : i32
      %dma_start3A_306 = arith.constant 7 : i32
      %dma_start3A_307 = arith.constant 0 : i32
      %dma_start3A_308 = arith.constant 0 : i32
      %dma_start3A_309 = tpu.memref_slice %arg8[%dma_start3A_306, %dma_start3A_307, %dma_start3A_308] : memref<8x128x64xf32, #tpu.memory_space<vmem>> -> memref<1x128x64xf32, #tpu.memory_space<vmem>>
      %dma_start3A_310 = tpu.memref_squeeze %dma_start3A_309 : memref<1x128x64xf32, #tpu.memory_space<vmem>> -> memref<128x64xf32, #tpu.memory_space<vmem>>
      %dma_start3A_311 = arith.constant 0 : i32
      %dma_start3A_312 = tpu.memref_slice %arg6[%add3A_305, %dma_start3A_311] : memref<80x128xi32, #tpu.memory_space<vmem>> -> memref<1x128xi32, #tpu.memory_space<vmem>>
      %dma_start3A_313 = tpu.memref_squeeze %dma_start3A_312 : memref<1x128xi32, #tpu.memory_space<vmem>> -> memref<128xi32, #tpu.memory_space<vmem>>
      %dma_start3A_314 = arith.constant 0 : i32
      %dma_start3A_315 = arith.constant 0 : i32
      %dma_start3A_316 = tpu.memref_slice %arg2[%dma_start3A_314, %dma_start3A_315] : memref<10240x64xf32, #tpu.memory_space<hbm>> -> memref<10240x64xf32, #tpu.memory_space<hbm>>
      tpu.enqueue_indirect_dma source(%dma_start3A_316 : memref<10240x64xf32, #tpu.memory_space<hbm>>) target(%dma_start3A_310 : memref<128x64xf32, #tpu.memory_space<vmem>>) offsets(%dma_start3A_313 : memref<128xi32, #tpu.memory_space<vmem>>) semaphore(%arg11 : memref<!tpu.dma_semaphore, #tpu.memory_space<semaphore_mem>>)
      %dma_wait3A_317 = arith.constant 0 : i32
      %dma_wait3A_318 = arith.constant 0 : i32
      %dma_wait3A_319 = arith.constant 0 : i32
      %dma_wait3A_320 = arith.constant 0 : i32
      %dma_wait3A_321 = tpu.memref_slice %arg8[%dma_wait3A_318, %dma_wait3A_319, %dma_wait3A_320] : memref<8x128x64xf32, #tpu.memory_space<vmem>> -> memref<1x128x64xf32, #tpu.memory_space<vmem>>
      %dma_wait3A_322 = tpu.memref_squeeze %dma_wait3A_321 : memref<1x128x64xf32, #tpu.memory_space<vmem>> -> memref<128x64xf32, #tpu.memory_space<vmem>>
      %dma_wait3A_323 = arith.constant 0 : i32
      %dma_wait3A_324 = tpu.memref_slice %arg6[%dma_wait3A_317, %dma_wait3A_323] : memref<80x128xi32, #tpu.memory_space<vmem>> -> memref<1x128xi32, #tpu.memory_space<vmem>>
      %dma_wait3A_325 = tpu.memref_squeeze %dma_wait3A_324 : memref<1x128xi32, #tpu.memory_space<vmem>> -> memref<128xi32, #tpu.memory_space<vmem>>
      %dma_wait3A_326 = arith.constant 0 : i32
      %dma_wait3A_327 = arith.constant 0 : i32
      %dma_wait3A_328 = tpu.memref_slice %arg2[%dma_wait3A_326, %dma_wait3A_327] : memref<10240x64xf32, #tpu.memory_space<hbm>> -> memref<10240x64xf32, #tpu.memory_space<hbm>>
      tpu.wait_indirect_dma semaphore(%arg10 : memref<!tpu.dma_semaphore, #tpu.memory_space<semaphore_mem>>) src(%dma_wait3A_328 : memref<10240x64xf32, #tpu.memory_space<hbm>>) dst(%dma_wait3A_322 : memref<128x64xf32, #tpu.memory_space<vmem>>)
      %add3A_329 = arith.constant 0 : i32
      %add3A_330 = arith.addi %mul3A_262, %add3A_329 : i32
      %dma_start3A_331 = arith.constant 0 : i32
      %dma_start3A_332 = arith.constant 0 : i32
      %dma_start3A_333 = arith.constant 0 : i32
      %dma_start3A_334 = tpu.memref_slice %arg8[%dma_start3A_331, %dma_start3A_332, %dma_start3A_333] : memref<8x128x64xf32, #tpu.memory_space<vmem>> -> memref<1x128x64xf32, #tpu.memory_space<vmem>>
      %dma_start3A_335 = tpu.memref_squeeze %dma_start3A_334 : memref<1x128x64xf32, #tpu.memory_space<vmem>> -> memref<128x64xf32, #tpu.memory_space<vmem>>
      %dma_start3A_336 = arith.constant 0 : i32
      %dma_start3A_337 = tpu.memref_slice %arg7[%add3A_330, %dma_start3A_336] : memref<80x128xi32, #tpu.memory_space<vmem>> -> memref<1x128xi32, #tpu.memory_space<vmem>>
      %dma_start3A_338 = tpu.memref_squeeze %dma_start3A_337 : memref<1x128xi32, #tpu.memory_space<vmem>> -> memref<128xi32, #tpu.memory_space<vmem>>
      %dma_start3A_339 = arith.constant 0 : i32
      %dma_start3A_340 = arith.constant 0 : i32
      %dma_start3A_341 = tpu.memref_slice %arg9[%dma_start3A_339, %dma_start3A_340] : memref<10240x64xf32, #tpu.memory_space<vmem_shared>> -> memref<10240x64xf32, #tpu.memory_space<vmem_shared>>
      tpu.enqueue_indirect_dma source(%dma_start3A_335 : memref<128x64xf32, #tpu.memory_space<vmem>>) target(%dma_start3A_341 : memref<10240x64xf32, #tpu.memory_space<vmem_shared>>) offsets(%dma_start3A_338 : memref<128xi32, #tpu.memory_space<vmem>>) semaphore(%arg12 : memref<!tpu.dma_semaphore, #tpu.memory_space<semaphore_mem>>) {add = true}
      %dma_wait3A_342 = arith.constant 0 : i32
      %dma_wait3A_343 = arith.constant 1 : i32
      %dma_wait3A_344 = arith.constant 0 : i32
      %dma_wait3A_345 = arith.constant 0 : i32
      %dma_wait3A_346 = tpu.memref_slice %arg8[%dma_wait3A_343, %dma_wait3A_344, %dma_wait3A_345] : memref<8x128x64xf32, #tpu.memory_space<vmem>> -> memref<1x128x64xf32, #tpu.memory_space<vmem>>
      %dma_wait3A_347 = tpu.memref_squeeze %dma_wait3A_346 : memref<1x128x64xf32, #tpu.memory_space<vmem>> -> memref<128x64xf32, #tpu.memory_space<vmem>>
      %dma_wait3A_348 = arith.constant 0 : i32
      %dma_wait3A_349 = tpu.memref_slice %arg6[%dma_wait3A_342, %dma_wait3A_348] : memref<80x128xi32, #tpu.memory_space<vmem>> -> memref<1x128xi32, #tpu.memory_space<vmem>>
      %dma_wait3A_350 = tpu.memref_squeeze %dma_wait3A_349 : memref<1x128xi32, #tpu.memory_space<vmem>> -> memref<128xi32, #tpu.memory_space<vmem>>
      %dma_wait3A_351 = arith.constant 0 : i32
      %dma_wait3A_352 = arith.constant 0 : i32
      %dma_wait3A_353 = tpu.memref_slice %arg2[%dma_wait3A_351, %dma_wait3A_352] : memref<10240x64xf32, #tpu.memory_space<hbm>> -> memref<10240x64xf32, #tpu.memory_space<hbm>>
      tpu.wait_indirect_dma semaphore(%arg10 : memref<!tpu.dma_semaphore, #tpu.memory_space<semaphore_mem>>) src(%dma_wait3A_353 : memref<10240x64xf32, #tpu.memory_space<hbm>>) dst(%dma_wait3A_347 : memref<128x64xf32, #tpu.memory_space<vmem>>)
      %add3A_354 = arith.constant 1 : i32
      %add3A_355 = arith.addi %mul3A_262, %add3A_354 : i32
      %dma_start3A_356 = arith.constant 1 : i32
      %dma_start3A_357 = arith.constant 0 : i32
      %dma_start3A_358 = arith.constant 0 : i32
      %dma_start3A_359 = tpu.memref_slice %arg8[%dma_start3A_356, %dma_start3A_357, %dma_start3A_358] : memref<8x128x64xf32, #tpu.memory_space<vmem>> -> memref<1x128x64xf32, #tpu.memory_space<vmem>>
      %dma_start3A_360 = tpu.memref_squeeze %dma_start3A_359 : memref<1x128x64xf32, #tpu.memory_space<vmem>> -> memref<128x64xf32, #tpu.memory_space<vmem>>
      %dma_start3A_361 = arith.constant 0 : i32
      %dma_start3A_362 = tpu.memref_slice %arg7[%add3A_355, %dma_start3A_361] : memref<80x128xi32, #tpu.memory_space<vmem>> -> memref<1x128xi32, #tpu.memory_space<vmem>>
      %dma_start3A_363 = tpu.memref_squeeze %dma_start3A_362 : memref<1x128xi32, #tpu.memory_space<vmem>> -> memref<128xi32, #tpu.memory_space<vmem>>
      %dma_start3A_364 = arith.constant 0 : i32
      %dma_start3A_365 = arith.constant 0 : i32
      %dma_start3A_366 = tpu.memref_slice %arg9[%dma_start3A_364, %dma_start3A_365] : memref<10240x64xf32, #tpu.memory_space<vmem_shared>> -> memref<10240x64xf32, #tpu.memory_space<vmem_shared>>
      tpu.enqueue_indirect_dma source(%dma_start3A_360 : memref<128x64xf32, #tpu.memory_space<vmem>>) target(%dma_start3A_366 : memref<10240x64xf32, #tpu.memory_space<vmem_shared>>) offsets(%dma_start3A_363 : memref<128xi32, #tpu.memory_space<vmem>>) semaphore(%arg12 : memref<!tpu.dma_semaphore, #tpu.memory_space<semaphore_mem>>) {add = true}
      %dma_wait3A_367 = arith.constant 0 : i32
      %dma_wait3A_368 = arith.constant 2 : i32
      %dma_wait3A_369 = arith.constant 0 : i32
      %dma_wait3A_370 = arith.constant 0 : i32
      %dma_wait3A_371 = tpu.memref_slice %arg8[%dma_wait3A_368, %dma_wait3A_369, %dma_wait3A_370] : memref<8x128x64xf32, #tpu.memory_space<vmem>> -> memref<1x128x64xf32, #tpu.memory_space<vmem>>
      %dma_wait3A_372 = tpu.memref_squeeze %dma_wait3A_371 : memref<1x128x64xf32, #tpu.memory_space<vmem>> -> memref<128x64xf32, #tpu.memory_space<vmem>>
      %dma_wait3A_373 = arith.constant 0 : i32
      %dma_wait3A_374 = tpu.memref_slice %arg6[%dma_wait3A_367, %dma_wait3A_373] : memref<80x128xi32, #tpu.memory_space<vmem>> -> memref<1x128xi32, #tpu.memory_space<vmem>>
      %dma_wait3A_375 = tpu.memref_squeeze %dma_wait3A_374 : memref<1x128xi32, #tpu.memory_space<vmem>> -> memref<128xi32, #tpu.memory_space<vmem>>
      %dma_wait3A_376 = arith.constant 0 : i32
      %dma_wait3A_377 = arith.constant 0 : i32
      %dma_wait3A_378 = tpu.memref_slice %arg2[%dma_wait3A_376, %dma_wait3A_377] : memref<10240x64xf32, #tpu.memory_space<hbm>> -> memref<10240x64xf32, #tpu.memory_space<hbm>>
      tpu.wait_indirect_dma semaphore(%arg10 : memref<!tpu.dma_semaphore, #tpu.memory_space<semaphore_mem>>) src(%dma_wait3A_378 : memref<10240x64xf32, #tpu.memory_space<hbm>>) dst(%dma_wait3A_372 : memref<128x64xf32, #tpu.memory_space<vmem>>)
      %add3A_379 = arith.constant 2 : i32
      %add3A_380 = arith.addi %mul3A_262, %add3A_379 : i32
      %dma_start3A_381 = arith.constant 2 : i32
      %dma_start3A_382 = arith.constant 0 : i32
      %dma_start3A_383 = arith.constant 0 : i32
      %dma_start3A_384 = tpu.memref_slice %arg8[%dma_start3A_381, %dma_start3A_382, %dma_start3A_383] : memref<8x128x64xf32, #tpu.memory_space<vmem>> -> memref<1x128x64xf32, #tpu.memory_space<vmem>>
      %dma_start3A_385 = tpu.memref_squeeze %dma_start3A_384 : memref<1x128x64xf32, #tpu.memory_space<vmem>> -> memref<128x64xf32, #tpu.memory_space<vmem>>
      %dma_start3A_386 = arith.constant 0 : i32
      %dma_start3A_387 = tpu.memref_slice %arg7[%add3A_380, %dma_start3A_386] : memref<80x128xi32, #tpu.memory_space<vmem>> -> memref<1x128xi32, #tpu.memory_space<vmem>>
      %dma_start3A_388 = tpu.memref_squeeze %dma_start3A_387 : memref<1x128xi32, #tpu.memory_space<vmem>> -> memref<128xi32, #tpu.memory_space<vmem>>
      %dma_start3A_389 = arith.constant 0 : i32
      %dma_start3A_390 = arith.constant 0 : i32
      %dma_start3A_391 = tpu.memref_slice %arg9[%dma_start3A_389, %dma_start3A_390] : memref<10240x64xf32, #tpu.memory_space<vmem_shared>> -> memref<10240x64xf32, #tpu.memory_space<vmem_shared>>
      tpu.enqueue_indirect_dma source(%dma_start3A_385 : memref<128x64xf32, #tpu.memory_space<vmem>>) target(%dma_start3A_391 : memref<10240x64xf32, #tpu.memory_space<vmem_shared>>) offsets(%dma_start3A_388 : memref<128xi32, #tpu.memory_space<vmem>>) semaphore(%arg12 : memref<!tpu.dma_semaphore, #tpu.memory_space<semaphore_mem>>) {add = true}
      %dma_wait3A_392 = arith.constant 0 : i32
      %dma_wait3A_393 = arith.constant 3 : i32
      %dma_wait3A_394 = arith.constant 0 : i32
      %dma_wait3A_395 = arith.constant 0 : i32
      %dma_wait3A_396 = tpu.memref_slice %arg8[%dma_wait3A_393, %dma_wait3A_394, %dma_wait3A_395] : memref<8x128x64xf32, #tpu.memory_space<vmem>> -> memref<1x128x64xf32, #tpu.memory_space<vmem>>
      %dma_wait3A_397 = tpu.memref_squeeze %dma_wait3A_396 : memref<1x128x64xf32, #tpu.memory_space<vmem>> -> memref<128x64xf32, #tpu.memory_space<vmem>>
      %dma_wait3A_398 = arith.constant 0 : i32
      %dma_wait3A_399 = tpu.memref_slice %arg6[%dma_wait3A_392, %dma_wait3A_398] : memref<80x128xi32, #tpu.memory_space<vmem>> -> memref<1x128xi32, #tpu.memory_space<vmem>>
      %dma_wait3A_400 = tpu.memref_squeeze %dma_wait3A_399 : memref<1x128xi32, #tpu.memory_space<vmem>> -> memref<128xi32, #tpu.memory_space<vmem>>
      %dma_wait3A_401 = arith.constant 0 : i32
      %dma_wait3A_402 = arith.constant 0 : i32
      %dma_wait3A_403 = tpu.memref_slice %arg2[%dma_wait3A_401, %dma_wait3A_402] : memref<10240x64xf32, #tpu.memory_space<hbm>> -> memref<10240x64xf32, #tpu.memory_space<hbm>>
      tpu.wait_indirect_dma semaphore(%arg10 : memref<!tpu.dma_semaphore, #tpu.memory_space<semaphore_mem>>) src(%dma_wait3A_403 : memref<10240x64xf32, #tpu.memory_space<hbm>>) dst(%dma_wait3A_397 : memref<128x64xf32, #tpu.memory_space<vmem>>)
      %add3A_404 = arith.constant 3 : i32
      %add3A_405 = arith.addi %mul3A_262, %add3A_404 : i32
      %dma_start3A_406 = arith.constant 3 : i32
      %dma_start3A_407 = arith.constant 0 : i32
      %dma_start3A_408 = arith.constant 0 : i32
      %dma_start3A_409 = tpu.memref_slice %arg8[%dma_start3A_406, %dma_start3A_407, %dma_start3A_408] : memref<8x128x64xf32, #tpu.memory_space<vmem>> -> memref<1x128x64xf32, #tpu.memory_space<vmem>>
      %dma_start3A_410 = tpu.memref_squeeze %dma_start3A_409 : memref<1x128x64xf32, #tpu.memory_space<vmem>> -> memref<128x64xf32, #tpu.memory_space<vmem>>
      %dma_start3A_411 = arith.constant 0 : i32
      %dma_start3A_412 = tpu.memref_slice %arg7[%add3A_405, %dma_start3A_411] : memref<80x128xi32, #tpu.memory_space<vmem>> -> memref<1x128xi32, #tpu.memory_space<vmem>>
      %dma_start3A_413 = tpu.memref_squeeze %dma_start3A_412 : memref<1x128xi32, #tpu.memory_space<vmem>> -> memref<128xi32, #tpu.memory_space<vmem>>
      %dma_start3A_414 = arith.constant 0 : i32
      %dma_start3A_415 = arith.constant 0 : i32
      %dma_start3A_416 = tpu.memref_slice %arg9[%dma_start3A_414, %dma_start3A_415] : memref<10240x64xf32, #tpu.memory_space<vmem_shared>> -> memref<10240x64xf32, #tpu.memory_space<vmem_shared>>
      tpu.enqueue_indirect_dma source(%dma_start3A_410 : memref<128x64xf32, #tpu.memory_space<vmem>>) target(%dma_start3A_416 : memref<10240x64xf32, #tpu.memory_space<vmem_shared>>) offsets(%dma_start3A_413 : memref<128xi32, #tpu.memory_space<vmem>>) semaphore(%arg12 : memref<!tpu.dma_semaphore, #tpu.memory_space<semaphore_mem>>) {add = true}
      %dma_wait3A_417 = arith.constant 0 : i32
      %dma_wait3A_418 = arith.constant 0 : i32
      %dma_wait3A_419 = arith.constant 0 : i32
      %dma_wait3A_420 = arith.constant 0 : i32
      %dma_wait3A_421 = tpu.memref_slice %arg8[%dma_wait3A_417, %dma_wait3A_419, %dma_wait3A_420] : memref<8x128x64xf32, #tpu.memory_space<vmem>> -> memref<1x128x64xf32, #tpu.memory_space<vmem>>
      %dma_wait3A_422 = tpu.memref_squeeze %dma_wait3A_421 : memref<1x128x64xf32, #tpu.memory_space<vmem>> -> memref<128x64xf32, #tpu.memory_space<vmem>>
      %dma_wait3A_423 = arith.constant 0 : i32
      %dma_wait3A_424 = tpu.memref_slice %arg7[%dma_wait3A_418, %dma_wait3A_423] : memref<80x128xi32, #tpu.memory_space<vmem>> -> memref<1x128xi32, #tpu.memory_space<vmem>>
      %dma_wait3A_425 = tpu.memref_squeeze %dma_wait3A_424 : memref<1x128xi32, #tpu.memory_space<vmem>> -> memref<128xi32, #tpu.memory_space<vmem>>
      %dma_wait3A_426 = arith.constant 0 : i32
      %dma_wait3A_427 = arith.constant 0 : i32
      %dma_wait3A_428 = tpu.memref_slice %arg9[%dma_wait3A_426, %dma_wait3A_427] : memref<10240x64xf32, #tpu.memory_space<vmem_shared>> -> memref<10240x64xf32, #tpu.memory_space<vmem_shared>>
      tpu.wait_indirect_dma semaphore(%arg12 : memref<!tpu.dma_semaphore, #tpu.memory_space<semaphore_mem>>) src(%dma_wait3A_422 : memref<128x64xf32, #tpu.memory_space<vmem>>) dst(%dma_wait3A_428 : memref<10240x64xf32, #tpu.memory_space<vmem_shared>>)
      %dma_wait3A_429 = arith.constant 1 : i32
      %dma_wait3A_430 = arith.constant 0 : i32
      %dma_wait3A_431 = arith.constant 0 : i32
      %dma_wait3A_432 = arith.constant 0 : i32
      %dma_wait3A_433 = tpu.memref_slice %arg8[%dma_wait3A_429, %dma_wait3A_431, %dma_wait3A_432] : memref<8x128x64xf32, #tpu.memory_space<vmem>> -> memref<1x128x64xf32, #tpu.memory_space<vmem>>
      %dma_wait3A_434 = tpu.memref_squeeze %dma_wait3A_433 : memref<1x128x64xf32, #tpu.memory_space<vmem>> -> memref<128x64xf32, #tpu.memory_space<vmem>>
      %dma_wait3A_435 = arith.constant 0 : i32
      %dma_wait3A_436 = tpu.memref_slice %arg7[%dma_wait3A_430, %dma_wait3A_435] : memref<80x128xi32, #tpu.memory_space<vmem>> -> memref<1x128xi32, #tpu.memory_space<vmem>>
      %dma_wait3A_437 = tpu.memref_squeeze %dma_wait3A_436 : memref<1x128xi32, #tpu.memory_space<vmem>> -> memref<128xi32, #tpu.memory_space<vmem>>
      %dma_wait3A_438 = arith.constant 0 : i32
      %dma_wait3A_439 = arith.constant 0 : i32
      %dma_wait3A_440 = tpu.memref_slice %arg9[%dma_wait3A_438, %dma_wait3A_439] : memref<10240x64xf32, #tpu.memory_space<vmem_shared>> -> memref<10240x64xf32, #tpu.memory_space<vmem_shared>>
      tpu.wait_indirect_dma semaphore(%arg12 : memref<!tpu.dma_semaphore, #tpu.memory_space<semaphore_mem>>) src(%dma_wait3A_434 : memref<128x64xf32, #tpu.memory_space<vmem>>) dst(%dma_wait3A_440 : memref<10240x64xf32, #tpu.memory_space<vmem_shared>>)
      %dma_wait3A_441 = arith.constant 2 : i32
      %dma_wait3A_442 = arith.constant 0 : i32
      %dma_wait3A_443 = arith.constant 0 : i32
      %dma_wait3A_444 = arith.constant 0 : i32
      %dma_wait3A_445 = tpu.memref_slice %arg8[%dma_wait3A_441, %dma_wait3A_443, %dma_wait3A_444] : memref<8x128x64xf32, #tpu.memory_space<vmem>> -> memref<1x128x64xf32, #tpu.memory_space<vmem>>
      %dma_wait3A_446 = tpu.memref_squeeze %dma_wait3A_445 : memref<1x128x64xf32, #tpu.memory_space<vmem>> -> memref<128x64xf32, #tpu.memory_space<vmem>>
      %dma_wait3A_447 = arith.constant 0 : i32
      %dma_wait3A_448 = tpu.memref_slice %arg7[%dma_wait3A_442, %dma_wait3A_447] : memref<80x128xi32, #tpu.memory_space<vmem>> -> memref<1x128xi32, #tpu.memory_space<vmem>>
      %dma_wait3A_449 = tpu.memref_squeeze %dma_wait3A_448 : memref<1x128xi32, #tpu.memory_space<vmem>> -> memref<128xi32, #tpu.memory_space<vmem>>
      %dma_wait3A_450 = arith.constant 0 : i32
      %dma_wait3A_451 = arith.constant 0 : i32
      %dma_wait3A_452 = tpu.memref_slice %arg9[%dma_wait3A_450, %dma_wait3A_451] : memref<10240x64xf32, #tpu.memory_space<vmem_shared>> -> memref<10240x64xf32, #tpu.memory_space<vmem_shared>>
      tpu.wait_indirect_dma semaphore(%arg12 : memref<!tpu.dma_semaphore, #tpu.memory_space<semaphore_mem>>) src(%dma_wait3A_446 : memref<128x64xf32, #tpu.memory_space<vmem>>) dst(%dma_wait3A_452 : memref<10240x64xf32, #tpu.memory_space<vmem_shared>>)
      %dma_wait3A_453 = arith.constant 3 : i32
      %dma_wait3A_454 = arith.constant 0 : i32
      %dma_wait3A_455 = arith.constant 0 : i32
      %dma_wait3A_456 = arith.constant 0 : i32
      %dma_wait3A_457 = tpu.memref_slice %arg8[%dma_wait3A_453, %dma_wait3A_455, %dma_wait3A_456] : memref<8x128x64xf32, #tpu.memory_space<vmem>> -> memref<1x128x64xf32, #tpu.memory_space<vmem>>
      %dma_wait3A_458 = tpu.memref_squeeze %dma_wait3A_457 : memref<1x128x64xf32, #tpu.memory_space<vmem>> -> memref<128x64xf32, #tpu.memory_space<vmem>>
      %dma_wait3A_459 = arith.constant 0 : i32
      %dma_wait3A_460 = tpu.memref_slice %arg7[%dma_wait3A_454, %dma_wait3A_459] : memref<80x128xi32, #tpu.memory_space<vmem>> -> memref<1x128xi32, #tpu.memory_space<vmem>>
      %dma_wait3A_461 = tpu.memref_squeeze %dma_wait3A_460 : memref<1x128xi32, #tpu.memory_space<vmem>> -> memref<128xi32, #tpu.memory_space<vmem>>
      %dma_wait3A_462 = arith.constant 0 : i32
      %dma_wait3A_463 = arith.constant 0 : i32
      %dma_wait3A_464 = tpu.memref_slice %arg9[%dma_wait3A_462, %dma_wait3A_463] : memref<10240x64xf32, #tpu.memory_space<vmem_shared>> -> memref<10240x64xf32, #tpu.memory_space<vmem_shared>>
      tpu.wait_indirect_dma semaphore(%arg12 : memref<!tpu.dma_semaphore, #tpu.memory_space<semaphore_mem>>) src(%dma_wait3A_458 : memref<128x64xf32, #tpu.memory_space<vmem>>) dst(%dma_wait3A_464 : memref<10240x64xf32, #tpu.memory_space<vmem_shared>>)
      %lt3A = arith.constant 9 : i32
      %lt3A_465 = arith.cmpi slt, %scan3A_258, %lt3A : i32
      %convert_element_type3A = arith.extui %lt3A_465 : i1 to i32
      %cond3A = arith.constant 0 : i32
      %cond3A_466 = arith.cmpi ne, %convert_element_type3A, %cond3A : i32
      scf.if %cond3A_466 {
        %add3A_615 = arith.constant 8 : i32
        %add3A_616 = arith.addi %mul3A_262, %add3A_615 : i32
        %add3A_617 = arith.constant 0 : i32
        %add3A_618 = arith.addi %add3A_616, %add3A_617 : i32
        %dma_start3A_619 = arith.constant 0 : i32
        %dma_start3A_620 = arith.constant 0 : i32
        %dma_start3A_621 = arith.constant 0 : i32
        %dma_start3A_622 = tpu.memref_slice %arg8[%dma_start3A_619, %dma_start3A_620, %dma_start3A_621] : memref<8x128x64xf32, #tpu.memory_space<vmem>> -> memref<1x128x64xf32, #tpu.memory_space<vmem>>
        %dma_start3A_623 = tpu.memref_squeeze %dma_start3A_622 : memref<1x128x64xf32, #tpu.memory_space<vmem>> -> memref<128x64xf32, #tpu.memory_space<vmem>>
        %dma_start3A_624 = arith.constant 0 : i32
        %dma_start3A_625 = tpu.memref_slice %arg6[%add3A_618, %dma_start3A_624] : memref<80x128xi32, #tpu.memory_space<vmem>> -> memref<1x128xi32, #tpu.memory_space<vmem>>
        %dma_start3A_626 = tpu.memref_squeeze %dma_start3A_625 : memref<1x128xi32, #tpu.memory_space<vmem>> -> memref<128xi32, #tpu.memory_space<vmem>>
        %dma_start3A_627 = arith.constant 0 : i32
        %dma_start3A_628 = arith.constant 0 : i32
        %dma_start3A_629 = tpu.memref_slice %arg2[%dma_start3A_627, %dma_start3A_628] : memref<10240x64xf32, #tpu.memory_space<hbm>> -> memref<10240x64xf32, #tpu.memory_space<hbm>>
        tpu.enqueue_indirect_dma source(%dma_start3A_629 : memref<10240x64xf32, #tpu.memory_space<hbm>>) target(%dma_start3A_623 : memref<128x64xf32, #tpu.memory_space<vmem>>) offsets(%dma_start3A_626 : memref<128xi32, #tpu.memory_space<vmem>>) semaphore(%arg10 : memref<!tpu.dma_semaphore, #tpu.memory_space<semaphore_mem>>)
        %add3A_630 = arith.constant 8 : i32
        %add3A_631 = arith.addi %mul3A_262, %add3A_630 : i32
        %add3A_632 = arith.constant 1 : i32
        %add3A_633 = arith.addi %add3A_631, %add3A_632 : i32
        %dma_start3A_634 = arith.constant 1 : i32
        %dma_start3A_635 = arith.constant 0 : i32
        %dma_start3A_636 = arith.constant 0 : i32
        %dma_start3A_637 = tpu.memref_slice %arg8[%dma_start3A_634, %dma_start3A_635, %dma_start3A_636] : memref<8x128x64xf32, #tpu.memory_space<vmem>> -> memref<1x128x64xf32, #tpu.memory_space<vmem>>
        %dma_start3A_638 = tpu.memref_squeeze %dma_start3A_637 : memref<1x128x64xf32, #tpu.memory_space<vmem>> -> memref<128x64xf32, #tpu.memory_space<vmem>>
        %dma_start3A_639 = arith.constant 0 : i32
        %dma_start3A_640 = tpu.memref_slice %arg6[%add3A_633, %dma_start3A_639] : memref<80x128xi32, #tpu.memory_space<vmem>> -> memref<1x128xi32, #tpu.memory_space<vmem>>
        %dma_start3A_641 = tpu.memref_squeeze %dma_start3A_640 : memref<1x128xi32, #tpu.memory_space<vmem>> -> memref<128xi32, #tpu.memory_space<vmem>>
        %dma_start3A_642 = arith.constant 0 : i32
        %dma_start3A_643 = arith.constant 0 : i32
        %dma_start3A_644 = tpu.memref_slice %arg2[%dma_start3A_642, %dma_start3A_643] : memref<10240x64xf32, #tpu.memory_space<hbm>> -> memref<10240x64xf32, #tpu.memory_space<hbm>>
        tpu.enqueue_indirect_dma source(%dma_start3A_644 : memref<10240x64xf32, #tpu.memory_space<hbm>>) target(%dma_start3A_638 : memref<128x64xf32, #tpu.memory_space<vmem>>) offsets(%dma_start3A_641 : memref<128xi32, #tpu.memory_space<vmem>>) semaphore(%arg10 : memref<!tpu.dma_semaphore, #tpu.memory_space<semaphore_mem>>)
        %add3A_645 = arith.constant 8 : i32
        %add3A_646 = arith.addi %mul3A_262, %add3A_645 : i32
        %add3A_647 = arith.constant 2 : i32
        %add3A_648 = arith.addi %add3A_646, %add3A_647 : i32
        %dma_start3A_649 = arith.constant 2 : i32
        %dma_start3A_650 = arith.constant 0 : i32
        %dma_start3A_651 = arith.constant 0 : i32
        %dma_start3A_652 = tpu.memref_slice %arg8[%dma_start3A_649, %dma_start3A_650, %dma_start3A_651] : memref<8x128x64xf32, #tpu.memory_space<vmem>> -> memref<1x128x64xf32, #tpu.memory_space<vmem>>
        %dma_start3A_653 = tpu.memref_squeeze %dma_start3A_652 : memref<1x128x64xf32, #tpu.memory_space<vmem>> -> memref<128x64xf32, #tpu.memory_space<vmem>>
        %dma_start3A_654 = arith.constant 0 : i32
        %dma_start3A_655 = tpu.memref_slice %arg6[%add3A_648, %dma_start3A_654] : memref<80x128xi32, #tpu.memory_space<vmem>> -> memref<1x128xi32, #tpu.memory_space<vmem>>
        %dma_start3A_656 = tpu.memref_squeeze %dma_start3A_655 : memref<1x128xi32, #tpu.memory_space<vmem>> -> memref<128xi32, #tpu.memory_space<vmem>>
        %dma_start3A_657 = arith.constant 0 : i32
        %dma_start3A_658 = arith.constant 0 : i32
        %dma_start3A_659 = tpu.memref_slice %arg2[%dma_start3A_657, %dma_start3A_658] : memref<10240x64xf32, #tpu.memory_space<hbm>> -> memref<10240x64xf32, #tpu.memory_space<hbm>>
        tpu.enqueue_indirect_dma source(%dma_start3A_659 : memref<10240x64xf32, #tpu.memory_space<hbm>>) target(%dma_start3A_653 : memref<128x64xf32, #tpu.memory_space<vmem>>) offsets(%dma_start3A_656 : memref<128xi32, #tpu.memory_space<vmem>>) semaphore(%arg10 : memref<!tpu.dma_semaphore, #tpu.memory_space<semaphore_mem>>)
        %add3A_660 = arith.constant 8 : i32
        %add3A_661 = arith.addi %mul3A_262, %add3A_660 : i32
        %add3A_662 = arith.constant 3 : i32
        %add3A_663 = arith.addi %add3A_661, %add3A_662 : i32
        %dma_start3A_664 = arith.constant 3 : i32
        %dma_start3A_665 = arith.constant 0 : i32
        %dma_start3A_666 = arith.constant 0 : i32
        %dma_start3A_667 = tpu.memref_slice %arg8[%dma_start3A_664, %dma_start3A_665, %dma_start3A_666] : memref<8x128x64xf32, #tpu.memory_space<vmem>> -> memref<1x128x64xf32, #tpu.memory_space<vmem>>
        %dma_start3A_668 = tpu.memref_squeeze %dma_start3A_667 : memref<1x128x64xf32, #tpu.memory_space<vmem>> -> memref<128x64xf32, #tpu.memory_space<vmem>>
        %dma_start3A_669 = arith.constant 0 : i32
        %dma_start3A_670 = tpu.memref_slice %arg6[%add3A_663, %dma_start3A_669] : memref<80x128xi32, #tpu.memory_space<vmem>> -> memref<1x128xi32, #tpu.memory_space<vmem>>
        %dma_start3A_671 = tpu.memref_squeeze %dma_start3A_670 : memref<1x128xi32, #tpu.memory_space<vmem>> -> memref<128xi32, #tpu.memory_space<vmem>>
        %dma_start3A_672 = arith.constant 0 : i32
        %dma_start3A_673 = arith.constant 0 : i32
        %dma_start3A_674 = tpu.memref_slice %arg2[%dma_start3A_672, %dma_start3A_673] : memref<10240x64xf32, #tpu.memory_space<hbm>> -> memref<10240x64xf32, #tpu.memory_space<hbm>>
        tpu.enqueue_indirect_dma source(%dma_start3A_674 : memref<10240x64xf32, #tpu.memory_space<hbm>>) target(%dma_start3A_668 : memref<128x64xf32, #tpu.memory_space<vmem>>) offsets(%dma_start3A_671 : memref<128xi32, #tpu.memory_space<vmem>>) semaphore(%arg10 : memref<!tpu.dma_semaphore, #tpu.memory_space<semaphore_mem>>)
      } else {
      }
      %dma_wait3A_467 = arith.constant 0 : i32
      %dma_wait3A_468 = arith.constant 4 : i32
      %dma_wait3A_469 = arith.constant 0 : i32
      %dma_wait3A_470 = arith.constant 0 : i32
      %dma_wait3A_471 = tpu.memref_slice %arg8[%dma_wait3A_468, %dma_wait3A_469, %dma_wait3A_470] : memref<8x128x64xf32, #tpu.memory_space<vmem>> -> memref<1x128x64xf32, #tpu.memory_space<vmem>>
      %dma_wait3A_472 = tpu.memref_squeeze %dma_wait3A_471 : memref<1x128x64xf32, #tpu.memory_space<vmem>> -> memref<128x64xf32, #tpu.memory_space<vmem>>
      %dma_wait3A_473 = arith.constant 0 : i32
      %dma_wait3A_474 = tpu.memref_slice %arg6[%dma_wait3A_467, %dma_wait3A_473] : memref<80x128xi32, #tpu.memory_space<vmem>> -> memref<1x128xi32, #tpu.memory_space<vmem>>
      %dma_wait3A_475 = tpu.memref_squeeze %dma_wait3A_474 : memref<1x128xi32, #tpu.memory_space<vmem>> -> memref<128xi32, #tpu.memory_space<vmem>>
      %dma_wait3A_476 = arith.constant 0 : i32
      %dma_wait3A_477 = arith.constant 0 : i32
      %dma_wait3A_478 = tpu.memref_slice %arg2[%dma_wait3A_476, %dma_wait3A_477] : memref<10240x64xf32, #tpu.memory_space<hbm>> -> memref<10240x64xf32, #tpu.memory_space<hbm>>
      tpu.wait_indirect_dma semaphore(%arg11 : memref<!tpu.dma_semaphore, #tpu.memory_space<semaphore_mem>>) src(%dma_wait3A_478 : memref<10240x64xf32, #tpu.memory_space<hbm>>) dst(%dma_wait3A_472 : memref<128x64xf32, #tpu.memory_space<vmem>>)
      %add3A_479 = arith.constant 0 : i32
      %add3A_480 = arith.addi %add3A_264, %add3A_479 : i32
      %dma_start3A_481 = arith.constant 4 : i32
      %dma_start3A_482 = arith.constant 0 : i32
      %dma_start3A_483 = arith.constant 0 : i32
      %dma_start3A_484 = tpu.memref_slice %arg8[%dma_start3A_481, %dma_start3A_482, %dma_start3A_483] : memref<8x128x64xf32, #tpu.memory_space<vmem>> -> memref<1x128x64xf32, #tpu.memory_space<vmem>>
      %dma_start3A_485 = tpu.memref_squeeze %dma_start3A_484 : memref<1x128x64xf32, #tpu.memory_space<vmem>> -> memref<128x64xf32, #tpu.memory_space<vmem>>
      %dma_start3A_486 = arith.constant 0 : i32
      %dma_start3A_487 = tpu.memref_slice %arg7[%add3A_480, %dma_start3A_486] : memref<80x128xi32, #tpu.memory_space<vmem>> -> memref<1x128xi32, #tpu.memory_space<vmem>>
      %dma_start3A_488 = tpu.memref_squeeze %dma_start3A_487 : memref<1x128xi32, #tpu.memory_space<vmem>> -> memref<128xi32, #tpu.memory_space<vmem>>
      %dma_start3A_489 = arith.constant 0 : i32
      %dma_start3A_490 = arith.constant 0 : i32
      %dma_start3A_491 = tpu.memref_slice %arg9[%dma_start3A_489, %dma_start3A_490] : memref<10240x64xf32, #tpu.memory_space<vmem_shared>> -> memref<10240x64xf32, #tpu.memory_space<vmem_shared>>
      tpu.enqueue_indirect_dma source(%dma_start3A_485 : memref<128x64xf32, #tpu.memory_space<vmem>>) target(%dma_start3A_491 : memref<10240x64xf32, #tpu.memory_space<vmem_shared>>) offsets(%dma_start3A_488 : memref<128xi32, #tpu.memory_space<vmem>>) semaphore(%arg13 : memref<!tpu.dma_semaphore, #tpu.memory_space<semaphore_mem>>) {add = true}
      %dma_wait3A_492 = arith.constant 0 : i32
      %dma_wait3A_493 = arith.constant 5 : i32
      %dma_wait3A_494 = arith.constant 0 : i32
      %dma_wait3A_495 = arith.constant 0 : i32
      %dma_wait3A_496 = tpu.memref_slice %arg8[%dma_wait3A_493, %dma_wait3A_494, %dma_wait3A_495] : memref<8x128x64xf32, #tpu.memory_space<vmem>> -> memref<1x128x64xf32, #tpu.memory_space<vmem>>
      %dma_wait3A_497 = tpu.memref_squeeze %dma_wait3A_496 : memref<1x128x64xf32, #tpu.memory_space<vmem>> -> memref<128x64xf32, #tpu.memory_space<vmem>>
      %dma_wait3A_498 = arith.constant 0 : i32
      %dma_wait3A_499 = tpu.memref_slice %arg6[%dma_wait3A_492, %dma_wait3A_498] : memref<80x128xi32, #tpu.memory_space<vmem>> -> memref<1x128xi32, #tpu.memory_space<vmem>>
      %dma_wait3A_500 = tpu.memref_squeeze %dma_wait3A_499 : memref<1x128xi32, #tpu.memory_space<vmem>> -> memref<128xi32, #tpu.memory_space<vmem>>
      %dma_wait3A_501 = arith.constant 0 : i32
      %dma_wait3A_502 = arith.constant 0 : i32
      %dma_wait3A_503 = tpu.memref_slice %arg2[%dma_wait3A_501, %dma_wait3A_502] : memref<10240x64xf32, #tpu.memory_space<hbm>> -> memref<10240x64xf32, #tpu.memory_space<hbm>>
      tpu.wait_indirect_dma semaphore(%arg11 : memref<!tpu.dma_semaphore, #tpu.memory_space<semaphore_mem>>) src(%dma_wait3A_503 : memref<10240x64xf32, #tpu.memory_space<hbm>>) dst(%dma_wait3A_497 : memref<128x64xf32, #tpu.memory_space<vmem>>)
      %add3A_504 = arith.constant 1 : i32
      %add3A_505 = arith.addi %add3A_264, %add3A_504 : i32
      %dma_start3A_506 = arith.constant 5 : i32
      %dma_start3A_507 = arith.constant 0 : i32
      %dma_start3A_508 = arith.constant 0 : i32
      %dma_start3A_509 = tpu.memref_slice %arg8[%dma_start3A_506, %dma_start3A_507, %dma_start3A_508] : memref<8x128x64xf32, #tpu.memory_space<vmem>> -> memref<1x128x64xf32, #tpu.memory_space<vmem>>
      %dma_start3A_510 = tpu.memref_squeeze %dma_start3A_509 : memref<1x128x64xf32, #tpu.memory_space<vmem>> -> memref<128x64xf32, #tpu.memory_space<vmem>>
      %dma_start3A_511 = arith.constant 0 : i32
      %dma_start3A_512 = tpu.memref_slice %arg7[%add3A_505, %dma_start3A_511] : memref<80x128xi32, #tpu.memory_space<vmem>> -> memref<1x128xi32, #tpu.memory_space<vmem>>
      %dma_start3A_513 = tpu.memref_squeeze %dma_start3A_512 : memref<1x128xi32, #tpu.memory_space<vmem>> -> memref<128xi32, #tpu.memory_space<vmem>>
      %dma_start3A_514 = arith.constant 0 : i32
      %dma_start3A_515 = arith.constant 0 : i32
      %dma_start3A_516 = tpu.memref_slice %arg9[%dma_start3A_514, %dma_start3A_515] : memref<10240x64xf32, #tpu.memory_space<vmem_shared>> -> memref<10240x64xf32, #tpu.memory_space<vmem_shared>>
      tpu.enqueue_indirect_dma source(%dma_start3A_510 : memref<128x64xf32, #tpu.memory_space<vmem>>) target(%dma_start3A_516 : memref<10240x64xf32, #tpu.memory_space<vmem_shared>>) offsets(%dma_start3A_513 : memref<128xi32, #tpu.memory_space<vmem>>) semaphore(%arg13 : memref<!tpu.dma_semaphore, #tpu.memory_space<semaphore_mem>>) {add = true}
      %dma_wait3A_517 = arith.constant 0 : i32
      %dma_wait3A_518 = arith.constant 6 : i32
      %dma_wait3A_519 = arith.constant 0 : i32
      %dma_wait3A_520 = arith.constant 0 : i32
      %dma_wait3A_521 = tpu.memref_slice %arg8[%dma_wait3A_518, %dma_wait3A_519, %dma_wait3A_520] : memref<8x128x64xf32, #tpu.memory_space<vmem>> -> memref<1x128x64xf32, #tpu.memory_space<vmem>>
      %dma_wait3A_522 = tpu.memref_squeeze %dma_wait3A_521 : memref<1x128x64xf32, #tpu.memory_space<vmem>> -> memref<128x64xf32, #tpu.memory_space<vmem>>
      %dma_wait3A_523 = arith.constant 0 : i32
      %dma_wait3A_524 = tpu.memref_slice %arg6[%dma_wait3A_517, %dma_wait3A_523] : memref<80x128xi32, #tpu.memory_space<vmem>> -> memref<1x128xi32, #tpu.memory_space<vmem>>
      %dma_wait3A_525 = tpu.memref_squeeze %dma_wait3A_524 : memref<1x128xi32, #tpu.memory_space<vmem>> -> memref<128xi32, #tpu.memory_space<vmem>>
      %dma_wait3A_526 = arith.constant 0 : i32
      %dma_wait3A_527 = arith.constant 0 : i32
      %dma_wait3A_528 = tpu.memref_slice %arg2[%dma_wait3A_526, %dma_wait3A_527] : memref<10240x64xf32, #tpu.memory_space<hbm>> -> memref<10240x64xf32, #tpu.memory_space<hbm>>
      tpu.wait_indirect_dma semaphore(%arg11 : memref<!tpu.dma_semaphore, #tpu.memory_space<semaphore_mem>>) src(%dma_wait3A_528 : memref<10240x64xf32, #tpu.memory_space<hbm>>) dst(%dma_wait3A_522 : memref<128x64xf32, #tpu.memory_space<vmem>>)
      %add3A_529 = arith.constant 2 : i32
      %add3A_530 = arith.addi %add3A_264, %add3A_529 : i32
      %dma_start3A_531 = arith.constant 6 : i32
      %dma_start3A_532 = arith.constant 0 : i32
      %dma_start3A_533 = arith.constant 0 : i32
      %dma_start3A_534 = tpu.memref_slice %arg8[%dma_start3A_531, %dma_start3A_532, %dma_start3A_533] : memref<8x128x64xf32, #tpu.memory_space<vmem>> -> memref<1x128x64xf32, #tpu.memory_space<vmem>>
      %dma_start3A_535 = tpu.memref_squeeze %dma_start3A_534 : memref<1x128x64xf32, #tpu.memory_space<vmem>> -> memref<128x64xf32, #tpu.memory_space<vmem>>
      %dma_start3A_536 = arith.constant 0 : i32
      %dma_start3A_537 = tpu.memref_slice %arg7[%add3A_530, %dma_start3A_536] : memref<80x128xi32, #tpu.memory_space<vmem>> -> memref<1x128xi32, #tpu.memory_space<vmem>>
      %dma_start3A_538 = tpu.memref_squeeze %dma_start3A_537 : memref<1x128xi32, #tpu.memory_space<vmem>> -> memref<128xi32, #tpu.memory_space<vmem>>
      %dma_start3A_539 = arith.constant 0 : i32
      %dma_start3A_540 = arith.constant 0 : i32
      %dma_start3A_541 = tpu.memref_slice %arg9[%dma_start3A_539, %dma_start3A_540] : memref<10240x64xf32, #tpu.memory_space<vmem_shared>> -> memref<10240x64xf32, #tpu.memory_space<vmem_shared>>
      tpu.enqueue_indirect_dma source(%dma_start3A_535 : memref<128x64xf32, #tpu.memory_space<vmem>>) target(%dma_start3A_541 : memref<10240x64xf32, #tpu.memory_space<vmem_shared>>) offsets(%dma_start3A_538 : memref<128xi32, #tpu.memory_space<vmem>>) semaphore(%arg13 : memref<!tpu.dma_semaphore, #tpu.memory_space<semaphore_mem>>) {add = true}
      %dma_wait3A_542 = arith.constant 0 : i32
      %dma_wait3A_543 = arith.constant 7 : i32
      %dma_wait3A_544 = arith.constant 0 : i32
      %dma_wait3A_545 = arith.constant 0 : i32
      %dma_wait3A_546 = tpu.memref_slice %arg8[%dma_wait3A_543, %dma_wait3A_544, %dma_wait3A_545] : memref<8x128x64xf32, #tpu.memory_space<vmem>> -> memref<1x128x64xf32, #tpu.memory_space<vmem>>
      %dma_wait3A_547 = tpu.memref_squeeze %dma_wait3A_546 : memref<1x128x64xf32, #tpu.memory_space<vmem>> -> memref<128x64xf32, #tpu.memory_space<vmem>>
      %dma_wait3A_548 = arith.constant 0 : i32
      %dma_wait3A_549 = tpu.memref_slice %arg6[%dma_wait3A_542, %dma_wait3A_548] : memref<80x128xi32, #tpu.memory_space<vmem>> -> memref<1x128xi32, #tpu.memory_space<vmem>>
      %dma_wait3A_550 = tpu.memref_squeeze %dma_wait3A_549 : memref<1x128xi32, #tpu.memory_space<vmem>> -> memref<128xi32, #tpu.memory_space<vmem>>
      %dma_wait3A_551 = arith.constant 0 : i32
      %dma_wait3A_552 = arith.constant 0 : i32
      %dma_wait3A_553 = tpu.memref_slice %arg2[%dma_wait3A_551, %dma_wait3A_552] : memref<10240x64xf32, #tpu.memory_space<hbm>> -> memref<10240x64xf32, #tpu.memory_space<hbm>>
      tpu.wait_indirect_dma semaphore(%arg11 : memref<!tpu.dma_semaphore, #tpu.memory_space<semaphore_mem>>) src(%dma_wait3A_553 : memref<10240x64xf32, #tpu.memory_space<hbm>>) dst(%dma_wait3A_547 : memref<128x64xf32, #tpu.memory_space<vmem>>)
      %add3A_554 = arith.constant 3 : i32
      %add3A_555 = arith.addi %add3A_264, %add3A_554 : i32
      %dma_start3A_556 = arith.constant 7 : i32
      %dma_start3A_557 = arith.constant 0 : i32
      %dma_start3A_558 = arith.constant 0 : i32
      %dma_start3A_559 = tpu.memref_slice %arg8[%dma_start3A_556, %dma_start3A_557, %dma_start3A_558] : memref<8x128x64xf32, #tpu.memory_space<vmem>> -> memref<1x128x64xf32, #tpu.memory_space<vmem>>
      %dma_start3A_560 = tpu.memref_squeeze %dma_start3A_559 : memref<1x128x64xf32, #tpu.memory_space<vmem>> -> memref<128x64xf32, #tpu.memory_space<vmem>>
      %dma_start3A_561 = arith.constant 0 : i32
      %dma_start3A_562 = tpu.memref_slice %arg7[%add3A_555, %dma_start3A_561] : memref<80x128xi32, #tpu.memory_space<vmem>> -> memref<1x128xi32, #tpu.memory_space<vmem>>
      %dma_start3A_563 = tpu.memref_squeeze %dma_start3A_562 : memref<1x128xi32, #tpu.memory_space<vmem>> -> memref<128xi32, #tpu.memory_space<vmem>>
      %dma_start3A_564 = arith.constant 0 : i32
      %dma_start3A_565 = arith.constant 0 : i32
      %dma_start3A_566 = tpu.memref_slice %arg9[%dma_start3A_564, %dma_start3A_565] : memref<10240x64xf32, #tpu.memory_space<vmem_shared>> -> memref<10240x64xf32, #tpu.memory_space<vmem_shared>>
      tpu.enqueue_indirect_dma source(%dma_start3A_560 : memref<128x64xf32, #tpu.memory_space<vmem>>) target(%dma_start3A_566 : memref<10240x64xf32, #tpu.memory_space<vmem_shared>>) offsets(%dma_start3A_563 : memref<128xi32, #tpu.memory_space<vmem>>) semaphore(%arg13 : memref<!tpu.dma_semaphore, #tpu.memory_space<semaphore_mem>>) {add = true}
      %dma_wait3A_567 = arith.constant 4 : i32
      %dma_wait3A_568 = arith.constant 0 : i32
      %dma_wait3A_569 = arith.constant 0 : i32
      %dma_wait3A_570 = arith.constant 0 : i32
      %dma_wait3A_571 = tpu.memref_slice %arg8[%dma_wait3A_567, %dma_wait3A_569, %dma_wait3A_570] : memref<8x128x64xf32, #tpu.memory_space<vmem>> -> memref<1x128x64xf32, #tpu.memory_space<vmem>>
      %dma_wait3A_572 = tpu.memref_squeeze %dma_wait3A_571 : memref<1x128x64xf32, #tpu.memory_space<vmem>> -> memref<128x64xf32, #tpu.memory_space<vmem>>
      %dma_wait3A_573 = arith.constant 0 : i32
      %dma_wait3A_574 = tpu.memref_slice %arg7[%dma_wait3A_568, %dma_wait3A_573] : memref<80x128xi32, #tpu.memory_space<vmem>> -> memref<1x128xi32, #tpu.memory_space<vmem>>
      %dma_wait3A_575 = tpu.memref_squeeze %dma_wait3A_574 : memref<1x128xi32, #tpu.memory_space<vmem>> -> memref<128xi32, #tpu.memory_space<vmem>>
      %dma_wait3A_576 = arith.constant 0 : i32
      %dma_wait3A_577 = arith.constant 0 : i32
      %dma_wait3A_578 = tpu.memref_slice %arg9[%dma_wait3A_576, %dma_wait3A_577] : memref<10240x64xf32, #tpu.memory_space<vmem_shared>> -> memref<10240x64xf32, #tpu.memory_space<vmem_shared>>
      tpu.wait_indirect_dma semaphore(%arg13 : memref<!tpu.dma_semaphore, #tpu.memory_space<semaphore_mem>>) src(%dma_wait3A_572 : memref<128x64xf32, #tpu.memory_space<vmem>>) dst(%dma_wait3A_578 : memref<10240x64xf32, #tpu.memory_space<vmem_shared>>)
      %dma_wait3A_579 = arith.constant 5 : i32
      %dma_wait3A_580 = arith.constant 0 : i32
      %dma_wait3A_581 = arith.constant 0 : i32
      %dma_wait3A_582 = arith.constant 0 : i32
      %dma_wait3A_583 = tpu.memref_slice %arg8[%dma_wait3A_579, %dma_wait3A_581, %dma_wait3A_582] : memref<8x128x64xf32, #tpu.memory_space<vmem>> -> memref<1x128x64xf32, #tpu.memory_space<vmem>>
      %dma_wait3A_584 = tpu.memref_squeeze %dma_wait3A_583 : memref<1x128x64xf32, #tpu.memory_space<vmem>> -> memref<128x64xf32, #tpu.memory_space<vmem>>
      %dma_wait3A_585 = arith.constant 0 : i32
      %dma_wait3A_586 = tpu.memref_slice %arg7[%dma_wait3A_580, %dma_wait3A_585] : memref<80x128xi32, #tpu.memory_space<vmem>> -> memref<1x128xi32, #tpu.memory_space<vmem>>
      %dma_wait3A_587 = tpu.memref_squeeze %dma_wait3A_586 : memref<1x128xi32, #tpu.memory_space<vmem>> -> memref<128xi32, #tpu.memory_space<vmem>>
      %dma_wait3A_588 = arith.constant 0 : i32
      %dma_wait3A_589 = arith.constant 0 : i32
      %dma_wait3A_590 = tpu.memref_slice %arg9[%dma_wait3A_588, %dma_wait3A_589] : memref<10240x64xf32, #tpu.memory_space<vmem_shared>> -> memref<10240x64xf32, #tpu.memory_space<vmem_shared>>
      tpu.wait_indirect_dma semaphore(%arg13 : memref<!tpu.dma_semaphore, #tpu.memory_space<semaphore_mem>>) src(%dma_wait3A_584 : memref<128x64xf32, #tpu.memory_space<vmem>>) dst(%dma_wait3A_590 : memref<10240x64xf32, #tpu.memory_space<vmem_shared>>)
      %dma_wait3A_591 = arith.constant 6 : i32
      %dma_wait3A_592 = arith.constant 0 : i32
      %dma_wait3A_593 = arith.constant 0 : i32
      %dma_wait3A_594 = arith.constant 0 : i32
      %dma_wait3A_595 = tpu.memref_slice %arg8[%dma_wait3A_591, %dma_wait3A_593, %dma_wait3A_594] : memref<8x128x64xf32, #tpu.memory_space<vmem>> -> memref<1x128x64xf32, #tpu.memory_space<vmem>>
      %dma_wait3A_596 = tpu.memref_squeeze %dma_wait3A_595 : memref<1x128x64xf32, #tpu.memory_space<vmem>> -> memref<128x64xf32, #tpu.memory_space<vmem>>
      %dma_wait3A_597 = arith.constant 0 : i32
      %dma_wait3A_598 = tpu.memref_slice %arg7[%dma_wait3A_592, %dma_wait3A_597] : memref<80x128xi32, #tpu.memory_space<vmem>> -> memref<1x128xi32, #tpu.memory_space<vmem>>
      %dma_wait3A_599 = tpu.memref_squeeze %dma_wait3A_598 : memref<1x128xi32, #tpu.memory_space<vmem>> -> memref<128xi32, #tpu.memory_space<vmem>>
      %dma_wait3A_600 = arith.constant 0 : i32
      %dma_wait3A_601 = arith.constant 0 : i32
      %dma_wait3A_602 = tpu.memref_slice %arg9[%dma_wait3A_600, %dma_wait3A_601] : memref<10240x64xf32, #tpu.memory_space<vmem_shared>> -> memref<10240x64xf32, #tpu.memory_space<vmem_shared>>
      tpu.wait_indirect_dma semaphore(%arg13 : memref<!tpu.dma_semaphore, #tpu.memory_space<semaphore_mem>>) src(%dma_wait3A_596 : memref<128x64xf32, #tpu.memory_space<vmem>>) dst(%dma_wait3A_602 : memref<10240x64xf32, #tpu.memory_space<vmem_shared>>)
      %dma_wait3A_603 = arith.constant 7 : i32
      %dma_wait3A_604 = arith.constant 0 : i32
      %dma_wait3A_605 = arith.constant 0 : i32
      %dma_wait3A_606 = arith.constant 0 : i32
      %dma_wait3A_607 = tpu.memref_slice %arg8[%dma_wait3A_603, %dma_wait3A_605, %dma_wait3A_606] : memref<8x128x64xf32, #tpu.memory_space<vmem>> -> memref<1x128x64xf32, #tpu.memory_space<vmem>>
      %dma_wait3A_608 = tpu.memref_squeeze %dma_wait3A_607 : memref<1x128x64xf32, #tpu.memory_space<vmem>> -> memref<128x64xf32, #tpu.memory_space<vmem>>
      %dma_wait3A_609 = arith.constant 0 : i32
      %dma_wait3A_610 = tpu.memref_slice %arg7[%dma_wait3A_604, %dma_wait3A_609] : memref<80x128xi32, #tpu.memory_space<vmem>> -> memref<1x128xi32, #tpu.memory_space<vmem>>
      %dma_wait3A_611 = tpu.memref_squeeze %dma_wait3A_610 : memref<1x128xi32, #tpu.memory_space<vmem>> -> memref<128xi32, #tpu.memory_space<vmem>>
      %dma_wait3A_612 = arith.constant 0 : i32
      %dma_wait3A_613 = arith.constant 0 : i32
      %dma_wait3A_614 = tpu.memref_slice %arg9[%dma_wait3A_612, %dma_wait3A_613] : memref<10240x64xf32, #tpu.memory_space<vmem_shared>> -> memref<10240x64xf32, #tpu.memory_space<vmem_shared>>
      tpu.wait_indirect_dma semaphore(%arg13 : memref<!tpu.dma_semaphore, #tpu.memory_space<semaphore_mem>>) src(%dma_wait3A_608 : memref<128x64xf32, #tpu.memory_space<vmem>>) dst(%dma_wait3A_614 : memref<10240x64xf32, #tpu.memory_space<vmem_shared>>)
    }
    %scan3A_221 = arith.constant 10 : i32
    %barrier3A_222 = arith.constant 0 : index
    tpu.barrier barrier_id(%barrier3A_222)
    %mul3A_223 = arith.constant 640 : i32
    %mul3A_224 = arith.muli %arg1, %mul3A_223 : i32
    %add3A_225 = arith.constant 0 : i32
    %add3A_226 = arith.addi %mul3A_224, %add3A_225 : i32
    %mul3A_227 = arith.constant 10240 : i32
    %mul3A_228 = arith.muli %arg0, %mul3A_227 : i32
    %add3A_229 = arith.addi %mul3A_228, %add3A_226 : i32
    "tpu.region"() ({
      %run_scoped3A = tpu.sem_alloc : memref<!tpu.dma_semaphore, #tpu.memory_space<semaphore_mem>>
      %dma_start3A_258 = arith.constant 0 : i32
      %dma_start3A_259 = tpu.memref_slice %arg5[%add3A_229, %dma_start3A_258] : memref<20480x64xf32, #tpu.memory_space<hbm>> -> memref<128x64xf32, #tpu.memory_space<hbm>>
      %dma_start3A_260 = arith.constant 0 : i32
      %dma_start3A_261 = tpu.memref_slice %arg9[%add3A_226, %dma_start3A_260] : memref<10240x64xf32, #tpu.memory_space<vmem_shared>> -> memref<128x64xf32, #tpu.memory_space<vmem_shared>>
      tpu.enqueue_dma source(%dma_start3A_261 : memref<128x64xf32, #tpu.memory_space<vmem_shared>>) target(%dma_start3A_259 : memref<128x64xf32, #tpu.memory_space<hbm>>) target_semaphore(%run_scoped3A : memref<!tpu.dma_semaphore, #tpu.memory_space<semaphore_mem>>)
      %dma_wait3A_262 = arith.constant 0 : i32
      %dma_wait3A_263 = tpu.memref_slice %arg5[%add3A_229, %dma_wait3A_262] : memref<20480x64xf32, #tpu.memory_space<hbm>> -> memref<128x64xf32, #tpu.memory_space<hbm>>
      %dma_wait3A_264 = arith.constant 0 : i32
      %dma_wait3A_265 = tpu.memref_slice %arg9[%add3A_226, %dma_wait3A_264] : memref<10240x64xf32, #tpu.memory_space<vmem_shared>> -> memref<128x64xf32, #tpu.memory_space<vmem_shared>>
      tpu.wait_dma2 semaphore(%run_scoped3A : memref<!tpu.dma_semaphore, #tpu.memory_space<semaphore_mem>>) src(%dma_wait3A_265 : memref<128x64xf32, #tpu.memory_space<vmem_shared>>) dst(%dma_wait3A_263 : memref<128x64xf32, #tpu.memory_space<hbm>>)
      tpu.yield
    }) : () -> ()
    %mul3A_230 = arith.constant 640 : i32
    %mul3A_231 = arith.muli %arg1, %mul3A_230 : i32
    %add3A_232 = arith.constant 128 : i32
    %add3A_233 = arith.addi %mul3A_231, %add3A_232 : i32
    %mul3A_234 = arith.constant 10240 : i32
    %mul3A_235 = arith.muli %arg0, %mul3A_234 : i32
    %add3A_236 = arith.addi %mul3A_235, %add3A_233 : i32
    "tpu.region"() ({
      %run_scoped3A = tpu.sem_alloc : memref<!tpu.dma_semaphore, #tpu.memory_space<semaphore_mem>>
      %dma_start3A_258 = arith.constant 0 : i32
      %dma_start3A_259 = tpu.memref_slice %arg5[%add3A_236, %dma_start3A_258] : memref<20480x64xf32, #tpu.memory_space<hbm>> -> memref<128x64xf32, #tpu.memory_space<hbm>>
      %dma_start3A_260 = arith.constant 0 : i32
      %dma_start3A_261 = tpu.memref_slice %arg9[%add3A_233, %dma_start3A_260] : memref<10240x64xf32, #tpu.memory_space<vmem_shared>> -> memref<128x64xf32, #tpu.memory_space<vmem_shared>>
      tpu.enqueue_dma source(%dma_start3A_261 : memref<128x64xf32, #tpu.memory_space<vmem_shared>>) target(%dma_start3A_259 : memref<128x64xf32, #tpu.memory_space<hbm>>) target_semaphore(%run_scoped3A : memref<!tpu.dma_semaphore, #tpu.memory_space<semaphore_mem>>)
      %dma_wait3A_262 = arith.constant 0 : i32
      %dma_wait3A_263 = tpu.memref_slice %arg5[%add3A_236, %dma_wait3A_262] : memref<20480x64xf32, #tpu.memory_space<hbm>> -> memref<128x64xf32, #tpu.memory_space<hbm>>
      %dma_wait3A_264 = arith.constant 0 : i32
      %dma_wait3A_265 = tpu.memref_slice %arg9[%add3A_233, %dma_wait3A_264] : memref<10240x64xf32, #tpu.memory_space<vmem_shared>> -> memref<128x64xf32, #tpu.memory_space<vmem_shared>>
      tpu.wait_dma2 semaphore(%run_scoped3A : memref<!tpu.dma_semaphore, #tpu.memory_space<semaphore_mem>>) src(%dma_wait3A_265 : memref<128x64xf32, #tpu.memory_space<vmem_shared>>) dst(%dma_wait3A_263 : memref<128x64xf32, #tpu.memory_space<hbm>>)
      tpu.yield
    }) : () -> ()
    %mul3A_237 = arith.constant 640 : i32
    %mul3A_238 = arith.muli %arg1, %mul3A_237 : i32
    %add3A_239 = arith.constant 256 : i32
    %add3A_240 = arith.addi %mul3A_238, %add3A_239 : i32
    %mul3A_241 = arith.constant 10240 : i32
    %mul3A_242 = arith.muli %arg0, %mul3A_241 : i32
    %add3A_243 = arith.addi %mul3A_242, %add3A_240 : i32
    "tpu.region"() ({
      %run_scoped3A = tpu.sem_alloc : memref<!tpu.dma_semaphore, #tpu.memory_space<semaphore_mem>>
      %dma_start3A_258 = arith.constant 0 : i32
      %dma_start3A_259 = tpu.memref_slice %arg5[%add3A_243, %dma_start3A_258] : memref<20480x64xf32, #tpu.memory_space<hbm>> -> memref<128x64xf32, #tpu.memory_space<hbm>>
      %dma_start3A_260 = arith.constant 0 : i32
      %dma_start3A_261 = tpu.memref_slice %arg9[%add3A_240, %dma_start3A_260] : memref<10240x64xf32, #tpu.memory_space<vmem_shared>> -> memref<128x64xf32, #tpu.memory_space<vmem_shared>>
      tpu.enqueue_dma source(%dma_start3A_261 : memref<128x64xf32, #tpu.memory_space<vmem_shared>>) target(%dma_start3A_259 : memref<128x64xf32, #tpu.memory_space<hbm>>) target_semaphore(%run_scoped3A : memref<!tpu.dma_semaphore, #tpu.memory_space<semaphore_mem>>)
      %dma_wait3A_262 = arith.constant 0 : i32
      %dma_wait3A_263 = tpu.memref_slice %arg5[%add3A_243, %dma_wait3A_262] : memref<20480x64xf32, #tpu.memory_space<hbm>> -> memref<128x64xf32, #tpu.memory_space<hbm>>
      %dma_wait3A_264 = arith.constant 0 : i32
      %dma_wait3A_265 = tpu.memref_slice %arg9[%add3A_240, %dma_wait3A_264] : memref<10240x64xf32, #tpu.memory_space<vmem_shared>> -> memref<128x64xf32, #tpu.memory_space<vmem_shared>>
      tpu.wait_dma2 semaphore(%run_scoped3A : memref<!tpu.dma_semaphore, #tpu.memory_space<semaphore_mem>>) src(%dma_wait3A_265 : memref<128x64xf32, #tpu.memory_space<vmem_shared>>) dst(%dma_wait3A_263 : memref<128x64xf32, #tpu.memory_space<hbm>>)
      tpu.yield
    }) : () -> ()
    %mul3A_244 = arith.constant 640 : i32
    %mul3A_245 = arith.muli %arg1, %mul3A_244 : i32
    %add3A_246 = arith.constant 384 : i32
    %add3A_247 = arith.addi %mul3A_245, %add3A_246 : i32
    %mul3A_248 = arith.constant 10240 : i32
    %mul3A_249 = arith.muli %arg0, %mul3A_248 : i32
    %add3A_250 = arith.addi %mul3A_249, %add3A_247 : i32
    "tpu.region"() ({
      %run_scoped3A = tpu.sem_alloc : memref<!tpu.dma_semaphore, #tpu.memory_space<semaphore_mem>>
      %dma_start3A_258 = arith.constant 0 : i32
      %dma_start3A_259 = tpu.memref_slice %arg5[%add3A_250, %dma_start3A_258] : memref<20480x64xf32, #tpu.memory_space<hbm>> -> memref<128x64xf32, #tpu.memory_space<hbm>>
      %dma_start3A_260 = arith.constant 0 : i32
      %dma_start3A_261 = tpu.memref_slice %arg9[%add3A_247, %dma_start3A_260] : memref<10240x64xf32, #tpu.memory_space<vmem_shared>> -> memref<128x64xf32, #tpu.memory_space<vmem_shared>>
      tpu.enqueue_dma source(%dma_start3A_261 : memref<128x64xf32, #tpu.memory_space<vmem_shared>>) target(%dma_start3A_259 : memref<128x64xf32, #tpu.memory_space<hbm>>) target_semaphore(%run_scoped3A : memref<!tpu.dma_semaphore, #tpu.memory_space<semaphore_mem>>)
      %dma_wait3A_262 = arith.constant 0 : i32
      %dma_wait3A_263 = tpu.memref_slice %arg5[%add3A_250, %dma_wait3A_262] : memref<20480x64xf32, #tpu.memory_space<hbm>> -> memref<128x64xf32, #tpu.memory_space<hbm>>
      %dma_wait3A_264 = arith.constant 0 : i32
      %dma_wait3A_265 = tpu.memref_slice %arg9[%add3A_247, %dma_wait3A_264] : memref<10240x64xf32, #tpu.memory_space<vmem_shared>> -> memref<128x64xf32, #tpu.memory_space<vmem_shared>>
      tpu.wait_dma2 semaphore(%run_scoped3A : memref<!tpu.dma_semaphore, #tpu.memory_space<semaphore_mem>>) src(%dma_wait3A_265 : memref<128x64xf32, #tpu.memory_space<vmem_shared>>) dst(%dma_wait3A_263 : memref<128x64xf32, #tpu.memory_space<hbm>>)
      tpu.yield
    }) : () -> ()
    %mul3A_251 = arith.constant 640 : i32
    %mul3A_252 = arith.muli %arg1, %mul3A_251 : i32
    %add3A_253 = arith.constant 512 : i32
    %add3A_254 = arith.addi %mul3A_252, %add3A_253 : i32
    %mul3A_255 = arith.constant 10240 : i32
    %mul3A_256 = arith.muli %arg0, %mul3A_255 : i32
    %add3A_257 = arith.addi %mul3A_256, %add3A_254 : i32
    "tpu.region"() ({
      %run_scoped3A = tpu.sem_alloc : memref<!tpu.dma_semaphore, #tpu.memory_space<semaphore_mem>>
      %dma_start3A_258 = arith.constant 0 : i32
      %dma_start3A_259 = tpu.memref_slice %arg5[%add3A_257, %dma_start3A_258] : memref<20480x64xf32, #tpu.memory_space<hbm>> -> memref<128x64xf32, #tpu.memory_space<hbm>>
      %dma_start3A_260 = arith.constant 0 : i32
      %dma_start3A_261 = tpu.memref_slice %arg9[%add3A_254, %dma_start3A_260] : memref<10240x64xf32, #tpu.memory_space<vmem_shared>> -> memref<128x64xf32, #tpu.memory_space<vmem_shared>>
      tpu.enqueue_dma source(%dma_start3A_261 : memref<128x64xf32, #tpu.memory_space<vmem_shared>>) target(%dma_start3A_259 : memref<128x64xf32, #tpu.memory_space<hbm>>) target_semaphore(%run_scoped3A : memref<!tpu.dma_semaphore, #tpu.memory_space<semaphore_mem>>)
      %dma_wait3A_262 = arith.constant 0 : i32
      %dma_wait3A_263 = tpu.memref_slice %arg5[%add3A_257, %dma_wait3A_262] : memref<20480x64xf32, #tpu.memory_space<hbm>> -> memref<128x64xf32, #tpu.memory_space<hbm>>
      %dma_wait3A_264 = arith.constant 0 : i32
      %dma_wait3A_265 = tpu.memref_slice %arg9[%add3A_254, %dma_wait3A_264] : memref<10240x64xf32, #tpu.memory_space<vmem_shared>> -> memref<128x64xf32, #tpu.memory_space<vmem_shared>>
      tpu.wait_dma2 semaphore(%run_scoped3A : memref<!tpu.dma_semaphore, #tpu.memory_space<semaphore_mem>>) src(%dma_wait3A_265 : memref<128x64xf32, #tpu.memory_space<vmem_shared>>) dst(%dma_wait3A_263 : memref<128x64xf32, #tpu.memory_space<hbm>>)
      tpu.yield
    }) : () -> ()
    return
  }
}

module attributes {stable_mosaic.version = 14 : i64} {
  func.func @_b_body(%arg0: i32, %arg1: memref<2048x128xf32, #tpu.memory_space<vmem>>, %arg2: memref<128x128xf32, #tpu.memory_space<vmem>>, %arg3: memref<32x2048xf32, #tpu.memory_space<vmem>>, %arg4: memref<2048x128xf32, #tpu.memory_space<vmem>>) attributes {dimension_semantics = [#tpu.dimension_semantics<arbitrary>], iteration_bounds = array<i64: 5>, scalar_prefetch = 0 : i64, scratch_operands = 0 : i64, tpu.core_type = #tpu.core_type<tc>, window_params = [{transform_indices = @transform_0, window_bounds = array<i64: 2048, 128>}, {pipeline_mode = #tpu.pipeline_mode<synchronous>, transform_indices = @transform_1, window_bounds = array<i64: 128, 128>}, {transform_indices = @transform_2, window_bounds = array<i64: 32, 2048>}, {transform_indices = @transform_3, window_bounds = array<i64: 2048, 128>}]} {
    %get3A = arith.constant 0 : index
    %get3A_0 = arith.constant 0 : index
    %get3A_1 = vector.load %arg3[%get3A, %get3A_0] : memref<32x2048xf32, #tpu.memory_space<vmem>>, vector<32x2048xf32>
    %reduce_sum3A = arith.constant dense<0.000000e+00> : vector<2048xf32>
    %reduce_sum3A_2 = vector.multi_reduction <add>, %get3A_1, %reduce_sum3A [0] : vector<32x2048xf32> to vector<2048xf32>
    %gt3A = arith.constant 0.000000e+00 : f32
    %gt3A_3 = vector.broadcast %gt3A : f32 to vector<2048xf32>
    %gt3A_4 = arith.cmpf ogt, %reduce_sum3A_2, %gt3A_3 : vector<2048xf32>
    %max3A = arith.constant 1.000000e+00 : f32
    %max3A_5 = vector.broadcast %max3A : f32 to vector<2048xf32>
    %max3A_6 = arith.maximumf %reduce_sum3A_2, %max3A_5 : vector<2048xf32>
    %rsqrt3A = math.rsqrt %max3A_6 : vector<2048xf32>
    %jit3A = arith.constant 0.000000e+00 : f32
    %broadcast_in_dim3A = vector.broadcast %jit3A : f32 to vector<2048xf32>
    %select_n3A = arith.select %gt3A_4, %rsqrt3A, %broadcast_in_dim3A : vector<2048xi1>, vector<2048xf32>
    %get3A_7 = arith.constant 0 : index
    %get3A_8 = arith.constant 0 : index
    %get3A_9 = vector.load %arg1[%get3A_7, %get3A_8] : memref<2048x128xf32, #tpu.memory_space<vmem>>, vector<2048x128xf32>
    %get3A_10 = arith.constant 0 : index
    %get3A_11 = arith.constant 0 : index
    %get3A_12 = vector.load %arg2[%get3A_10, %get3A_11] : memref<128x128xf32, #tpu.memory_space<vmem>>, vector<128x128xf32>
    %dot_general3A = arith.constant dense<0.000000e+00> : vector<2048x128xf32>
    %dot_general3A_13 = tpu.matmul %get3A_9, %get3A_12, %dot_general3A {dimension_numbers = #tpu.dot_dimension_numbers<[1], [0], [0], [1], [0, 0, 1, 1], [], []>, transpose_lhs_hint = false} : vector<2048x128xf32>, vector<128x128xf32>, vector<2048x128xf32> -> vector<2048x128xf32>
    %broadcast_in_dim3A_14 = vector.shape_cast %select_n3A : vector<2048xf32> to vector<2048x1xf32>
    %mul3A = vector.broadcast %broadcast_in_dim3A_14 : vector<2048x1xf32> to vector<2048x128xf32>
    %mul3A_15 = arith.mulf %dot_general3A_13, %mul3A : vector<2048x128xf32>
    %swap3A = arith.constant 0 : index
    %swap3A_16 = arith.constant 0 : index
    %swap3A_17 = vector.load %arg4[%swap3A, %swap3A_16] : memref<2048x128xf32, #tpu.memory_space<vmem>>, vector<2048x128xf32>
    tpu.vector_store %arg4[%swap3A, %swap3A_16], %mul3A_15 {strides = array<i32>} : memref<2048x128xf32, #tpu.memory_space<vmem>>, vector<2048x128xf32>,
    return
  }
  func.func @transform_0(%arg0: i32) -> (i32, i32) {
    %c0_i32 = arith.constant 0 : i32
    %c0_i32_0 = arith.constant 0 : i32
    return %arg0, %c0_i32 : i32, i32
  }
  func.func @transform_1(%arg0: i32) -> (i32, i32) {
    %c0_i32 = arith.constant 0 : i32
    %c0_i32_0 = arith.constant 0 : i32
    %c0_i32_1 = arith.constant 0 : i32
    return %c0_i32, %c0_i32_0 : i32, i32
  }
  func.func @transform_2(%arg0: i32) -> (i32, i32) {
    %c0_i32 = arith.constant 0 : i32
    %c0_i32_0 = arith.constant 0 : i32
    return %c0_i32, %arg0 : i32, i32
  }
  func.func @transform_3(%arg0: i32) -> (i32, i32) {
    %c0_i32 = arith.constant 0 : i32
    %c0_i32_0 = arith.constant 0 : i32
    return %arg0, %c0_i32 : i32, i32
  }
}

module attributes {stable_mosaic.version = 14 : i64} {
  func.func @_c_body(%arg0: i32, %arg1: memref<2048x64xf32, #tpu.memory_space<vmem>>, %arg2: memref<2048x64xf32, #tpu.memory_space<vmem>>, %arg3: memref<2048x64xf32, #tpu.memory_space<vmem>>, %arg4: memref<2048x64xf32, #tpu.memory_space<vmem>>, %arg5: memref<32x2048xf32, #tpu.memory_space<vmem>>, %arg6: memref<32x2048xf32, #tpu.memory_space<vmem>>, %arg7: memref<1x128xf32, #tpu.memory_space<vmem>>, %arg8: memref<128x64xf32, #tpu.memory_space<vmem>>, %arg9: memref<2048x64xf32, #tpu.memory_space<vmem>>) attributes {dimension_semantics = [#tpu.dimension_semantics<arbitrary>], iteration_bounds = array<i64: 5>, scalar_prefetch = 0 : i64, scratch_operands = 0 : i64, tpu.core_type = #tpu.core_type<tc>, window_params = [{transform_indices = @transform_0, window_bounds = array<i64: 2048, 64>}, {transform_indices = @transform_1, window_bounds = array<i64: 2048, 64>}, {transform_indices = @transform_2, window_bounds = array<i64: 2048, 64>}, {transform_indices = @transform_3, window_bounds = array<i64: 2048, 64>}, {transform_indices = @transform_4, window_bounds = array<i64: 32, 2048>}, {transform_indices = @transform_5, window_bounds = array<i64: 32, 2048>}, {pipeline_mode = #tpu.pipeline_mode<synchronous>, transform_indices = @transform_6, window_bounds = array<i64: 1, 128>}, {pipeline_mode = #tpu.pipeline_mode<synchronous>, transform_indices = @transform_7, window_bounds = array<i64: 128, 64>}, {transform_indices = @transform_8, window_bounds = array<i64: 2048, 64>}]} {
    %get3A = arith.constant 0 : index
    %get3A_0 = arith.constant 0 : index
    %get3A_1 = vector.load %arg5[%get3A, %get3A_0] : memref<32x2048xf32, #tpu.memory_space<vmem>>, vector<32x2048xf32>
    %reduce_sum3A = arith.constant dense<0.000000e+00> : vector<2048xf32>
    %reduce_sum3A_2 = vector.multi_reduction <add>, %get3A_1, %reduce_sum3A [0] : vector<32x2048xf32> to vector<2048xf32>
    %gt3A = arith.constant 0.000000e+00 : f32
    %gt3A_3 = vector.broadcast %gt3A : f32 to vector<2048xf32>
    %gt3A_4 = arith.cmpf ogt, %reduce_sum3A_2, %gt3A_3 : vector<2048xf32>
    %max3A = arith.constant 1.000000e+00 : f32
    %max3A_5 = vector.broadcast %max3A : f32 to vector<2048xf32>
    %max3A_6 = arith.maximumf %reduce_sum3A_2, %max3A_5 : vector<2048xf32>
    %rsqrt3A = math.rsqrt %max3A_6 : vector<2048xf32>
    %jit3A = arith.constant 0.000000e+00 : f32
    %broadcast_in_dim3A = vector.broadcast %jit3A : f32 to vector<2048xf32>
    %select_n3A = arith.select %gt3A_4, %rsqrt3A, %broadcast_in_dim3A : vector<2048xi1>, vector<2048xf32>
    %get3A_7 = arith.constant 0 : index
    %get3A_8 = arith.constant 0 : index
    %get3A_9 = vector.load %arg6[%get3A_7, %get3A_8] : memref<32x2048xf32, #tpu.memory_space<vmem>>, vector<32x2048xf32>
    %reduce_sum3A_10 = arith.constant dense<0.000000e+00> : vector<2048xf32>
    %reduce_sum3A_11 = vector.multi_reduction <add>, %get3A_9, %reduce_sum3A_10 [0] : vector<32x2048xf32> to vector<2048xf32>
    %gt3A_12 = arith.constant 0.000000e+00 : f32
    %gt3A_13 = vector.broadcast %gt3A_12 : f32 to vector<2048xf32>
    %gt3A_14 = arith.cmpf ogt, %reduce_sum3A_11, %gt3A_13 : vector<2048xf32>
    %max3A_15 = arith.constant 1.000000e+00 : f32
    %max3A_16 = vector.broadcast %max3A_15 : f32 to vector<2048xf32>
    %max3A_17 = arith.maximumf %reduce_sum3A_11, %max3A_16 : vector<2048xf32>
    %rsqrt3A_18 = math.rsqrt %max3A_17 : vector<2048xf32>
    %jit3A_19 = arith.constant 0.000000e+00 : f32
    %broadcast_in_dim3A_20 = vector.broadcast %jit3A_19 : f32 to vector<2048xf32>
    %select_n3A_21 = arith.select %gt3A_14, %rsqrt3A_18, %broadcast_in_dim3A_20 : vector<2048xi1>, vector<2048xf32>
    %get3A_22 = arith.constant 0 : index
    %get3A_23 = arith.constant 0 : index
    %get3A_24 = vector.load %arg1[%get3A_22, %get3A_23] : memref<2048x64xf32, #tpu.memory_space<vmem>>, vector<2048x64xf32>
    %get3A_25 = arith.constant 0 : index
    %get3A_26 = arith.constant 0 : index
    %get3A_27 = vector.load %arg2[%get3A_25, %get3A_26] : memref<2048x64xf32, #tpu.memory_space<vmem>>, vector<2048x64xf32>
    %add3A = arith.addf %get3A_24, %get3A_27 : vector<2048x64xf32>
    %get3A_28 = arith.constant 0 : index
    %get3A_29 = arith.constant 0 : index
    %get3A_30 = vector.load %arg3[%get3A_28, %get3A_29] : memref<2048x64xf32, #tpu.memory_space<vmem>>, vector<2048x64xf32>
    %get3A_31 = arith.constant 0 : index
    %get3A_32 = arith.constant 0 : index
    %get3A_33 = vector.load %arg4[%get3A_31, %get3A_32] : memref<2048x64xf32, #tpu.memory_space<vmem>>, vector<2048x64xf32>
    %add3A_34 = arith.addf %get3A_30, %get3A_33 : vector<2048x64xf32>
    %concatenate3A = tpu.concatenate %add3A, %add3A_34 in 1 : vector<2048x64xf32>, vector<2048x64xf32> -> vector<2048x128xf32>
    %broadcast_in_dim3A_35 = vector.shape_cast %select_n3A : vector<2048xf32> to vector<2048x1xf32>
    %mul3A = vector.broadcast %broadcast_in_dim3A_35 : vector<2048x1xf32> to vector<2048x128xf32>
    %mul3A_36 = arith.mulf %concatenate3A, %mul3A : vector<2048x128xf32>
    %get3A_37 = arith.constant 0 : index
    %get3A_38 = arith.constant 0 : index
    %get3A_39 = vector.load %arg7[%get3A_37, %get3A_38] : memref<1x128xf32, #tpu.memory_space<vmem>>, vector<1x128xf32>
    %add3A_40 = vector.broadcast %get3A_39 : vector<1x128xf32> to vector<2048x128xf32>
    %add3A_41 = arith.addf %mul3A_36, %add3A_40 : vector<2048x128xf32>
    %max3A_42 = arith.constant 0.000000e+00 : f32
    %max3A_43 = vector.broadcast %max3A_42 : f32 to vector<2048x128xf32>
    %max3A_44 = arith.maximumf %add3A_41, %max3A_43 : vector<2048x128xf32>
    %broadcast_in_dim3A_45 = vector.shape_cast %select_n3A_21 : vector<2048xf32> to vector<2048x1xf32>
    %mul3A_46 = vector.broadcast %broadcast_in_dim3A_45 : vector<2048x1xf32> to vector<2048x128xf32>
    %mul3A_47 = arith.mulf %max3A_44, %mul3A_46 : vector<2048x128xf32>
    %get3A_48 = arith.constant 0 : index
    %get3A_49 = arith.constant 0 : index
    %get3A_50 = vector.load %arg8[%get3A_48, %get3A_49] : memref<128x64xf32, #tpu.memory_space<vmem>>, vector<128x64xf32>
    %dot_general3A = arith.constant dense<0.000000e+00> : vector<2048x64xf32>
    %dot_general3A_51 = tpu.matmul %mul3A_47, %get3A_50, %dot_general3A {dimension_numbers = #tpu.dot_dimension_numbers<[1], [0], [0], [1], [0, 0, 1, 1], [], []>, transpose_lhs_hint = false} : vector<2048x128xf32>, vector<128x64xf32>, vector<2048x64xf32> -> vector<2048x64xf32>
    %swap3A = arith.constant 0 : index
    %swap3A_52 = arith.constant 0 : index
    %swap3A_53 = vector.load %arg9[%swap3A, %swap3A_52] : memref<2048x64xf32, #tpu.memory_space<vmem>>, vector<2048x64xf32>
    tpu.vector_store %arg9[%swap3A, %swap3A_52], %dot_general3A_51 {strides = array<i32>} : memref<2048x64xf32, #tpu.memory_space<vmem>>, vector<2048x64xf32>,
    return
  }
  func.func @transform_0(%arg0: i32) -> (i32, i32) {
    %c0_i32 = arith.constant 0 : i32
    %c0_i32_0 = arith.constant 0 : i32
    return %arg0, %c0_i32 : i32, i32
  }
  func.func @transform_1(%arg0: i32) -> (i32, i32) {
    %add3A = arith.constant 5 : i32
    %add3A_0 = arith.addi %arg0, %add3A : i32
    %c0_i32 = arith.constant 0 : i32
    %c0_i32_1 = arith.constant 0 : i32
    return %add3A_0, %c0_i32 : i32, i32
  }
  func.func @transform_2(%arg0: i32) -> (i32, i32) {
    %c0_i32 = arith.constant 0 : i32
    %c0_i32_0 = arith.constant 0 : i32
    return %arg0, %c0_i32 : i32, i32
  }
  func.func @transform_3(%arg0: i32) -> (i32, i32) {
    %add3A = arith.constant 5 : i32
    %add3A_0 = arith.addi %arg0, %add3A : i32
    %c0_i32 = arith.constant 0 : i32
    %c0_i32_1 = arith.constant 0 : i32
    return %add3A_0, %c0_i32 : i32, i32
  }
  func.func @transform_4(%arg0: i32) -> (i32, i32) {
    %c0_i32 = arith.constant 0 : i32
    %c0_i32_0 = arith.constant 0 : i32
    return %c0_i32, %arg0 : i32, i32
  }
  func.func @transform_5(%arg0: i32) -> (i32, i32) {
    %c0_i32 = arith.constant 0 : i32
    %c0_i32_0 = arith.constant 0 : i32
    return %c0_i32, %arg0 : i32, i32
  }
  func.func @transform_6(%arg0: i32) -> (i32, i32) {
    %c0_i32 = arith.constant 0 : i32
    %c0_i32_0 = arith.constant 0 : i32
    %c0_i32_1 = arith.constant 0 : i32
    return %c0_i32, %c0_i32_0 : i32, i32
  }
  func.func @transform_7(%arg0: i32) -> (i32, i32) {
    %c0_i32 = arith.constant 0 : i32
    %c0_i32_0 = arith.constant 0 : i32
    %c0_i32_1 = arith.constant 0 : i32
    return %c0_i32, %c0_i32_0 : i32, i32
  }
  func.func @transform_8(%arg0: i32) -> (i32, i32) {
    %c0_i32 = arith.constant 0 : i32
    %c0_i32_0 = arith.constant 0 : i32
    return %arg0, %c0_i32 : i32, i32
  }
}

module attributes {stable_mosaic.version = 14 : i64} {
  func.func @_d_body(%arg0: i32, %arg1: memref<2048x64xf32, #tpu.memory_space<vmem>>, %arg2: memref<2048x64xf32, #tpu.memory_space<vmem>>, %arg3: memref<32x2048xf32, #tpu.memory_space<vmem>>, %arg4: memref<1x64xf32, #tpu.memory_space<vmem>>, %arg5: memref<2048x64xf32, #tpu.memory_space<vmem>>) attributes {dimension_semantics = [#tpu.dimension_semantics<arbitrary>], iteration_bounds = array<i64: 5>, scalar_prefetch = 0 : i64, scratch_operands = 0 : i64, tpu.core_type = #tpu.core_type<tc>, window_params = [{transform_indices = @transform_0, window_bounds = array<i64: 2048, 64>}, {transform_indices = @transform_1, window_bounds = array<i64: 2048, 64>}, {transform_indices = @transform_2, window_bounds = array<i64: 32, 2048>}, {pipeline_mode = #tpu.pipeline_mode<synchronous>, transform_indices = @transform_3, window_bounds = array<i64: 1, 64>}, {transform_indices = @transform_4, window_bounds = array<i64: 2048, 64>}]} {
    %get3A = arith.constant 0 : index
    %get3A_0 = arith.constant 0 : index
    %get3A_1 = vector.load %arg3[%get3A, %get3A_0] : memref<32x2048xf32, #tpu.memory_space<vmem>>, vector<32x2048xf32>
    %reduce_sum3A = arith.constant dense<0.000000e+00> : vector<2048xf32>
    %reduce_sum3A_2 = vector.multi_reduction <add>, %get3A_1, %reduce_sum3A [0] : vector<32x2048xf32> to vector<2048xf32>
    %gt3A = arith.constant 0.000000e+00 : f32
    %gt3A_3 = vector.broadcast %gt3A : f32 to vector<2048xf32>
    %gt3A_4 = arith.cmpf ogt, %reduce_sum3A_2, %gt3A_3 : vector<2048xf32>
    %max3A = arith.constant 1.000000e+00 : f32
    %max3A_5 = vector.broadcast %max3A : f32 to vector<2048xf32>
    %max3A_6 = arith.maximumf %reduce_sum3A_2, %max3A_5 : vector<2048xf32>
    %rsqrt3A = math.rsqrt %max3A_6 : vector<2048xf32>
    %jit3A = arith.constant 0.000000e+00 : f32
    %broadcast_in_dim3A = vector.broadcast %jit3A : f32 to vector<2048xf32>
    %select_n3A = arith.select %gt3A_4, %rsqrt3A, %broadcast_in_dim3A : vector<2048xi1>, vector<2048xf32>
    %get3A_7 = arith.constant 0 : index
    %get3A_8 = arith.constant 0 : index
    %get3A_9 = vector.load %arg1[%get3A_7, %get3A_8] : memref<2048x64xf32, #tpu.memory_space<vmem>>, vector<2048x64xf32>
    %get3A_10 = arith.constant 0 : index
    %get3A_11 = arith.constant 0 : index
    %get3A_12 = vector.load %arg2[%get3A_10, %get3A_11] : memref<2048x64xf32, #tpu.memory_space<vmem>>, vector<2048x64xf32>
    %add3A = arith.addf %get3A_9, %get3A_12 : vector<2048x64xf32>
    %broadcast_in_dim3A_13 = vector.shape_cast %select_n3A : vector<2048xf32> to vector<2048x1xf32>
    %mul3A = vector.broadcast %broadcast_in_dim3A_13 : vector<2048x1xf32> to vector<2048x64xf32>
    %mul3A_14 = arith.mulf %add3A, %mul3A : vector<2048x64xf32>
    %get3A_15 = arith.constant 0 : index
    %get3A_16 = arith.constant 0 : index
    %get3A_17 = vector.load %arg4[%get3A_15, %get3A_16] : memref<1x64xf32, #tpu.memory_space<vmem>>, vector<1x64xf32>
    %add3A_18 = vector.broadcast %get3A_17 : vector<1x64xf32> to vector<2048x64xf32>
    %add3A_19 = arith.addf %mul3A_14, %add3A_18 : vector<2048x64xf32>
    %reduce_max3A = arith.constant dense<0xFF800000> : vector<2048xf32>
    %reduce_max3A_20 = vector.multi_reduction <maximumf>, %add3A_19, %reduce_max3A [1] : vector<2048x64xf32> to vector<2048xf32>
    %broadcast_in_dim3A_21 = vector.shape_cast %reduce_max3A_20 : vector<2048xf32> to vector<2048x1xf32>
    %sub3A = vector.broadcast %broadcast_in_dim3A_21 : vector<2048x1xf32> to vector<2048x64xf32>
    %sub3A_22 = arith.subf %add3A_19, %sub3A : vector<2048x64xf32>
    %exp3A = math.exp %sub3A_22 : vector<2048x64xf32>
    %reduce_sum3A_23 = arith.constant dense<0.000000e+00> : vector<2048xf32>
    %reduce_sum3A_24 = vector.multi_reduction <add>, %exp3A, %reduce_sum3A_23 [1] : vector<2048x64xf32> to vector<2048xf32>
    %broadcast_in_dim3A_25 = vector.shape_cast %reduce_sum3A_24 : vector<2048xf32> to vector<2048x1xf32>
    %div3A = vector.broadcast %broadcast_in_dim3A_25 : vector<2048x1xf32> to vector<2048x64xf32>
    %div3A_26 = arith.divf %exp3A, %div3A : vector<2048x64xf32>
    %swap3A = arith.constant 0 : index
    %swap3A_27 = arith.constant 0 : index
    %swap3A_28 = vector.load %arg5[%swap3A, %swap3A_27] : memref<2048x64xf32, #tpu.memory_space<vmem>>, vector<2048x64xf32>
    tpu.vector_store %arg5[%swap3A, %swap3A_27], %div3A_26 {strides = array<i32>} : memref<2048x64xf32, #tpu.memory_space<vmem>>, vector<2048x64xf32>,
    return
  }
  func.func @transform_0(%arg0: i32) -> (i32, i32) {
    %c0_i32 = arith.constant 0 : i32
    %c0_i32_0 = arith.constant 0 : i32
    return %arg0, %c0_i32 : i32, i32
  }
  func.func @transform_1(%arg0: i32) -> (i32, i32) {
    %add3A = arith.constant 5 : i32
    %add3A_0 = arith.addi %arg0, %add3A : i32
    %c0_i32 = arith.constant 0 : i32
    %c0_i32_1 = arith.constant 0 : i32
    return %add3A_0, %c0_i32 : i32, i32
  }
  func.func @transform_2(%arg0: i32) -> (i32, i32) {
    %c0_i32 = arith.constant 0 : i32
    %c0_i32_0 = arith.constant 0 : i32
    return %c0_i32, %arg0 : i32, i32
  }
  func.func @transform_3(%arg0: i32) -> (i32, i32) {
    %c0_i32 = arith.constant 0 : i32
    %c0_i32_0 = arith.constant 0 : i32
    %c0_i32_1 = arith.constant 0 : i32
    return %c0_i32, %c0_i32_0 : i32, i32
  }
  func.func @transform_4(%arg0: i32) -> (i32, i32) {
    %c0_i32 = arith.constant 0 : i32
    %c0_i32_0 = arith.constant 0 : i32
    return %arg0, %c0_i32 : i32, i32
  }
}

</mosaic_0001>

<sc_bundles>
// kernel: kernel.12.cloned.1.call-start
scs
__scs_entry_jumppad:
0x0: {  	(pc) =	sbr.rel $0x88, $3  }
0x1: {  	(tag) =	ssettag $0x0;
	lr =	simm.s32 $0x1  }
0x2: {  	[smem:$0x3F9B] =	sst lr;
	_ =	strace $0xD0000000  }
0x3: {  	_ = 	snop  }
0x4: {  	_ = 	snop  }
0x5: {  	_ = 	snop  }
0x6: {  	_ = 	snop  }
0x7: {  	_ = 	snop  }
__scs_overlays_trampoline_lowered:
0x8: {  	[smem:$0x3FAA] =	sst s0  }
0x9: {  	[smem:$0x3FAB] =	sst s1  }
0xa: {  	[smem:$0x3FAC] =	sst s2  }
0xb: {  	[smem:$0x3FAD] =	sst s3  }
0xc: {  	[smem:$0x3FAE] =	sst s4  }
0xd: {  	[smem:$0x3FAF] =	sst s5  }
0xe: {  	[smem:$0x3FB0] =	sst s6  }
0xf: {  	[smem:$0x3FB1] =	sst s7  }
0x10: {  	[smem:$0x3FB2] =	sst s8  }
0x11: {  	[smem:$0x3FB3] =	sst s9;
	s0 =	simm.s32 @!p0 $0x0  }
0x12: {  	s1 =	sld [smem:$0x3F99];
	s0 =	simm.s32 @p0 $0x1  }
0x13: {  	[smem:$0x3FB4] =	sst s0;
	s0 =	simm.s32 @!p1 $0x0  }
0x14: {  	s2 =	sld [smem:$0x3F98];
	s0 =	simm.s32 @p1 $0x1  }
0x15: {  	[smem:$0x3FB5] =	sst s0;
	s0 =	simm.s32 @!p2 $0x0  }
0x16: {  	s3 =	sld [smem:$0x3FDB];
	s0 =	simm.s32 @p2 $0x1  }
0x17: {  	s4 =	simm.s32 $0x1BF5;
	[smem:$0x3FB7] =	sst s0  }
0x18: {  	s0 =	sld [smem:$0x3F9A];
	_ =	swait.ge [sflag:s4], $0x0  }
0x19: {  	s7 =	sld [smem:$0x3F9B]  }
0x1a: {  	s8 =	sadd.s32 $0xFFFFE003, lr  }
0x1b: {  	s9 =	sadd.s32 $0xFFFFFEF7, lr;
	s5 =	simm.s32 $0xFFFFFFFF;
	p2 =	slt.u32 s8, $0xFFFFF086  }
0x1c: {  	p1 =	slt.u32 s9, $0xF7A;
	s5 =	simm.s32 @!p2 $0x0  }
0x1d: {  	s5 =	simm.s32 @p1 $0x1;
	p0 =	seq.s32 s7, s2  }
0x1e: {  	s7 =	smul.u32 @!p0 $0xF7A, s2;
	p2 =	seq.s32 @!p0 s5, $0x0  }
0x1f: {  	s9 =	smul.u32 $0xF7A, s1;
	s8 =	simm.s32 @!p0 $0x1BF5;
	p2 =	por !p2, p0  }
0x20: {  	[sflag:s8] =	ssyncset.s32 @!p0 $0xFFFFF086;
	s6 =	sadd.s32 @!p0 s3, s7;
	s7 =	simm.s32 @!p0 $0x108  }
0x21: {  	s3 =	sadd.s32 s3, s9;
	s6 =	sadd.s32 @!p0 $0x88, s6;
	s7 =	simm.s32 @p2 $0x1082  }
0x22: {  	[simem:s7], [sflag:s8] =	dma.local @!p0 [hbm:s6], $0xF7A  }
0x23: {  	s9 =	sor.u32 $0xD0000000, s2;
	s6 =	simm.s32 $0x108;
	_ =	swait.ge @!p0 [sflag:s8], $0x0  }
0x24: {  	s3 =	sadd.s32 $0x88, s3;
	s6 =	simm.s32 @!p1 $0x1082;
	[sflag:s4] =	ssyncset.s32 $0xFFFFF086  }
0x25: {  	[simem:s6], [sflag:s4] =	dma.local [hbm:s3], $0xF7A  }
0x26: {  	[smem:$0x3F9B] =	sst s1;
	(tag) =	ssettag s2;
	_ =	strace s9  }
0x27: {  	s1 =	sld [smem:$0x3FAB]  }
0x28: {  	s2 =	sld [smem:$0x3FAC]  }
0x29: {  	s4 =	sld [smem:$0x3FAE]  }
0x2a: {  	p0 =	seq.s32 s5, $0x0;
	s5 =	sld [smem:$0x3FAF]  }
0x2b: {  	s6 =	sld [smem:$0x3FB0]  }
0x2c: {  	s7 =	sld [smem:$0x3FB1]  }
0x2d: {  	s3 =	simm.s32 $0x108;
	s8 =	sld [smem:$0x3FB2]  }
0x2e: {  	s3 =	simm.s32 @!p0 $0x1082;
	s9 =	sld [smem:$0x3FB3]  }
0x2f: {  	lr =	sadd.s32 s0, s3;
	s0 =	sld [smem:$0x3FAA]  }
0x30: {  	s3 =	sld [smem:$0x3FAD]  }
0x31: {  	[smem:$0x3FB6] =	sst s10  }
0x32: {  	s10 =	sld [smem:$0x3FB4];
	_ =	sdelay $0x3  }
0x33: {  	p0 =	seq.s32 s10, $0x1;
	s10 =	sld [smem:$0x3FB6];
	_ =	sdelay $0x3  }
0x34: {  	[smem:$0x3FB6] =	sst s10  }
0x35: {  	s10 =	sld [smem:$0x3FB5];
	_ =	sdelay $0x3  }
0x36: {  	p1 =	seq.s32 s10, $0x1;
	s10 =	sld [smem:$0x3FB6];
	_ =	sdelay $0x3  }
0x37: {  	[smem:$0x3FB6] =	sst s10  }
0x38: {  	s10 =	sld [smem:$0x3FB7]  }
0x39: {  	_ = 	snop;
	(pc) =	sbr.ind lr, $3  }
0x3a: {  	_ = 	snop  }
0x3b: {  	_ = 	snop  }
0x3c: {  	p2 =	seq.s32 s10, $0x1;
	s10 =	sld [smem:$0x3FB6]  }
0x3d: {  	_ =	shalt  }
0x3e: {  	_ =	shalt  }
0x3f: {  	_ =	shalt  }
0x40: {  	_ =	shalt  }
0x41: {  	_ =	shalt  }
0x42: {  	_ =	shalt  }
0x43: {  	_ =	shalt  }
0x44: {  	_ =	shalt  }
0x45: {  	_ =	shalt  }
0x46: {  	_ =	shalt  }
0x47: {  	_ =	shalt  }
0x48: {  	_ =	shalt  }
0x49: {  	_ =	shalt  }
0x4a: {  	_ =	shalt  }
0x4b: {  	_ =	shalt  }
0x4c: {  	_ =	shalt  }
0x4d: {  	_ =	shalt  }
0x4e: {  	_ =	shalt  }
0x4f: {  	_ =	shalt  }
0x50: {  	_ =	shalt  }
0x51: {  	_ =	shalt  }
0x52: {  	_ =	shalt  }
0x53: {  	_ =	shalt  }
0x54: {  	_ =	shalt  }
0x55: {  	_ =	shalt  }
0x56: {  	_ =	shalt  }
0x57: {  	_ =	shalt  }
0x58: {  	_ =	shalt  }
0x59: {  	_ =	shalt  }
0x5a: {  	_ =	shalt  }
0x5b: {  	_ =	shalt  }
0x5c: {  	_ =	shalt  }
0x5d: {  	_ =	shalt  }
0x5e: {  	_ =	shalt  }
0x5f: {  	_ =	shalt  }
0x60: {  	_ =	shalt  }
0x61: {  	_ =	shalt  }
0x62: {  	_ =	shalt  }
0x63: {  	_ =	shalt  }
0x64: {  	_ =	shalt  }
0x65: {  	_ =	shalt  }
0x66: {  	_ =	shalt  }
0x67: {  	_ =	shalt  }
0x68: {  	_ =	shalt  }
0x69: {  	_ =	shalt  }
0x6a: {  	_ =	shalt  }
0x6b: {  	_ =	shalt  }
0x6c: {  	_ =	shalt  }
0x6d: {  	_ =	shalt  }
0x6e: {  	_ =	shalt  }
0x6f: {  	_ =	shalt  }
0x70: {  	_ =	shalt  }
0x71: {  	_ =	shalt  }
0x72: {  	_ =	shalt  }
0x73: {  	_ =	shalt  }
0x74: {  	_ =	shalt  }
0x75: {  	_ =	shalt  }
0x76: {  	_ =	shalt  }
0x77: {  	_ =	shalt  }
0x78: {  	_ =	shalt  }
0x79: {  	_ =	shalt  }
0x7a: {  	_ =	shalt  }
0x7b: {  	_ =	shalt  }
0x7c: {  	_ =	shalt  }
0x7d: {  	_ =	shalt  }
0x7e: {  	_ =	shalt  }
0x7f: {  	_ =	shalt  }
0x80: {  	_ =	shalt  }
0x81: {  	_ =	shalt  }
0x82: {  	_ =	shalt  }
0x83: {  	_ =	shalt  }
0x84: {  	_ =	shalt  }
0x85: {  	_ =	shalt  }
0x86: {  	_ =	shalt  }
0x87: {  	_ =	shalt  }
.Lfunc_end0:
.L_simem_size_0:
called_computation.1_lowered:
.L_overlay_start_0:
0x88: {  	s2 =	sld [smem:$0x3FD9]  }
0x89: {  	s3 =	sld [smem:$0x3FFE];
	_ =	sdelay $0x1  }
0x8a: {  	s1 =	srdreg.scid  }
0x8b: {  	s0 =	sand.u32 $0x1, s1  }
0x8c: {  	s16 =	sshll.u32 s0, $0xA;
	s2 =	sadd.s32 s3, s2  }
0x8d: {  	s2 =	sadd.s32 s2, s16  }
0x8e: {  	[smem:$0x3FC2] =	sst s2  }
0x8f: {  	_ = 	snop  }
0x90: {  	(tm) =	ssettm $0x1  }
0x91: {  	s17 =	sld [smem:$0x3FFB];
	_ =	sdelay $0x3  }
0x92: {  	_ =	strace s17  }
0x93: {  	s2 =	sld [smem:$0x3FFC];
	_ =	sdelay $0x3  }
0x94: {  	_ =	strace s2  }
0x95: {  	s2 =	sld [smem:$0x3FFD];
	_ =	sdelay $0x3  }
0x96: {  	_ =	strace s2  }
0x97: {  	_ =	strace $0x8FFFFFFF  }
0x98: {  	s18 =	sld [smem:$0x3FDB];
	_ =	sdelay $0x1  }
0x99: {  	s19 =	simm.s32 $_scs_section_size  }
0x9a: {  	s4 =	simm.s32 $_size__tile_overlayer_lowered;
	s5 =	simm.s32 $_tile_overlayer_lowered  }
0x9b: {  	s22 =	simm.s32 $0x1BFF;
	s21 =	sshll.u32 s5, $0x1;
	s2 =	sadd.s32 s19, s18  }
0x9c: {  	s6 =	simm.s32 $0x0;
	s20 =	sshll.u32 s4, $0x1;
	s4 =	sadd.s32 s21, s2  }
0x9d: {  	[timem:s6], [sflag:s22] =	dma.local [hbm:s4], s20  }
0x9e: {  	_ =	swait.ge [sflag:s22], s20  }
0x9f: {  	s3 =	ssub.s32 $0x0, s20;
	[sflag:s22] =	ssyncset.done $0x0  }
0xa0: {  	[sflag:s22] =	ssyncadd.s32 s3;
	_ =	sdelay $0x1  }
0xa1: {  	s23 =	simm.s32 $0x1B8B  }
0xa2: {  	_ =	swait.ge [sflag:s23], $0x1  }
0xa3: {  	[sflag:s23] =	ssyncset.done $0x0  }
0xa4: {  	s25 =	simm.s32 $0x1B8E;
	s24 =	sld [smem:$0x3FFE];
	[sflag:s23] =	ssyncadd.s32 $0xFFFFFFFF  }
0xa5: {  	s26 =	simm.s32 $execute0_lowered;
	[smem:$0x3FD2] =	sst s25  }
0xa6: {  	s4 =	sshll.u32 s26, $0x1;
	_ =	strace $0x80000049;
	[dreg:$0x1] =	wrdreg $0xFFFFFFFF  }
0xa7: {  	s28 =	simm.s32 $_size_execute0_lowered;
	s2 =	sadd.s32 s2, s4;
	[dreg:$0x0] =	wrdreg $0x0  }
0xa8: {  	s4 =	sshll.u32 s28, $0x1;
	[dreg:$0x2] =	wrdreg s2  }
0xa9: {  	[dreg:$0x3] =	wrdreg s4  }
0xaa: {  	[dreg:$0x4] =	wrdreg $0xC0  }
0xab: {  	_ =	task [dreg:s6], $0x5FFFF  }
0xac: {  	[dreg:$0x1] =	wrdreg $0xFFFFFFFF  }
0xad: {  	[dreg:$0x0] =	wrdreg $0x60  }
0xae: {  	[dreg:$0x2] =	wrdreg s24  }
0xaf: {  	[dreg:$0x3] =	wrdreg $0x150000  }
0xb0: {  	[dreg:$0x4] =	wrdreg $0x9  }
0xb1: {  	_ =	task.clear_ibuf [dreg:s6], $0x5FFFF;
	_ =	strace $0x90000049  }
0xb2: {  	s29 =	simm.s32 $0x9;
	_ =	strace $0x8000004B  }
0xb3: {  	_ =	swait.ge [sflag:s29], $0x1  }
0xb4: {  	[sflag:s29] =	ssyncadd.s32 $0xFFFFFFFF  }
0xb5: {  	_ =	strace $0x9000004B  }
0xb6: {  	_ =	sfence  }
0xb7: {  	s30 =	sld [smem:$0x0];
	_ =	sdelay $0x2  }
0xb8: {  	s31 =	sshll.u32 s1, $0xD;
	s1 =	sshrl.u32 s1, $0x2  }
0xb9: {  	s3 =	sand.u32 $0x4000, s31;
	s1 =	sadd.s32 s1, s30  }
0xba: {  	s0 =	sor.u32 s3, s0;
	s1 =	sshll.u32 s1, $0x11  }
0xbb: {  	s0 =	sor.u32 s1, s0  }
0xbc: {  	s0 =	sadd.s32 $0x8F2B, s0  }
0xbd: {  	[sflag:s0] =	ssyncadd.remote.s32 $0x1  }
0xbe: {  	_ =	sfence.sel $0xFFFF  }
0xbf: {  	[dreg:$0x0] =	wrdreg $0xFFFFFFFF;
	(pc) =	sbr.abs _section_cstart, $3  }
0xc0: {  	[dreg:$0x1] =	wrdreg $0xFFFFFFFF  }
0xc1: {  	_ =	task.clear_ibuf [dreg:s6], $0x2FFFF;
	_ =	strace $0x9FFFFFFF  }
0xc2: {  	(tm) =	ssettm $0x7FFFFFFF  }
0xc3: {  	_ =	shalt  }
tec
execute0_lowered:
.L_overlay_start_1:
0x0: {  	(tag) =	ssettag $0x1  }
0x1: {  	s0 =	rddreg [dreg:$0x0]  }
0x2: {  	s1 =	srdreg.scid;
	s8 =	stileid.u32  }
0x3: {  	s2 =	rddreg [dreg:$0x1];
	s3 =	simm.s32 $0x0;
	s18 =	simm.s32 $0x5  }
0x4: {  	s28 =	simm.s32 $0xD000;
	s29 =	simm.s32 $0x3;
	s30 =	simm.s32 $0xF000  }
0x5: {  	s31 =	simm.s32 $0x11000;
	s1 =	sand.u32 $0x1, s1;
	s11 =	smul.u32 $0x280, s8  }
0x6: {  	s4 =	sshll.u32 s8, $0x1;
	[smem:$0x7FF] =	sst s3;
	s8 =	smul.u32 $0x28000, s8  }
0x7: {  	s4 =	sor.u32 s1, s4;
	s6 =	ssub.s32 $0x2, s1;
	s1 =	smul.u32 $0x2800, s1  }
0x8: {  	_ =	strace $0x8000004A;
	s5 =	smul.u32 $0x500, s4;
	s4 =	sadd.s32 $0x2000, s0  }
0x9: {  	s7 =	sshrl.u32 s6, $0x1;
	s20 =	sshrl.u32 s8, $0x2;
	s12 =	sadd.s32 $0x80, s11  }
0xa: {  	s22 =	sadd.s32 $0x100, s11;
	s13 =	sadd.s32 $0x180, s11;
	s14 =	sadd.s32 $0x200, s11  }
0xb: {  	s6 =	ssub.s32 s6, s7;
	s7 =	sadd.s32 s20, s2;
	s21 =	sshll.u32 s12, $0x6  }
0xc: {  	s9 =	sshll.u32 s22, $0x6;
	s10 =	sshll.u32 s13, $0x6;
	s15 =	sshll.u32 s14, $0x6  }
0xd: {  	s16 =	sadd.s32 s11, s1;
	s12 =	sadd.s32 s1, s12;
	s24 =	sadd.s32 s1, s13  }
0xe: {  	s20 =	simm.s32 $0x80;
	s5 =	sadd.s32 s5, s0;
	s0 =	sadd.s32 $0x2AA00, s0  }
0xf: {  	s8 =	sadd.s32 s21, s2;
	s9 =	sadd.s32 s9, s2;
	s10 =	sadd.s32 s10, s2  }
0x10: {  	s11 =	sadd.s32 s15, s2;
	s23 =	sshll.u32 s16, $0x3;
	s12 =	sshll.u32 s12, $0x3  }
0x11: {  	s25 =	sshll.u32 s24, $0x3;
	s26 =	smax.u32 s6, $0x1;
	s21 =	simm.s32 $0x5000  }
0x12: {  	s24 =	simm.s32 $0x9000;
	s19 =	sadd.s32 $0x16A00, s5;
	[dreg:$0xa] =	wrdreg s26  }
0x13: {  	s5 =	sadd.s32 $0x20A00, s5;
	s15 =	sadd.s32 s0, s23;
	[dreg:$0x3] =	wrdreg s19  }
0x14: {  	s12 =	sadd.s32 s0, s12;
	s26 =	simm.s32 $0xB000;
	[dreg:$0x4] =	wrdreg s5  }
0x15: {  	s23 =	simm.s32 $0x4;
	[dreg:$0x5] =	wrdreg s15;
	s5 =	sadd.s32 s1, s22  }
0x16: {  	[dreg:$0x6] =	wrdreg s12;
	s1 =	sadd.s32 s1, s14;
	s5 =	sshll.u32 s5, $0x3  }
0x17: {  	s22 =	simm.s32 $0x7000;
	s19 =	simm.s32 $0x1;
	s5 =	sadd.s32 s0, s5  }
0x18: {  	s1 =	sshll.u32 s1, $0x3;
	[dreg:$0x7] =	wrdreg s5;
	s5 =	sadd.s32 s0, s25  }
0x19: {  	s0 =	sadd.s32 s0, s1;
	s1 =	simm.s32 $0x13000;
	[dreg:$0x8] =	wrdreg s5  }
0x1a: {  	v0 =	vimm.f32 $0.0e+00;
	s25 =	simm.s32 $0x0;
	[dreg:$0x9] =	wrdreg s0;
	s0 =	simm.s32 $0x2  }
.LBB2_1:
0x1b: {  	s5 =	rddreg [dreg:$0x3]  }
0x1c: {  	[tilespmem:s3], [sflag:$0x5] =	stream.linear.gather [hbm4b:s5+s3], $0x2800, $0x38;
	[tilespmem:$0x1F000] =	vst v63  }
0x1d: {  	_ =	swait.ge [sflag:s18], $0x2800  }
0x1e: {  	[sflag:s18] =	ssyncset.done $0x0  }
0x1f: {  	s6 =	simm.s32 $0x2800;
	s15 =	rddreg [dreg:$0x4];
	[sflag:s18] =	ssyncadd.s32 $0xFFFFD800  }
0x20: {  	[tilespmem:s6], [sflag:$0x5] =	stream.linear.gather [hbm4b:s15+s3], $0x2800, $0x38;
	[tilespmem:$0x1F000] =	vst v63  }
0x21: {  	_ =	swait.ge [sflag:s18], $0x2800  }
0x22: {  	[sflag:s18] =	ssyncset.done $0x0  }
0x23: {  	[sflag:s18] =	ssyncadd.s32 $0xFFFFD800  }
0x24: {  	[tilespmem:s21], [sflag:$0x1] =	stream.indirect.gather [hbm4b:s4+s20], $0x40, s3, s20, $0xb8;
	[tilespmem:$0x1F000] =	vst v63  }
0x25: {  	_ = 	snop  }
0x26: {  	[tilespmem:s22], [sflag:$0x1] =	stream.indirect.gather [hbm4b:s4+s20], $0x40, s20, s20, $0xb8;
	[tilespmem:$0x1F000] =	vst v63  }
0x27: {  	s16 =	simm.s32 $0x100  }
0x28: {  	[tilespmem:s24], [sflag:$0x1] =	stream.indirect.gather [hbm4b:s4+s20], $0x40, s16, s20, $0xb8;
	[tilespmem:$0x1F000] =	vst v63  }
0x29: {  	s17 =	simm.s32 $0x180;
	s5 =	simm.s32 $0x0;
	s6 =	simm.s32 $0x100  }
0x2a: {  	[tilespmem:s26], [sflag:$0x1] =	stream.indirect.gather [hbm4b:s4+s20], $0x40, s17, s20, $0xb8;
	[tilespmem:$0x1F000] =	vst v63  }
.LBB2_2:
0x2b: {  	p0 =	sne.s32 s6, $0x7F00;
	[tilespmem:s5+$0xD030] =	vst v0;
	s12 =	smov.u32 s6;
	s6 =	sadd.s32 $0x100, s6  }
.Ltmp0:
0x2c: {  	[tilespmem:s5+$0xD020] =	vst v0;
	(pc) =	sbr.rel @p0 .LBB2_2-.Ltmp0, $3  }
0x2d: {  	[tilespmem:s5+$0xD000] =	vst v0  }
0x2e: {  	[tilespmem:s5+$0xD010] =	vst v0;
	_ =	sdelay $0x1  }
0x2f: {  	s5 =	sshra.s32 s12, $0x2  }
0x30: {  	[tilespmem:s5+$0xD030] =	vst v0  }
0x31: {  	[tilespmem:s5+$0xD020] =	vst v0  }
0x32: {  	[tilespmem:s5+$0xD000] =	vst v0  }
0x33: {  	[tilespmem:s5+$0xD010] =	vst v0  }
0x34: {  	[spmem:s7] =	stream.linear.scatter [tilespmem:s28], [sflag:$0x3], $0x2000, $0x38;
	[tilespmem:$0x1F000] =	vst v63  }
0x35: {  	_ = 	snop  }
0x36: {  	[spmem:s8] =	stream.linear.scatter [tilespmem:s28], [sflag:$0x3], $0x2000, $0x38;
	[tilespmem:$0x1F000] =	vst v63  }
0x37: {  	_ = 	snop  }
0x38: {  	[spmem:s9] =	stream.linear.scatter [tilespmem:s28], [sflag:$0x3], $0x2000, $0x38;
	[tilespmem:$0x1F000] =	vst v63  }
0x39: {  	_ = 	snop  }
0x3a: {  	[spmem:s10] =	stream.linear.scatter [tilespmem:s28], [sflag:$0x3], $0x2000, $0x38;
	[tilespmem:$0x1F000] =	vst v63  }
0x3b: {  	_ = 	snop  }
0x3c: {  	[spmem:s11] =	stream.linear.scatter [tilespmem:s28], [sflag:$0x3], $0x2000, $0x38;
	[tilespmem:$0x1F000] =	vst v63  }
0x3d: {  	_ =	swait.ge [sflag:s29], $0x2000  }
0x3e: {  	[sflag:s29] =	ssyncset.done $0x0  }
0x3f: {  	[sflag:s29] =	ssyncadd.s32 $0xFFFFE000  }
0x40: {  	_ =	swait.ge [sflag:s29], $0x2000  }
0x41: {  	[sflag:s29] =	ssyncset.done $0x0  }
0x42: {  	[sflag:s29] =	ssyncadd.s32 $0xFFFFE000  }
0x43: {  	_ =	swait.ge [sflag:s29], $0x2000  }
0x44: {  	[sflag:s29] =	ssyncset.done $0x0  }
0x45: {  	[sflag:s29] =	ssyncadd.s32 $0xFFFFE000  }
0x46: {  	_ =	swait.ge [sflag:s29], $0x2000  }
0x47: {  	[sflag:s29] =	ssyncset.done $0x0  }
0x48: {  	[sflag:s29] =	ssyncadd.s32 $0xFFFFE000  }
0x49: {  	_ =	swait.ge [sflag:s29], $0x2000  }
0x4a: {  	[sflag:s29] =	ssyncset.done $0x0  }
0x4b: {  	[sflag:s29] =	ssyncadd.s32 $0xFFFFE000  }
0x4c: {  	s13 =	simm.s32 $0x200;
	[bflag:$0x0] =	sbarrier.arrive $0xFFFF  }
0x4d: {  	[tilespmem:s28], [sflag:$0x2] =	stream.indirect.gather [hbm4b:s4+s20], $0x40, s13, s20, $0xb8;
	[tilespmem:$0x1F000] =	vst v63  }
0x4e: {  	s14 =	simm.s32 $0x280  }
0x4f: {  	[tilespmem:s30], [sflag:$0x2] =	stream.indirect.gather [hbm4b:s4+s20], $0x40, s14, s20, $0xb8;
	[tilespmem:$0x1F000] =	vst v63  }
0x50: {  	s15 =	simm.s32 $0x300  }
0x51: {  	[tilespmem:s31], [sflag:$0x2] =	stream.indirect.gather [hbm4b:s4+s20], $0x40, s15, s20, $0xb8;
	[tilespmem:$0x1F000] =	vst v63  }
0x52: {  	s16 =	simm.s32 $0x380  }
0x53: {  	[tilespmem:s1], [sflag:$0x2] =	stream.indirect.gather [hbm4b:s4+s20], $0x40, s16, s20, $0xb8;
	[tilespmem:$0x1F000] =	vst v63  }
0x54: {  	_ =	swait.ge [sflag:s19], $0x2000  }
0x55: {  	[sflag:s19] =	ssyncset.done $0x0  }
0x56: {  	s17 =	simm.s32 $0x2800;
	[sflag:s19] =	ssyncadd.s32 $0xFFFFE000  }
0x57: {  	[spmem:s2] =	stream.indirect.scatter.add.f32 [tilespmem:s21], [sflag:$0x3], $0x40, s17, s20, $0xb8;
	[tilespmem:$0x1F000] =	vst v63  }
0x58: {  	_ =	swait.ge [sflag:s19], $0x2000  }
0x59: {  	[sflag:s19] =	ssyncset.done $0x0  }
0x5a: {  	s6 =	simm.s32 $0x2880;
	[sflag:s19] =	ssyncadd.s32 $0xFFFFE000  }
0x5b: {  	[spmem:s2] =	stream.indirect.scatter.add.f32 [tilespmem:s22], [sflag:$0x3], $0x40, s6, s20, $0xb8;
	[tilespmem:$0x1F000] =	vst v63  }
0x5c: {  	_ =	swait.ge [sflag:s19], $0x2000  }
0x5d: {  	[sflag:s19] =	ssyncset.done $0x0  }
0x5e: {  	s12 =	simm.s32 $0x2900;
	[sflag:s19] =	ssyncadd.s32 $0xFFFFE000  }
0x5f: {  	[spmem:s2] =	stream.indirect.scatter.add.f32 [tilespmem:s24], [sflag:$0x3], $0x40, s12, s20, $0xb8;
	[tilespmem:$0x1F000] =	vst v63  }
0x60: {  	_ =	swait.ge [sflag:s19], $0x2000  }
0x61: {  	[sflag:s19] =	ssyncset.done $0x0  }
0x62: {  	s13 =	simm.s32 $0x2980;
	[sflag:s19] =	ssyncadd.s32 $0xFFFFE000  }
0x63: {  	[spmem:s2] =	stream.indirect.scatter.add.f32 [tilespmem:s26], [sflag:$0x3], $0x40, s13, s20, $0xb8;
	[tilespmem:$0x1F000] =	vst v63  }
0x64: {  	_ =	swait.ge [sflag:s29], $0x2000  }
0x65: {  	[sflag:s29] =	ssyncset.done $0x0  }
0x66: {  	[sflag:s29] =	ssyncadd.s32 $0xFFFFE000  }
0x67: {  	_ =	swait.ge [sflag:s29], $0x2000  }
0x68: {  	[sflag:s29] =	ssyncset.done $0x0  }
0x69: {  	[sflag:s29] =	ssyncadd.s32 $0xFFFFE000  }
0x6a: {  	_ =	swait.ge [sflag:s29], $0x2000  }
0x6b: {  	[sflag:s29] =	ssyncset.done $0x0  }
0x6c: {  	[sflag:s29] =	ssyncadd.s32 $0xFFFFE000  }
0x6d: {  	p0 =	por $0x0, $0x0;
	_ =	swait.ge [sflag:s29], $0x2000  }
0x6e: {  	s5 =	simm.s32 @!p0 $0x5000;
	[sflag:s29] =	ssyncset.done $0x0  }
0x6f: {  	s6 =	simm.s32 @!p0 $0x400;
	s12 =	simm.s32 @!p0 $0x80;
	[sflag:s29] =	ssyncadd.s32 $0xFFFFE000  }
0x70: {  	[tilespmem:s5], [sflag:$0x1] =	stream.indirect.gather @!p0 [hbm4b:s4+s12], $0x40, s6, s12, $0xb8;
	[tilespmem:$0x1F000] =	vst v63  }
0x71: {  	s5 =	simm.s32 @!p0 $0x480;
	s6 =	simm.s32 @!p0 $0x7000  }
0x72: {  	[tilespmem:s6], [sflag:$0x1] =	stream.indirect.gather @!p0 [hbm4b:s4+s12], $0x40, s5, s12, $0xb8;
	[tilespmem:$0x1F000] =	vst v63  }
0x73: {  	s5 =	simm.s32 @!p0 $0x500;
	s6 =	simm.s32 @!p0 $0x9000  }
0x74: {  	[tilespmem:s6], [sflag:$0x1] =	stream.indirect.gather @!p0 [hbm4b:s4+s12], $0x40, s5, s12, $0xb8;
	[tilespmem:$0x1F000] =	vst v63  }
0x75: {  	s5 =	simm.s32 @!p0 $0x580;
	s6 =	simm.s32 @!p0 $0xB000  }
0x76: {  	[tilespmem:s6], [sflag:$0x1] =	stream.indirect.gather @!p0 [hbm4b:s4+s12], $0x40, s5, s12, $0xb8;
	[tilespmem:$0x1F000] =	vst v63  }
0x77: {  	_ =	swait.ge [sflag:s0], $0x2000  }
0x78: {  	[sflag:s0] =	ssyncset.done $0x0  }
0x79: {  	s14 =	simm.s32 $0x2A00;
	[sflag:s0] =	ssyncadd.s32 $0xFFFFE000  }
0x7a: {  	[spmem:s2] =	stream.indirect.scatter.add.f32 [tilespmem:s28], [sflag:$0x4], $0x40, s14, s20, $0xb8;
	[tilespmem:$0x1F000] =	vst v63  }
0x7b: {  	_ =	swait.ge [sflag:s0], $0x2000  }
0x7c: {  	[sflag:s0] =	ssyncset.done $0x0  }
0x7d: {  	s15 =	simm.s32 $0x2A80;
	[sflag:s0] =	ssyncadd.s32 $0xFFFFE000  }
0x7e: {  	[spmem:s2] =	stream.indirect.scatter.add.f32 [tilespmem:s30], [sflag:$0x4], $0x40, s15, s20, $0xb8;
	[tilespmem:$0x1F000] =	vst v63  }
0x7f: {  	_ =	swait.ge [sflag:s0], $0x2000  }
0x80: {  	[sflag:s0] =	ssyncset.done $0x0  }
0x81: {  	s16 =	simm.s32 $0x2B00;
	[sflag:s0] =	ssyncadd.s32 $0xFFFFE000  }
0x82: {  	[spmem:s2] =	stream.indirect.scatter.add.f32 [tilespmem:s31], [sflag:$0x4], $0x40, s16, s20, $0xb8;
	[tilespmem:$0x1F000] =	vst v63  }
0x83: {  	_ =	swait.ge [sflag:s0], $0x2000  }
0x84: {  	[sflag:s0] =	ssyncset.done $0x0  }
0x85: {  	s17 =	simm.s32 $0x2B80;
	[sflag:s0] =	ssyncadd.s32 $0xFFFFE000  }
0x86: {  	[spmem:s2] =	stream.indirect.scatter.add.f32 [tilespmem:s1], [sflag:$0x4], $0x40, s17, s20, $0xb8;
	[tilespmem:$0x1F000] =	vst v63  }
0x87: {  	_ =	swait.ge [sflag:s23], $0x2000  }
0x88: {  	[sflag:s23] =	ssyncset.done $0x0  }
0x89: {  	[sflag:s23] =	ssyncadd.s32 $0xFFFFE000  }
0x8a: {  	_ =	swait.ge [sflag:s23], $0x2000  }
0x8b: {  	[sflag:s23] =	ssyncset.done $0x0  }
0x8c: {  	[sflag:s23] =	ssyncadd.s32 $0xFFFFE000  }
0x8d: {  	_ =	swait.ge [sflag:s23], $0x2000  }
0x8e: {  	[sflag:s23] =	ssyncset.done $0x0  }
0x8f: {  	[sflag:s23] =	ssyncadd.s32 $0xFFFFE000  }
0x90: {  	s6 =	simm.s32 $0x1000;
	_ =	swait.ge [sflag:s23], $0x2000  }
0x91: {  	s12 =	simm.s32 $0x2000;
	s5 =	simm.s32 $0x400;
	[sflag:s23] =	ssyncset.done $0x0  }
.LBB2_4:
0x92: {  	s14 =	sadd.s32 $0x200, s5  }
0x93: {  	[sflag:s23] =	ssyncadd.s32 $0xFFFFE000;
	s13 =	smov.u32 s12;
	s12 =	sadd.s32 $0x1000, s12  }
0x94: {  	[tilespmem:s28], [sflag:$0x2] =	stream.indirect.gather [hbm4b:s4+s20], $0x40, s14, s20, $0xb8;
	[tilespmem:$0x1F000] =	vst v63  }
0x95: {  	p0 =	sne.s32 s12, $0xA000;
	s14 =	sadd.s32 $0x280, s5  }
0x96: {  	[tilespmem:s30], [sflag:$0x2] =	stream.indirect.gather [hbm4b:s4+s20], $0x40, s14, s20, $0xb8;
	[tilespmem:$0x1F000] =	vst v63  }
0x97: {  	s14 =	sadd.s32 $0x300, s5  }
0x98: {  	[tilespmem:s31], [sflag:$0x2] =	stream.indirect.gather [hbm4b:s4+s20], $0x40, s14, s20, $0xb8;
	[tilespmem:$0x1F000] =	vst v63  }
0x99: {  	s14 =	sadd.s32 $0x380, s5  }
0x9a: {  	[tilespmem:s1], [sflag:$0x2] =	stream.indirect.gather [hbm4b:s4+s20], $0x40, s14, s20, $0xb8;
	[tilespmem:$0x1F000] =	vst v63  }
0x9b: {  	_ =	swait.ge [sflag:s19], $0x2000  }
0x9c: {  	[sflag:s19] =	ssyncset.done $0x0  }
0x9d: {  	s14 =	sadd.s32 $0x2800, s5;
	[sflag:s19] =	ssyncadd.s32 $0xFFFFE000  }
0x9e: {  	[spmem:s2] =	stream.indirect.scatter.add.f32 [tilespmem:s21], [sflag:$0x3], $0x40, s14, s20, $0xb8;
	[tilespmem:$0x1F000] =	vst v63  }
0x9f: {  	_ =	swait.ge [sflag:s19], $0x2000  }
0xa0: {  	[sflag:s19] =	ssyncset.done $0x0  }
0xa1: {  	s14 =	sadd.s32 $0x2880, s5;
	[sflag:s19] =	ssyncadd.s32 $0xFFFFE000  }
0xa2: {  	[spmem:s2] =	stream.indirect.scatter.add.f32 [tilespmem:s22], [sflag:$0x3], $0x40, s14, s20, $0xb8;
	[tilespmem:$0x1F000] =	vst v63  }
0xa3: {  	_ =	swait.ge [sflag:s19], $0x2000  }
0xa4: {  	[sflag:s19] =	ssyncset.done $0x0  }
0xa5: {  	s14 =	sadd.s32 $0x2900, s5;
	[sflag:s19] =	ssyncadd.s32 $0xFFFFE000  }
0xa6: {  	[spmem:s2] =	stream.indirect.scatter.add.f32 [tilespmem:s24], [sflag:$0x3], $0x40, s14, s20, $0xb8;
	[tilespmem:$0x1F000] =	vst v63  }
0xa7: {  	_ =	swait.ge [sflag:s19], $0x2000  }
0xa8: {  	[sflag:s19] =	ssyncset.done $0x0  }
0xa9: {  	s14 =	sadd.s32 $0x2980, s5;
	[sflag:s19] =	ssyncadd.s32 $0xFFFFE000  }
0xaa: {  	[spmem:s2] =	stream.indirect.scatter.add.f32 [tilespmem:s26], [sflag:$0x3], $0x40, s14, s20, $0xb8;
	[tilespmem:$0x1F000] =	vst v63  }
0xab: {  	_ =	swait.ge [sflag:s29], $0x2000  }
0xac: {  	[sflag:s29] =	ssyncset.done $0x0  }
0xad: {  	[sflag:s29] =	ssyncadd.s32 $0xFFFFE000  }
0xae: {  	_ =	swait.ge [sflag:s29], $0x2000  }
0xaf: {  	[sflag:s29] =	ssyncset.done $0x0  }
0xb0: {  	[sflag:s29] =	ssyncadd.s32 $0xFFFFE000  }
0xb1: {  	_ =	swait.ge [sflag:s29], $0x2000  }
0xb2: {  	[sflag:s29] =	ssyncset.done $0x0  }
0xb3: {  	[sflag:s29] =	ssyncadd.s32 $0xFFFFE000  }
0xb4: {  	p1 =	seq.s32 s6, $0x9000;
	_ =	swait.ge [sflag:s29], $0x2000  }
0xb5: {  	s6 =	sshra.s32 @!p1 s6, $0x2;
	s14 =	simm.s32 @!p1 $0x5000;
	[sflag:s29] =	ssyncset.done $0x0  }
0xb6: {  	s16 =	simm.s32 @!p1 $0x80;
	s15 =	sadd.s32 @!p1 $0x400, s6;
	[sflag:s29] =	ssyncadd.s32 $0xFFFFE000  }
0xb7: {  	[tilespmem:s14], [sflag:$0x1] =	stream.indirect.gather @!p1 [hbm4b:s4+s16], $0x40, s15, s16, $0xb8;
	[tilespmem:$0x1F000] =	vst v63  }
0xb8: {  	s17 =	sadd.s32 @!p1 $0x500, s6;
	s14 =	sadd.s32 @!p1 $0x480, s6;
	s15 =	simm.s32 @!p1 $0x7000  }
0xb9: {  	[tilespmem:s15], [sflag:$0x1] =	stream.indirect.gather @!p1 [hbm4b:s4+s16], $0x40, s14, s16, $0xb8;
	[tilespmem:$0x1F000] =	vst v63  }
0xba: {  	s14 =	simm.s32 @!p1 $0x9000;
	s15 =	sadd.s32 @!p1 $0x580, s6;
	s6 =	smov.u32 s13  }
0xbb: {  	[tilespmem:s14], [sflag:$0x1] =	stream.indirect.gather @!p1 [hbm4b:s4+s16], $0x40, s17, s16, $0xb8;
	[tilespmem:$0x1F000] =	vst v63  }
0xbc: {  	s13 =	simm.s32 @!p1 $0xB000  }
0xbd: {  	[tilespmem:s13], [sflag:$0x1] =	stream.indirect.gather @!p1 [hbm4b:s4+s16], $0x40, s15, s16, $0xb8;
	[tilespmem:$0x1F000] =	vst v63  }
0xbe: {  	_ =	swait.ge [sflag:s0], $0x2000  }
0xbf: {  	[sflag:s0] =	ssyncset.done $0x0  }
0xc0: {  	s13 =	sadd.s32 $0x2A00, s5;
	[sflag:s0] =	ssyncadd.s32 $0xFFFFE000  }
0xc1: {  	[spmem:s2] =	stream.indirect.scatter.add.f32 [tilespmem:s28], [sflag:$0x4], $0x40, s13, s20, $0xb8;
	[tilespmem:$0x1F000] =	vst v63  }
0xc2: {  	_ =	swait.ge [sflag:s0], $0x2000  }
0xc3: {  	[sflag:s0] =	ssyncset.done $0x0  }
0xc4: {  	s13 =	sadd.s32 $0x2A80, s5;
	[sflag:s0] =	ssyncadd.s32 $0xFFFFE000  }
0xc5: {  	[spmem:s2] =	stream.indirect.scatter.add.f32 [tilespmem:s30], [sflag:$0x4], $0x40, s13, s20, $0xb8;
	[tilespmem:$0x1F000] =	vst v63  }
0xc6: {  	_ =	swait.ge [sflag:s0], $0x2000  }
0xc7: {  	[sflag:s0] =	ssyncset.done $0x0  }
0xc8: {  	s13 =	sadd.s32 $0x2B00, s5;
	[sflag:s0] =	ssyncadd.s32 $0xFFFFE000  }
0xc9: {  	[spmem:s2] =	stream.indirect.scatter.add.f32 [tilespmem:s31], [sflag:$0x4], $0x40, s13, s20, $0xb8;
	[tilespmem:$0x1F000] =	vst v63  }
0xca: {  	_ =	swait.ge [sflag:s0], $0x2000  }
0xcb: {  	[sflag:s0] =	ssyncset.done $0x0  }
0xcc: {  	s5 =	sadd.s32 $0x2B80, s5;
	[sflag:s0] =	ssyncadd.s32 $0xFFFFE000  }
0xcd: {  	[spmem:s2] =	stream.indirect.scatter.add.f32 [tilespmem:s1], [sflag:$0x4], $0x40, s5, s20, $0xb8;
	[tilespmem:$0x1F000] =	vst v63  }
0xce: {  	_ =	swait.ge [sflag:s23], $0x2000  }
0xcf: {  	[sflag:s23] =	ssyncset.done $0x0  }
0xd0: {  	[sflag:s23] =	ssyncadd.s32 $0xFFFFE000  }
0xd1: {  	_ =	swait.ge [sflag:s23], $0x2000  }
0xd2: {  	[sflag:s23] =	ssyncset.done $0x0  }
0xd3: {  	[sflag:s23] =	ssyncadd.s32 $0xFFFFE000  }
.Ltmp1:
0xd4: {  	_ =	swait.ge [sflag:s23], $0x2000;
	(pc) =	sbr.rel @p0 .LBB2_4-.Ltmp1, $4  }
0xd5: {  	[sflag:s23] =	ssyncset.done $0x0  }
0xd6: {  	[sflag:s23] =	ssyncadd.s32 $0xFFFFE000  }
0xd7: {  	_ =	swait.ge [sflag:s23], $0x2000  }
0xd8: {  	s5 =	sshra.s32 s6, $0x2;
	[sflag:s23] =	ssyncset.done $0x0  }
0xd9: {  	s12 =	sadd.s32 $0x200, s5;
	[sflag:s23] =	ssyncadd.s32 $0xFFFFE000  }
0xda: {  	[tilespmem:s28], [sflag:$0x2] =	stream.indirect.gather [hbm4b:s4+s20], $0x40, s12, s20, $0xb8;
	[tilespmem:$0x1F000] =	vst v63  }
0xdb: {  	s17 =	sadd.s32 $0x280, s5  }
0xdc: {  	[tilespmem:s30], [sflag:$0x2] =	stream.indirect.gather [hbm4b:s4+s20], $0x40, s17, s20, $0xb8;
	[tilespmem:$0x1F000] =	vst v63  }
0xdd: {  	s13 =	sadd.s32 $0x300, s5  }
0xde: {  	[tilespmem:s31], [sflag:$0x2] =	stream.indirect.gather [hbm4b:s4+s20], $0x40, s13, s20, $0xb8;
	[tilespmem:$0x1F000] =	vst v63  }
0xdf: {  	s14 =	sadd.s32 $0x380, s5  }
0xe0: {  	[tilespmem:s1], [sflag:$0x2] =	stream.indirect.gather [hbm4b:s4+s20], $0x40, s14, s20, $0xb8;
	[tilespmem:$0x1F000] =	vst v63  }
0xe1: {  	_ =	swait.ge [sflag:s19], $0x2000  }
0xe2: {  	[sflag:s19] =	ssyncset.done $0x0  }
0xe3: {  	s15 =	sadd.s32 $0x2800, s5;
	[sflag:s19] =	ssyncadd.s32 $0xFFFFE000  }
0xe4: {  	[spmem:s2] =	stream.indirect.scatter.add.f32 [tilespmem:s21], [sflag:$0x3], $0x40, s15, s20, $0xb8;
	[tilespmem:$0x1F000] =	vst v63  }
0xe5: {  	_ =	swait.ge [sflag:s19], $0x2000  }
0xe6: {  	[sflag:s19] =	ssyncset.done $0x0  }
0xe7: {  	s16 =	sadd.s32 $0x2880, s5;
	[sflag:s19] =	ssyncadd.s32 $0xFFFFE000  }
0xe8: {  	[spmem:s2] =	stream.indirect.scatter.add.f32 [tilespmem:s22], [sflag:$0x3], $0x40, s16, s20, $0xb8;
	[tilespmem:$0x1F000] =	vst v63  }
0xe9: {  	_ =	swait.ge [sflag:s19], $0x2000  }
0xea: {  	[sflag:s19] =	ssyncset.done $0x0  }
0xeb: {  	s17 =	sadd.s32 $0x2900, s5;
	[sflag:s19] =	ssyncadd.s32 $0xFFFFE000  }
0xec: {  	[spmem:s2] =	stream.indirect.scatter.add.f32 [tilespmem:s24], [sflag:$0x3], $0x40, s17, s20, $0xb8;
	[tilespmem:$0x1F000] =	vst v63  }
0xed: {  	_ =	swait.ge [sflag:s19], $0x2000  }
0xee: {  	[sflag:s19] =	ssyncset.done $0x0  }
0xef: {  	s13 =	sadd.s32 $0x2980, s5;
	[sflag:s19] =	ssyncadd.s32 $0xFFFFE000  }
0xf0: {  	[spmem:s2] =	stream.indirect.scatter.add.f32 [tilespmem:s26], [sflag:$0x3], $0x40, s13, s20, $0xb8;
	[tilespmem:$0x1F000] =	vst v63  }
0xf1: {  	_ =	swait.ge [sflag:s29], $0x2000  }
0xf2: {  	[sflag:s29] =	ssyncset.done $0x0  }
0xf3: {  	[sflag:s29] =	ssyncadd.s32 $0xFFFFE000  }
0xf4: {  	_ =	swait.ge [sflag:s29], $0x2000  }
0xf5: {  	[sflag:s29] =	ssyncset.done $0x0  }
0xf6: {  	[sflag:s29] =	ssyncadd.s32 $0xFFFFE000  }
0xf7: {  	_ =	swait.ge [sflag:s29], $0x2000  }
0xf8: {  	[sflag:s29] =	ssyncset.done $0x0  }
0xf9: {  	[sflag:s29] =	ssyncadd.s32 $0xFFFFE000  }
0xfa: {  	p0 =	seq.s32 s6, $0x9000;
	_ =	swait.ge [sflag:s29], $0x2000  }
0xfb: {  	s6 =	sshra.s32 @!p0 s6, $0x2;
	s12 =	simm.s32 @!p0 $0x5000;
	[sflag:s29] =	ssyncset.done $0x0  }
0xfc: {  	s14 =	simm.s32 @!p0 $0x80;
	s13 =	sadd.s32 @!p0 $0x400, s6;
	[sflag:s29] =	ssyncadd.s32 $0xFFFFE000  }
0xfd: {  	[tilespmem:s12], [sflag:$0x1] =	stream.indirect.gather @!p0 [hbm4b:s4+s14], $0x40, s13, s14, $0xb8;
	[tilespmem:$0x1F000] =	vst v63  }
0xfe: {  	s12 =	sadd.s32 @!p0 $0x480, s6;
	s13 =	simm.s32 @!p0 $0x7000  }
0xff: {  	[tilespmem:s13], [sflag:$0x1] =	stream.indirect.gather @!p0 [hbm4b:s4+s14], $0x40, s12, s14, $0xb8;
	[tilespmem:$0x1F000] =	vst v63  }
0x100: {  	s12 =	sadd.s32 @!p0 $0x500, s6;
	s13 =	simm.s32 @!p0 $0x9000  }
0x101: {  	[tilespmem:s13], [sflag:$0x1] =	stream.indirect.gather @!p0 [hbm4b:s4+s14], $0x40, s12, s14, $0xb8;
	[tilespmem:$0x1F000] =	vst v63  }
0x102: {  	s6 =	sadd.s32 @!p0 $0x580, s6;
	s12 =	simm.s32 @!p0 $0xB000  }
0x103: {  	[tilespmem:s12], [sflag:$0x1] =	stream.indirect.gather @!p0 [hbm4b:s4+s14], $0x40, s6, s14, $0xb8;
	[tilespmem:$0x1F000] =	vst v63  }
0x104: {  	_ =	swait.ge [sflag:s0], $0x2000  }
0x105: {  	[sflag:s0] =	ssyncset.done $0x0  }
0x106: {  	s14 =	sadd.s32 $0x2A00, s5;
	[sflag:s0] =	ssyncadd.s32 $0xFFFFE000  }
0x107: {  	[spmem:s2] =	stream.indirect.scatter.add.f32 [tilespmem:s28], [sflag:$0x4], $0x40, s14, s20, $0xb8;
	[tilespmem:$0x1F000] =	vst v63  }
0x108: {  	_ =	swait.ge [sflag:s0], $0x2000  }
0x109: {  	[sflag:s0] =	ssyncset.done $0x0  }
0x10a: {  	s15 =	sadd.s32 $0x2A80, s5;
	[sflag:s0] =	ssyncadd.s32 $0xFFFFE000  }
0x10b: {  	[spmem:s2] =	stream.indirect.scatter.add.f32 [tilespmem:s30], [sflag:$0x4], $0x40, s15, s20, $0xb8;
	[tilespmem:$0x1F000] =	vst v63  }
0x10c: {  	_ =	swait.ge [sflag:s0], $0x2000  }
0x10d: {  	[sflag:s0] =	ssyncset.done $0x0  }
0x10e: {  	s16 =	sadd.s32 $0x2B00, s5;
	[sflag:s0] =	ssyncadd.s32 $0xFFFFE000  }
0x10f: {  	[spmem:s2] =	stream.indirect.scatter.add.f32 [tilespmem:s31], [sflag:$0x4], $0x40, s16, s20, $0xb8;
	[tilespmem:$0x1F000] =	vst v63  }
0x110: {  	_ =	swait.ge [sflag:s0], $0x2000  }
0x111: {  	[sflag:s0] =	ssyncset.done $0x0  }
0x112: {  	s17 =	sadd.s32 $0x2B80, s5;
	[sflag:s0] =	ssyncadd.s32 $0xFFFFE000  }
0x113: {  	[spmem:s2] =	stream.indirect.scatter.add.f32 [tilespmem:s1], [sflag:$0x4], $0x40, s17, s20, $0xb8;
	[tilespmem:$0x1F000] =	vst v63  }
0x114: {  	_ =	swait.ge [sflag:s23], $0x2000  }
0x115: {  	[sflag:s23] =	ssyncset.done $0x0  }
0x116: {  	[sflag:s23] =	ssyncadd.s32 $0xFFFFE000  }
0x117: {  	_ =	swait.ge [sflag:s23], $0x2000  }
0x118: {  	[sflag:s23] =	ssyncset.done $0x0  }
0x119: {  	[sflag:s23] =	ssyncadd.s32 $0xFFFFE000  }
0x11a: {  	_ =	swait.ge [sflag:s23], $0x2000  }
0x11b: {  	[sflag:s23] =	ssyncset.done $0x0  }
0x11c: {  	[sflag:s23] =	ssyncadd.s32 $0xFFFFE000  }
0x11d: {  	_ =	swait.ge [sflag:s23], $0x2000  }
0x11e: {  	[sflag:s23] =	ssyncset.done $0x0  }
0x11f: {  	s6 =	stileid.u32;
	[sflag:s23] =	ssyncadd.s32 $0xFFFFE000  }
0x120: {  	s5 =	sshll.u32 s6, $0x6;
	[bflag:$0x0] =	sbarrier.arrive $0xFFFF  }
0x121: {  	s12 =	sshrl.u32 s7, $0x3;
	s5 =	sor.u32 $0x1C05, s5;
	s13 =	rddreg [dreg:$0x5]  }
0x122: {  	[hbm:s13], [sflag:s5] =	dma.local [spmem:s12], $0x400  }
0x123: {  	_ =	swait.ge [sflag:s18], $0x400  }
0x124: {  	[sflag:s18] =	ssyncset.done $0x0  }
0x125: {  	s14 =	sshrl.u32 s8, $0x3;
	s15 =	rddreg [dreg:$0x6];
	[sflag:s18] =	ssyncadd.s32 $0xFFFFFC00  }
0x126: {  	[hbm:s15], [sflag:s5] =	dma.local [spmem:s14], $0x400  }
0x127: {  	_ =	swait.ge [sflag:s18], $0x400  }
0x128: {  	[sflag:s18] =	ssyncset.done $0x0  }
0x129: {  	s16 =	sshrl.u32 s9, $0x3;
	s17 =	rddreg [dreg:$0x7];
	[sflag:s18] =	ssyncadd.s32 $0xFFFFFC00  }
0x12a: {  	[hbm:s17], [sflag:s5] =	dma.local [spmem:s16], $0x400  }
0x12b: {  	_ =	swait.ge [sflag:s18], $0x400  }
0x12c: {  	[sflag:s18] =	ssyncset.done $0x0  }
0x12d: {  	s13 =	sshrl.u32 s10, $0x3;
	s14 =	rddreg [dreg:$0x8];
	[sflag:s18] =	ssyncadd.s32 $0xFFFFFC00  }
0x12e: {  	[hbm:s14], [sflag:s5] =	dma.local [spmem:s13], $0x400  }
0x12f: {  	_ =	swait.ge [sflag:s18], $0x400  }
0x130: {  	[sflag:s18] =	ssyncset.done $0x0  }
0x131: {  	s15 =	sshrl.u32 s11, $0x3;
	s16 =	rddreg [dreg:$0x9];
	[sflag:s18] =	ssyncadd.s32 $0xFFFFFC00  }
0x132: {  	[hbm:s16], [sflag:s5] =	dma.local [spmem:s15], $0x400  }
0x133: {  	_ =	swait.ge [sflag:s18], $0x400  }
0x134: {  	s25 =	sadd.s32 $0x1, s25;
	s17 =	rddreg [dreg:$0xa]  }
0x135: {  	p0 =	sne.s32 s25, s17  }
.Ltmp2:
0x136: {  	_ = 	snop;
	(pc) =	sbr.rel @p0 .LBB2_1-.Ltmp2, $3  }
0x137: {  	_ =	sdelay $0x1  }
0x138: {  	[sflag:s18] =	ssyncset.done $0x0  }
0x139: {  	[sflag:s18] =	ssyncadd.s32 $0xFFFFFC00  }
0x13a: {  	_ =	sfence.sel $0x180000  }
0x13b: {  	[bflag:$0x0] =	sbarrier.arrive $0xFFFF  }
0x13c: {  	_ =	strace $0x9000004A  }
0x13d: {  	s0 =	stileid.u32;
	[bflag:$0x2] =	sbarrier.arrive $0xFFFF  }
0x13e: {  	p0 =	sne.s32 s0, $0x0;
	s0 =	rddreg [dreg:$0x2]  }
0x13f: {  	s0 =	sadd.s32 @!p0 $0x100000, s0  }
0x140: {  	[sflag:s0] =	ssyncadd.tile.s32 @!p0 $0x1;
	_ =	shalt  }
.Lfunc_end2:
_tile_overlayer_lowered:
.L_overlay_start_2:
0x141: {  	(tag) =	ssettag $0x2  }
0x142: {  	s0 =	rddreg [dreg:$0x0];
	s2 =	stileid.u32  }
0x143: {  	s1 =	rddreg [dreg:$0x1];
	p0 =	sne.s32 s2, $0x0  }
0x144: {  	s3 =	rddreg [dreg:$0x2];
	[bflag:$0x3] =	sbarrier.arrive $0xFFFF;
	s2 =	simm.s32 @!p0 $0x1C05  }
0x145: {  	[timem:s3], [sflag:s2] =	dma.local @!p0 [hbm:s0], s1  }
0x146: {  	s0 =	simm.s32 @!p0 $0x5  }
0x147: {  	_ =	swait.ge @!p0 [sflag:s0], s1  }
0x148: {  	s1 =	ssub.s32 @!p0 $0x0, s1;
	[sflag:s0] =	ssyncset.done @!p0 $0x0  }
0x149: {  	[sflag:s0] =	ssyncadd.s32 @!p0 s1  }
0x14a: {  	[bflag:$0x3] =	sbarrier.arrive $0xFFFF  }
0x14b: {  	_ =	shalt  }

// kernel: kernel.15.cloned.1.call-start
scs
__scs_entry_jumppad:
0x0: {  	(pc) =	sbr.rel $0x88, $3  }
0x1: {  	(tag) =	ssettag $0x0;
	lr =	simm.s32 $0x1  }
0x2: {  	[smem:$0x3F9B] =	sst lr;
	_ =	strace $0xD0000000  }
0x3: {  	_ = 	snop  }
0x4: {  	_ = 	snop  }
0x5: {  	_ = 	snop  }
0x6: {  	_ = 	snop  }
0x7: {  	_ = 	snop  }
__scs_overlays_trampoline_lowered:
0x8: {  	[smem:$0x3FAA] =	sst s0  }
0x9: {  	[smem:$0x3FAB] =	sst s1  }
0xa: {  	[smem:$0x3FAC] =	sst s2  }
0xb: {  	[smem:$0x3FAD] =	sst s3  }
0xc: {  	[smem:$0x3FAE] =	sst s4  }
0xd: {  	[smem:$0x3FAF] =	sst s5  }
0xe: {  	[smem:$0x3FB0] =	sst s6  }
0xf: {  	[smem:$0x3FB1] =	sst s7  }
0x10: {  	[smem:$0x3FB2] =	sst s8  }
0x11: {  	[smem:$0x3FB3] =	sst s9;
	s0 =	simm.s32 @!p0 $0x0  }
0x12: {  	s1 =	sld [smem:$0x3F99];
	s0 =	simm.s32 @p0 $0x1  }
0x13: {  	[smem:$0x3FB4] =	sst s0;
	s0 =	simm.s32 @!p1 $0x0  }
0x14: {  	s2 =	sld [smem:$0x3F98];
	s0 =	simm.s32 @p1 $0x1  }
0x15: {  	[smem:$0x3FB5] =	sst s0;
	s0 =	simm.s32 @!p2 $0x0  }
0x16: {  	s3 =	sld [smem:$0x3FDB];
	s0 =	simm.s32 @p2 $0x1  }
0x17: {  	s4 =	simm.s32 $0x1BF5;
	[smem:$0x3FB7] =	sst s0  }
0x18: {  	s0 =	sld [smem:$0x3F9A];
	_ =	swait.ge [sflag:s4], $0x0  }
0x19: {  	s7 =	sld [smem:$0x3F9B]  }
0x1a: {  	s8 =	sadd.s32 $0xFFFFE003, lr  }
0x1b: {  	s9 =	sadd.s32 $0xFFFFFEF7, lr;
	s5 =	simm.s32 $0xFFFFFFFF;
	p2 =	slt.u32 s8, $0xFFFFF086  }
0x1c: {  	p1 =	slt.u32 s9, $0xF7A;
	s5 =	simm.s32 @!p2 $0x0  }
0x1d: {  	s5 =	simm.s32 @p1 $0x1;
	p0 =	seq.s32 s7, s2  }
0x1e: {  	s7 =	smul.u32 @!p0 $0xF7A, s2;
	p2 =	seq.s32 @!p0 s5, $0x0  }
0x1f: {  	s9 =	smul.u32 $0xF7A, s1;
	s8 =	simm.s32 @!p0 $0x1BF5;
	p2 =	por !p2, p0  }
0x20: {  	[sflag:s8] =	ssyncset.s32 @!p0 $0xFFFFF086;
	s6 =	sadd.s32 @!p0 s3, s7;
	s7 =	simm.s32 @!p0 $0x108  }
0x21: {  	s3 =	sadd.s32 s3, s9;
	s6 =	sadd.s32 @!p0 $0x88, s6;
	s7 =	simm.s32 @p2 $0x1082  }
0x22: {  	[simem:s7], [sflag:s8] =	dma.local @!p0 [hbm:s6], $0xF7A  }
0x23: {  	s9 =	sor.u32 $0xD0000000, s2;
	s6 =	simm.s32 $0x108;
	_ =	swait.ge @!p0 [sflag:s8], $0x0  }
0x24: {  	s3 =	sadd.s32 $0x88, s3;
	s6 =	simm.s32 @!p1 $0x1082;
	[sflag:s4] =	ssyncset.s32 $0xFFFFF086  }
0x25: {  	[simem:s6], [sflag:s4] =	dma.local [hbm:s3], $0xF7A  }
0x26: {  	[smem:$0x3F9B] =	sst s1;
	(tag) =	ssettag s2;
	_ =	strace s9  }
0x27: {  	s1 =	sld [smem:$0x3FAB]  }
0x28: {  	s2 =	sld [smem:$0x3FAC]  }
0x29: {  	s4 =	sld [smem:$0x3FAE]  }
0x2a: {  	p0 =	seq.s32 s5, $0x0;
	s5 =	sld [smem:$0x3FAF]  }
0x2b: {  	s6 =	sld [smem:$0x3FB0]  }
0x2c: {  	s7 =	sld [smem:$0x3FB1]  }
0x2d: {  	s3 =	simm.s32 $0x108;
	s8 =	sld [smem:$0x3FB2]  }
0x2e: {  	s3 =	simm.s32 @!p0 $0x1082;
	s9 =	sld [smem:$0x3FB3]  }
0x2f: {  	lr =	sadd.s32 s0, s3;
	s0 =	sld [smem:$0x3FAA]  }
0x30: {  	s3 =	sld [smem:$0x3FAD]  }
0x31: {  	[smem:$0x3FB6] =	sst s10  }
0x32: {  	s10 =	sld [smem:$0x3FB4];
	_ =	sdelay $0x3  }
0x33: {  	p0 =	seq.s32 s10, $0x1;
	s10 =	sld [smem:$0x3FB6];
	_ =	sdelay $0x3  }
0x34: {  	[smem:$0x3FB6] =	sst s10  }
0x35: {  	s10 =	sld [smem:$0x3FB5];
	_ =	sdelay $0x3  }
0x36: {  	p1 =	seq.s32 s10, $0x1;
	s10 =	sld [smem:$0x3FB6];
	_ =	sdelay $0x3  }
0x37: {  	[smem:$0x3FB6] =	sst s10  }
0x38: {  	s10 =	sld [smem:$0x3FB7]  }
0x39: {  	_ = 	snop;
	(pc) =	sbr.ind lr, $3  }
0x3a: {  	_ = 	snop  }
0x3b: {  	_ = 	snop  }
0x3c: {  	p2 =	seq.s32 s10, $0x1;
	s10 =	sld [smem:$0x3FB6]  }
0x3d: {  	_ =	shalt  }
0x3e: {  	_ =	shalt  }
0x3f: {  	_ =	shalt  }
0x40: {  	_ =	shalt  }
0x41: {  	_ =	shalt  }
0x42: {  	_ =	shalt  }
0x43: {  	_ =	shalt  }
0x44: {  	_ =	shalt  }
0x45: {  	_ =	shalt  }
0x46: {  	_ =	shalt  }
0x47: {  	_ =	shalt  }
0x48: {  	_ =	shalt  }
0x49: {  	_ =	shalt  }
0x4a: {  	_ =	shalt  }
0x4b: {  	_ =	shalt  }
0x4c: {  	_ =	shalt  }
0x4d: {  	_ =	shalt  }
0x4e: {  	_ =	shalt  }
0x4f: {  	_ =	shalt  }
0x50: {  	_ =	shalt  }
0x51: {  	_ =	shalt  }
0x52: {  	_ =	shalt  }
0x53: {  	_ =	shalt  }
0x54: {  	_ =	shalt  }
0x55: {  	_ =	shalt  }
0x56: {  	_ =	shalt  }
0x57: {  	_ =	shalt  }
0x58: {  	_ =	shalt  }
0x59: {  	_ =	shalt  }
0x5a: {  	_ =	shalt  }
0x5b: {  	_ =	shalt  }
0x5c: {  	_ =	shalt  }
0x5d: {  	_ =	shalt  }
0x5e: {  	_ =	shalt  }
0x5f: {  	_ =	shalt  }
0x60: {  	_ =	shalt  }
0x61: {  	_ =	shalt  }
0x62: {  	_ =	shalt  }
0x63: {  	_ =	shalt  }
0x64: {  	_ =	shalt  }
0x65: {  	_ =	shalt  }
0x66: {  	_ =	shalt  }
0x67: {  	_ =	shalt  }
0x68: {  	_ =	shalt  }
0x69: {  	_ =	shalt  }
0x6a: {  	_ =	shalt  }
0x6b: {  	_ =	shalt  }
0x6c: {  	_ =	shalt  }
0x6d: {  	_ =	shalt  }
0x6e: {  	_ =	shalt  }
0x6f: {  	_ =	shalt  }
0x70: {  	_ =	shalt  }
0x71: {  	_ =	shalt  }
0x72: {  	_ =	shalt  }
0x73: {  	_ =	shalt  }
0x74: {  	_ =	shalt  }
0x75: {  	_ =	shalt  }
0x76: {  	_ =	shalt  }
0x77: {  	_ =	shalt  }
0x78: {  	_ =	shalt  }
0x79: {  	_ =	shalt  }
0x7a: {  	_ =	shalt  }
0x7b: {  	_ =	shalt  }
0x7c: {  	_ =	shalt  }
0x7d: {  	_ =	shalt  }
0x7e: {  	_ =	shalt  }
0x7f: {  	_ =	shalt  }
0x80: {  	_ =	shalt  }
0x81: {  	_ =	shalt  }
0x82: {  	_ =	shalt  }
0x83: {  	_ =	shalt  }
0x84: {  	_ =	shalt  }
0x85: {  	_ =	shalt  }
0x86: {  	_ =	shalt  }
0x87: {  	_ =	shalt  }
.Lfunc_end0:
.L_simem_size_0:
called_computation.2_lowered:
.L_overlay_start_0:
0x88: {  	s2 =	sld [smem:$0x3FD9]  }
0x89: {  	s3 =	sld [smem:$0x3FFE];
	_ =	sdelay $0x1  }
0x8a: {  	s1 =	srdreg.scid  }
0x8b: {  	s0 =	sand.u32 $0x1, s1  }
0x8c: {  	s17 =	sshll.u32 s0, $0xA;
	s2 =	sadd.s32 s3, s2  }
0x8d: {  	s2 =	sadd.s32 s2, s17  }
0x8e: {  	[smem:$0x3FC2] =	sst s2  }
0x8f: {  	_ = 	snop  }
0x90: {  	(tm) =	ssettm $0x1  }
0x91: {  	s18 =	sld [smem:$0x3FFB];
	_ =	sdelay $0x3  }
0x92: {  	_ =	strace s18  }
0x93: {  	s2 =	sld [smem:$0x3FFC];
	_ =	sdelay $0x3  }
0x94: {  	_ =	strace s2  }
0x95: {  	s2 =	sld [smem:$0x3FFD];
	_ =	sdelay $0x3  }
0x96: {  	_ =	strace s2  }
0x97: {  	_ =	strace $0x8FFFFFFF  }
0x98: {  	s19 =	sld [smem:$0x3FDB];
	_ =	sdelay $0x1  }
0x99: {  	s20 =	simm.s32 $_scs_section_size  }
0x9a: {  	s4 =	simm.s32 $_size__tile_overlayer_lowered;
	s5 =	simm.s32 $_tile_overlayer_lowered  }
0x9b: {  	s6 =	simm.s32 $0x1BFF;
	s21 =	sshll.u32 s5, $0x1;
	s3 =	sadd.s32 s20, s19  }
0x9c: {  	s22 =	simm.s32 $0x0;
	s4 =	sshll.u32 s4, $0x1;
	s5 =	sadd.s32 s21, s3  }
0x9d: {  	[timem:s22], [sflag:s6] =	dma.local [hbm:s5], s4  }
0x9e: {  	_ =	swait.ge [sflag:s6], s4  }
0x9f: {  	s4 =	ssub.s32 $0x0, s4;
	[sflag:s6] =	ssyncset.done $0x0  }
0xa0: {  	[sflag:s6] =	ssyncadd.s32 s4;
	_ =	sdelay $0x1  }
0xa1: {  	s23 =	simm.s32 $0x1B8B  }
0xa2: {  	_ =	swait.ge [sflag:s23], $0x1  }
0xa3: {  	[sflag:s23] =	ssyncset.done $0x0  }
0xa4: {  	[sflag:s23] =	ssyncadd.s32 $0xFFFFFFFF  }
0xa5: {  	s4 =	sld [smem:$0x0]  }
0xa6: {  	s5 =	sand.u32 $0xFFFFFFFE, s1  }
0xa7: {  	p0 =	sne.s32 s1, s5  }
0xa8: {  	s5 =	sshll.u32 @p0 s5, $0xE  }
0xa9: {  	s5 =	sadd.s32 @p0 $0x11B8D, s5;
	s6 =	sshll.u32 @p0 s4, $0x11  }
0xaa: {  	s5 =	sor.u32 @p0 s6, s5  }
0xab: {  	[sflag:s5] =	ssyncadd.remote.s32 @p0 $0x1;
	_ =	sdelay $0x1  }
0xac: {  	s5 =	simm.s32 @p0 $0x1B8D  }
0xad: {  	_ =	swait.eq @p0 [sflag:s5], $0x1  }
0xae: {  	[sflag:s5] =	ssyncadd.s32 @p0 $0xFFFFFFFF  }
0xaf: {  	s6 =	sshll.u32 @!p0 s1, $0xE  }
0xb0: {  	s6 =	sor.u32 @!p0 $0x4000, s6;
	s5 =	simm.s32 @!p0 $0x1B8D  }
0xb1: {  	s4 =	sshll.u32 @!p0 s4, $0x11;
	s6 =	sadd.s32 @!p0 $0x11B8D, s6;
	_ =	swait.eq @!p0 [sflag:s5], $0x1  }
0xb2: {  	s4 =	sor.u32 @!p0 s4, s6;
	[sflag:s5] =	ssyncadd.s32 @!p0 $0xFFFFFFFF  }
0xb3: {  	s25 =	simm.s32 $0x1B8E;
	s24 =	sld [smem:$0x3FFE];
	[sflag:s4] =	ssyncadd.remote.s32 @!p0 $0x1  }
0xb4: {  	s26 =	simm.s32 $execute0_lowered;
	[smem:$0x3FD2] =	sst s25  }
0xb5: {  	s5 =	sshll.u32 s26, $0x1;
	_ =	strace $0x8000004C;
	[dreg:$0x1] =	wrdreg $0xFFFFFFFF  }
0xb6: {  	s28 =	simm.s32 $_size_execute0_lowered;
	s3 =	sadd.s32 s3, s5;
	[dreg:$0x0] =	wrdreg $0x0  }
0xb7: {  	s5 =	sshll.u32 s28, $0x1;
	[dreg:$0x2] =	wrdreg s3  }
0xb8: {  	[dreg:$0x3] =	wrdreg s5  }
0xb9: {  	[dreg:$0x4] =	wrdreg $0xC0  }
0xba: {  	_ =	task [dreg:s22], $0x5FFFF  }
0xbb: {  	[dreg:$0x1] =	wrdreg $0xFFFFFFFF  }
0xbc: {  	[dreg:$0x0] =	wrdreg $0x60  }
0xbd: {  	[dreg:$0x2] =	wrdreg s24  }
0xbe: {  	[dreg:$0x3] =	wrdreg $0x150000  }
0xbf: {  	[dreg:$0x4] =	wrdreg $0xA  }
0xc0: {  	_ =	task.clear_ibuf [dreg:s22], $0x5FFFF;
	_ =	strace $0x9000004C  }
0xc1: {  	s29 =	simm.s32 $0xA;
	_ =	strace $0x8000004E  }
0xc2: {  	_ =	swait.ge [sflag:s29], $0x1  }
0xc3: {  	[sflag:s29] =	ssyncadd.s32 $0xFFFFFFFF  }
0xc4: {  	_ =	strace $0x9000004E  }
0xc5: {  	_ =	sfence  }
0xc6: {  	s30 =	sld [smem:$0x0];
	_ =	sdelay $0x2  }
0xc7: {  	s31 =	sshll.u32 s1, $0xD;
	s1 =	sshrl.u32 s1, $0x2  }
0xc8: {  	s4 =	sand.u32 $0x4000, s31;
	s1 =	sadd.s32 s1, s30  }
0xc9: {  	s0 =	sor.u32 s4, s0;
	s1 =	sshll.u32 s1, $0x11  }
0xca: {  	s0 =	sor.u32 s1, s0  }
0xcb: {  	s0 =	sadd.s32 $0x8F2B, s0  }
0xcc: {  	[sflag:s0] =	ssyncadd.remote.s32 $0x1  }
0xcd: {  	_ =	sfence.sel $0xFFFF  }
0xce: {  	[dreg:$0x0] =	wrdreg $0xFFFFFFFF;
	(pc) =	sbr.abs _section_cstart, $3  }
0xcf: {  	[dreg:$0x1] =	wrdreg $0xFFFFFFFF  }
0xd0: {  	_ =	task.clear_ibuf [dreg:s22], $0x2FFFF;
	_ =	strace $0x9FFFFFFF  }
0xd1: {  	(tm) =	ssettm $0x7FFFFFFF  }
tec
execute0_lowered:
.L_overlay_start_1:
0x0: {  	(tag) =	ssettag $0x1  }
0x1: {  	s0 =	rddreg [dreg:$0x0]  }
0x2: {  	s1 =	srdreg.scid;
	s8 =	stileid.u32  }
0x3: {  	s2 =	rddreg [dreg:$0x1];
	s3 =	simm.s32 $0x0;
	s18 =	simm.s32 $0x5  }
0x4: {  	s28 =	simm.s32 $0xD000;
	s29 =	simm.s32 $0x3;
	s30 =	simm.s32 $0xF000  }
0x5: {  	s31 =	simm.s32 $0x11000;
	s1 =	sand.u32 $0x1, s1;
	s11 =	smul.u32 $0x280, s8  }
0x6: {  	s4 =	sshll.u32 s8, $0x1;
	[smem:$0x7FF] =	sst s3;
	s8 =	smul.u32 $0x28000, s8  }
0x7: {  	s4 =	sor.u32 s1, s4;
	s6 =	ssub.s32 $0x2, s1;
	s1 =	smul.u32 $0x2800, s1  }
0x8: {  	_ =	strace $0x8000004D;
	s5 =	smul.u32 $0x500, s4;
	s4 =	sadd.s32 $0x52A00, s0  }
0x9: {  	s7 =	sshrl.u32 s6, $0x1;
	s20 =	sshrl.u32 s8, $0x2;
	s12 =	sadd.s32 $0x80, s11  }
0xa: {  	s22 =	sadd.s32 $0x100, s11;
	s13 =	sadd.s32 $0x180, s11;
	s14 =	sadd.s32 $0x200, s11  }
0xb: {  	s6 =	ssub.s32 s6, s7;
	s7 =	sadd.s32 s20, s2;
	s21 =	sshll.u32 s12, $0x6  }
0xc: {  	s9 =	sshll.u32 s22, $0x6;
	s10 =	sshll.u32 s13, $0x6;
	s15 =	sshll.u32 s14, $0x6  }
0xd: {  	s16 =	sadd.s32 s11, s1;
	s12 =	sadd.s32 s1, s12;
	s24 =	sadd.s32 s1, s13  }
0xe: {  	s20 =	simm.s32 $0x80;
	s5 =	sadd.s32 s5, s0;
	s0 =	sadd.s32 $0x66A00, s0  }
0xf: {  	s8 =	sadd.s32 s21, s2;
	s9 =	sadd.s32 s9, s2;
	s10 =	sadd.s32 s10, s2  }
0x10: {  	s11 =	sadd.s32 s15, s2;
	s23 =	sshll.u32 s16, $0x3;
	s12 =	sshll.u32 s12, $0x3  }
0x11: {  	s25 =	sshll.u32 s24, $0x3;
	s26 =	smax.u32 s6, $0x1;
	s21 =	simm.s32 $0x5000  }
0x12: {  	s24 =	simm.s32 $0x9000;
	s19 =	sadd.s32 $0x16A00, s5;
	[dreg:$0xa] =	wrdreg s26  }
0x13: {  	s5 =	sadd.s32 $0x20A00, s5;
	s15 =	sadd.s32 s0, s23;
	[dreg:$0x3] =	wrdreg s19  }
0x14: {  	s12 =	sadd.s32 s0, s12;
	s26 =	simm.s32 $0xB000;
	[dreg:$0x4] =	wrdreg s5  }
0x15: {  	s23 =	simm.s32 $0x4;
	[dreg:$0x5] =	wrdreg s15;
	s5 =	sadd.s32 s1, s22  }
0x16: {  	[dreg:$0x6] =	wrdreg s12;
	s1 =	sadd.s32 s1, s14;
	s5 =	sshll.u32 s5, $0x3  }
0x17: {  	s22 =	simm.s32 $0x7000;
	s19 =	simm.s32 $0x1;
	s5 =	sadd.s32 s0, s5  }
0x18: {  	s1 =	sshll.u32 s1, $0x3;
	[dreg:$0x7] =	wrdreg s5;
	s5 =	sadd.s32 s0, s25  }
0x19: {  	s0 =	sadd.s32 s0, s1;
	s1 =	simm.s32 $0x13000;
	[dreg:$0x8] =	wrdreg s5  }
0x1a: {  	v0 =	vimm.f32 $0.0e+00;
	s25 =	simm.s32 $0x0;
	[dreg:$0x9] =	wrdreg s0;
	s0 =	simm.s32 $0x2  }
.LBB2_1:
0x1b: {  	s5 =	rddreg [dreg:$0x3]  }
0x1c: {  	[tilespmem:s3], [sflag:$0x5] =	stream.linear.gather [hbm4b:s5+s3], $0x2800, $0x38;
	[tilespmem:$0x1F000] =	vst v63  }
0x1d: {  	_ =	swait.ge [sflag:s18], $0x2800  }
0x1e: {  	[sflag:s18] =	ssyncset.done $0x0  }
0x1f: {  	s6 =	simm.s32 $0x2800;
	s15 =	rddreg [dreg:$0x4];
	[sflag:s18] =	ssyncadd.s32 $0xFFFFD800  }
0x20: {  	[tilespmem:s6], [sflag:$0x5] =	stream.linear.gather [hbm4b:s15+s3], $0x2800, $0x38;
	[tilespmem:$0x1F000] =	vst v63  }
0x21: {  	_ =	swait.ge [sflag:s18], $0x2800  }
0x22: {  	[sflag:s18] =	ssyncset.done $0x0  }
0x23: {  	[sflag:s18] =	ssyncadd.s32 $0xFFFFD800  }
0x24: {  	[tilespmem:s21], [sflag:$0x1] =	stream.indirect.gather [hbm4b:s4+s20], $0x40, s3, s20, $0xb8;
	[tilespmem:$0x1F000] =	vst v63  }
0x25: {  	_ = 	snop  }
0x26: {  	[tilespmem:s22], [sflag:$0x1] =	stream.indirect.gather [hbm4b:s4+s20], $0x40, s20, s20, $0xb8;
	[tilespmem:$0x1F000] =	vst v63  }
0x27: {  	s16 =	simm.s32 $0x100  }
0x28: {  	[tilespmem:s24], [sflag:$0x1] =	stream.indirect.gather [hbm4b:s4+s20], $0x40, s16, s20, $0xb8;
	[tilespmem:$0x1F000] =	vst v63  }
0x29: {  	s17 =	simm.s32 $0x180;
	s5 =	simm.s32 $0x0;
	s6 =	simm.s32 $0x100  }
0x2a: {  	[tilespmem:s26], [sflag:$0x1] =	stream.indirect.gather [hbm4b:s4+s20], $0x40, s17, s20, $0xb8;
	[tilespmem:$0x1F000] =	vst v63  }
.LBB2_2:
0x2b: {  	p0 =	sne.s32 s6, $0x7F00;
	[tilespmem:s5+$0xD030] =	vst v0;
	s12 =	smov.u32 s6;
	s6 =	sadd.s32 $0x100, s6  }
.Ltmp0:
0x2c: {  	[tilespmem:s5+$0xD020] =	vst v0;
	(pc) =	sbr.rel @p0 .LBB2_2-.Ltmp0, $3  }
0x2d: {  	[tilespmem:s5+$0xD000] =	vst v0  }
0x2e: {  	[tilespmem:s5+$0xD010] =	vst v0;
	_ =	sdelay $0x1  }
0x2f: {  	s5 =	sshra.s32 s12, $0x2  }
0x30: {  	[tilespmem:s5+$0xD030] =	vst v0  }
0x31: {  	[tilespmem:s5+$0xD020] =	vst v0  }
0x32: {  	[tilespmem:s5+$0xD000] =	vst v0  }
0x33: {  	[tilespmem:s5+$0xD010] =	vst v0  }
0x34: {  	[spmem:s7] =	stream.linear.scatter [tilespmem:s28], [sflag:$0x3], $0x2000, $0x38;
	[tilespmem:$0x1F000] =	vst v63  }
0x35: {  	_ = 	snop  }
0x36: {  	[spmem:s8] =	stream.linear.scatter [tilespmem:s28], [sflag:$0x3], $0x2000, $0x38;
	[tilespmem:$0x1F000] =	vst v63  }
0x37: {  	_ = 	snop  }
0x38: {  	[spmem:s9] =	stream.linear.scatter [tilespmem:s28], [sflag:$0x3], $0x2000, $0x38;
	[tilespmem:$0x1F000] =	vst v63  }
0x39: {  	_ = 	snop  }
0x3a: {  	[spmem:s10] =	stream.linear.scatter [tilespmem:s28], [sflag:$0x3], $0x2000, $0x38;
	[tilespmem:$0x1F000] =	vst v63  }
0x3b: {  	_ = 	snop  }
0x3c: {  	[spmem:s11] =	stream.linear.scatter [tilespmem:s28], [sflag:$0x3], $0x2000, $0x38;
	[tilespmem:$0x1F000] =	vst v63  }
0x3d: {  	_ =	swait.ge [sflag:s29], $0x2000  }
0x3e: {  	[sflag:s29] =	ssyncset.done $0x0  }
0x3f: {  	[sflag:s29] =	ssyncadd.s32 $0xFFFFE000  }
0x40: {  	_ =	swait.ge [sflag:s29], $0x2000  }
0x41: {  	[sflag:s29] =	ssyncset.done $0x0  }
0x42: {  	[sflag:s29] =	ssyncadd.s32 $0xFFFFE000  }
0x43: {  	_ =	swait.ge [sflag:s29], $0x2000  }
0x44: {  	[sflag:s29] =	ssyncset.done $0x0  }
0x45: {  	[sflag:s29] =	ssyncadd.s32 $0xFFFFE000  }
0x46: {  	_ =	swait.ge [sflag:s29], $0x2000  }
0x47: {  	[sflag:s29] =	ssyncset.done $0x0  }
0x48: {  	[sflag:s29] =	ssyncadd.s32 $0xFFFFE000  }
0x49: {  	_ =	swait.ge [sflag:s29], $0x2000  }
0x4a: {  	[sflag:s29] =	ssyncset.done $0x0  }
0x4b: {  	[sflag:s29] =	ssyncadd.s32 $0xFFFFE000  }
0x4c: {  	s13 =	simm.s32 $0x200;
	[bflag:$0x0] =	sbarrier.arrive $0xFFFF  }
0x4d: {  	[tilespmem:s28], [sflag:$0x2] =	stream.indirect.gather [hbm4b:s4+s20], $0x40, s13, s20, $0xb8;
	[tilespmem:$0x1F000] =	vst v63  }
0x4e: {  	s14 =	simm.s32 $0x280  }
0x4f: {  	[tilespmem:s30], [sflag:$0x2] =	stream.indirect.gather [hbm4b:s4+s20], $0x40, s14, s20, $0xb8;
	[tilespmem:$0x1F000] =	vst v63  }
0x50: {  	s15 =	simm.s32 $0x300  }
0x51: {  	[tilespmem:s31], [sflag:$0x2] =	stream.indirect.gather [hbm4b:s4+s20], $0x40, s15, s20, $0xb8;
	[tilespmem:$0x1F000] =	vst v63  }
0x52: {  	s16 =	simm.s32 $0x380  }
0x53: {  	[tilespmem:s1], [sflag:$0x2] =	stream.indirect.gather [hbm4b:s4+s20], $0x40, s16, s20, $0xb8;
	[tilespmem:$0x1F000] =	vst v63  }
0x54: {  	_ =	swait.ge [sflag:s19], $0x2000  }
0x55: {  	[sflag:s19] =	ssyncset.done $0x0  }
0x56: {  	s17 =	simm.s32 $0x2800;
	[sflag:s19] =	ssyncadd.s32 $0xFFFFE000  }
0x57: {  	[spmem:s2] =	stream.indirect.scatter.add.f32 [tilespmem:s21], [sflag:$0x3], $0x40, s17, s20, $0xb8;
	[tilespmem:$0x1F000] =	vst v63  }
0x58: {  	_ =	swait.ge [sflag:s19], $0x2000  }
0x59: {  	[sflag:s19] =	ssyncset.done $0x0  }
0x5a: {  	s6 =	simm.s32 $0x2880;
	[sflag:s19] =	ssyncadd.s32 $0xFFFFE000  }
0x5b: {  	[spmem:s2] =	stream.indirect.scatter.add.f32 [tilespmem:s22], [sflag:$0x3], $0x40, s6, s20, $0xb8;
	[tilespmem:$0x1F000] =	vst v63  }
0x5c: {  	_ =	swait.ge [sflag:s19], $0x2000  }
0x5d: {  	[sflag:s19] =	ssyncset.done $0x0  }
0x5e: {  	s12 =	simm.s32 $0x2900;
	[sflag:s19] =	ssyncadd.s32 $0xFFFFE000  }
0x5f: {  	[spmem:s2] =	stream.indirect.scatter.add.f32 [tilespmem:s24], [sflag:$0x3], $0x40, s12, s20, $0xb8;
	[tilespmem:$0x1F000] =	vst v63  }
0x60: {  	_ =	swait.ge [sflag:s19], $0x2000  }
0x61: {  	[sflag:s19] =	ssyncset.done $0x0  }
0x62: {  	s13 =	simm.s32 $0x2980;
	[sflag:s19] =	ssyncadd.s32 $0xFFFFE000  }
0x63: {  	[spmem:s2] =	stream.indirect.scatter.add.f32 [tilespmem:s26], [sflag:$0x3], $0x40, s13, s20, $0xb8;
	[tilespmem:$0x1F000] =	vst v63  }
0x64: {  	_ =	swait.ge [sflag:s29], $0x2000  }
0x65: {  	[sflag:s29] =	ssyncset.done $0x0  }
0x66: {  	[sflag:s29] =	ssyncadd.s32 $0xFFFFE000  }
0x67: {  	_ =	swait.ge [sflag:s29], $0x2000  }
0x68: {  	[sflag:s29] =	ssyncset.done $0x0  }
0x69: {  	[sflag:s29] =	ssyncadd.s32 $0xFFFFE000  }
0x6a: {  	_ =	swait.ge [sflag:s29], $0x2000  }
0x6b: {  	[sflag:s29] =	ssyncset.done $0x0  }
0x6c: {  	[sflag:s29] =	ssyncadd.s32 $0xFFFFE000  }
0x6d: {  	p0 =	por $0x0, $0x0;
	_ =	swait.ge [sflag:s29], $0x2000  }
0x6e: {  	s5 =	simm.s32 @!p0 $0x5000;
	[sflag:s29] =	ssyncset.done $0x0  }
0x6f: {  	s6 =	simm.s32 @!p0 $0x400;
	s12 =	simm.s32 @!p0 $0x80;
	[sflag:s29] =	ssyncadd.s32 $0xFFFFE000  }
0x70: {  	[tilespmem:s5], [sflag:$0x1] =	stream.indirect.gather @!p0 [hbm4b:s4+s12], $0x40, s6, s12, $0xb8;
	[tilespmem:$0x1F000] =	vst v63  }
0x71: {  	s5 =	simm.s32 @!p0 $0x480;
	s6 =	simm.s32 @!p0 $0x7000  }
0x72: {  	[tilespmem:s6], [sflag:$0x1] =	stream.indirect.gather @!p0 [hbm4b:s4+s12], $0x40, s5, s12, $0xb8;
	[tilespmem:$0x1F000] =	vst v63  }
0x73: {  	s5 =	simm.s32 @!p0 $0x500;
	s6 =	simm.s32 @!p0 $0x9000  }
0x74: {  	[tilespmem:s6], [sflag:$0x1] =	stream.indirect.gather @!p0 [hbm4b:s4+s12], $0x40, s5, s12, $0xb8;
	[tilespmem:$0x1F000] =	vst v63  }
0x75: {  	s5 =	simm.s32 @!p0 $0x580;
	s6 =	simm.s32 @!p0 $0xB000  }
0x76: {  	[tilespmem:s6], [sflag:$0x1] =	stream.indirect.gather @!p0 [hbm4b:s4+s12], $0x40, s5, s12, $0xb8;
	[tilespmem:$0x1F000] =	vst v63  }
0x77: {  	_ =	swait.ge [sflag:s0], $0x2000  }
0x78: {  	[sflag:s0] =	ssyncset.done $0x0  }
0x79: {  	s14 =	simm.s32 $0x2A00;
	[sflag:s0] =	ssyncadd.s32 $0xFFFFE000  }
0x7a: {  	[spmem:s2] =	stream.indirect.scatter.add.f32 [tilespmem:s28], [sflag:$0x4], $0x40, s14, s20, $0xb8;
	[tilespmem:$0x1F000] =	vst v63  }
0x7b: {  	_ =	swait.ge [sflag:s0], $0x2000  }
0x7c: {  	[sflag:s0] =	ssyncset.done $0x0  }
0x7d: {  	s15 =	simm.s32 $0x2A80;
	[sflag:s0] =	ssyncadd.s32 $0xFFFFE000  }
0x7e: {  	[spmem:s2] =	stream.indirect.scatter.add.f32 [tilespmem:s30], [sflag:$0x4], $0x40, s15, s20, $0xb8;
	[tilespmem:$0x1F000] =	vst v63  }
0x7f: {  	_ =	swait.ge [sflag:s0], $0x2000  }
0x80: {  	[sflag:s0] =	ssyncset.done $0x0  }
0x81: {  	s16 =	simm.s32 $0x2B00;
	[sflag:s0] =	ssyncadd.s32 $0xFFFFE000  }
0x82: {  	[spmem:s2] =	stream.indirect.scatter.add.f32 [tilespmem:s31], [sflag:$0x4], $0x40, s16, s20, $0xb8;
	[tilespmem:$0x1F000] =	vst v63  }
0x83: {  	_ =	swait.ge [sflag:s0], $0x2000  }
0x84: {  	[sflag:s0] =	ssyncset.done $0x0  }
0x85: {  	s17 =	simm.s32 $0x2B80;
	[sflag:s0] =	ssyncadd.s32 $0xFFFFE000  }
0x86: {  	[spmem:s2] =	stream.indirect.scatter.add.f32 [tilespmem:s1], [sflag:$0x4], $0x40, s17, s20, $0xb8;
	[tilespmem:$0x1F000] =	vst v63  }
0x87: {  	_ =	swait.ge [sflag:s23], $0x2000  }
0x88: {  	[sflag:s23] =	ssyncset.done $0x0  }
0x89: {  	[sflag:s23] =	ssyncadd.s32 $0xFFFFE000  }
0x8a: {  	_ =	swait.ge [sflag:s23], $0x2000  }
0x8b: {  	[sflag:s23] =	ssyncset.done $0x0  }
0x8c: {  	[sflag:s23] =	ssyncadd.s32 $0xFFFFE000  }
0x8d: {  	_ =	swait.ge [sflag:s23], $0x2000  }
0x8e: {  	[sflag:s23] =	ssyncset.done $0x0  }
0x8f: {  	[sflag:s23] =	ssyncadd.s32 $0xFFFFE000  }
0x90: {  	s6 =	simm.s32 $0x1000;
	_ =	swait.ge [sflag:s23], $0x2000  }
0x91: {  	s12 =	simm.s32 $0x2000;
	s5 =	simm.s32 $0x400;
	[sflag:s23] =	ssyncset.done $0x0  }
.LBB2_4:
0x92: {  	s14 =	sadd.s32 $0x200, s5  }
0x93: {  	[sflag:s23] =	ssyncadd.s32 $0xFFFFE000;
	s13 =	smov.u32 s12;
	s12 =	sadd.s32 $0x1000, s12  }
0x94: {  	[tilespmem:s28], [sflag:$0x2] =	stream.indirect.gather [hbm4b:s4+s20], $0x40, s14, s20, $0xb8;
	[tilespmem:$0x1F000] =	vst v63  }
0x95: {  	p0 =	sne.s32 s12, $0xA000;
	s14 =	sadd.s32 $0x280, s5  }
0x96: {  	[tilespmem:s30], [sflag:$0x2] =	stream.indirect.gather [hbm4b:s4+s20], $0x40, s14, s20, $0xb8;
	[tilespmem:$0x1F000] =	vst v63  }
0x97: {  	s14 =	sadd.s32 $0x300, s5  }
0x98: {  	[tilespmem:s31], [sflag:$0x2] =	stream.indirect.gather [hbm4b:s4+s20], $0x40, s14, s20, $0xb8;
	[tilespmem:$0x1F000] =	vst v63  }
0x99: {  	s14 =	sadd.s32 $0x380, s5  }
0x9a: {  	[tilespmem:s1], [sflag:$0x2] =	stream.indirect.gather [hbm4b:s4+s20], $0x40, s14, s20, $0xb8;
	[tilespmem:$0x1F000] =	vst v63  }
0x9b: {  	_ =	swait.ge [sflag:s19], $0x2000  }
0x9c: {  	[sflag:s19] =	ssyncset.done $0x0  }
0x9d: {  	s14 =	sadd.s32 $0x2800, s5;
	[sflag:s19] =	ssyncadd.s32 $0xFFFFE000  }
0x9e: {  	[spmem:s2] =	stream.indirect.scatter.add.f32 [tilespmem:s21], [sflag:$0x3], $0x40, s14, s20, $0xb8;
	[tilespmem:$0x1F000] =	vst v63  }
0x9f: {  	_ =	swait.ge [sflag:s19], $0x2000  }
0xa0: {  	[sflag:s19] =	ssyncset.done $0x0  }
0xa1: {  	s14 =	sadd.s32 $0x2880, s5;
	[sflag:s19] =	ssyncadd.s32 $0xFFFFE000  }
0xa2: {  	[spmem:s2] =	stream.indirect.scatter.add.f32 [tilespmem:s22], [sflag:$0x3], $0x40, s14, s20, $0xb8;
	[tilespmem:$0x1F000] =	vst v63  }
0xa3: {  	_ =	swait.ge [sflag:s19], $0x2000  }
0xa4: {  	[sflag:s19] =	ssyncset.done $0x0  }
0xa5: {  	s14 =	sadd.s32 $0x2900, s5;
	[sflag:s19] =	ssyncadd.s32 $0xFFFFE000  }
0xa6: {  	[spmem:s2] =	stream.indirect.scatter.add.f32 [tilespmem:s24], [sflag:$0x3], $0x40, s14, s20, $0xb8;
	[tilespmem:$0x1F000] =	vst v63  }
0xa7: {  	_ =	swait.ge [sflag:s19], $0x2000  }
0xa8: {  	[sflag:s19] =	ssyncset.done $0x0  }
0xa9: {  	s14 =	sadd.s32 $0x2980, s5;
	[sflag:s19] =	ssyncadd.s32 $0xFFFFE000  }
0xaa: {  	[spmem:s2] =	stream.indirect.scatter.add.f32 [tilespmem:s26], [sflag:$0x3], $0x40, s14, s20, $0xb8;
	[tilespmem:$0x1F000] =	vst v63  }
0xab: {  	_ =	swait.ge [sflag:s29], $0x2000  }
0xac: {  	[sflag:s29] =	ssyncset.done $0x0  }
0xad: {  	[sflag:s29] =	ssyncadd.s32 $0xFFFFE000  }
0xae: {  	_ =	swait.ge [sflag:s29], $0x2000  }
0xaf: {  	[sflag:s29] =	ssyncset.done $0x0  }
0xb0: {  	[sflag:s29] =	ssyncadd.s32 $0xFFFFE000  }
0xb1: {  	_ =	swait.ge [sflag:s29], $0x2000  }
0xb2: {  	[sflag:s29] =	ssyncset.done $0x0  }
0xb3: {  	[sflag:s29] =	ssyncadd.s32 $0xFFFFE000  }
0xb4: {  	p1 =	seq.s32 s6, $0x9000;
	_ =	swait.ge [sflag:s29], $0x2000  }
0xb5: {  	s6 =	sshra.s32 @!p1 s6, $0x2;
	s14 =	simm.s32 @!p1 $0x5000;
	[sflag:s29] =	ssyncset.done $0x0  }
0xb6: {  	s16 =	simm.s32 @!p1 $0x80;
	s15 =	sadd.s32 @!p1 $0x400, s6;
	[sflag:s29] =	ssyncadd.s32 $0xFFFFE000  }
0xb7: {  	[tilespmem:s14], [sflag:$0x1] =	stream.indirect.gather @!p1 [hbm4b:s4+s16], $0x40, s15, s16, $0xb8;
	[tilespmem:$0x1F000] =	vst v63  }
0xb8: {  	s17 =	sadd.s32 @!p1 $0x500, s6;
	s14 =	sadd.s32 @!p1 $0x480, s6;
	s15 =	simm.s32 @!p1 $0x7000  }
0xb9: {  	[tilespmem:s15], [sflag:$0x1] =	stream.indirect.gather @!p1 [hbm4b:s4+s16], $0x40, s14, s16, $0xb8;
	[tilespmem:$0x1F000] =	vst v63  }
0xba: {  	s14 =	simm.s32 @!p1 $0x9000;
	s15 =	sadd.s32 @!p1 $0x580, s6;
	s6 =	smov.u32 s13  }
0xbb: {  	[tilespmem:s14], [sflag:$0x1] =	stream.indirect.gather @!p1 [hbm4b:s4+s16], $0x40, s17, s16, $0xb8;
	[tilespmem:$0x1F000] =	vst v63  }
0xbc: {  	s13 =	simm.s32 @!p1 $0xB000  }
0xbd: {  	[tilespmem:s13], [sflag:$0x1] =	stream.indirect.gather @!p1 [hbm4b:s4+s16], $0x40, s15, s16, $0xb8;
	[tilespmem:$0x1F000] =	vst v63  }
0xbe: {  	_ =	swait.ge [sflag:s0], $0x2000  }
0xbf: {  	[sflag:s0] =	ssyncset.done $0x0  }
0xc0: {  	s13 =	sadd.s32 $0x2A00, s5;
	[sflag:s0] =	ssyncadd.s32 $0xFFFFE000  }
0xc1: {  	[spmem:s2] =	stream.indirect.scatter.add.f32 [tilespmem:s28], [sflag:$0x4], $0x40, s13, s20, $0xb8;
	[tilespmem:$0x1F000] =	vst v63  }
0xc2: {  	_ =	swait.ge [sflag:s0], $0x2000  }
0xc3: {  	[sflag:s0] =	ssyncset.done $0x0  }
0xc4: {  	s13 =	sadd.s32 $0x2A80, s5;
	[sflag:s0] =	ssyncadd.s32 $0xFFFFE000  }
0xc5: {  	[spmem:s2] =	stream.indirect.scatter.add.f32 [tilespmem:s30], [sflag:$0x4], $0x40, s13, s20, $0xb8;
	[tilespmem:$0x1F000] =	vst v63  }
0xc6: {  	_ =	swait.ge [sflag:s0], $0x2000  }
0xc7: {  	[sflag:s0] =	ssyncset.done $0x0  }
0xc8: {  	s13 =	sadd.s32 $0x2B00, s5;
	[sflag:s0] =	ssyncadd.s32 $0xFFFFE000  }
0xc9: {  	[spmem:s2] =	stream.indirect.scatter.add.f32 [tilespmem:s31], [sflag:$0x4], $0x40, s13, s20, $0xb8;
	[tilespmem:$0x1F000] =	vst v63  }
0xca: {  	_ =	swait.ge [sflag:s0], $0x2000  }
0xcb: {  	[sflag:s0] =	ssyncset.done $0x0  }
0xcc: {  	s5 =	sadd.s32 $0x2B80, s5;
	[sflag:s0] =	ssyncadd.s32 $0xFFFFE000  }
0xcd: {  	[spmem:s2] =	stream.indirect.scatter.add.f32 [tilespmem:s1], [sflag:$0x4], $0x40, s5, s20, $0xb8;
	[tilespmem:$0x1F000] =	vst v63  }
0xce: {  	_ =	swait.ge [sflag:s23], $0x2000  }
0xcf: {  	[sflag:s23] =	ssyncset.done $0x0  }
0xd0: {  	[sflag:s23] =	ssyncadd.s32 $0xFFFFE000  }
0xd1: {  	_ =	swait.ge [sflag:s23], $0x2000  }
0xd2: {  	[sflag:s23] =	ssyncset.done $0x0  }
0xd3: {  	[sflag:s23] =	ssyncadd.s32 $0xFFFFE000  }
.Ltmp1:
0xd4: {  	_ =	swait.ge [sflag:s23], $0x2000;
	(pc) =	sbr.rel @p0 .LBB2_4-.Ltmp1, $4  }
0xd5: {  	[sflag:s23] =	ssyncset.done $0x0  }
0xd6: {  	[sflag:s23] =	ssyncadd.s32 $0xFFFFE000  }
0xd7: {  	_ =	swait.ge [sflag:s23], $0x2000  }
0xd8: {  	s5 =	sshra.s32 s6, $0x2;
	[sflag:s23] =	ssyncset.done $0x0  }
0xd9: {  	s12 =	sadd.s32 $0x200, s5;
	[sflag:s23] =	ssyncadd.s32 $0xFFFFE000  }
0xda: {  	[tilespmem:s28], [sflag:$0x2] =	stream.indirect.gather [hbm4b:s4+s20], $0x40, s12, s20, $0xb8;
	[tilespmem:$0x1F000] =	vst v63  }
0xdb: {  	s17 =	sadd.s32 $0x280, s5  }
0xdc: {  	[tilespmem:s30], [sflag:$0x2] =	stream.indirect.gather [hbm4b:s4+s20], $0x40, s17, s20, $0xb8;
	[tilespmem:$0x1F000] =	vst v63  }
0xdd: {  	s13 =	sadd.s32 $0x300, s5  }
0xde: {  	[tilespmem:s31], [sflag:$0x2] =	stream.indirect.gather [hbm4b:s4+s20], $0x40, s13, s20, $0xb8;
	[tilespmem:$0x1F000] =	vst v63  }
0xdf: {  	s14 =	sadd.s32 $0x380, s5  }
0xe0: {  	[tilespmem:s1], [sflag:$0x2] =	stream.indirect.gather [hbm4b:s4+s20], $0x40, s14, s20, $0xb8;
	[tilespmem:$0x1F000] =	vst v63  }
0xe1: {  	_ =	swait.ge [sflag:s19], $0x2000  }
0xe2: {  	[sflag:s19] =	ssyncset.done $0x0  }
0xe3: {  	s15 =	sadd.s32 $0x2800, s5;
	[sflag:s19] =	ssyncadd.s32 $0xFFFFE000  }
0xe4: {  	[spmem:s2] =	stream.indirect.scatter.add.f32 [tilespmem:s21], [sflag:$0x3], $0x40, s15, s20, $0xb8;
	[tilespmem:$0x1F000] =	vst v63  }
0xe5: {  	_ =	swait.ge [sflag:s19], $0x2000  }
0xe6: {  	[sflag:s19] =	ssyncset.done $0x0  }
0xe7: {  	s16 =	sadd.s32 $0x2880, s5;
	[sflag:s19] =	ssyncadd.s32 $0xFFFFE000  }
0xe8: {  	[spmem:s2] =	stream.indirect.scatter.add.f32 [tilespmem:s22], [sflag:$0x3], $0x40, s16, s20, $0xb8;
	[tilespmem:$0x1F000] =	vst v63  }
0xe9: {  	_ =	swait.ge [sflag:s19], $0x2000  }
0xea: {  	[sflag:s19] =	ssyncset.done $0x0  }
0xeb: {  	s17 =	sadd.s32 $0x2900, s5;
	[sflag:s19] =	ssyncadd.s32 $0xFFFFE000  }
0xec: {  	[spmem:s2] =	stream.indirect.scatter.add.f32 [tilespmem:s24], [sflag:$0x3], $0x40, s17, s20, $0xb8;
	[tilespmem:$0x1F000] =	vst v63  }
0xed: {  	_ =	swait.ge [sflag:s19], $0x2000  }
0xee: {  	[sflag:s19] =	ssyncset.done $0x0  }
0xef: {  	s13 =	sadd.s32 $0x2980, s5;
	[sflag:s19] =	ssyncadd.s32 $0xFFFFE000  }
0xf0: {  	[spmem:s2] =	stream.indirect.scatter.add.f32 [tilespmem:s26], [sflag:$0x3], $0x40, s13, s20, $0xb8;
	[tilespmem:$0x1F000] =	vst v63  }
0xf1: {  	_ =	swait.ge [sflag:s29], $0x2000  }
0xf2: {  	[sflag:s29] =	ssyncset.done $0x0  }
0xf3: {  	[sflag:s29] =	ssyncadd.s32 $0xFFFFE000  }
0xf4: {  	_ =	swait.ge [sflag:s29], $0x2000  }
0xf5: {  	[sflag:s29] =	ssyncset.done $0x0  }
0xf6: {  	[sflag:s29] =	ssyncadd.s32 $0xFFFFE000  }
0xf7: {  	_ =	swait.ge [sflag:s29], $0x2000  }
0xf8: {  	[sflag:s29] =	ssyncset.done $0x0  }
0xf9: {  	[sflag:s29] =	ssyncadd.s32 $0xFFFFE000  }
0xfa: {  	p0 =	seq.s32 s6, $0x9000;
	_ =	swait.ge [sflag:s29], $0x2000  }
0xfb: {  	s6 =	sshra.s32 @!p0 s6, $0x2;
	s12 =	simm.s32 @!p0 $0x5000;
	[sflag:s29] =	ssyncset.done $0x0  }
0xfc: {  	s14 =	simm.s32 @!p0 $0x80;
	s13 =	sadd.s32 @!p0 $0x400, s6;
	[sflag:s29] =	ssyncadd.s32 $0xFFFFE000  }
0xfd: {  	[tilespmem:s12], [sflag:$0x1] =	stream.indirect.gather @!p0 [hbm4b:s4+s14], $0x40, s13, s14, $0xb8;
	[tilespmem:$0x1F000] =	vst v63  }
0xfe: {  	s12 =	sadd.s32 @!p0 $0x480, s6;
	s13 =	simm.s32 @!p0 $0x7000  }
0xff: {  	[tilespmem:s13], [sflag:$0x1] =	stream.indirect.gather @!p0 [hbm4b:s4+s14], $0x40, s12, s14, $0xb8;
	[tilespmem:$0x1F000] =	vst v63  }
0x100: {  	s12 =	sadd.s32 @!p0 $0x500, s6;
	s13 =	simm.s32 @!p0 $0x9000  }
0x101: {  	[tilespmem:s13], [sflag:$0x1] =	stream.indirect.gather @!p0 [hbm4b:s4+s14], $0x40, s12, s14, $0xb8;
	[tilespmem:$0x1F000] =	vst v63  }
0x102: {  	s6 =	sadd.s32 @!p0 $0x580, s6;
	s12 =	simm.s32 @!p0 $0xB000  }
0x103: {  	[tilespmem:s12], [sflag:$0x1] =	stream.indirect.gather @!p0 [hbm4b:s4+s14], $0x40, s6, s14, $0xb8;
	[tilespmem:$0x1F000] =	vst v63  }
0x104: {  	_ =	swait.ge [sflag:s0], $0x2000  }
0x105: {  	[sflag:s0] =	ssyncset.done $0x0  }
0x106: {  	s14 =	sadd.s32 $0x2A00, s5;
	[sflag:s0] =	ssyncadd.s32 $0xFFFFE000  }
0x107: {  	[spmem:s2] =	stream.indirect.scatter.add.f32 [tilespmem:s28], [sflag:$0x4], $0x40, s14, s20, $0xb8;
	[tilespmem:$0x1F000] =	vst v63  }
0x108: {  	_ =	swait.ge [sflag:s0], $0x2000  }
0x109: {  	[sflag:s0] =	ssyncset.done $0x0  }
0x10a: {  	s15 =	sadd.s32 $0x2A80, s5;
	[sflag:s0] =	ssyncadd.s32 $0xFFFFE000  }
0x10b: {  	[spmem:s2] =	stream.indirect.scatter.add.f32 [tilespmem:s30], [sflag:$0x4], $0x40, s15, s20, $0xb8;
	[tilespmem:$0x1F000] =	vst v63  }
0x10c: {  	_ =	swait.ge [sflag:s0], $0x2000  }
0x10d: {  	[sflag:s0] =	ssyncset.done $0x0  }
0x10e: {  	s16 =	sadd.s32 $0x2B00, s5;
	[sflag:s0] =	ssyncadd.s32 $0xFFFFE000  }
0x10f: {  	[spmem:s2] =	stream.indirect.scatter.add.f32 [tilespmem:s31], [sflag:$0x4], $0x40, s16, s20, $0xb8;
	[tilespmem:$0x1F000] =	vst v63  }
0x110: {  	_ =	swait.ge [sflag:s0], $0x2000  }
0x111: {  	[sflag:s0] =	ssyncset.done $0x0  }
0x112: {  	s17 =	sadd.s32 $0x2B80, s5;
	[sflag:s0] =	ssyncadd.s32 $0xFFFFE000  }
0x113: {  	[spmem:s2] =	stream.indirect.scatter.add.f32 [tilespmem:s1], [sflag:$0x4], $0x40, s17, s20, $0xb8;
	[tilespmem:$0x1F000] =	vst v63  }
0x114: {  	_ =	swait.ge [sflag:s23], $0x2000  }
0x115: {  	[sflag:s23] =	ssyncset.done $0x0  }
0x116: {  	[sflag:s23] =	ssyncadd.s32 $0xFFFFE000  }
0x117: {  	_ =	swait.ge [sflag:s23], $0x2000  }
0x118: {  	[sflag:s23] =	ssyncset.done $0x0  }
0x119: {  	[sflag:s23] =	ssyncadd.s32 $0xFFFFE000  }
0x11a: {  	_ =	swait.ge [sflag:s23], $0x2000  }
0x11b: {  	[sflag:s23] =	ssyncset.done $0x0  }
0x11c: {  	[sflag:s23] =	ssyncadd.s32 $0xFFFFE000  }
0x11d: {  	_ =	swait.ge [sflag:s23], $0x2000  }
0x11e: {  	[sflag:s23] =	ssyncset.done $0x0  }
0x11f: {  	s6 =	stileid.u32;
	[sflag:s23] =	ssyncadd.s32 $0xFFFFE000  }
0x120: {  	s5 =	sshll.u32 s6, $0x6;
	[bflag:$0x0] =	sbarrier.arrive $0xFFFF  }
0x121: {  	s12 =	sshrl.u32 s7, $0x3;
	s5 =	sor.u32 $0x1C05, s5;
	s13 =	rddreg [dreg:$0x5]  }
0x122: {  	[hbm:s13], [sflag:s5] =	dma.local [spmem:s12], $0x400  }
0x123: {  	_ =	swait.ge [sflag:s18], $0x400  }
0x124: {  	[sflag:s18] =	ssyncset.done $0x0  }
0x125: {  	s14 =	sshrl.u32 s8, $0x3;
	s15 =	rddreg [dreg:$0x6];
	[sflag:s18] =	ssyncadd.s32 $0xFFFFFC00  }
0x126: {  	[hbm:s15], [sflag:s5] =	dma.local [spmem:s14], $0x400  }
0x127: {  	_ =	swait.ge [sflag:s18], $0x400  }
0x128: {  	[sflag:s18] =	ssyncset.done $0x0  }
0x129: {  	s16 =	sshrl.u32 s9, $0x3;
	s17 =	rddreg [dreg:$0x7];
	[sflag:s18] =	ssyncadd.s32 $0xFFFFFC00  }
0x12a: {  	[hbm:s17], [sflag:s5] =	dma.local [spmem:s16], $0x400  }
0x12b: {  	_ =	swait.ge [sflag:s18], $0x400  }
0x12c: {  	[sflag:s18] =	ssyncset.done $0x0  }
0x12d: {  	s13 =	sshrl.u32 s10, $0x3;
	s14 =	rddreg [dreg:$0x8];
	[sflag:s18] =	ssyncadd.s32 $0xFFFFFC00  }
0x12e: {  	[hbm:s14], [sflag:s5] =	dma.local [spmem:s13], $0x400  }
0x12f: {  	_ =	swait.ge [sflag:s18], $0x400  }
0x130: {  	[sflag:s18] =	ssyncset.done $0x0  }
0x131: {  	s15 =	sshrl.u32 s11, $0x3;
	s16 =	rddreg [dreg:$0x9];
	[sflag:s18] =	ssyncadd.s32 $0xFFFFFC00  }
0x132: {  	[hbm:s16], [sflag:s5] =	dma.local [spmem:s15], $0x400  }
0x133: {  	_ =	swait.ge [sflag:s18], $0x400  }
0x134: {  	s25 =	sadd.s32 $0x1, s25;
	s17 =	rddreg [dreg:$0xa]  }
0x135: {  	p0 =	sne.s32 s25, s17  }
.Ltmp2:
0x136: {  	_ = 	snop;
	(pc) =	sbr.rel @p0 .LBB2_1-.Ltmp2, $3  }
0x137: {  	_ =	sdelay $0x1  }
0x138: {  	[sflag:s18] =	ssyncset.done $0x0  }
0x139: {  	[sflag:s18] =	ssyncadd.s32 $0xFFFFFC00  }
0x13a: {  	_ =	sfence.sel $0x180000  }
0x13b: {  	[bflag:$0x0] =	sbarrier.arrive $0xFFFF  }
0x13c: {  	_ =	strace $0x9000004D  }
0x13d: {  	s0 =	stileid.u32;
	[bflag:$0x2] =	sbarrier.arrive $0xFFFF  }
0x13e: {  	p0 =	sne.s32 s0, $0x0;
	s0 =	rddreg [dreg:$0x2]  }
0x13f: {  	s0 =	sadd.s32 @!p0 $0x100000, s0  }
0x140: {  	[sflag:s0] =	ssyncadd.tile.s32 @!p0 $0x1;
	_ =	shalt  }
.Lfunc_end2:
_tile_overlayer_lowered:
.L_overlay_start_2:
0x141: {  	(tag) =	ssettag $0x2  }
0x142: {  	s0 =	rddreg [dreg:$0x0];
	s2 =	stileid.u32  }
0x143: {  	s1 =	rddreg [dreg:$0x1];
	p0 =	sne.s32 s2, $0x0  }
0x144: {  	s3 =	rddreg [dreg:$0x2];
	[bflag:$0x3] =	sbarrier.arrive $0xFFFF;
	s2 =	simm.s32 @!p0 $0x1C05  }
0x145: {  	[timem:s3], [sflag:s2] =	dma.local @!p0 [hbm:s0], s1  }
0x146: {  	s0 =	simm.s32 @!p0 $0x5  }
0x147: {  	_ =	swait.ge @!p0 [sflag:s0], s1  }
0x148: {  	s1 =	ssub.s32 @!p0 $0x0, s1;
	[sflag:s0] =	ssyncset.done @!p0 $0x0  }
0x149: {  	[sflag:s0] =	ssyncadd.s32 @!p0 s1  }
0x14a: {  	[bflag:$0x3] =	sbarrier.arrive $0xFFFF  }
0x14b: {  	_ =	shalt  }

// kernel: kernel.18.cloned.1.call-start
scs
__scs_entry_jumppad:
0x0: {  	(pc) =	sbr.rel $0x88, $3  }
0x1: {  	(tag) =	ssettag $0x0;
	lr =	simm.s32 $0x1  }
0x2: {  	[smem:$0x3F9B] =	sst lr;
	_ =	strace $0xD0000000  }
0x3: {  	_ = 	snop  }
0x4: {  	_ = 	snop  }
0x5: {  	_ = 	snop  }
0x6: {  	_ = 	snop  }
0x7: {  	_ = 	snop  }
__scs_overlays_trampoline_lowered:
0x8: {  	[smem:$0x3FAA] =	sst s0  }
0x9: {  	[smem:$0x3FAB] =	sst s1  }
0xa: {  	[smem:$0x3FAC] =	sst s2  }
0xb: {  	[smem:$0x3FAD] =	sst s3  }
0xc: {  	[smem:$0x3FAE] =	sst s4  }
0xd: {  	[smem:$0x3FAF] =	sst s5  }
0xe: {  	[smem:$0x3FB0] =	sst s6  }
0xf: {  	[smem:$0x3FB1] =	sst s7  }
0x10: {  	[smem:$0x3FB2] =	sst s8  }
0x11: {  	[smem:$0x3FB3] =	sst s9;
	s0 =	simm.s32 @!p0 $0x0  }
0x12: {  	s1 =	sld [smem:$0x3F99];
	s0 =	simm.s32 @p0 $0x1  }
0x13: {  	[smem:$0x3FB4] =	sst s0;
	s0 =	simm.s32 @!p1 $0x0  }
0x14: {  	s2 =	sld [smem:$0x3F98];
	s0 =	simm.s32 @p1 $0x1  }
0x15: {  	[smem:$0x3FB5] =	sst s0;
	s0 =	simm.s32 @!p2 $0x0  }
0x16: {  	s3 =	sld [smem:$0x3FDB];
	s0 =	simm.s32 @p2 $0x1  }
0x17: {  	s4 =	simm.s32 $0x1BF5;
	[smem:$0x3FB7] =	sst s0  }
0x18: {  	s0 =	sld [smem:$0x3F9A];
	_ =	swait.ge [sflag:s4], $0x0  }
0x19: {  	s7 =	sld [smem:$0x3F9B]  }
0x1a: {  	s8 =	sadd.s32 $0xFFFFE003, lr  }
0x1b: {  	s9 =	sadd.s32 $0xFFFFFEF7, lr;
	s5 =	simm.s32 $0xFFFFFFFF;
	p2 =	slt.u32 s8, $0xFFFFF086  }
0x1c: {  	p1 =	slt.u32 s9, $0xF7A;
	s5 =	simm.s32 @!p2 $0x0  }
0x1d: {  	s5 =	simm.s32 @p1 $0x1;
	p0 =	seq.s32 s7, s2  }
0x1e: {  	s7 =	smul.u32 @!p0 $0xF7A, s2;
	p2 =	seq.s32 @!p0 s5, $0x0  }
0x1f: {  	s9 =	smul.u32 $0xF7A, s1;
	s8 =	simm.s32 @!p0 $0x1BF5;
	p2 =	por !p2, p0  }
0x20: {  	[sflag:s8] =	ssyncset.s32 @!p0 $0xFFFFF086;
	s6 =	sadd.s32 @!p0 s3, s7;
	s7 =	simm.s32 @!p0 $0x108  }
0x21: {  	s3 =	sadd.s32 s3, s9;
	s6 =	sadd.s32 @!p0 $0x88, s6;
	s7 =	simm.s32 @p2 $0x1082  }
0x22: {  	[simem:s7], [sflag:s8] =	dma.local @!p0 [hbm:s6], $0xF7A  }
0x23: {  	s9 =	sor.u32 $0xD0000000, s2;
	s6 =	simm.s32 $0x108;
	_ =	swait.ge @!p0 [sflag:s8], $0x0  }
0x24: {  	s3 =	sadd.s32 $0x88, s3;
	s6 =	simm.s32 @!p1 $0x1082;
	[sflag:s4] =	ssyncset.s32 $0xFFFFF086  }
0x25: {  	[simem:s6], [sflag:s4] =	dma.local [hbm:s3], $0xF7A  }
0x26: {  	[smem:$0x3F9B] =	sst s1;
	(tag) =	ssettag s2;
	_ =	strace s9  }
0x27: {  	s1 =	sld [smem:$0x3FAB]  }
0x28: {  	s2 =	sld [smem:$0x3FAC]  }
0x29: {  	s4 =	sld [smem:$0x3FAE]  }
0x2a: {  	p0 =	seq.s32 s5, $0x0;
	s5 =	sld [smem:$0x3FAF]  }
0x2b: {  	s6 =	sld [smem:$0x3FB0]  }
0x2c: {  	s7 =	sld [smem:$0x3FB1]  }
0x2d: {  	s3 =	simm.s32 $0x108;
	s8 =	sld [smem:$0x3FB2]  }
0x2e: {  	s3 =	simm.s32 @!p0 $0x1082;
	s9 =	sld [smem:$0x3FB3]  }
0x2f: {  	lr =	sadd.s32 s0, s3;
	s0 =	sld [smem:$0x3FAA]  }
0x30: {  	s3 =	sld [smem:$0x3FAD]  }
0x31: {  	[smem:$0x3FB6] =	sst s10  }
0x32: {  	s10 =	sld [smem:$0x3FB4];
	_ =	sdelay $0x3  }
0x33: {  	p0 =	seq.s32 s10, $0x1;
	s10 =	sld [smem:$0x3FB6];
	_ =	sdelay $0x3  }
0x34: {  	[smem:$0x3FB6] =	sst s10  }
0x35: {  	s10 =	sld [smem:$0x3FB5];
	_ =	sdelay $0x3  }
0x36: {  	p1 =	seq.s32 s10, $0x1;
	s10 =	sld [smem:$0x3FB6];
	_ =	sdelay $0x3  }
0x37: {  	[smem:$0x3FB6] =	sst s10  }
0x38: {  	s10 =	sld [smem:$0x3FB7]  }
0x39: {  	_ = 	snop;
	(pc) =	sbr.ind lr, $3  }
0x3a: {  	_ = 	snop  }
0x3b: {  	_ = 	snop  }
0x3c: {  	p2 =	seq.s32 s10, $0x1;
	s10 =	sld [smem:$0x3FB6]  }
0x3d: {  	_ =	shalt  }
0x3e: {  	_ =	shalt  }
0x3f: {  	_ =	shalt  }
0x40: {  	_ =	shalt  }
0x41: {  	_ =	shalt  }
0x42: {  	_ =	shalt  }
0x43: {  	_ =	shalt  }
0x44: {  	_ =	shalt  }
0x45: {  	_ =	shalt  }
0x46: {  	_ =	shalt  }
0x47: {  	_ =	shalt  }
0x48: {  	_ =	shalt  }
0x49: {  	_ =	shalt  }
0x4a: {  	_ =	shalt  }
0x4b: {  	_ =	shalt  }
0x4c: {  	_ =	shalt  }
0x4d: {  	_ =	shalt  }
0x4e: {  	_ =	shalt  }
0x4f: {  	_ =	shalt  }
0x50: {  	_ =	shalt  }
0x51: {  	_ =	shalt  }
0x52: {  	_ =	shalt  }
0x53: {  	_ =	shalt  }
0x54: {  	_ =	shalt  }
0x55: {  	_ =	shalt  }
0x56: {  	_ =	shalt  }
0x57: {  	_ =	shalt  }
0x58: {  	_ =	shalt  }
0x59: {  	_ =	shalt  }
0x5a: {  	_ =	shalt  }
0x5b: {  	_ =	shalt  }
0x5c: {  	_ =	shalt  }
0x5d: {  	_ =	shalt  }
0x5e: {  	_ =	shalt  }
0x5f: {  	_ =	shalt  }
0x60: {  	_ =	shalt  }
0x61: {  	_ =	shalt  }
0x62: {  	_ =	shalt  }
0x63: {  	_ =	shalt  }
0x64: {  	_ =	shalt  }
0x65: {  	_ =	shalt  }
0x66: {  	_ =	shalt  }
0x67: {  	_ =	shalt  }
0x68: {  	_ =	shalt  }
0x69: {  	_ =	shalt  }
0x6a: {  	_ =	shalt  }
0x6b: {  	_ =	shalt  }
0x6c: {  	_ =	shalt  }
0x6d: {  	_ =	shalt  }
0x6e: {  	_ =	shalt  }
0x6f: {  	_ =	shalt  }
0x70: {  	_ =	shalt  }
0x71: {  	_ =	shalt  }
0x72: {  	_ =	shalt  }
0x73: {  	_ =	shalt  }
0x74: {  	_ =	shalt  }
0x75: {  	_ =	shalt  }
0x76: {  	_ =	shalt  }
0x77: {  	_ =	shalt  }
0x78: {  	_ =	shalt  }
0x79: {  	_ =	shalt  }
0x7a: {  	_ =	shalt  }
0x7b: {  	_ =	shalt  }
0x7c: {  	_ =	shalt  }
0x7d: {  	_ =	shalt  }
0x7e: {  	_ =	shalt  }
0x7f: {  	_ =	shalt  }
0x80: {  	_ =	shalt  }
0x81: {  	_ =	shalt  }
0x82: {  	_ =	shalt  }
0x83: {  	_ =	shalt  }
0x84: {  	_ =	shalt  }
0x85: {  	_ =	shalt  }
0x86: {  	_ =	shalt  }
0x87: {  	_ =	shalt  }
.Lfunc_end0:
.L_simem_size_0:
called_computation.3_lowered:
.L_overlay_start_0:
0x88: {  	s2 =	sld [smem:$0x3FD9]  }
0x89: {  	s3 =	sld [smem:$0x3FFE];
	_ =	sdelay $0x1  }
0x8a: {  	s1 =	srdreg.scid  }
0x8b: {  	s0 =	sand.u32 $0x1, s1  }
0x8c: {  	s16 =	sshll.u32 s0, $0xA;
	s2 =	sadd.s32 s3, s2  }
0x8d: {  	s2 =	sadd.s32 s2, s16  }
0x8e: {  	[smem:$0x3FC2] =	sst s2  }
0x8f: {  	_ = 	snop  }
0x90: {  	(tm) =	ssettm $0x1  }
0x91: {  	s17 =	sld [smem:$0x3FFB];
	_ =	sdelay $0x3  }
0x92: {  	_ =	strace s17  }
0x93: {  	s2 =	sld [smem:$0x3FFC];
	_ =	sdelay $0x3  }
0x94: {  	_ =	strace s2  }
0x95: {  	s2 =	sld [smem:$0x3FFD];
	_ =	sdelay $0x3  }
0x96: {  	_ =	strace s2  }
0x97: {  	_ =	strace $0x8FFFFFFF  }
0x98: {  	s18 =	sld [smem:$0x3FDB];
	_ =	sdelay $0x1  }
0x99: {  	s19 =	simm.s32 $_scs_section_size  }
0x9a: {  	s4 =	simm.s32 $_size__tile_overlayer_lowered;
	s5 =	simm.s32 $_tile_overlayer_lowered  }
0x9b: {  	s22 =	simm.s32 $0x1BFF;
	s21 =	sshll.u32 s5, $0x1;
	s2 =	sadd.s32 s19, s18  }
0x9c: {  	s6 =	simm.s32 $0x0;
	s20 =	sshll.u32 s4, $0x1;
	s4 =	sadd.s32 s21, s2  }
0x9d: {  	[timem:s6], [sflag:s22] =	dma.local [hbm:s4], s20  }
0x9e: {  	_ =	swait.ge [sflag:s22], s20  }
0x9f: {  	s3 =	ssub.s32 $0x0, s20;
	[sflag:s22] =	ssyncset.done $0x0  }
0xa0: {  	[sflag:s22] =	ssyncadd.s32 s3;
	_ =	sdelay $0x1  }
0xa1: {  	s23 =	simm.s32 $0x1B8B  }
0xa2: {  	_ =	swait.ge [sflag:s23], $0x1  }
0xa3: {  	[sflag:s23] =	ssyncset.done $0x0  }
0xa4: {  	s25 =	simm.s32 $0x1B8E;
	s24 =	sld [smem:$0x3FFE];
	[sflag:s23] =	ssyncadd.s32 $0xFFFFFFFF  }
0xa5: {  	s26 =	simm.s32 $execute0_lowered;
	[smem:$0x3FD2] =	sst s25  }
0xa6: {  	s4 =	sshll.u32 s26, $0x1;
	_ =	strace $0x8000004F;
	[dreg:$0x1] =	wrdreg $0xFFFFFFFF  }
0xa7: {  	s28 =	simm.s32 $_size_execute0_lowered;
	s2 =	sadd.s32 s2, s4;
	[dreg:$0x0] =	wrdreg $0x0  }
0xa8: {  	s4 =	sshll.u32 s28, $0x1;
	[dreg:$0x2] =	wrdreg s2  }
0xa9: {  	[dreg:$0x3] =	wrdreg s4  }
0xaa: {  	[dreg:$0x4] =	wrdreg $0xC0  }
0xab: {  	_ =	task [dreg:s6], $0x5FFFF  }
0xac: {  	[dreg:$0x1] =	wrdreg $0xFFFFFFFF  }
0xad: {  	[dreg:$0x0] =	wrdreg $0x60  }
0xae: {  	[dreg:$0x2] =	wrdreg s24  }
0xaf: {  	[dreg:$0x3] =	wrdreg $0x150000  }
0xb0: {  	[dreg:$0x4] =	wrdreg $0x9  }
0xb1: {  	_ =	task.clear_ibuf [dreg:s6], $0x5FFFF;
	_ =	strace $0x9000004F  }
0xb2: {  	s29 =	simm.s32 $0x9;
	_ =	strace $0x80000051  }
0xb3: {  	_ =	swait.ge [sflag:s29], $0x1  }
0xb4: {  	[sflag:s29] =	ssyncadd.s32 $0xFFFFFFFF  }
0xb5: {  	_ =	strace $0x90000051  }
0xb6: {  	_ =	sfence  }
0xb7: {  	s30 =	sld [smem:$0x0];
	_ =	sdelay $0x2  }
0xb8: {  	s31 =	sshll.u32 s1, $0xD;
	s1 =	sshrl.u32 s1, $0x2  }
0xb9: {  	s3 =	sand.u32 $0x4000, s31;
	s1 =	sadd.s32 s1, s30  }
0xba: {  	s0 =	sor.u32 s3, s0;
	s1 =	sshll.u32 s1, $0x11  }
0xbb: {  	s0 =	sor.u32 s1, s0  }
0xbc: {  	s0 =	sadd.s32 $0x8F2B, s0  }
0xbd: {  	[sflag:s0] =	ssyncadd.remote.s32 $0x1  }
0xbe: {  	_ =	sfence.sel $0xFFFF  }
0xbf: {  	[dreg:$0x0] =	wrdreg $0xFFFFFFFF;
	(pc) =	sbr.abs _section_cstart, $3  }
0xc0: {  	[dreg:$0x1] =	wrdreg $0xFFFFFFFF  }
0xc1: {  	_ =	task.clear_ibuf [dreg:s6], $0x2FFFF;
	_ =	strace $0x9FFFFFFF  }
0xc2: {  	(tm) =	ssettm $0x7FFFFFFF  }
0xc3: {  	_ =	shalt  }
tec
execute0_lowered:
.L_overlay_start_1:
0x0: {  	(tag) =	ssettag $0x1  }
0x1: {  	s0 =	rddreg [dreg:$0x0]  }
0x2: {  	s1 =	srdreg.scid;
	s8 =	stileid.u32  }
0x3: {  	s2 =	rddreg [dreg:$0x1];
	s3 =	simm.s32 $0x0;
	s18 =	simm.s32 $0x5  }
0x4: {  	s28 =	simm.s32 $0xD000;
	s29 =	simm.s32 $0x3;
	s30 =	simm.s32 $0xF000  }
0x5: {  	s31 =	simm.s32 $0x11000;
	s1 =	sand.u32 $0x1, s1;
	s11 =	smul.u32 $0x280, s8  }
0x6: {  	s4 =	sshll.u32 s8, $0x1;
	[smem:$0x7FF] =	sst s3;
	s8 =	smul.u32 $0x28000, s8  }
0x7: {  	s4 =	sor.u32 s1, s4;
	s6 =	ssub.s32 $0x2, s1;
	s1 =	smul.u32 $0x2800, s1  }
0x8: {  	_ =	strace $0x80000050;
	s5 =	smul.u32 $0x500, s4;
	s4 =	sadd.s32 $0x2000, s0  }
0x9: {  	s7 =	sshrl.u32 s6, $0x1;
	s20 =	sshrl.u32 s8, $0x2;
	s12 =	sadd.s32 $0x80, s11  }
0xa: {  	s22 =	sadd.s32 $0x100, s11;
	s13 =	sadd.s32 $0x180, s11;
	s14 =	sadd.s32 $0x200, s11  }
0xb: {  	s6 =	ssub.s32 s6, s7;
	s7 =	sadd.s32 s20, s2;
	s21 =	sshll.u32 s12, $0x6  }
0xc: {  	s9 =	sshll.u32 s22, $0x6;
	s10 =	sshll.u32 s13, $0x6;
	s15 =	sshll.u32 s14, $0x6  }
0xd: {  	s16 =	sadd.s32 s11, s1;
	s12 =	sadd.s32 s1, s12;
	s24 =	sadd.s32 s1, s13  }
0xe: {  	s20 =	simm.s32 $0x80;
	s5 =	sadd.s32 s5, s0;
	s0 =	sadd.s32 $0x2AA00, s0  }
0xf: {  	s8 =	sadd.s32 s21, s2;
	s9 =	sadd.s32 s9, s2;
	s10 =	sadd.s32 s10, s2  }
0x10: {  	s11 =	sadd.s32 s15, s2;
	s23 =	sshll.u32 s16, $0x3;
	s12 =	sshll.u32 s12, $0x3  }
0x11: {  	s25 =	sshll.u32 s24, $0x3;
	s26 =	smax.u32 s6, $0x1;
	s21 =	simm.s32 $0x5000  }
0x12: {  	s24 =	simm.s32 $0x9000;
	s19 =	sadd.s32 $0x16A00, s5;
	[dreg:$0xa] =	wrdreg s26  }
0x13: {  	s5 =	sadd.s32 $0x20A00, s5;
	s15 =	sadd.s32 s0, s23;
	[dreg:$0x3] =	wrdreg s19  }
0x14: {  	s12 =	sadd.s32 s0, s12;
	s26 =	simm.s32 $0xB000;
	[dreg:$0x4] =	wrdreg s5  }
0x15: {  	s23 =	simm.s32 $0x4;
	[dreg:$0x5] =	wrdreg s15;
	s5 =	sadd.s32 s1, s22  }
0x16: {  	[dreg:$0x6] =	wrdreg s12;
	s1 =	sadd.s32 s1, s14;
	s5 =	sshll.u32 s5, $0x3  }
0x17: {  	s22 =	simm.s32 $0x7000;
	s19 =	simm.s32 $0x1;
	s5 =	sadd.s32 s0, s5  }
0x18: {  	s1 =	sshll.u32 s1, $0x3;
	[dreg:$0x7] =	wrdreg s5;
	s5 =	sadd.s32 s0, s25  }
0x19: {  	s0 =	sadd.s32 s0, s1;
	s1 =	simm.s32 $0x13000;
	[dreg:$0x8] =	wrdreg s5  }
0x1a: {  	v0 =	vimm.f32 $0.0e+00;
	s25 =	simm.s32 $0x0;
	[dreg:$0x9] =	wrdreg s0;
	s0 =	simm.s32 $0x2  }
.LBB2_1:
0x1b: {  	s5 =	rddreg [dreg:$0x3]  }
0x1c: {  	[tilespmem:s3], [sflag:$0x5] =	stream.linear.gather [hbm4b:s5+s3], $0x2800, $0x38;
	[tilespmem:$0x1F000] =	vst v63  }
0x1d: {  	_ =	swait.ge [sflag:s18], $0x2800  }
0x1e: {  	[sflag:s18] =	ssyncset.done $0x0  }
0x1f: {  	s6 =	simm.s32 $0x2800;
	s15 =	rddreg [dreg:$0x4];
	[sflag:s18] =	ssyncadd.s32 $0xFFFFD800  }
0x20: {  	[tilespmem:s6], [sflag:$0x5] =	stream.linear.gather [hbm4b:s15+s3], $0x2800, $0x38;
	[tilespmem:$0x1F000] =	vst v63  }
0x21: {  	_ =	swait.ge [sflag:s18], $0x2800  }
0x22: {  	[sflag:s18] =	ssyncset.done $0x0  }
0x23: {  	[sflag:s18] =	ssyncadd.s32 $0xFFFFD800  }
0x24: {  	[tilespmem:s21], [sflag:$0x1] =	stream.indirect.gather [hbm4b:s4+s20], $0x40, s3, s20, $0xb8;
	[tilespmem:$0x1F000] =	vst v63  }
0x25: {  	_ = 	snop  }
0x26: {  	[tilespmem:s22], [sflag:$0x1] =	stream.indirect.gather [hbm4b:s4+s20], $0x40, s20, s20, $0xb8;
	[tilespmem:$0x1F000] =	vst v63  }
0x27: {  	s16 =	simm.s32 $0x100  }
0x28: {  	[tilespmem:s24], [sflag:$0x1] =	stream.indirect.gather [hbm4b:s4+s20], $0x40, s16, s20, $0xb8;
	[tilespmem:$0x1F000] =	vst v63  }
0x29: {  	s17 =	simm.s32 $0x180;
	s5 =	simm.s32 $0x0;
	s6 =	simm.s32 $0x100  }
0x2a: {  	[tilespmem:s26], [sflag:$0x1] =	stream.indirect.gather [hbm4b:s4+s20], $0x40, s17, s20, $0xb8;
	[tilespmem:$0x1F000] =	vst v63  }
.LBB2_2:
0x2b: {  	p0 =	sne.s32 s6, $0x7F00;
	[tilespmem:s5+$0xD030] =	vst v0;
	s12 =	smov.u32 s6;
	s6 =	sadd.s32 $0x100, s6  }
.Ltmp0:
0x2c: {  	[tilespmem:s5+$0xD020] =	vst v0;
	(pc) =	sbr.rel @p0 .LBB2_2-.Ltmp0, $3  }
0x2d: {  	[tilespmem:s5+$0xD000] =	vst v0  }
0x2e: {  	[tilespmem:s5+$0xD010] =	vst v0;
	_ =	sdelay $0x1  }
0x2f: {  	s5 =	sshra.s32 s12, $0x2  }
0x30: {  	[tilespmem:s5+$0xD030] =	vst v0  }
0x31: {  	[tilespmem:s5+$0xD020] =	vst v0  }
0x32: {  	[tilespmem:s5+$0xD000] =	vst v0  }
0x33: {  	[tilespmem:s5+$0xD010] =	vst v0  }
0x34: {  	[spmem:s7] =	stream.linear.scatter [tilespmem:s28], [sflag:$0x3], $0x2000, $0x38;
	[tilespmem:$0x1F000] =	vst v63  }
0x35: {  	_ = 	snop  }
0x36: {  	[spmem:s8] =	stream.linear.scatter [tilespmem:s28], [sflag:$0x3], $0x2000, $0x38;
	[tilespmem:$0x1F000] =	vst v63  }
0x37: {  	_ = 	snop  }
0x38: {  	[spmem:s9] =	stream.linear.scatter [tilespmem:s28], [sflag:$0x3], $0x2000, $0x38;
	[tilespmem:$0x1F000] =	vst v63  }
0x39: {  	_ = 	snop  }
0x3a: {  	[spmem:s10] =	stream.linear.scatter [tilespmem:s28], [sflag:$0x3], $0x2000, $0x38;
	[tilespmem:$0x1F000] =	vst v63  }
0x3b: {  	_ = 	snop  }
0x3c: {  	[spmem:s11] =	stream.linear.scatter [tilespmem:s28], [sflag:$0x3], $0x2000, $0x38;
	[tilespmem:$0x1F000] =	vst v63  }
0x3d: {  	_ =	swait.ge [sflag:s29], $0x2000  }
0x3e: {  	[sflag:s29] =	ssyncset.done $0x0  }
0x3f: {  	[sflag:s29] =	ssyncadd.s32 $0xFFFFE000  }
0x40: {  	_ =	swait.ge [sflag:s29], $0x2000  }
0x41: {  	[sflag:s29] =	ssyncset.done $0x0  }
0x42: {  	[sflag:s29] =	ssyncadd.s32 $0xFFFFE000  }
0x43: {  	_ =	swait.ge [sflag:s29], $0x2000  }
0x44: {  	[sflag:s29] =	ssyncset.done $0x0  }
0x45: {  	[sflag:s29] =	ssyncadd.s32 $0xFFFFE000  }
0x46: {  	_ =	swait.ge [sflag:s29], $0x2000  }
0x47: {  	[sflag:s29] =	ssyncset.done $0x0  }
0x48: {  	[sflag:s29] =	ssyncadd.s32 $0xFFFFE000  }
0x49: {  	_ =	swait.ge [sflag:s29], $0x2000  }
0x4a: {  	[sflag:s29] =	ssyncset.done $0x0  }
0x4b: {  	[sflag:s29] =	ssyncadd.s32 $0xFFFFE000  }
0x4c: {  	s13 =	simm.s32 $0x200;
	[bflag:$0x0] =	sbarrier.arrive $0xFFFF  }
0x4d: {  	[tilespmem:s28], [sflag:$0x2] =	stream.indirect.gather [hbm4b:s4+s20], $0x40, s13, s20, $0xb8;
	[tilespmem:$0x1F000] =	vst v63  }
0x4e: {  	s14 =	simm.s32 $0x280  }
0x4f: {  	[tilespmem:s30], [sflag:$0x2] =	stream.indirect.gather [hbm4b:s4+s20], $0x40, s14, s20, $0xb8;
	[tilespmem:$0x1F000] =	vst v63  }
0x50: {  	s15 =	simm.s32 $0x300  }
0x51: {  	[tilespmem:s31], [sflag:$0x2] =	stream.indirect.gather [hbm4b:s4+s20], $0x40, s15, s20, $0xb8;
	[tilespmem:$0x1F000] =	vst v63  }
0x52: {  	s16 =	simm.s32 $0x380  }
0x53: {  	[tilespmem:s1], [sflag:$0x2] =	stream.indirect.gather [hbm4b:s4+s20], $0x40, s16, s20, $0xb8;
	[tilespmem:$0x1F000] =	vst v63  }
0x54: {  	_ =	swait.ge [sflag:s19], $0x2000  }
0x55: {  	[sflag:s19] =	ssyncset.done $0x0  }
0x56: {  	s17 =	simm.s32 $0x2800;
	[sflag:s19] =	ssyncadd.s32 $0xFFFFE000  }
0x57: {  	[spmem:s2] =	stream.indirect.scatter.add.f32 [tilespmem:s21], [sflag:$0x3], $0x40, s17, s20, $0xb8;
	[tilespmem:$0x1F000] =	vst v63  }
0x58: {  	_ =	swait.ge [sflag:s19], $0x2000  }
0x59: {  	[sflag:s19] =	ssyncset.done $0x0  }
0x5a: {  	s6 =	simm.s32 $0x2880;
	[sflag:s19] =	ssyncadd.s32 $0xFFFFE000  }
0x5b: {  	[spmem:s2] =	stream.indirect.scatter.add.f32 [tilespmem:s22], [sflag:$0x3], $0x40, s6, s20, $0xb8;
	[tilespmem:$0x1F000] =	vst v63  }
0x5c: {  	_ =	swait.ge [sflag:s19], $0x2000  }
0x5d: {  	[sflag:s19] =	ssyncset.done $0x0  }
0x5e: {  	s12 =	simm.s32 $0x2900;
	[sflag:s19] =	ssyncadd.s32 $0xFFFFE000  }
0x5f: {  	[spmem:s2] =	stream.indirect.scatter.add.f32 [tilespmem:s24], [sflag:$0x3], $0x40, s12, s20, $0xb8;
	[tilespmem:$0x1F000] =	vst v63  }
0x60: {  	_ =	swait.ge [sflag:s19], $0x2000  }
0x61: {  	[sflag:s19] =	ssyncset.done $0x0  }
0x62: {  	s13 =	simm.s32 $0x2980;
	[sflag:s19] =	ssyncadd.s32 $0xFFFFE000  }
0x63: {  	[spmem:s2] =	stream.indirect.scatter.add.f32 [tilespmem:s26], [sflag:$0x3], $0x40, s13, s20, $0xb8;
	[tilespmem:$0x1F000] =	vst v63  }
0x64: {  	_ =	swait.ge [sflag:s29], $0x2000  }
0x65: {  	[sflag:s29] =	ssyncset.done $0x0  }
0x66: {  	[sflag:s29] =	ssyncadd.s32 $0xFFFFE000  }
0x67: {  	_ =	swait.ge [sflag:s29], $0x2000  }
0x68: {  	[sflag:s29] =	ssyncset.done $0x0  }
0x69: {  	[sflag:s29] =	ssyncadd.s32 $0xFFFFE000  }
0x6a: {  	_ =	swait.ge [sflag:s29], $0x2000  }
0x6b: {  	[sflag:s29] =	ssyncset.done $0x0  }
0x6c: {  	[sflag:s29] =	ssyncadd.s32 $0xFFFFE000  }
0x6d: {  	p0 =	por $0x0, $0x0;
	_ =	swait.ge [sflag:s29], $0x2000  }
0x6e: {  	s5 =	simm.s32 @!p0 $0x5000;
	[sflag:s29] =	ssyncset.done $0x0  }
0x6f: {  	s6 =	simm.s32 @!p0 $0x400;
	s12 =	simm.s32 @!p0 $0x80;
	[sflag:s29] =	ssyncadd.s32 $0xFFFFE000  }
0x70: {  	[tilespmem:s5], [sflag:$0x1] =	stream.indirect.gather @!p0 [hbm4b:s4+s12], $0x40, s6, s12, $0xb8;
	[tilespmem:$0x1F000] =	vst v63  }
0x71: {  	s5 =	simm.s32 @!p0 $0x480;
	s6 =	simm.s32 @!p0 $0x7000  }
0x72: {  	[tilespmem:s6], [sflag:$0x1] =	stream.indirect.gather @!p0 [hbm4b:s4+s12], $0x40, s5, s12, $0xb8;
	[tilespmem:$0x1F000] =	vst v63  }
0x73: {  	s5 =	simm.s32 @!p0 $0x500;
	s6 =	simm.s32 @!p0 $0x9000  }
0x74: {  	[tilespmem:s6], [sflag:$0x1] =	stream.indirect.gather @!p0 [hbm4b:s4+s12], $0x40, s5, s12, $0xb8;
	[tilespmem:$0x1F000] =	vst v63  }
0x75: {  	s5 =	simm.s32 @!p0 $0x580;
	s6 =	simm.s32 @!p0 $0xB000  }
0x76: {  	[tilespmem:s6], [sflag:$0x1] =	stream.indirect.gather @!p0 [hbm4b:s4+s12], $0x40, s5, s12, $0xb8;
	[tilespmem:$0x1F000] =	vst v63  }
0x77: {  	_ =	swait.ge [sflag:s0], $0x2000  }
0x78: {  	[sflag:s0] =	ssyncset.done $0x0  }
0x79: {  	s14 =	simm.s32 $0x2A00;
	[sflag:s0] =	ssyncadd.s32 $0xFFFFE000  }
0x7a: {  	[spmem:s2] =	stream.indirect.scatter.add.f32 [tilespmem:s28], [sflag:$0x4], $0x40, s14, s20, $0xb8;
	[tilespmem:$0x1F000] =	vst v63  }
0x7b: {  	_ =	swait.ge [sflag:s0], $0x2000  }
0x7c: {  	[sflag:s0] =	ssyncset.done $0x0  }
0x7d: {  	s15 =	simm.s32 $0x2A80;
	[sflag:s0] =	ssyncadd.s32 $0xFFFFE000  }
0x7e: {  	[spmem:s2] =	stream.indirect.scatter.add.f32 [tilespmem:s30], [sflag:$0x4], $0x40, s15, s20, $0xb8;
	[tilespmem:$0x1F000] =	vst v63  }
0x7f: {  	_ =	swait.ge [sflag:s0], $0x2000  }
0x80: {  	[sflag:s0] =	ssyncset.done $0x0  }
0x81: {  	s16 =	simm.s32 $0x2B00;
	[sflag:s0] =	ssyncadd.s32 $0xFFFFE000  }
0x82: {  	[spmem:s2] =	stream.indirect.scatter.add.f32 [tilespmem:s31], [sflag:$0x4], $0x40, s16, s20, $0xb8;
	[tilespmem:$0x1F000] =	vst v63  }
0x83: {  	_ =	swait.ge [sflag:s0], $0x2000  }
0x84: {  	[sflag:s0] =	ssyncset.done $0x0  }
0x85: {  	s17 =	simm.s32 $0x2B80;
	[sflag:s0] =	ssyncadd.s32 $0xFFFFE000  }
0x86: {  	[spmem:s2] =	stream.indirect.scatter.add.f32 [tilespmem:s1], [sflag:$0x4], $0x40, s17, s20, $0xb8;
	[tilespmem:$0x1F000] =	vst v63  }
0x87: {  	_ =	swait.ge [sflag:s23], $0x2000  }
0x88: {  	[sflag:s23] =	ssyncset.done $0x0  }
0x89: {  	[sflag:s23] =	ssyncadd.s32 $0xFFFFE000  }
0x8a: {  	_ =	swait.ge [sflag:s23], $0x2000  }
0x8b: {  	[sflag:s23] =	ssyncset.done $0x0  }
0x8c: {  	[sflag:s23] =	ssyncadd.s32 $0xFFFFE000  }
0x8d: {  	_ =	swait.ge [sflag:s23], $0x2000  }
0x8e: {  	[sflag:s23] =	ssyncset.done $0x0  }
0x8f: {  	[sflag:s23] =	ssyncadd.s32 $0xFFFFE000  }
0x90: {  	s6 =	simm.s32 $0x1000;
	_ =	swait.ge [sflag:s23], $0x2000  }
0x91: {  	s12 =	simm.s32 $0x2000;
	s5 =	simm.s32 $0x400;
	[sflag:s23] =	ssyncset.done $0x0  }
.LBB2_4:
0x92: {  	s14 =	sadd.s32 $0x200, s5  }
0x93: {  	[sflag:s23] =	ssyncadd.s32 $0xFFFFE000;
	s13 =	smov.u32 s12;
	s12 =	sadd.s32 $0x1000, s12  }
0x94: {  	[tilespmem:s28], [sflag:$0x2] =	stream.indirect.gather [hbm4b:s4+s20], $0x40, s14, s20, $0xb8;
	[tilespmem:$0x1F000] =	vst v63  }
0x95: {  	p0 =	sne.s32 s12, $0xA000;
	s14 =	sadd.s32 $0x280, s5  }
0x96: {  	[tilespmem:s30], [sflag:$0x2] =	stream.indirect.gather [hbm4b:s4+s20], $0x40, s14, s20, $0xb8;
	[tilespmem:$0x1F000] =	vst v63  }
0x97: {  	s14 =	sadd.s32 $0x300, s5  }
0x98: {  	[tilespmem:s31], [sflag:$0x2] =	stream.indirect.gather [hbm4b:s4+s20], $0x40, s14, s20, $0xb8;
	[tilespmem:$0x1F000] =	vst v63  }
0x99: {  	s14 =	sadd.s32 $0x380, s5  }
0x9a: {  	[tilespmem:s1], [sflag:$0x2] =	stream.indirect.gather [hbm4b:s4+s20], $0x40, s14, s20, $0xb8;
	[tilespmem:$0x1F000] =	vst v63  }
0x9b: {  	_ =	swait.ge [sflag:s19], $0x2000  }
0x9c: {  	[sflag:s19] =	ssyncset.done $0x0  }
0x9d: {  	s14 =	sadd.s32 $0x2800, s5;
	[sflag:s19] =	ssyncadd.s32 $0xFFFFE000  }
0x9e: {  	[spmem:s2] =	stream.indirect.scatter.add.f32 [tilespmem:s21], [sflag:$0x3], $0x40, s14, s20, $0xb8;
	[tilespmem:$0x1F000] =	vst v63  }
0x9f: {  	_ =	swait.ge [sflag:s19], $0x2000  }
0xa0: {  	[sflag:s19] =	ssyncset.done $0x0  }
0xa1: {  	s14 =	sadd.s32 $0x2880, s5;
	[sflag:s19] =	ssyncadd.s32 $0xFFFFE000  }
0xa2: {  	[spmem:s2] =	stream.indirect.scatter.add.f32 [tilespmem:s22], [sflag:$0x3], $0x40, s14, s20, $0xb8;
	[tilespmem:$0x1F000] =	vst v63  }
0xa3: {  	_ =	swait.ge [sflag:s19], $0x2000  }
0xa4: {  	[sflag:s19] =	ssyncset.done $0x0  }
0xa5: {  	s14 =	sadd.s32 $0x2900, s5;
	[sflag:s19] =	ssyncadd.s32 $0xFFFFE000  }
0xa6: {  	[spmem:s2] =	stream.indirect.scatter.add.f32 [tilespmem:s24], [sflag:$0x3], $0x40, s14, s20, $0xb8;
	[tilespmem:$0x1F000] =	vst v63  }
0xa7: {  	_ =	swait.ge [sflag:s19], $0x2000  }
0xa8: {  	[sflag:s19] =	ssyncset.done $0x0  }
0xa9: {  	s14 =	sadd.s32 $0x2980, s5;
	[sflag:s19] =	ssyncadd.s32 $0xFFFFE000  }
0xaa: {  	[spmem:s2] =	stream.indirect.scatter.add.f32 [tilespmem:s26], [sflag:$0x3], $0x40, s14, s20, $0xb8;
	[tilespmem:$0x1F000] =	vst v63  }
0xab: {  	_ =	swait.ge [sflag:s29], $0x2000  }
0xac: {  	[sflag:s29] =	ssyncset.done $0x0  }
0xad: {  	[sflag:s29] =	ssyncadd.s32 $0xFFFFE000  }
0xae: {  	_ =	swait.ge [sflag:s29], $0x2000  }
0xaf: {  	[sflag:s29] =	ssyncset.done $0x0  }
0xb0: {  	[sflag:s29] =	ssyncadd.s32 $0xFFFFE000  }
0xb1: {  	_ =	swait.ge [sflag:s29], $0x2000  }
0xb2: {  	[sflag:s29] =	ssyncset.done $0x0  }
0xb3: {  	[sflag:s29] =	ssyncadd.s32 $0xFFFFE000  }
0xb4: {  	p1 =	seq.s32 s6, $0x9000;
	_ =	swait.ge [sflag:s29], $0x2000  }
0xb5: {  	s6 =	sshra.s32 @!p1 s6, $0x2;
	s14 =	simm.s32 @!p1 $0x5000;
	[sflag:s29] =	ssyncset.done $0x0  }
0xb6: {  	s16 =	simm.s32 @!p1 $0x80;
	s15 =	sadd.s32 @!p1 $0x400, s6;
	[sflag:s29] =	ssyncadd.s32 $0xFFFFE000  }
0xb7: {  	[tilespmem:s14], [sflag:$0x1] =	stream.indirect.gather @!p1 [hbm4b:s4+s16], $0x40, s15, s16, $0xb8;
	[tilespmem:$0x1F000] =	vst v63  }
0xb8: {  	s17 =	sadd.s32 @!p1 $0x500, s6;
	s14 =	sadd.s32 @!p1 $0x480, s6;
	s15 =	simm.s32 @!p1 $0x7000  }
0xb9: {  	[tilespmem:s15], [sflag:$0x1] =	stream.indirect.gather @!p1 [hbm4b:s4+s16], $0x40, s14, s16, $0xb8;
	[tilespmem:$0x1F000] =	vst v63  }
0xba: {  	s14 =	simm.s32 @!p1 $0x9000;
	s15 =	sadd.s32 @!p1 $0x580, s6;
	s6 =	smov.u32 s13  }
0xbb: {  	[tilespmem:s14], [sflag:$0x1] =	stream.indirect.gather @!p1 [hbm4b:s4+s16], $0x40, s17, s16, $0xb8;
	[tilespmem:$0x1F000] =	vst v63  }
0xbc: {  	s13 =	simm.s32 @!p1 $0xB000  }
0xbd: {  	[tilespmem:s13], [sflag:$0x1] =	stream.indirect.gather @!p1 [hbm4b:s4+s16], $0x40, s15, s16, $0xb8;
	[tilespmem:$0x1F000] =	vst v63  }
0xbe: {  	_ =	swait.ge [sflag:s0], $0x2000  }
0xbf: {  	[sflag:s0] =	ssyncset.done $0x0  }
0xc0: {  	s13 =	sadd.s32 $0x2A00, s5;
	[sflag:s0] =	ssyncadd.s32 $0xFFFFE000  }
0xc1: {  	[spmem:s2] =	stream.indirect.scatter.add.f32 [tilespmem:s28], [sflag:$0x4], $0x40, s13, s20, $0xb8;
	[tilespmem:$0x1F000] =	vst v63  }
0xc2: {  	_ =	swait.ge [sflag:s0], $0x2000  }
0xc3: {  	[sflag:s0] =	ssyncset.done $0x0  }
0xc4: {  	s13 =	sadd.s32 $0x2A80, s5;
	[sflag:s0] =	ssyncadd.s32 $0xFFFFE000  }
0xc5: {  	[spmem:s2] =	stream.indirect.scatter.add.f32 [tilespmem:s30], [sflag:$0x4], $0x40, s13, s20, $0xb8;
	[tilespmem:$0x1F000] =	vst v63  }
0xc6: {  	_ =	swait.ge [sflag:s0], $0x2000  }
0xc7: {  	[sflag:s0] =	ssyncset.done $0x0  }
0xc8: {  	s13 =	sadd.s32 $0x2B00, s5;
	[sflag:s0] =	ssyncadd.s32 $0xFFFFE000  }
0xc9: {  	[spmem:s2] =	stream.indirect.scatter.add.f32 [tilespmem:s31], [sflag:$0x4], $0x40, s13, s20, $0xb8;
	[tilespmem:$0x1F000] =	vst v63  }
0xca: {  	_ =	swait.ge [sflag:s0], $0x2000  }
0xcb: {  	[sflag:s0] =	ssyncset.done $0x0  }
0xcc: {  	s5 =	sadd.s32 $0x2B80, s5;
	[sflag:s0] =	ssyncadd.s32 $0xFFFFE000  }
0xcd: {  	[spmem:s2] =	stream.indirect.scatter.add.f32 [tilespmem:s1], [sflag:$0x4], $0x40, s5, s20, $0xb8;
	[tilespmem:$0x1F000] =	vst v63  }
0xce: {  	_ =	swait.ge [sflag:s23], $0x2000  }
0xcf: {  	[sflag:s23] =	ssyncset.done $0x0  }
0xd0: {  	[sflag:s23] =	ssyncadd.s32 $0xFFFFE000  }
0xd1: {  	_ =	swait.ge [sflag:s23], $0x2000  }
0xd2: {  	[sflag:s23] =	ssyncset.done $0x0  }
0xd3: {  	[sflag:s23] =	ssyncadd.s32 $0xFFFFE000  }
.Ltmp1:
0xd4: {  	_ =	swait.ge [sflag:s23], $0x2000;
	(pc) =	sbr.rel @p0 .LBB2_4-.Ltmp1, $4  }
0xd5: {  	[sflag:s23] =	ssyncset.done $0x0  }
0xd6: {  	[sflag:s23] =	ssyncadd.s32 $0xFFFFE000  }
0xd7: {  	_ =	swait.ge [sflag:s23], $0x2000  }
0xd8: {  	s5 =	sshra.s32 s6, $0x2;
	[sflag:s23] =	ssyncset.done $0x0  }
0xd9: {  	s12 =	sadd.s32 $0x200, s5;
	[sflag:s23] =	ssyncadd.s32 $0xFFFFE000  }
0xda: {  	[tilespmem:s28], [sflag:$0x2] =	stream.indirect.gather [hbm4b:s4+s20], $0x40, s12, s20, $0xb8;
	[tilespmem:$0x1F000] =	vst v63  }
0xdb: {  	s17 =	sadd.s32 $0x280, s5  }
0xdc: {  	[tilespmem:s30], [sflag:$0x2] =	stream.indirect.gather [hbm4b:s4+s20], $0x40, s17, s20, $0xb8;
	[tilespmem:$0x1F000] =	vst v63  }
0xdd: {  	s13 =	sadd.s32 $0x300, s5  }
0xde: {  	[tilespmem:s31], [sflag:$0x2] =	stream.indirect.gather [hbm4b:s4+s20], $0x40, s13, s20, $0xb8;
	[tilespmem:$0x1F000] =	vst v63  }
0xdf: {  	s14 =	sadd.s32 $0x380, s5  }
0xe0: {  	[tilespmem:s1], [sflag:$0x2] =	stream.indirect.gather [hbm4b:s4+s20], $0x40, s14, s20, $0xb8;
	[tilespmem:$0x1F000] =	vst v63  }
0xe1: {  	_ =	swait.ge [sflag:s19], $0x2000  }
0xe2: {  	[sflag:s19] =	ssyncset.done $0x0  }
0xe3: {  	s15 =	sadd.s32 $0x2800, s5;
	[sflag:s19] =	ssyncadd.s32 $0xFFFFE000  }
0xe4: {  	[spmem:s2] =	stream.indirect.scatter.add.f32 [tilespmem:s21], [sflag:$0x3], $0x40, s15, s20, $0xb8;
	[tilespmem:$0x1F000] =	vst v63  }
0xe5: {  	_ =	swait.ge [sflag:s19], $0x2000  }
0xe6: {  	[sflag:s19] =	ssyncset.done $0x0  }
0xe7: {  	s16 =	sadd.s32 $0x2880, s5;
	[sflag:s19] =	ssyncadd.s32 $0xFFFFE000  }
0xe8: {  	[spmem:s2] =	stream.indirect.scatter.add.f32 [tilespmem:s22], [sflag:$0x3], $0x40, s16, s20, $0xb8;
	[tilespmem:$0x1F000] =	vst v63  }
0xe9: {  	_ =	swait.ge [sflag:s19], $0x2000  }
0xea: {  	[sflag:s19] =	ssyncset.done $0x0  }
0xeb: {  	s17 =	sadd.s32 $0x2900, s5;
	[sflag:s19] =	ssyncadd.s32 $0xFFFFE000  }
0xec: {  	[spmem:s2] =	stream.indirect.scatter.add.f32 [tilespmem:s24], [sflag:$0x3], $0x40, s17, s20, $0xb8;
	[tilespmem:$0x1F000] =	vst v63  }
0xed: {  	_ =	swait.ge [sflag:s19], $0x2000  }
0xee: {  	[sflag:s19] =	ssyncset.done $0x0  }
0xef: {  	s13 =	sadd.s32 $0x2980, s5;
	[sflag:s19] =	ssyncadd.s32 $0xFFFFE000  }
0xf0: {  	[spmem:s2] =	stream.indirect.scatter.add.f32 [tilespmem:s26], [sflag:$0x3], $0x40, s13, s20, $0xb8;
	[tilespmem:$0x1F000] =	vst v63  }
0xf1: {  	_ =	swait.ge [sflag:s29], $0x2000  }
0xf2: {  	[sflag:s29] =	ssyncset.done $0x0  }
0xf3: {  	[sflag:s29] =	ssyncadd.s32 $0xFFFFE000  }
0xf4: {  	_ =	swait.ge [sflag:s29], $0x2000  }
0xf5: {  	[sflag:s29] =	ssyncset.done $0x0  }
0xf6: {  	[sflag:s29] =	ssyncadd.s32 $0xFFFFE000  }
0xf7: {  	_ =	swait.ge [sflag:s29], $0x2000  }
0xf8: {  	[sflag:s29] =	ssyncset.done $0x0  }
0xf9: {  	[sflag:s29] =	ssyncadd.s32 $0xFFFFE000  }
0xfa: {  	p0 =	seq.s32 s6, $0x9000;
	_ =	swait.ge [sflag:s29], $0x2000  }
0xfb: {  	s6 =	sshra.s32 @!p0 s6, $0x2;
	s12 =	simm.s32 @!p0 $0x5000;
	[sflag:s29] =	ssyncset.done $0x0  }
0xfc: {  	s14 =	simm.s32 @!p0 $0x80;
	s13 =	sadd.s32 @!p0 $0x400, s6;
	[sflag:s29] =	ssyncadd.s32 $0xFFFFE000  }
0xfd: {  	[tilespmem:s12], [sflag:$0x1] =	stream.indirect.gather @!p0 [hbm4b:s4+s14], $0x40, s13, s14, $0xb8;
	[tilespmem:$0x1F000] =	vst v63  }
0xfe: {  	s12 =	sadd.s32 @!p0 $0x480, s6;
	s13 =	simm.s32 @!p0 $0x7000  }
0xff: {  	[tilespmem:s13], [sflag:$0x1] =	stream.indirect.gather @!p0 [hbm4b:s4+s14], $0x40, s12, s14, $0xb8;
	[tilespmem:$0x1F000] =	vst v63  }
0x100: {  	s12 =	sadd.s32 @!p0 $0x500, s6;
	s13 =	simm.s32 @!p0 $0x9000  }
0x101: {  	[tilespmem:s13], [sflag:$0x1] =	stream.indirect.gather @!p0 [hbm4b:s4+s14], $0x40, s12, s14, $0xb8;
	[tilespmem:$0x1F000] =	vst v63  }
0x102: {  	s6 =	sadd.s32 @!p0 $0x580, s6;
	s12 =	simm.s32 @!p0 $0xB000  }
0x103: {  	[tilespmem:s12], [sflag:$0x1] =	stream.indirect.gather @!p0 [hbm4b:s4+s14], $0x40, s6, s14, $0xb8;
	[tilespmem:$0x1F000] =	vst v63  }
0x104: {  	_ =	swait.ge [sflag:s0], $0x2000  }
0x105: {  	[sflag:s0] =	ssyncset.done $0x0  }
0x106: {  	s14 =	sadd.s32 $0x2A00, s5;
	[sflag:s0] =	ssyncadd.s32 $0xFFFFE000  }
0x107: {  	[spmem:s2] =	stream.indirect.scatter.add.f32 [tilespmem:s28], [sflag:$0x4], $0x40, s14, s20, $0xb8;
	[tilespmem:$0x1F000] =	vst v63  }
0x108: {  	_ =	swait.ge [sflag:s0], $0x2000  }
0x109: {  	[sflag:s0] =	ssyncset.done $0x0  }
0x10a: {  	s15 =	sadd.s32 $0x2A80, s5;
	[sflag:s0] =	ssyncadd.s32 $0xFFFFE000  }
0x10b: {  	[spmem:s2] =	stream.indirect.scatter.add.f32 [tilespmem:s30], [sflag:$0x4], $0x40, s15, s20, $0xb8;
	[tilespmem:$0x1F000] =	vst v63  }
0x10c: {  	_ =	swait.ge [sflag:s0], $0x2000  }
0x10d: {  	[sflag:s0] =	ssyncset.done $0x0  }
0x10e: {  	s16 =	sadd.s32 $0x2B00, s5;
	[sflag:s0] =	ssyncadd.s32 $0xFFFFE000  }
0x10f: {  	[spmem:s2] =	stream.indirect.scatter.add.f32 [tilespmem:s31], [sflag:$0x4], $0x40, s16, s20, $0xb8;
	[tilespmem:$0x1F000] =	vst v63  }
0x110: {  	_ =	swait.ge [sflag:s0], $0x2000  }
0x111: {  	[sflag:s0] =	ssyncset.done $0x0  }
0x112: {  	s17 =	sadd.s32 $0x2B80, s5;
	[sflag:s0] =	ssyncadd.s32 $0xFFFFE000  }
0x113: {  	[spmem:s2] =	stream.indirect.scatter.add.f32 [tilespmem:s1], [sflag:$0x4], $0x40, s17, s20, $0xb8;
	[tilespmem:$0x1F000] =	vst v63  }
0x114: {  	_ =	swait.ge [sflag:s23], $0x2000  }
0x115: {  	[sflag:s23] =	ssyncset.done $0x0  }
0x116: {  	[sflag:s23] =	ssyncadd.s32 $0xFFFFE000  }
0x117: {  	_ =	swait.ge [sflag:s23], $0x2000  }
0x118: {  	[sflag:s23] =	ssyncset.done $0x0  }
0x119: {  	[sflag:s23] =	ssyncadd.s32 $0xFFFFE000  }
0x11a: {  	_ =	swait.ge [sflag:s23], $0x2000  }
0x11b: {  	[sflag:s23] =	ssyncset.done $0x0  }
0x11c: {  	[sflag:s23] =	ssyncadd.s32 $0xFFFFE000  }
0x11d: {  	_ =	swait.ge [sflag:s23], $0x2000  }
0x11e: {  	[sflag:s23] =	ssyncset.done $0x0  }
0x11f: {  	s6 =	stileid.u32;
	[sflag:s23] =	ssyncadd.s32 $0xFFFFE000  }
0x120: {  	s5 =	sshll.u32 s6, $0x6;
	[bflag:$0x0] =	sbarrier.arrive $0xFFFF  }
0x121: {  	s12 =	sshrl.u32 s7, $0x3;
	s5 =	sor.u32 $0x1C05, s5;
	s13 =	rddreg [dreg:$0x5]  }
0x122: {  	[hbm:s13], [sflag:s5] =	dma.local [spmem:s12], $0x400  }
0x123: {  	_ =	swait.ge [sflag:s18], $0x400  }
0x124: {  	[sflag:s18] =	ssyncset.done $0x0  }
0x125: {  	s14 =	sshrl.u32 s8, $0x3;
	s15 =	rddreg [dreg:$0x6];
	[sflag:s18] =	ssyncadd.s32 $0xFFFFFC00  }
0x126: {  	[hbm:s15], [sflag:s5] =	dma.local [spmem:s14], $0x400  }
0x127: {  	_ =	swait.ge [sflag:s18], $0x400  }
0x128: {  	[sflag:s18] =	ssyncset.done $0x0  }
0x129: {  	s16 =	sshrl.u32 s9, $0x3;
	s17 =	rddreg [dreg:$0x7];
	[sflag:s18] =	ssyncadd.s32 $0xFFFFFC00  }
0x12a: {  	[hbm:s17], [sflag:s5] =	dma.local [spmem:s16], $0x400  }
0x12b: {  	_ =	swait.ge [sflag:s18], $0x400  }
0x12c: {  	[sflag:s18] =	ssyncset.done $0x0  }
0x12d: {  	s13 =	sshrl.u32 s10, $0x3;
	s14 =	rddreg [dreg:$0x8];
	[sflag:s18] =	ssyncadd.s32 $0xFFFFFC00  }
0x12e: {  	[hbm:s14], [sflag:s5] =	dma.local [spmem:s13], $0x400  }
0x12f: {  	_ =	swait.ge [sflag:s18], $0x400  }
0x130: {  	[sflag:s18] =	ssyncset.done $0x0  }
0x131: {  	s15 =	sshrl.u32 s11, $0x3;
	s16 =	rddreg [dreg:$0x9];
	[sflag:s18] =	ssyncadd.s32 $0xFFFFFC00  }
0x132: {  	[hbm:s16], [sflag:s5] =	dma.local [spmem:s15], $0x400  }
0x133: {  	_ =	swait.ge [sflag:s18], $0x400  }
0x134: {  	s25 =	sadd.s32 $0x1, s25;
	s17 =	rddreg [dreg:$0xa]  }
0x135: {  	p0 =	sne.s32 s25, s17  }
.Ltmp2:
0x136: {  	_ = 	snop;
	(pc) =	sbr.rel @p0 .LBB2_1-.Ltmp2, $3  }
0x137: {  	_ =	sdelay $0x1  }
0x138: {  	[sflag:s18] =	ssyncset.done $0x0  }
0x139: {  	[sflag:s18] =	ssyncadd.s32 $0xFFFFFC00  }
0x13a: {  	_ =	sfence.sel $0x180000  }
0x13b: {  	[bflag:$0x0] =	sbarrier.arrive $0xFFFF  }
0x13c: {  	_ =	strace $0x90000050  }
0x13d: {  	s0 =	stileid.u32;
	[bflag:$0x2] =	sbarrier.arrive $0xFFFF  }
0x13e: {  	p0 =	sne.s32 s0, $0x0;
	s0 =	rddreg [dreg:$0x2]  }
0x13f: {  	s0 =	sadd.s32 @!p0 $0x100000, s0  }
0x140: {  	[sflag:s0] =	ssyncadd.tile.s32 @!p0 $0x1;
	_ =	shalt  }
.Lfunc_end2:
_tile_overlayer_lowered:
.L_overlay_start_2:
0x141: {  	(tag) =	ssettag $0x2  }
0x142: {  	s0 =	rddreg [dreg:$0x0];
	s2 =	stileid.u32  }
0x143: {  	s1 =	rddreg [dreg:$0x1];
	p0 =	sne.s32 s2, $0x0  }
0x144: {  	s3 =	rddreg [dreg:$0x2];
	[bflag:$0x3] =	sbarrier.arrive $0xFFFF;
	s2 =	simm.s32 @!p0 $0x1C05  }
0x145: {  	[timem:s3], [sflag:s2] =	dma.local @!p0 [hbm:s0], s1  }
0x146: {  	s0 =	simm.s32 @!p0 $0x5  }
0x147: {  	_ =	swait.ge @!p0 [sflag:s0], s1  }
0x148: {  	s1 =	ssub.s32 @!p0 $0x0, s1;
	[sflag:s0] =	ssyncset.done @!p0 $0x0  }
0x149: {  	[sflag:s0] =	ssyncadd.s32 @!p0 s1  }
0x14a: {  	[bflag:$0x3] =	sbarrier.arrive $0xFFFF  }
0x14b: {  	_ =	shalt  }

// kernel: kernel.9.cloned.1.call-start
scs
__scs_entry_jumppad:
0x0: {  	(pc) =	sbr.rel $0x88, $3  }
0x1: {  	(tag) =	ssettag $0x0;
	lr =	simm.s32 $0x1  }
0x2: {  	[smem:$0x3F9B] =	sst lr;
	_ =	strace $0xD0000000  }
0x3: {  	_ = 	snop  }
0x4: {  	_ = 	snop  }
0x5: {  	_ = 	snop  }
0x6: {  	_ = 	snop  }
0x7: {  	_ = 	snop  }
__scs_overlays_trampoline_lowered:
0x8: {  	[smem:$0x3FAA] =	sst s0  }
0x9: {  	[smem:$0x3FAB] =	sst s1  }
0xa: {  	[smem:$0x3FAC] =	sst s2  }
0xb: {  	[smem:$0x3FAD] =	sst s3  }
0xc: {  	[smem:$0x3FAE] =	sst s4  }
0xd: {  	[smem:$0x3FAF] =	sst s5  }
0xe: {  	[smem:$0x3FB0] =	sst s6  }
0xf: {  	[smem:$0x3FB1] =	sst s7  }
0x10: {  	[smem:$0x3FB2] =	sst s8  }
0x11: {  	[smem:$0x3FB3] =	sst s9;
	s0 =	simm.s32 @!p0 $0x0  }
0x12: {  	s1 =	sld [smem:$0x3F99];
	s0 =	simm.s32 @p0 $0x1  }
0x13: {  	[smem:$0x3FB4] =	sst s0;
	s0 =	simm.s32 @!p1 $0x0  }
0x14: {  	s2 =	sld [smem:$0x3F98];
	s0 =	simm.s32 @p1 $0x1  }
0x15: {  	[smem:$0x3FB5] =	sst s0;
	s0 =	simm.s32 @!p2 $0x0  }
0x16: {  	s3 =	sld [smem:$0x3FDB];
	s0 =	simm.s32 @p2 $0x1  }
0x17: {  	s4 =	simm.s32 $0x1BF5;
	[smem:$0x3FB7] =	sst s0  }
0x18: {  	s0 =	sld [smem:$0x3F9A];
	_ =	swait.ge [sflag:s4], $0x0  }
0x19: {  	s7 =	sld [smem:$0x3F9B]  }
0x1a: {  	s8 =	sadd.s32 $0xFFFFE003, lr  }
0x1b: {  	s9 =	sadd.s32 $0xFFFFFEF7, lr;
	s5 =	simm.s32 $0xFFFFFFFF;
	p2 =	slt.u32 s8, $0xFFFFF086  }
0x1c: {  	p1 =	slt.u32 s9, $0xF7A;
	s5 =	simm.s32 @!p2 $0x0  }
0x1d: {  	s5 =	simm.s32 @p1 $0x1;
	p0 =	seq.s32 s7, s2  }
0x1e: {  	s7 =	smul.u32 @!p0 $0xF7A, s2;
	p2 =	seq.s32 @!p0 s5, $0x0  }
0x1f: {  	s9 =	smul.u32 $0xF7A, s1;
	s8 =	simm.s32 @!p0 $0x1BF5;
	p2 =	por !p2, p0  }
0x20: {  	[sflag:s8] =	ssyncset.s32 @!p0 $0xFFFFF086;
	s6 =	sadd.s32 @!p0 s3, s7;
	s7 =	simm.s32 @!p0 $0x108  }
0x21: {  	s3 =	sadd.s32 s3, s9;
	s6 =	sadd.s32 @!p0 $0x88, s6;
	s7 =	simm.s32 @p2 $0x1082  }
0x22: {  	[simem:s7], [sflag:s8] =	dma.local @!p0 [hbm:s6], $0xF7A  }
0x23: {  	s9 =	sor.u32 $0xD0000000, s2;
	s6 =	simm.s32 $0x108;
	_ =	swait.ge @!p0 [sflag:s8], $0x0  }
0x24: {  	s3 =	sadd.s32 $0x88, s3;
	s6 =	simm.s32 @!p1 $0x1082;
	[sflag:s4] =	ssyncset.s32 $0xFFFFF086  }
0x25: {  	[simem:s6], [sflag:s4] =	dma.local [hbm:s3], $0xF7A  }
0x26: {  	[smem:$0x3F9B] =	sst s1;
	(tag) =	ssettag s2;
	_ =	strace s9  }
0x27: {  	s1 =	sld [smem:$0x3FAB]  }
0x28: {  	s2 =	sld [smem:$0x3FAC]  }
0x29: {  	s4 =	sld [smem:$0x3FAE]  }
0x2a: {  	p0 =	seq.s32 s5, $0x0;
	s5 =	sld [smem:$0x3FAF]  }
0x2b: {  	s6 =	sld [smem:$0x3FB0]  }
0x2c: {  	s7 =	sld [smem:$0x3FB1]  }
0x2d: {  	s3 =	simm.s32 $0x108;
	s8 =	sld [smem:$0x3FB2]  }
0x2e: {  	s3 =	simm.s32 @!p0 $0x1082;
	s9 =	sld [smem:$0x3FB3]  }
0x2f: {  	lr =	sadd.s32 s0, s3;
	s0 =	sld [smem:$0x3FAA]  }
0x30: {  	s3 =	sld [smem:$0x3FAD]  }
0x31: {  	[smem:$0x3FB6] =	sst s10  }
0x32: {  	s10 =	sld [smem:$0x3FB4];
	_ =	sdelay $0x3  }
0x33: {  	p0 =	seq.s32 s10, $0x1;
	s10 =	sld [smem:$0x3FB6];
	_ =	sdelay $0x3  }
0x34: {  	[smem:$0x3FB6] =	sst s10  }
0x35: {  	s10 =	sld [smem:$0x3FB5];
	_ =	sdelay $0x3  }
0x36: {  	p1 =	seq.s32 s10, $0x1;
	s10 =	sld [smem:$0x3FB6];
	_ =	sdelay $0x3  }
0x37: {  	[smem:$0x3FB6] =	sst s10  }
0x38: {  	s10 =	sld [smem:$0x3FB7]  }
0x39: {  	_ = 	snop;
	(pc) =	sbr.ind lr, $3  }
0x3a: {  	_ = 	snop  }
0x3b: {  	_ = 	snop  }
0x3c: {  	p2 =	seq.s32 s10, $0x1;
	s10 =	sld [smem:$0x3FB6]  }
0x3d: {  	_ =	shalt  }
0x3e: {  	_ =	shalt  }
0x3f: {  	_ =	shalt  }
0x40: {  	_ =	shalt  }
0x41: {  	_ =	shalt  }
0x42: {  	_ =	shalt  }
0x43: {  	_ =	shalt  }
0x44: {  	_ =	shalt  }
0x45: {  	_ =	shalt  }
0x46: {  	_ =	shalt  }
0x47: {  	_ =	shalt  }
0x48: {  	_ =	shalt  }
0x49: {  	_ =	shalt  }
0x4a: {  	_ =	shalt  }
0x4b: {  	_ =	shalt  }
0x4c: {  	_ =	shalt  }
0x4d: {  	_ =	shalt  }
0x4e: {  	_ =	shalt  }
0x4f: {  	_ =	shalt  }
0x50: {  	_ =	shalt  }
0x51: {  	_ =	shalt  }
0x52: {  	_ =	shalt  }
0x53: {  	_ =	shalt  }
0x54: {  	_ =	shalt  }
0x55: {  	_ =	shalt  }
0x56: {  	_ =	shalt  }
0x57: {  	_ =	shalt  }
0x58: {  	_ =	shalt  }
0x59: {  	_ =	shalt  }
0x5a: {  	_ =	shalt  }
0x5b: {  	_ =	shalt  }
0x5c: {  	_ =	shalt  }
0x5d: {  	_ =	shalt  }
0x5e: {  	_ =	shalt  }
0x5f: {  	_ =	shalt  }
0x60: {  	_ =	shalt  }
0x61: {  	_ =	shalt  }
0x62: {  	_ =	shalt  }
0x63: {  	_ =	shalt  }
0x64: {  	_ =	shalt  }
0x65: {  	_ =	shalt  }
0x66: {  	_ =	shalt  }
0x67: {  	_ =	shalt  }
0x68: {  	_ =	shalt  }
0x69: {  	_ =	shalt  }
0x6a: {  	_ =	shalt  }
0x6b: {  	_ =	shalt  }
0x6c: {  	_ =	shalt  }
0x6d: {  	_ =	shalt  }
0x6e: {  	_ =	shalt  }
0x6f: {  	_ =	shalt  }
0x70: {  	_ =	shalt  }
0x71: {  	_ =	shalt  }
0x72: {  	_ =	shalt  }
0x73: {  	_ =	shalt  }
0x74: {  	_ =	shalt  }
0x75: {  	_ =	shalt  }
0x76: {  	_ =	shalt  }
0x77: {  	_ =	shalt  }
0x78: {  	_ =	shalt  }
0x79: {  	_ =	shalt  }
0x7a: {  	_ =	shalt  }
0x7b: {  	_ =	shalt  }
0x7c: {  	_ =	shalt  }
0x7d: {  	_ =	shalt  }
0x7e: {  	_ =	shalt  }
0x7f: {  	_ =	shalt  }
0x80: {  	_ =	shalt  }
0x81: {  	_ =	shalt  }
0x82: {  	_ =	shalt  }
0x83: {  	_ =	shalt  }
0x84: {  	_ =	shalt  }
0x85: {  	_ =	shalt  }
0x86: {  	_ =	shalt  }
0x87: {  	_ =	shalt  }
.Lfunc_end0:
.L_simem_size_0:
called_computation_lowered:
.L_overlay_start_0:
0x88: {  	s2 =	sld [smem:$0x3FD9]  }
0x89: {  	s3 =	sld [smem:$0x3FFE];
	_ =	sdelay $0x1  }
0x8a: {  	s1 =	srdreg.scid  }
0x8b: {  	s0 =	sand.u32 $0x1, s1  }
0x8c: {  	s17 =	sshll.u32 s0, $0xA;
	s2 =	sadd.s32 s3, s2  }
0x8d: {  	s2 =	sadd.s32 s2, s17  }
0x8e: {  	[smem:$0x3FC2] =	sst s2  }
0x8f: {  	_ = 	snop  }
0x90: {  	s2 =	sld [smem:$0x3FD0];
	(tm) =	ssettm $0x1  }
0x91: {  	s18 =	sld [smem:$0x3FFB];
	_ =	sdelay $0x3  }
0x92: {  	_ =	strace s18  }
0x93: {  	s3 =	sld [smem:$0x3FFC];
	_ =	sdelay $0x3  }
0x94: {  	_ =	strace s3  }
0x95: {  	s3 =	sld [smem:$0x3FFD];
	_ =	sdelay $0x3  }
0x96: {  	_ =	strace s3  }
0x97: {  	_ =	strace $0x8FFFFFFF  }
0x98: {  	s19 =	sld [smem:$0x3FDB];
	_ =	sdelay $0x1  }
0x99: {  	s4 =	simm.s32 $_scs_section_size  }
0x9a: {  	s5 =	simm.s32 $_size__tile_overlayer_lowered;
	s6 =	simm.s32 $_tile_overlayer_lowered  }
0x9b: {  	s22 =	simm.s32 $0x1BFF;
	s21 =	sshll.u32 s6, $0x1;
	s3 =	sadd.s32 s4, s19  }
0x9c: {  	s7 =	simm.s32 $0x0;
	s20 =	sshll.u32 s5, $0x1;
	s5 =	sadd.s32 s21, s3  }
0x9d: {  	[timem:s7], [sflag:s22] =	dma.local [hbm:s5], s20  }
0x9e: {  	_ =	swait.ge [sflag:s22], s20  }
0x9f: {  	s4 =	ssub.s32 $0x0, s20;
	[sflag:s22] =	ssyncset.done $0x0  }
0xa0: {  	[sflag:s22] =	ssyncadd.s32 s4;
	_ =	sdelay $0x1  }
0xa1: {  	s23 =	simm.s32 $0x1B8B  }
0xa2: {  	_ =	swait.ge [sflag:s23], $0x1  }
0xa3: {  	[sflag:s23] =	ssyncset.done $0x0  }
0xa4: {  	s25 =	simm.s32 $0x1B8E;
	s24 =	sld [smem:$0x3FFE];
	[sflag:s23] =	ssyncadd.s32 $0xFFFFFFFF  }
0xa5: {  	s26 =	simm.s32 $execute0_lowered;
	[smem:$0x3FD2] =	sst s25  }
0xa6: {  	s5 =	sshll.u32 s26, $0x1;
	_ =	strace $0x80000046;
	[dreg:$0x1] =	wrdreg $0xFFFFFFFF  }
0xa7: {  	s28 =	simm.s32 $_size_execute0_lowered;
	s3 =	sadd.s32 s3, s5;
	[dreg:$0x0] =	wrdreg $0x0  }
0xa8: {  	s5 =	sshll.u32 s28, $0x1;
	[dreg:$0x2] =	wrdreg s3  }
0xa9: {  	[dreg:$0x3] =	wrdreg s5  }
0xaa: {  	[dreg:$0x4] =	wrdreg $0xC0  }
0xab: {  	_ =	task [dreg:s7], $0x5FFFF  }
0xac: {  	[dreg:$0x1] =	wrdreg $0xFFFFFFFF  }
0xad: {  	[dreg:$0x0] =	wrdreg $0x60  }
0xae: {  	[dreg:$0x2] =	wrdreg s2  }
0xaf: {  	[dreg:$0x3] =	wrdreg s24  }
0xb0: {  	[dreg:$0x4] =	wrdreg $0x9  }
0xb1: {  	_ =	task.clear_ibuf [dreg:s7], $0x5FFFF;
	_ =	strace $0x90000046  }
0xb2: {  	s29 =	simm.s32 $0x9;
	_ =	strace $0x80000048  }
0xb3: {  	_ =	swait.ge [sflag:s29], $0x1  }
0xb4: {  	[sflag:s29] =	ssyncadd.s32 $0xFFFFFFFF  }
0xb5: {  	_ =	strace $0x90000048  }
0xb6: {  	_ =	sfence  }
0xb7: {  	s30 =	sld [smem:$0x0];
	_ =	sdelay $0x2  }
0xb8: {  	s31 =	sshll.u32 s1, $0xD;
	s1 =	sshrl.u32 s1, $0x2  }
0xb9: {  	s3 =	sand.u32 $0x4000, s31;
	s1 =	sadd.s32 s1, s30  }
0xba: {  	s0 =	sor.u32 s3, s0;
	s1 =	sshll.u32 s1, $0x11  }
0xbb: {  	s0 =	sor.u32 s1, s0  }
0xbc: {  	s0 =	sadd.s32 $0x8F2B, s0  }
0xbd: {  	[sflag:s0] =	ssyncadd.remote.s32 $0x1  }
0xbe: {  	_ =	sfence.sel $0xFFFF  }
0xbf: {  	[dreg:$0x0] =	wrdreg $0xFFFFFFFF;
	(pc) =	sbr.abs _section_cstart, $3  }
0xc0: {  	[dreg:$0x1] =	wrdreg $0xFFFFFFFF  }
0xc1: {  	_ =	task.clear_ibuf [dreg:s7], $0x2FFFF;
	_ =	strace $0x9FFFFFFF  }
0xc2: {  	(tm) =	ssettm $0x7FFFFFFF  }
0xc3: {  	_ =	shalt  }
tec
execute0_lowered:
.L_overlay_start_1:
0x0: {  	(tag) =	ssettag $0x1  }
0x1: {  	s4 =	rddreg [dreg:$0x0];
	s1 =	srdreg.scid  }
0x2: {  	s0 =	stileid.u32;
	s5 =	rddreg [dreg:$0x1]  }
0x3: {  	s2 =	simm.s32 $0x0;
	s3 =	sand.u32 $0x1, s1;
	s1 =	rddreg [dreg:$0x2]  }
0x4: {  	s6 =	sshll.u32 s0, $0x1;
	[smem:$0x7FF] =	sst s2  }
0x5: {  	p0 =	sgt.u32 s0, $0x7;
	s6 =	sor.u32 s3, s6;
	s8 =	ssub.s32 $0x2, s3  }
0x6: {  	_ =	strace $0x80000047;
	s7 =	smul.u32 $0xA00, s6;
	s9 =	sshrl.u32 s8, $0x1  }
0x7: {  	s3 =	sadd.s32 $0x2000, s5;
	s6 =	smul.u32 $0x9C4, s6;
	s31 =	ssub.s32 s8, s9  }
0x8: {  	s8 =	simm.s32 $0x2800;
	s9 =	simm.s32 $0x0;
	s5 =	sadd.s32 s7, s5  }
0x9: {  	s4 =	sadd.s32 s4, s6;
	s8 =	simm.s32 @!p0 $0x0;
	s6 =	smax.u32 s31, $0x1  }
0xa: {  	v1 =	vimm.f32 $1.000000000e+00;
	s7 =	simm.s32 $0x1;
	s5 =	sadd.s32 $0x2A00, s5;
	v0 =	vmov s8;
	s8 =	simm.s32 $0x4E80  }
.LBB2_1:
0xb: {  	[tilespmem:s2], [sflag:$0x1] =	stream.linear.gather [hbm4b:s4+s2], $0x4E20, $0x38;
	[tilespmem:$0x9E80] =	vst v63  }
0xc: {  	_ =	swait.ge [sflag:s7], $0x4E20  }
0xd: {  	[sflag:s7] =	ssyncset.done $0x0  }
0xe: {  	[sflag:s7] =	ssyncadd.s32 $0xFFFFB1E0  }
0xf: {  	[tilespmem:s8], [sflag:$0x1] =	stream.linear.gather [hbm4b:s3+s2], $0x5000, $0x38;
	[tilespmem:$0x9E80] =	vst v63  }
0x10: {  	_ =	swait.ge [sflag:s7], $0x5000  }
0x11: {  	[sflag:s7] =	ssyncset.done $0x0  }
0x12: {  	s10 =	simm.s32 $0x0;
	[sflag:s7] =	ssyncadd.s32 $0xFFFFB000  }
.LBB2_2:
0x13: {  	s11 =	sshra.s32 s10, $0x2  }
0x14: {  	v2 =	vld [tilespmem:s11+$0x0];
	_ =	sdelay $0x4  }
0x15: {  	v2 =	vadd.s32 v0, v2;
	_ =	sdelay $0x4  }
0x16: {  	[tilespmem:v2+s8+$0x0] =	vst.idx.add.f32.msk $0xffff, v1  }
0x17: {  	v2 =	vld [tilespmem:s11+$0x10];
	_ =	sdelay $0x4  }
0x18: {  	v2 =	vadd.s32 v0, v2;
	_ =	sdelay $0x4  }
0x19: {  	[tilespmem:v2+s8+$0x0] =	vst.idx.add.f32.msk $0xffff, v1  }
0x1a: {  	v2 =	vld [tilespmem:s11+$0x20];
	_ =	sdelay $0x4  }
0x1b: {  	v2 =	vadd.s32 v0, v2;
	_ =	sdelay $0x4  }
0x1c: {  	[tilespmem:v2+s8+$0x0] =	vst.idx.add.f32.msk $0xffff, v1  }
0x1d: {  	v2 =	vld [tilespmem:s11+$0x30];
	_ =	sdelay $0x4  }
0x1e: {  	p0 =	sne.s32 s10, $0x13700;
	v2 =	vadd.s32 v0, v2  }
.Ltmp0:
0x1f: {  	_ = 	snop;
	(pc) =	sbr.rel @p0 .LBB2_2-.Ltmp0, $2  }
0x20: {  	_ =	sdelay $0x2  }
0x21: {  	s10 =	sadd.s32 $0x100, s10;
	[tilespmem:v2+s8+$0x0] =	vst.idx.add.f32.msk $0xffff, v1  }
0x22: {  	s9 =	sadd.s32 $0x1, s9  }
0x23: {  	p0 =	sne.s32 s9, s6  }
.Ltmp1:
0x24: {  	_ = 	snop;
	(pc) =	sbr.rel @p0 .LBB2_1-.Ltmp1, $4  }
0x25: {  	[hbm4b:s5+s2] =	stream.linear.scatter [tilespmem:s8], [sflag:$0x1], $0x5000, $0x38;
	[tilespmem:$0x9E80] =	vst v63  }
0x26: {  	_ =	swait.ge [sflag:s7], $0x5000  }
0x27: {  	[sflag:s7] =	ssyncset.done $0x0  }
0x28: {  	[sflag:s7] =	ssyncadd.s32 $0xFFFFB000  }
0x29: {  	_ =	sfence.sel $0x180000  }
0x2a: {  	[bflag:$0x0] =	sbarrier.arrive $0xFFFF  }
0x2b: {  	p0 =	sne.s32 s0, $0x0;
	_ =	strace $0x90000047  }
0x2c: {  	s0 =	sadd.s32 @!p0 $0x100000, s1;
	[bflag:$0x2] =	sbarrier.arrive $0xFFFF  }
0x2d: {  	[sflag:s0] =	ssyncadd.tile.s32 @!p0 $0x1;
	_ =	shalt  }
.Lfunc_end2:
_tile_overlayer_lowered:
.L_overlay_start_2:
0x2e: {  	(tag) =	ssettag $0x2  }
0x2f: {  	s0 =	rddreg [dreg:$0x0];
	s2 =	stileid.u32  }
0x30: {  	s1 =	rddreg [dreg:$0x1];
	p0 =	sne.s32 s2, $0x0  }
0x31: {  	s3 =	rddreg [dreg:$0x2];
	[bflag:$0x3] =	sbarrier.arrive $0xFFFF;
	s2 =	simm.s32 @!p0 $0x1C01  }
0x32: {  	[timem:s3], [sflag:s2] =	dma.local @!p0 [hbm:s0], s1  }
0x33: {  	s0 =	simm.s32 @!p0 $0x1  }
0x34: {  	_ =	swait.ge @!p0 [sflag:s0], s1  }
0x35: {  	s1 =	ssub.s32 @!p0 $0x0, s1;
	[sflag:s0] =	ssyncset.done @!p0 $0x0  }
0x36: {  	[sflag:s0] =	ssyncadd.s32 @!p0 s1  }
0x37: {  	[bflag:$0x3] =	sbarrier.arrive $0xFFFF  }
0x38: {  	_ =	shalt  }

</sc_bundles>
